<compile_context>
chip_gen: v7x
topology: tpu7x:2x2x1
jax: 0.10.2.dev20260603
libtpu: 0.0.44.dev20260713+nightly
codegen_flags: <defaults>
</compile_context>

<pallas_src>
import functools

import jax
import jax.numpy as jnp
from jax import lax
from jax.experimental import pallas as pl
from jax.experimental.pallas import tpu as pltpu
from jax.experimental.pallas import tpu_sc as plsc

J = 19
P = 200
PPAD = 208
NVREG = PPAD // 16
KNN_VOLS = 3
K = 8
Q = 16384
NC, NS, L = 2, 16, 16
NW = NC * NS
QW = Q // NW
PAD_VAL = 1.0e15
BIGF = 3.0e38


def _merge16(a, b):
  ak, av = a
  bk, bv = b
  rk = lax.rev(bk, (0,))
  rv = lax.rev(bv, (0,))
  take_a = ak <= rk
  mk = jnp.where(take_a, ak, rk)
  mv = jnp.where(take_a, av, rv)
  sk, sv = plsc.sort_key_val(mk, mv)
  return sk, sv


def _merge_tree(runs):
  while len(runs) > 1:
    nxt = [_merge16(runs[t], runs[t + 1]) for t in range(0, len(runs) - 1, 2)]
    if len(runs) % 2:
      nxt.append(runs[-1])
    runs = nxt
  return runs[0]


_mesh = plsc.VectorSubcoreMesh(
    core_axis_name="c", subcore_axis_name="s", num_cores=NC, num_subcores=NS)


@functools.partial(
    pl.kernel,
    out_type=(jax.ShapeDtypeStruct((Q * K,), jnp.float32),
              jax.ShapeDtypeStruct((Q * K,), jnp.int32)),
    mesh=_mesh,
    compiler_params=pltpu.CompilerParams(needs_layout_passes=False),
    scratch_types=[
        pltpu.VMEM((QW, 3), jnp.float32),
        pltpu.VMEM((3, J, PPAD), jnp.float32),
        pltpu.VMEM((32, 3), jnp.float32),
        pltpu.VMEM((QW * K + 8,), jnp.float32),
        pltpu.VMEM((QW * K + 8,), jnp.int32),
    ])
def _knn_sc(q_hbm, p_hbm, s_hbm, kd_hbm, ki_hbm,
            q_v, p_v, s_v, kd_v, ki_v):
  wid = lax.axis_index("s") * NC + lax.axis_index("c")
  qbase = wid * QW
  pltpu.sync_copy(q_hbm.at[pl.ds(qbase, QW)], q_v)
  pltpu.sync_copy(p_hbm, p_v)
  pltpu.sync_copy(s_hbm, s_v)

  iota = lax.iota(jnp.int32, L)
  cvec = [jnp.full((L,), c, jnp.int32) for c in range(3)]

  def scale_body(j, carry):
    jvec = jnp.full((L,), j, jnp.int32)
    for c in range(3):
      sc = plsc.load_gather(s_v, [jvec, cvec[c]])
      for k in range(NVREG):
        sl = pl.ds(k * 16, 16)
        p_v[c, j, sl] = p_v[c, j, sl] / sc
    return carry

  lax.fori_loop(0, J, scale_body, 0)

  zero = jnp.full((L,), 5.0e18, jnp.float32)

  def ctr_body(j, carry):
    carry = list(carry)
    for c in range(3):
      acc = p_v[c, j, pl.ds(0, 16)]
      for k in range(1, NVREG - 1):
        acc = acc + p_v[c, j, pl.ds(k * 16, 16)]
      last = jnp.where(iota < 8, p_v[c, j, pl.ds((NVREG - 1) * 16, 16)], 0.0)
      acc = acc + last
      m = jnp.sum(acc) * jnp.float32(1.0 / P)
      for h in range(2):
        carry[c * 2 + h] = jnp.where(iota + h * 16 == j, m, carry[c * 2 + h])
    return tuple(carry)

  ctr = lax.fori_loop(0, J, ctr_body, (zero,) * 6)

  inv = [jnp.float32(1.0) / plsc.load_gather(s_v, [iota + (c // 3) * 16,
                                                   cvec[c % 3]])
         for c in range(6)]

  def stage1(i):
    ivec = jnp.full((L,), i, jnp.int32)
    q = [plsc.load_gather(q_v, [ivec, cvec[c]]) for c in range(3)]
    halves = []
    for h in range(2):
      d = None
      for c in range(3):
        t = q[c] * inv[h * 3 + c] - ctr[c * 2 + h]
        d = t * t if d is None else d + t * t
      halves.append(plsc.sort_key_val(d, iota + h * 16))
    _, v3 = _merge_tree(halves)
    return v3, q[0], q[1], q[2]

  def q_body(i, carry):
    v3, q0, q1, q2 = carry
    q = (q0, q1, q2)
    nxt = stage1(jnp.minimum(i + 1, QW - 1))

    runs = []
    for r in range(KNN_VOLS):
      jr_s = v3[r]
      jrv = jnp.full((L,), jr_s, jnp.int32)
      qs = [q[c] / plsc.load_gather(s_v, [jrv, cvec[c]]) for c in range(3)]
      gbase = jrv * P
      for k in range(NVREG):
        sp = iota + k * 16
        d = None
        for c in range(3):
          g = p_v[c, jr_s, pl.ds(k * 16, 16)]
          t = qs[c] - g
          d = t * t if d is None else d + t * t
        runs.append(plsc.sort_key_val(d, gbase + sp))
    bk, bv = _merge_tree(runs)

    msk = iota < K
    plsc.store_compressed(kd_v.at[pl.ds(i * K, 16)], bk, mask=msk)
    plsc.store_compressed(ki_v.at[pl.ds(i * K, 16)], bv, mask=msk)
    return nxt

  lax.fori_loop(0, QW, q_body, stage1(0))

  pltpu.sync_copy(kd_v.at[pl.ds(0, QW * K)], kd_hbm.at[pl.ds(qbase * K, QW * K)])
  pltpu.sync_copy(ki_v.at[pl.ds(0, QW * K)], ki_hbm.at[pl.ds(qbase * K, QW * K)])


def kernel(q_w, p_w, vol_scale):
  p_pad = jnp.full((3, J, PPAD), PAD_VAL, jnp.float32)
  p_pad = p_pad.at[:, :, :P].set(jnp.transpose(p_w, (2, 0, 1)))
  s_pad = jnp.ones((32, 3), jnp.float32).at[:J, :].set(vol_scale)
  kd, ki = _knn_sc(q_w, p_pad, s_pad)
  return kd.reshape(Q, K), ki.reshape(Q, K)

# --- scband reference (transcript-rebuilt; emitter-appended) ---
"""Pipeline reference for scband-npcpoint-clouds-29283087024672 (READ-ONLY COPY).

The authoritative reference and input builder live on the scoring server;
editing this copy changes nothing except your own understanding.
"""

import jax, jax.numpy as jnp
import numpy as np

J = 19          # N_joints (rigid_idxs)
P = 200         # pts_per_volume
KNN_VOLS = 3
KNN_PTS = 8
Q = 16384       # query points (ray samples)

def setup_inputs(seed: int = 0) -> dict:
    key = jax.random.key(seed)
    k1, k2, k3 = jax.random.split(key, 3)
    q_w = jax.random.normal(k1, (Q, 3), dtype=jnp.float32)
    p_w = jax.random.normal(k2, (J, P, 3), dtype=jnp.float32)
    # per-volume axis scale, kept strictly positive (deform_net.axis_scale)
    vol_scale = jax.random.uniform(k3, (J, 3), dtype=jnp.float32, minval=0.5, maxval=1.5)
    return {"q_w": q_w, "p_w": p_w, "vol_scale": vol_scale}

def reference(q_w, p_w, vol_scale):
    # Stage 1: volume-level kNN (knn_vols closest volumes per query, in axis-scaled space)
    q_bs = q_w[:, None, :] / vol_scale[None]          # (Q, J, 3) query scaled per volume
    p_bs = p_w / vol_scale[:, None, :]                # (J, P, 3) points scaled per volume
    vol_centers = jnp.mean(p_bs, axis=1)              # (J, 3)
    d_vol = jnp.sum((q_bs - vol_centers[None]) ** 2, axis=-1)   # (Q, J)
    _, vol_idxs = jax.lax.top_k(-d_vol, KNN_VOLS)     # (Q, V) smallest distances
    # Stage 2: point-level kNN within shortlisted volumes
    cand = jnp.take(p_bs, vol_idxs, axis=0)           # (Q, V, P, 3) gather
    q_sel = jnp.take_along_axis(q_bs, vol_idxs[:, :, None], axis=1)  # (Q, V, 3)
    d = jnp.sum((q_sel[:, :, None, :] - cand) ** 2, axis=-1)         # (Q, V, P)
    d_flat = d.reshape(q_w.shape[0], KNN_VOLS * P)
    neg_d, loc = jax.lax.top_k(-d_flat, KNN_PTS)      # (Q, K)
    knn_d_sqr = -neg_d
    # map local (volume, point) index back to global flattened point index (j*P + p)
    v_sel = loc // P
    p_loc = loc % P
    g_vol = jnp.take_along_axis(vol_idxs, v_sel, axis=1)
    knn_idxs = g_vol * P + p_loc                      # (Q, K) global indices into (J*P)
    return knn_d_sqr, knn_idxs

if __name__ == "__main__":
    import jax
    _d = setup_inputs()
    print(jax.jit(kernel)(*tuple(_d.values())))

</pallas_src>

<mosaic_0001>
#map = affine_map<(d0, d1) -> (0, 0)>
#map1 = affine_map<(d0, d1) -> (0, 0, 0)>
#map2 = affine_map<(d0, d1) -> (0)>
module attributes {stable_mosaic.version = 14 : i64} {
  func.func @_knn_sc(%arg0: i32, %arg1: i32, %arg2: memref<16384x3xf32, #tpu.memory_space<hbm>>, %arg3: memref<3x19x208xf32, #tpu.memory_space<hbm>>, %arg4: memref<32x3xf32, #tpu.memory_space<hbm>>, %arg5: memref<131072xf32, #tpu.memory_space<hbm>>, %arg6: memref<131072xi32, #tpu.memory_space<hbm>>, %arg7: memref<512x3xf32, #tpu.memory_space<vmem>>, %arg8: memref<3x19x208xf32, #tpu.memory_space<vmem>>, %arg9: memref<32x3xf32, #tpu.memory_space<vmem>>, %arg10: memref<4104xf32, #tpu.memory_space<vmem>>, %arg11: memref<4104xi32, #tpu.memory_space<vmem>>) attributes {dimension_semantics = [#tpu.dimension_semantics<core_parallel>, #tpu.dimension_semantics<subcore_parallel>], iteration_bounds = array<i64: 2, 16>, scalar_prefetch = 0 : i64, scratch_operands = 5 : i64, tpu.core_type = #tpu.core_type<sc_vector_subcore>, window_params = [{transform_indices = #map}, {transform_indices = #map1}, {transform_indices = #map}, {transform_indices = #map2}, {transform_indices = #map2}]} {
    %mul3A = arith.constant 2 : i32
    %mul3A_0 = arith.muli %arg1, %mul3A : i32
    %add3A = arith.addi %mul3A_0, %arg0 : i32
    %mul3A_1 = arith.constant 512 : i32
    %mul3A_2 = arith.muli %add3A, %mul3A_1 : i32
    "tpu.region"() ({
      %run_scoped3A = tpu.sem_alloc : memref<!tpu.dma_semaphore, #tpu.memory_space<semaphore_mem>>
      %dma_start3A = arith.constant 0 : i32
      %dma_start3A_124 = tpu.memref_slice %arg2[%mul3A_2, %dma_start3A] : memref<16384x3xf32, #tpu.memory_space<hbm>> -> memref<512x3xf32, #tpu.memory_space<hbm>>
      %dma_start3A_125 = arith.constant 0 : i32
      %dma_start3A_126 = tpu.memref_slice %arg2[%mul3A_2, %dma_start3A_125] : memref<16384x3xf32, #tpu.memory_space<hbm>> -> memref<512x3xf32, #tpu.memory_space<hbm>>
      tpu.enqueue_dma source(%dma_start3A_126 : memref<512x3xf32, #tpu.memory_space<hbm>>) target(%arg7 : memref<512x3xf32, #tpu.memory_space<vmem>>) target_semaphore(%run_scoped3A : memref<!tpu.dma_semaphore, #tpu.memory_space<semaphore_mem>>)
      %dma_wait3A = arith.constant 0 : i32
      %dma_wait3A_127 = tpu.memref_slice %arg2[%mul3A_2, %dma_wait3A] : memref<16384x3xf32, #tpu.memory_space<hbm>> -> memref<512x3xf32, #tpu.memory_space<hbm>>
      %dma_wait3A_128 = arith.constant 0 : i32
      %dma_wait3A_129 = tpu.memref_slice %arg2[%mul3A_2, %dma_wait3A_128] : memref<16384x3xf32, #tpu.memory_space<hbm>> -> memref<512x3xf32, #tpu.memory_space<hbm>>
      tpu.wait_dma2 semaphore(%run_scoped3A : memref<!tpu.dma_semaphore, #tpu.memory_space<semaphore_mem>>) src(%dma_wait3A_129 : memref<512x3xf32, #tpu.memory_space<hbm>>) dst(%arg7 : memref<512x3xf32, #tpu.memory_space<vmem>>)
      tpu.yield
    }) : () -> ()
    "tpu.region"() ({
      %run_scoped3A = tpu.sem_alloc : memref<!tpu.dma_semaphore, #tpu.memory_space<semaphore_mem>>
      tpu.enqueue_dma source(%arg3 : memref<3x19x208xf32, #tpu.memory_space<hbm>>) target(%arg8 : memref<3x19x208xf32, #tpu.memory_space<vmem>>) target_semaphore(%run_scoped3A : memref<!tpu.dma_semaphore, #tpu.memory_space<semaphore_mem>>)
      tpu.wait_dma2 semaphore(%run_scoped3A : memref<!tpu.dma_semaphore, #tpu.memory_space<semaphore_mem>>) src(%arg3 : memref<3x19x208xf32, #tpu.memory_space<hbm>>) dst(%arg8 : memref<3x19x208xf32, #tpu.memory_space<vmem>>)
      tpu.yield
    }) : () -> ()
    "tpu.region"() ({
      %run_scoped3A = tpu.sem_alloc : memref<!tpu.dma_semaphore, #tpu.memory_space<semaphore_mem>>
      tpu.enqueue_dma source(%arg4 : memref<32x3xf32, #tpu.memory_space<hbm>>) target(%arg9 : memref<32x3xf32, #tpu.memory_space<vmem>>) target_semaphore(%run_scoped3A : memref<!tpu.dma_semaphore, #tpu.memory_space<semaphore_mem>>)
      tpu.wait_dma2 semaphore(%run_scoped3A : memref<!tpu.dma_semaphore, #tpu.memory_space<semaphore_mem>>) src(%arg4 : memref<32x3xf32, #tpu.memory_space<hbm>>) dst(%arg9 : memref<32x3xf32, #tpu.memory_space<vmem>>)
      tpu.yield
    }) : () -> ()
    %iota3A = tpu.iota {dimensions = array<i32: 0>} : vector<16xi32>
    %broadcast_in_dim3A = arith.constant 0 : i32
    %broadcast_in_dim3A_3 = vector.broadcast %broadcast_in_dim3A : i32 to vector<16xi32>
    %broadcast_in_dim3A_4 = arith.constant 1 : i32
    %broadcast_in_dim3A_5 = vector.broadcast %broadcast_in_dim3A_4 : i32 to vector<16xi32>
    %broadcast_in_dim3A_6 = arith.constant 2 : i32
    %broadcast_in_dim3A_7 = vector.broadcast %broadcast_in_dim3A_6 : i32 to vector<16xi32>
    %scan3A = arith.constant 0 : i32
    %scan3A_8 = arith.constant 0 : i32
    %scan3A_9 = arith.constant 19 : i32
    %scan3A_10 = arith.addi %scan3A_8, %scan3A_9 : i32
    %scan3A_11 = arith.constant 1 : i32
    scf.for %scan3A_124 = %scan3A_8 to %scan3A_10 step %scan3A_11  : i32 {
      %broadcast_in_dim3A_125 = vector.broadcast %scan3A_124 : i32 to vector<16xi32>
      %gather3A_126 = tpu.vector_load_idx %arg9[%broadcast_in_dim3A_125, %broadcast_in_dim3A_3] : memref<32x3xf32, #tpu.memory_space<vmem>>[vector<16xi32>, vector<16xi32>], vector<16xf32>,
      %get3A = arith.constant 0 : i32
      %get3A_127 = arith.index_cast %get3A : i32 to index
      %get3A_128 = arith.index_cast %scan3A_124 : i32 to index
      %get3A_129 = arith.constant 0 : index
      %get3A_130 = tpu.vector_load %arg8[%get3A_127, %get3A_128, %get3A_129] {strides = array<i32>} : memref<3x19x208xf32, #tpu.memory_space<vmem>>, vector<16xf32>,
      %div3A_131 = arith.divf %get3A_130, %gather3A_126 : vector<16xf32>
      %swap3A = arith.constant 0 : i32
      %swap3A_132 = arith.index_cast %swap3A : i32 to index
      %swap3A_133 = arith.index_cast %scan3A_124 : i32 to index
      %swap3A_134 = arith.constant 0 : index
      %swap3A_135 = tpu.vector_load %arg8[%swap3A_132, %swap3A_133, %swap3A_134] {strides = array<i32>} : memref<3x19x208xf32, #tpu.memory_space<vmem>>, vector<16xf32>,
      tpu.vector_store %arg8[%swap3A_132, %swap3A_133, %swap3A_134], %div3A_131 {strides = array<i32>} : memref<3x19x208xf32, #tpu.memory_space<vmem>>, vector<16xf32>,
      %get3A_136 = arith.constant 0 : i32
      %get3A_137 = arith.index_cast %get3A_136 : i32 to index
      %get3A_138 = arith.index_cast %scan3A_124 : i32 to index
      %get3A_139 = arith.constant 16 : index
      %get3A_140 = tpu.vector_load %arg8[%get3A_137, %get3A_138, %get3A_139] {strides = array<i32>} : memref<3x19x208xf32, #tpu.memory_space<vmem>>, vector<16xf32>,
      %div3A_141 = arith.divf %get3A_140, %gather3A_126 : vector<16xf32>
      %swap3A_142 = arith.constant 0 : i32
      %swap3A_143 = arith.index_cast %swap3A_142 : i32 to index
      %swap3A_144 = arith.index_cast %scan3A_124 : i32 to index
      %swap3A_145 = arith.constant 16 : index
      %swap3A_146 = tpu.vector_load %arg8[%swap3A_143, %swap3A_144, %swap3A_145] {strides = array<i32>} : memref<3x19x208xf32, #tpu.memory_space<vmem>>, vector<16xf32>,
      tpu.vector_store %arg8[%swap3A_143, %swap3A_144, %swap3A_145], %div3A_141 {strides = array<i32>} : memref<3x19x208xf32, #tpu.memory_space<vmem>>, vector<16xf32>,
      %get3A_147 = arith.constant 0 : i32
      %get3A_148 = arith.index_cast %get3A_147 : i32 to index
      %get3A_149 = arith.index_cast %scan3A_124 : i32 to index
      %get3A_150 = arith.constant 32 : index
      %get3A_151 = tpu.vector_load %arg8[%get3A_148, %get3A_149, %get3A_150] {strides = array<i32>} : memref<3x19x208xf32, #tpu.memory_space<vmem>>, vector<16xf32>,
      %div3A_152 = arith.divf %get3A_151, %gather3A_126 : vector<16xf32>
      %swap3A_153 = arith.constant 0 : i32
      %swap3A_154 = arith.index_cast %swap3A_153 : i32 to index
      %swap3A_155 = arith.index_cast %scan3A_124 : i32 to index
      %swap3A_156 = arith.constant 32 : index
      %swap3A_157 = tpu.vector_load %arg8[%swap3A_154, %swap3A_155, %swap3A_156] {strides = array<i32>} : memref<3x19x208xf32, #tpu.memory_space<vmem>>, vector<16xf32>,
      tpu.vector_store %arg8[%swap3A_154, %swap3A_155, %swap3A_156], %div3A_152 {strides = array<i32>} : memref<3x19x208xf32, #tpu.memory_space<vmem>>, vector<16xf32>,
      %get3A_158 = arith.constant 0 : i32
      %get3A_159 = arith.index_cast %get3A_158 : i32 to index
      %get3A_160 = arith.index_cast %scan3A_124 : i32 to index
      %get3A_161 = arith.constant 48 : index
      %get3A_162 = tpu.vector_load %arg8[%get3A_159, %get3A_160, %get3A_161] {strides = array<i32>} : memref<3x19x208xf32, #tpu.memory_space<vmem>>, vector<16xf32>,
      %div3A_163 = arith.divf %get3A_162, %gather3A_126 : vector<16xf32>
      %swap3A_164 = arith.constant 0 : i32
      %swap3A_165 = arith.index_cast %swap3A_164 : i32 to index
      %swap3A_166 = arith.index_cast %scan3A_124 : i32 to index
      %swap3A_167 = arith.constant 48 : index
      %swap3A_168 = tpu.vector_load %arg8[%swap3A_165, %swap3A_166, %swap3A_167] {strides = array<i32>} : memref<3x19x208xf32, #tpu.memory_space<vmem>>, vector<16xf32>,
      tpu.vector_store %arg8[%swap3A_165, %swap3A_166, %swap3A_167], %div3A_163 {strides = array<i32>} : memref<3x19x208xf32, #tpu.memory_space<vmem>>, vector<16xf32>,
      %get3A_169 = arith.constant 0 : i32
      %get3A_170 = arith.index_cast %get3A_169 : i32 to index
      %get3A_171 = arith.index_cast %scan3A_124 : i32 to index
      %get3A_172 = arith.constant 64 : index
      %get3A_173 = tpu.vector_load %arg8[%get3A_170, %get3A_171, %get3A_172] {strides = array<i32>} : memref<3x19x208xf32, #tpu.memory_space<vmem>>, vector<16xf32>,
      %div3A_174 = arith.divf %get3A_173, %gather3A_126 : vector<16xf32>
      %swap3A_175 = arith.constant 0 : i32
      %swap3A_176 = arith.index_cast %swap3A_175 : i32 to index
      %swap3A_177 = arith.index_cast %scan3A_124 : i32 to index
      %swap3A_178 = arith.constant 64 : index
      %swap3A_179 = tpu.vector_load %arg8[%swap3A_176, %swap3A_177, %swap3A_178] {strides = array<i32>} : memref<3x19x208xf32, #tpu.memory_space<vmem>>, vector<16xf32>,
      tpu.vector_store %arg8[%swap3A_176, %swap3A_177, %swap3A_178], %div3A_174 {strides = array<i32>} : memref<3x19x208xf32, #tpu.memory_space<vmem>>, vector<16xf32>,
      %get3A_180 = arith.constant 0 : i32
      %get3A_181 = arith.index_cast %get3A_180 : i32 to index
      %get3A_182 = arith.index_cast %scan3A_124 : i32 to index
      %get3A_183 = arith.constant 80 : index
      %get3A_184 = tpu.vector_load %arg8[%get3A_181, %get3A_182, %get3A_183] {strides = array<i32>} : memref<3x19x208xf32, #tpu.memory_space<vmem>>, vector<16xf32>,
      %div3A_185 = arith.divf %get3A_184, %gather3A_126 : vector<16xf32>
      %swap3A_186 = arith.constant 0 : i32
      %swap3A_187 = arith.index_cast %swap3A_186 : i32 to index
      %swap3A_188 = arith.index_cast %scan3A_124 : i32 to index
      %swap3A_189 = arith.constant 80 : index
      %swap3A_190 = tpu.vector_load %arg8[%swap3A_187, %swap3A_188, %swap3A_189] {strides = array<i32>} : memref<3x19x208xf32, #tpu.memory_space<vmem>>, vector<16xf32>,
      tpu.vector_store %arg8[%swap3A_187, %swap3A_188, %swap3A_189], %div3A_185 {strides = array<i32>} : memref<3x19x208xf32, #tpu.memory_space<vmem>>, vector<16xf32>,
      %get3A_191 = arith.constant 0 : i32
      %get3A_192 = arith.index_cast %get3A_191 : i32 to index
      %get3A_193 = arith.index_cast %scan3A_124 : i32 to index
      %get3A_194 = arith.constant 96 : index
      %get3A_195 = tpu.vector_load %arg8[%get3A_192, %get3A_193, %get3A_194] {strides = array<i32>} : memref<3x19x208xf32, #tpu.memory_space<vmem>>, vector<16xf32>,
      %div3A_196 = arith.divf %get3A_195, %gather3A_126 : vector<16xf32>
      %swap3A_197 = arith.constant 0 : i32
      %swap3A_198 = arith.index_cast %swap3A_197 : i32 to index
      %swap3A_199 = arith.index_cast %scan3A_124 : i32 to index
      %swap3A_200 = arith.constant 96 : index
      %swap3A_201 = tpu.vector_load %arg8[%swap3A_198, %swap3A_199, %swap3A_200] {strides = array<i32>} : memref<3x19x208xf32, #tpu.memory_space<vmem>>, vector<16xf32>,
      tpu.vector_store %arg8[%swap3A_198, %swap3A_199, %swap3A_200], %div3A_196 {strides = array<i32>} : memref<3x19x208xf32, #tpu.memory_space<vmem>>, vector<16xf32>,
      %get3A_202 = arith.constant 0 : i32
      %get3A_203 = arith.index_cast %get3A_202 : i32 to index
      %get3A_204 = arith.index_cast %scan3A_124 : i32 to index
      %get3A_205 = arith.constant 112 : index
      %get3A_206 = tpu.vector_load %arg8[%get3A_203, %get3A_204, %get3A_205] {strides = array<i32>} : memref<3x19x208xf32, #tpu.memory_space<vmem>>, vector<16xf32>,
      %div3A_207 = arith.divf %get3A_206, %gather3A_126 : vector<16xf32>
      %swap3A_208 = arith.constant 0 : i32
      %swap3A_209 = arith.index_cast %swap3A_208 : i32 to index
      %swap3A_210 = arith.index_cast %scan3A_124 : i32 to index
      %swap3A_211 = arith.constant 112 : index
      %swap3A_212 = tpu.vector_load %arg8[%swap3A_209, %swap3A_210, %swap3A_211] {strides = array<i32>} : memref<3x19x208xf32, #tpu.memory_space<vmem>>, vector<16xf32>,
      tpu.vector_store %arg8[%swap3A_209, %swap3A_210, %swap3A_211], %div3A_207 {strides = array<i32>} : memref<3x19x208xf32, #tpu.memory_space<vmem>>, vector<16xf32>,
      %get3A_213 = arith.constant 0 : i32
      %get3A_214 = arith.index_cast %get3A_213 : i32 to index
      %get3A_215 = arith.index_cast %scan3A_124 : i32 to index
      %get3A_216 = arith.constant 128 : index
      %get3A_217 = tpu.vector_load %arg8[%get3A_214, %get3A_215, %get3A_216] {strides = array<i32>} : memref<3x19x208xf32, #tpu.memory_space<vmem>>, vector<16xf32>,
      %div3A_218 = arith.divf %get3A_217, %gather3A_126 : vector<16xf32>
      %swap3A_219 = arith.constant 0 : i32
      %swap3A_220 = arith.index_cast %swap3A_219 : i32 to index
      %swap3A_221 = arith.index_cast %scan3A_124 : i32 to index
      %swap3A_222 = arith.constant 128 : index
      %swap3A_223 = tpu.vector_load %arg8[%swap3A_220, %swap3A_221, %swap3A_222] {strides = array<i32>} : memref<3x19x208xf32, #tpu.memory_space<vmem>>, vector<16xf32>,
      tpu.vector_store %arg8[%swap3A_220, %swap3A_221, %swap3A_222], %div3A_218 {strides = array<i32>} : memref<3x19x208xf32, #tpu.memory_space<vmem>>, vector<16xf32>,
      %get3A_224 = arith.constant 0 : i32
      %get3A_225 = arith.index_cast %get3A_224 : i32 to index
      %get3A_226 = arith.index_cast %scan3A_124 : i32 to index
      %get3A_227 = arith.constant 144 : index
      %get3A_228 = tpu.vector_load %arg8[%get3A_225, %get3A_226, %get3A_227] {strides = array<i32>} : memref<3x19x208xf32, #tpu.memory_space<vmem>>, vector<16xf32>,
      %div3A_229 = arith.divf %get3A_228, %gather3A_126 : vector<16xf32>
      %swap3A_230 = arith.constant 0 : i32
      %swap3A_231 = arith.index_cast %swap3A_230 : i32 to index
      %swap3A_232 = arith.index_cast %scan3A_124 : i32 to index
      %swap3A_233 = arith.constant 144 : index
      %swap3A_234 = tpu.vector_load %arg8[%swap3A_231, %swap3A_232, %swap3A_233] {strides = array<i32>} : memref<3x19x208xf32, #tpu.memory_space<vmem>>, vector<16xf32>,
      tpu.vector_store %arg8[%swap3A_231, %swap3A_232, %swap3A_233], %div3A_229 {strides = array<i32>} : memref<3x19x208xf32, #tpu.memory_space<vmem>>, vector<16xf32>,
      %get3A_235 = arith.constant 0 : i32
      %get3A_236 = arith.index_cast %get3A_235 : i32 to index
      %get3A_237 = arith.index_cast %scan3A_124 : i32 to index
      %get3A_238 = arith.constant 160 : index
      %get3A_239 = tpu.vector_load %arg8[%get3A_236, %get3A_237, %get3A_238] {strides = array<i32>} : memref<3x19x208xf32, #tpu.memory_space<vmem>>, vector<16xf32>,
      %div3A_240 = arith.divf %get3A_239, %gather3A_126 : vector<16xf32>
      %swap3A_241 = arith.constant 0 : i32
      %swap3A_242 = arith.index_cast %swap3A_241 : i32 to index
      %swap3A_243 = arith.index_cast %scan3A_124 : i32 to index
      %swap3A_244 = arith.constant 160 : index
      %swap3A_245 = tpu.vector_load %arg8[%swap3A_242, %swap3A_243, %swap3A_244] {strides = array<i32>} : memref<3x19x208xf32, #tpu.memory_space<vmem>>, vector<16xf32>,
      tpu.vector_store %arg8[%swap3A_242, %swap3A_243, %swap3A_244], %div3A_240 {strides = array<i32>} : memref<3x19x208xf32, #tpu.memory_space<vmem>>, vector<16xf32>,
      %get3A_246 = arith.constant 0 : i32
      %get3A_247 = arith.index_cast %get3A_246 : i32 to index
      %get3A_248 = arith.index_cast %scan3A_124 : i32 to index
      %get3A_249 = arith.constant 176 : index
      %get3A_250 = tpu.vector_load %arg8[%get3A_247, %get3A_248, %get3A_249] {strides = array<i32>} : memref<3x19x208xf32, #tpu.memory_space<vmem>>, vector<16xf32>,
      %div3A_251 = arith.divf %get3A_250, %gather3A_126 : vector<16xf32>
      %swap3A_252 = arith.constant 0 : i32
      %swap3A_253 = arith.index_cast %swap3A_252 : i32 to index
      %swap3A_254 = arith.index_cast %scan3A_124 : i32 to index
      %swap3A_255 = arith.constant 176 : index
      %swap3A_256 = tpu.vector_load %arg8[%swap3A_253, %swap3A_254, %swap3A_255] {strides = array<i32>} : memref<3x19x208xf32, #tpu.memory_space<vmem>>, vector<16xf32>,
      tpu.vector_store %arg8[%swap3A_253, %swap3A_254, %swap3A_255], %div3A_251 {strides = array<i32>} : memref<3x19x208xf32, #tpu.memory_space<vmem>>, vector<16xf32>,
      %get3A_257 = arith.constant 0 : i32
      %get3A_258 = arith.index_cast %get3A_257 : i32 to index
      %get3A_259 = arith.index_cast %scan3A_124 : i32 to index
      %get3A_260 = arith.constant 192 : index
      %get3A_261 = tpu.vector_load %arg8[%get3A_258, %get3A_259, %get3A_260] {strides = array<i32>} : memref<3x19x208xf32, #tpu.memory_space<vmem>>, vector<16xf32>,
      %div3A_262 = arith.divf %get3A_261, %gather3A_126 : vector<16xf32>
      %swap3A_263 = arith.constant 0 : i32
      %swap3A_264 = arith.index_cast %swap3A_263 : i32 to index
      %swap3A_265 = arith.index_cast %scan3A_124 : i32 to index
      %swap3A_266 = arith.constant 192 : index
      %swap3A_267 = tpu.vector_load %arg8[%swap3A_264, %swap3A_265, %swap3A_266] {strides = array<i32>} : memref<3x19x208xf32, #tpu.memory_space<vmem>>, vector<16xf32>,
      tpu.vector_store %arg8[%swap3A_264, %swap3A_265, %swap3A_266], %div3A_262 {strides = array<i32>} : memref<3x19x208xf32, #tpu.memory_space<vmem>>, vector<16xf32>,
      %gather3A_268 = tpu.vector_load_idx %arg9[%broadcast_in_dim3A_125, %broadcast_in_dim3A_5] : memref<32x3xf32, #tpu.memory_space<vmem>>[vector<16xi32>, vector<16xi32>], vector<16xf32>,
      %get3A_269 = arith.constant 1 : i32
      %get3A_270 = arith.index_cast %get3A_269 : i32 to index
      %get3A_271 = arith.index_cast %scan3A_124 : i32 to index
      %get3A_272 = arith.constant 0 : index
      %get3A_273 = tpu.vector_load %arg8[%get3A_270, %get3A_271, %get3A_272] {strides = array<i32>} : memref<3x19x208xf32, #tpu.memory_space<vmem>>, vector<16xf32>,
      %div3A_274 = arith.divf %get3A_273, %gather3A_268 : vector<16xf32>
      %swap3A_275 = arith.constant 1 : i32
      %swap3A_276 = arith.index_cast %swap3A_275 : i32 to index
      %swap3A_277 = arith.index_cast %scan3A_124 : i32 to index
      %swap3A_278 = arith.constant 0 : index
      %swap3A_279 = tpu.vector_load %arg8[%swap3A_276, %swap3A_277, %swap3A_278] {strides = array<i32>} : memref<3x19x208xf32, #tpu.memory_space<vmem>>, vector<16xf32>,
      tpu.vector_store %arg8[%swap3A_276, %swap3A_277, %swap3A_278], %div3A_274 {strides = array<i32>} : memref<3x19x208xf32, #tpu.memory_space<vmem>>, vector<16xf32>,
      %get3A_280 = arith.constant 1 : i32
      %get3A_281 = arith.index_cast %get3A_280 : i32 to index
      %get3A_282 = arith.index_cast %scan3A_124 : i32 to index
      %get3A_283 = arith.constant 16 : index
      %get3A_284 = tpu.vector_load %arg8[%get3A_281, %get3A_282, %get3A_283] {strides = array<i32>} : memref<3x19x208xf32, #tpu.memory_space<vmem>>, vector<16xf32>,
      %div3A_285 = arith.divf %get3A_284, %gather3A_268 : vector<16xf32>
      %swap3A_286 = arith.constant 1 : i32
      %swap3A_287 = arith.index_cast %swap3A_286 : i32 to index
      %swap3A_288 = arith.index_cast %scan3A_124 : i32 to index
      %swap3A_289 = arith.constant 16 : index
      %swap3A_290 = tpu.vector_load %arg8[%swap3A_287, %swap3A_288, %swap3A_289] {strides = array<i32>} : memref<3x19x208xf32, #tpu.memory_space<vmem>>, vector<16xf32>,
      tpu.vector_store %arg8[%swap3A_287, %swap3A_288, %swap3A_289], %div3A_285 {strides = array<i32>} : memref<3x19x208xf32, #tpu.memory_space<vmem>>, vector<16xf32>,
      %get3A_291 = arith.constant 1 : i32
      %get3A_292 = arith.index_cast %get3A_291 : i32 to index
      %get3A_293 = arith.index_cast %scan3A_124 : i32 to index
      %get3A_294 = arith.constant 32 : index
      %get3A_295 = tpu.vector_load %arg8[%get3A_292, %get3A_293, %get3A_294] {strides = array<i32>} : memref<3x19x208xf32, #tpu.memory_space<vmem>>, vector<16xf32>,
      %div3A_296 = arith.divf %get3A_295, %gather3A_268 : vector<16xf32>
      %swap3A_297 = arith.constant 1 : i32
      %swap3A_298 = arith.index_cast %swap3A_297 : i32 to index
      %swap3A_299 = arith.index_cast %scan3A_124 : i32 to index
      %swap3A_300 = arith.constant 32 : index
      %swap3A_301 = tpu.vector_load %arg8[%swap3A_298, %swap3A_299, %swap3A_300] {strides = array<i32>} : memref<3x19x208xf32, #tpu.memory_space<vmem>>, vector<16xf32>,
      tpu.vector_store %arg8[%swap3A_298, %swap3A_299, %swap3A_300], %div3A_296 {strides = array<i32>} : memref<3x19x208xf32, #tpu.memory_space<vmem>>, vector<16xf32>,
      %get3A_302 = arith.constant 1 : i32
      %get3A_303 = arith.index_cast %get3A_302 : i32 to index
      %get3A_304 = arith.index_cast %scan3A_124 : i32 to index
      %get3A_305 = arith.constant 48 : index
      %get3A_306 = tpu.vector_load %arg8[%get3A_303, %get3A_304, %get3A_305] {strides = array<i32>} : memref<3x19x208xf32, #tpu.memory_space<vmem>>, vector<16xf32>,
      %div3A_307 = arith.divf %get3A_306, %gather3A_268 : vector<16xf32>
      %swap3A_308 = arith.constant 1 : i32
      %swap3A_309 = arith.index_cast %swap3A_308 : i32 to index
      %swap3A_310 = arith.index_cast %scan3A_124 : i32 to index
      %swap3A_311 = arith.constant 48 : index
      %swap3A_312 = tpu.vector_load %arg8[%swap3A_309, %swap3A_310, %swap3A_311] {strides = array<i32>} : memref<3x19x208xf32, #tpu.memory_space<vmem>>, vector<16xf32>,
      tpu.vector_store %arg8[%swap3A_309, %swap3A_310, %swap3A_311], %div3A_307 {strides = array<i32>} : memref<3x19x208xf32, #tpu.memory_space<vmem>>, vector<16xf32>,
      %get3A_313 = arith.constant 1 : i32
      %get3A_314 = arith.index_cast %get3A_313 : i32 to index
      %get3A_315 = arith.index_cast %scan3A_124 : i32 to index
      %get3A_316 = arith.constant 64 : index
      %get3A_317 = tpu.vector_load %arg8[%get3A_314, %get3A_315, %get3A_316] {strides = array<i32>} : memref<3x19x208xf32, #tpu.memory_space<vmem>>, vector<16xf32>,
      %div3A_318 = arith.divf %get3A_317, %gather3A_268 : vector<16xf32>
      %swap3A_319 = arith.constant 1 : i32
      %swap3A_320 = arith.index_cast %swap3A_319 : i32 to index
      %swap3A_321 = arith.index_cast %scan3A_124 : i32 to index
      %swap3A_322 = arith.constant 64 : index
      %swap3A_323 = tpu.vector_load %arg8[%swap3A_320, %swap3A_321, %swap3A_322] {strides = array<i32>} : memref<3x19x208xf32, #tpu.memory_space<vmem>>, vector<16xf32>,
      tpu.vector_store %arg8[%swap3A_320, %swap3A_321, %swap3A_322], %div3A_318 {strides = array<i32>} : memref<3x19x208xf32, #tpu.memory_space<vmem>>, vector<16xf32>,
      %get3A_324 = arith.constant 1 : i32
      %get3A_325 = arith.index_cast %get3A_324 : i32 to index
      %get3A_326 = arith.index_cast %scan3A_124 : i32 to index
      %get3A_327 = arith.constant 80 : index
      %get3A_328 = tpu.vector_load %arg8[%get3A_325, %get3A_326, %get3A_327] {strides = array<i32>} : memref<3x19x208xf32, #tpu.memory_space<vmem>>, vector<16xf32>,
      %div3A_329 = arith.divf %get3A_328, %gather3A_268 : vector<16xf32>
      %swap3A_330 = arith.constant 1 : i32
      %swap3A_331 = arith.index_cast %swap3A_330 : i32 to index
      %swap3A_332 = arith.index_cast %scan3A_124 : i32 to index
      %swap3A_333 = arith.constant 80 : index
      %swap3A_334 = tpu.vector_load %arg8[%swap3A_331, %swap3A_332, %swap3A_333] {strides = array<i32>} : memref<3x19x208xf32, #tpu.memory_space<vmem>>, vector<16xf32>,
      tpu.vector_store %arg8[%swap3A_331, %swap3A_332, %swap3A_333], %div3A_329 {strides = array<i32>} : memref<3x19x208xf32, #tpu.memory_space<vmem>>, vector<16xf32>,
      %get3A_335 = arith.constant 1 : i32
      %get3A_336 = arith.index_cast %get3A_335 : i32 to index
      %get3A_337 = arith.index_cast %scan3A_124 : i32 to index
      %get3A_338 = arith.constant 96 : index
      %get3A_339 = tpu.vector_load %arg8[%get3A_336, %get3A_337, %get3A_338] {strides = array<i32>} : memref<3x19x208xf32, #tpu.memory_space<vmem>>, vector<16xf32>,
      %div3A_340 = arith.divf %get3A_339, %gather3A_268 : vector<16xf32>
      %swap3A_341 = arith.constant 1 : i32
      %swap3A_342 = arith.index_cast %swap3A_341 : i32 to index
      %swap3A_343 = arith.index_cast %scan3A_124 : i32 to index
      %swap3A_344 = arith.constant 96 : index
      %swap3A_345 = tpu.vector_load %arg8[%swap3A_342, %swap3A_343, %swap3A_344] {strides = array<i32>} : memref<3x19x208xf32, #tpu.memory_space<vmem>>, vector<16xf32>,
      tpu.vector_store %arg8[%swap3A_342, %swap3A_343, %swap3A_344], %div3A_340 {strides = array<i32>} : memref<3x19x208xf32, #tpu.memory_space<vmem>>, vector<16xf32>,
      %get3A_346 = arith.constant 1 : i32
      %get3A_347 = arith.index_cast %get3A_346 : i32 to index
      %get3A_348 = arith.index_cast %scan3A_124 : i32 to index
      %get3A_349 = arith.constant 112 : index
      %get3A_350 = tpu.vector_load %arg8[%get3A_347, %get3A_348, %get3A_349] {strides = array<i32>} : memref<3x19x208xf32, #tpu.memory_space<vmem>>, vector<16xf32>,
      %div3A_351 = arith.divf %get3A_350, %gather3A_268 : vector<16xf32>
      %swap3A_352 = arith.constant 1 : i32
      %swap3A_353 = arith.index_cast %swap3A_352 : i32 to index
      %swap3A_354 = arith.index_cast %scan3A_124 : i32 to index
      %swap3A_355 = arith.constant 112 : index
      %swap3A_356 = tpu.vector_load %arg8[%swap3A_353, %swap3A_354, %swap3A_355] {strides = array<i32>} : memref<3x19x208xf32, #tpu.memory_space<vmem>>, vector<16xf32>,
      tpu.vector_store %arg8[%swap3A_353, %swap3A_354, %swap3A_355], %div3A_351 {strides = array<i32>} : memref<3x19x208xf32, #tpu.memory_space<vmem>>, vector<16xf32>,
      %get3A_357 = arith.constant 1 : i32
      %get3A_358 = arith.index_cast %get3A_357 : i32 to index
      %get3A_359 = arith.index_cast %scan3A_124 : i32 to index
      %get3A_360 = arith.constant 128 : index
      %get3A_361 = tpu.vector_load %arg8[%get3A_358, %get3A_359, %get3A_360] {strides = array<i32>} : memref<3x19x208xf32, #tpu.memory_space<vmem>>, vector<16xf32>,
      %div3A_362 = arith.divf %get3A_361, %gather3A_268 : vector<16xf32>
      %swap3A_363 = arith.constant 1 : i32
      %swap3A_364 = arith.index_cast %swap3A_363 : i32 to index
      %swap3A_365 = arith.index_cast %scan3A_124 : i32 to index
      %swap3A_366 = arith.constant 128 : index
      %swap3A_367 = tpu.vector_load %arg8[%swap3A_364, %swap3A_365, %swap3A_366] {strides = array<i32>} : memref<3x19x208xf32, #tpu.memory_space<vmem>>, vector<16xf32>,
      tpu.vector_store %arg8[%swap3A_364, %swap3A_365, %swap3A_366], %div3A_362 {strides = array<i32>} : memref<3x19x208xf32, #tpu.memory_space<vmem>>, vector<16xf32>,
      %get3A_368 = arith.constant 1 : i32
      %get3A_369 = arith.index_cast %get3A_368 : i32 to index
      %get3A_370 = arith.index_cast %scan3A_124 : i32 to index
      %get3A_371 = arith.constant 144 : index
      %get3A_372 = tpu.vector_load %arg8[%get3A_369, %get3A_370, %get3A_371] {strides = array<i32>} : memref<3x19x208xf32, #tpu.memory_space<vmem>>, vector<16xf32>,
      %div3A_373 = arith.divf %get3A_372, %gather3A_268 : vector<16xf32>
      %swap3A_374 = arith.constant 1 : i32
      %swap3A_375 = arith.index_cast %swap3A_374 : i32 to index
      %swap3A_376 = arith.index_cast %scan3A_124 : i32 to index
      %swap3A_377 = arith.constant 144 : index
      %swap3A_378 = tpu.vector_load %arg8[%swap3A_375, %swap3A_376, %swap3A_377] {strides = array<i32>} : memref<3x19x208xf32, #tpu.memory_space<vmem>>, vector<16xf32>,
      tpu.vector_store %arg8[%swap3A_375, %swap3A_376, %swap3A_377], %div3A_373 {strides = array<i32>} : memref<3x19x208xf32, #tpu.memory_space<vmem>>, vector<16xf32>,
      %get3A_379 = arith.constant 1 : i32
      %get3A_380 = arith.index_cast %get3A_379 : i32 to index
      %get3A_381 = arith.index_cast %scan3A_124 : i32 to index
      %get3A_382 = arith.constant 160 : index
      %get3A_383 = tpu.vector_load %arg8[%get3A_380, %get3A_381, %get3A_382] {strides = array<i32>} : memref<3x19x208xf32, #tpu.memory_space<vmem>>, vector<16xf32>,
      %div3A_384 = arith.divf %get3A_383, %gather3A_268 : vector<16xf32>
      %swap3A_385 = arith.constant 1 : i32
      %swap3A_386 = arith.index_cast %swap3A_385 : i32 to index
      %swap3A_387 = arith.index_cast %scan3A_124 : i32 to index
      %swap3A_388 = arith.constant 160 : index
      %swap3A_389 = tpu.vector_load %arg8[%swap3A_386, %swap3A_387, %swap3A_388] {strides = array<i32>} : memref<3x19x208xf32, #tpu.memory_space<vmem>>, vector<16xf32>,
      tpu.vector_store %arg8[%swap3A_386, %swap3A_387, %swap3A_388], %div3A_384 {strides = array<i32>} : memref<3x19x208xf32, #tpu.memory_space<vmem>>, vector<16xf32>,
      %get3A_390 = arith.constant 1 : i32
      %get3A_391 = arith.index_cast %get3A_390 : i32 to index
      %get3A_392 = arith.index_cast %scan3A_124 : i32 to index
      %get3A_393 = arith.constant 176 : index
      %get3A_394 = tpu.vector_load %arg8[%get3A_391, %get3A_392, %get3A_393] {strides = array<i32>} : memref<3x19x208xf32, #tpu.memory_space<vmem>>, vector<16xf32>,
      %div3A_395 = arith.divf %get3A_394, %gather3A_268 : vector<16xf32>
      %swap3A_396 = arith.constant 1 : i32
      %swap3A_397 = arith.index_cast %swap3A_396 : i32 to index
      %swap3A_398 = arith.index_cast %scan3A_124 : i32 to index
      %swap3A_399 = arith.constant 176 : index
      %swap3A_400 = tpu.vector_load %arg8[%swap3A_397, %swap3A_398, %swap3A_399] {strides = array<i32>} : memref<3x19x208xf32, #tpu.memory_space<vmem>>, vector<16xf32>,
      tpu.vector_store %arg8[%swap3A_397, %swap3A_398, %swap3A_399], %div3A_395 {strides = array<i32>} : memref<3x19x208xf32, #tpu.memory_space<vmem>>, vector<16xf32>,
      %get3A_401 = arith.constant 1 : i32
      %get3A_402 = arith.index_cast %get3A_401 : i32 to index
      %get3A_403 = arith.index_cast %scan3A_124 : i32 to index
      %get3A_404 = arith.constant 192 : index
      %get3A_405 = tpu.vector_load %arg8[%get3A_402, %get3A_403, %get3A_404] {strides = array<i32>} : memref<3x19x208xf32, #tpu.memory_space<vmem>>, vector<16xf32>,
      %div3A_406 = arith.divf %get3A_405, %gather3A_268 : vector<16xf32>
      %swap3A_407 = arith.constant 1 : i32
      %swap3A_408 = arith.index_cast %swap3A_407 : i32 to index
      %swap3A_409 = arith.index_cast %scan3A_124 : i32 to index
      %swap3A_410 = arith.constant 192 : index
      %swap3A_411 = tpu.vector_load %arg8[%swap3A_408, %swap3A_409, %swap3A_410] {strides = array<i32>} : memref<3x19x208xf32, #tpu.memory_space<vmem>>, vector<16xf32>,
      tpu.vector_store %arg8[%swap3A_408, %swap3A_409, %swap3A_410], %div3A_406 {strides = array<i32>} : memref<3x19x208xf32, #tpu.memory_space<vmem>>, vector<16xf32>,
      %gather3A_412 = tpu.vector_load_idx %arg9[%broadcast_in_dim3A_125, %broadcast_in_dim3A_7] : memref<32x3xf32, #tpu.memory_space<vmem>>[vector<16xi32>, vector<16xi32>], vector<16xf32>,
      %get3A_413 = arith.constant 2 : i32
      %get3A_414 = arith.index_cast %get3A_413 : i32 to index
      %get3A_415 = arith.index_cast %scan3A_124 : i32 to index
      %get3A_416 = arith.constant 0 : index
      %get3A_417 = tpu.vector_load %arg8[%get3A_414, %get3A_415, %get3A_416] {strides = array<i32>} : memref<3x19x208xf32, #tpu.memory_space<vmem>>, vector<16xf32>,
      %div3A_418 = arith.divf %get3A_417, %gather3A_412 : vector<16xf32>
      %swap3A_419 = arith.constant 2 : i32
      %swap3A_420 = arith.index_cast %swap3A_419 : i32 to index
      %swap3A_421 = arith.index_cast %scan3A_124 : i32 to index
      %swap3A_422 = arith.constant 0 : index
      %swap3A_423 = tpu.vector_load %arg8[%swap3A_420, %swap3A_421, %swap3A_422] {strides = array<i32>} : memref<3x19x208xf32, #tpu.memory_space<vmem>>, vector<16xf32>,
      tpu.vector_store %arg8[%swap3A_420, %swap3A_421, %swap3A_422], %div3A_418 {strides = array<i32>} : memref<3x19x208xf32, #tpu.memory_space<vmem>>, vector<16xf32>,
      %get3A_424 = arith.constant 2 : i32
      %get3A_425 = arith.index_cast %get3A_424 : i32 to index
      %get3A_426 = arith.index_cast %scan3A_124 : i32 to index
      %get3A_427 = arith.constant 16 : index
      %get3A_428 = tpu.vector_load %arg8[%get3A_425, %get3A_426, %get3A_427] {strides = array<i32>} : memref<3x19x208xf32, #tpu.memory_space<vmem>>, vector<16xf32>,
      %div3A_429 = arith.divf %get3A_428, %gather3A_412 : vector<16xf32>
      %swap3A_430 = arith.constant 2 : i32
      %swap3A_431 = arith.index_cast %swap3A_430 : i32 to index
      %swap3A_432 = arith.index_cast %scan3A_124 : i32 to index
      %swap3A_433 = arith.constant 16 : index
      %swap3A_434 = tpu.vector_load %arg8[%swap3A_431, %swap3A_432, %swap3A_433] {strides = array<i32>} : memref<3x19x208xf32, #tpu.memory_space<vmem>>, vector<16xf32>,
      tpu.vector_store %arg8[%swap3A_431, %swap3A_432, %swap3A_433], %div3A_429 {strides = array<i32>} : memref<3x19x208xf32, #tpu.memory_space<vmem>>, vector<16xf32>,
      %get3A_435 = arith.constant 2 : i32
      %get3A_436 = arith.index_cast %get3A_435 : i32 to index
      %get3A_437 = arith.index_cast %scan3A_124 : i32 to index
      %get3A_438 = arith.constant 32 : index
      %get3A_439 = tpu.vector_load %arg8[%get3A_436, %get3A_437, %get3A_438] {strides = array<i32>} : memref<3x19x208xf32, #tpu.memory_space<vmem>>, vector<16xf32>,
      %div3A_440 = arith.divf %get3A_439, %gather3A_412 : vector<16xf32>
      %swap3A_441 = arith.constant 2 : i32
      %swap3A_442 = arith.index_cast %swap3A_441 : i32 to index
      %swap3A_443 = arith.index_cast %scan3A_124 : i32 to index
      %swap3A_444 = arith.constant 32 : index
      %swap3A_445 = tpu.vector_load %arg8[%swap3A_442, %swap3A_443, %swap3A_444] {strides = array<i32>} : memref<3x19x208xf32, #tpu.memory_space<vmem>>, vector<16xf32>,
      tpu.vector_store %arg8[%swap3A_442, %swap3A_443, %swap3A_444], %div3A_440 {strides = array<i32>} : memref<3x19x208xf32, #tpu.memory_space<vmem>>, vector<16xf32>,
      %get3A_446 = arith.constant 2 : i32
      %get3A_447 = arith.index_cast %get3A_446 : i32 to index
      %get3A_448 = arith.index_cast %scan3A_124 : i32 to index
      %get3A_449 = arith.constant 48 : index
      %get3A_450 = tpu.vector_load %arg8[%get3A_447, %get3A_448, %get3A_449] {strides = array<i32>} : memref<3x19x208xf32, #tpu.memory_space<vmem>>, vector<16xf32>,
      %div3A_451 = arith.divf %get3A_450, %gather3A_412 : vector<16xf32>
      %swap3A_452 = arith.constant 2 : i32
      %swap3A_453 = arith.index_cast %swap3A_452 : i32 to index
      %swap3A_454 = arith.index_cast %scan3A_124 : i32 to index
      %swap3A_455 = arith.constant 48 : index
      %swap3A_456 = tpu.vector_load %arg8[%swap3A_453, %swap3A_454, %swap3A_455] {strides = array<i32>} : memref<3x19x208xf32, #tpu.memory_space<vmem>>, vector<16xf32>,
      tpu.vector_store %arg8[%swap3A_453, %swap3A_454, %swap3A_455], %div3A_451 {strides = array<i32>} : memref<3x19x208xf32, #tpu.memory_space<vmem>>, vector<16xf32>,
      %get3A_457 = arith.constant 2 : i32
      %get3A_458 = arith.index_cast %get3A_457 : i32 to index
      %get3A_459 = arith.index_cast %scan3A_124 : i32 to index
      %get3A_460 = arith.constant 64 : index
      %get3A_461 = tpu.vector_load %arg8[%get3A_458, %get3A_459, %get3A_460] {strides = array<i32>} : memref<3x19x208xf32, #tpu.memory_space<vmem>>, vector<16xf32>,
      %div3A_462 = arith.divf %get3A_461, %gather3A_412 : vector<16xf32>
      %swap3A_463 = arith.constant 2 : i32
      %swap3A_464 = arith.index_cast %swap3A_463 : i32 to index
      %swap3A_465 = arith.index_cast %scan3A_124 : i32 to index
      %swap3A_466 = arith.constant 64 : index
      %swap3A_467 = tpu.vector_load %arg8[%swap3A_464, %swap3A_465, %swap3A_466] {strides = array<i32>} : memref<3x19x208xf32, #tpu.memory_space<vmem>>, vector<16xf32>,
      tpu.vector_store %arg8[%swap3A_464, %swap3A_465, %swap3A_466], %div3A_462 {strides = array<i32>} : memref<3x19x208xf32, #tpu.memory_space<vmem>>, vector<16xf32>,
      %get3A_468 = arith.constant 2 : i32
      %get3A_469 = arith.index_cast %get3A_468 : i32 to index
      %get3A_470 = arith.index_cast %scan3A_124 : i32 to index
      %get3A_471 = arith.constant 80 : index
      %get3A_472 = tpu.vector_load %arg8[%get3A_469, %get3A_470, %get3A_471] {strides = array<i32>} : memref<3x19x208xf32, #tpu.memory_space<vmem>>, vector<16xf32>,
      %div3A_473 = arith.divf %get3A_472, %gather3A_412 : vector<16xf32>
      %swap3A_474 = arith.constant 2 : i32
      %swap3A_475 = arith.index_cast %swap3A_474 : i32 to index
      %swap3A_476 = arith.index_cast %scan3A_124 : i32 to index
      %swap3A_477 = arith.constant 80 : index
      %swap3A_478 = tpu.vector_load %arg8[%swap3A_475, %swap3A_476, %swap3A_477] {strides = array<i32>} : memref<3x19x208xf32, #tpu.memory_space<vmem>>, vector<16xf32>,
      tpu.vector_store %arg8[%swap3A_475, %swap3A_476, %swap3A_477], %div3A_473 {strides = array<i32>} : memref<3x19x208xf32, #tpu.memory_space<vmem>>, vector<16xf32>,
      %get3A_479 = arith.constant 2 : i32
      %get3A_480 = arith.index_cast %get3A_479 : i32 to index
      %get3A_481 = arith.index_cast %scan3A_124 : i32 to index
      %get3A_482 = arith.constant 96 : index
      %get3A_483 = tpu.vector_load %arg8[%get3A_480, %get3A_481, %get3A_482] {strides = array<i32>} : memref<3x19x208xf32, #tpu.memory_space<vmem>>, vector<16xf32>,
      %div3A_484 = arith.divf %get3A_483, %gather3A_412 : vector<16xf32>
      %swap3A_485 = arith.constant 2 : i32
      %swap3A_486 = arith.index_cast %swap3A_485 : i32 to index
      %swap3A_487 = arith.index_cast %scan3A_124 : i32 to index
      %swap3A_488 = arith.constant 96 : index
      %swap3A_489 = tpu.vector_load %arg8[%swap3A_486, %swap3A_487, %swap3A_488] {strides = array<i32>} : memref<3x19x208xf32, #tpu.memory_space<vmem>>, vector<16xf32>,
      tpu.vector_store %arg8[%swap3A_486, %swap3A_487, %swap3A_488], %div3A_484 {strides = array<i32>} : memref<3x19x208xf32, #tpu.memory_space<vmem>>, vector<16xf32>,
      %get3A_490 = arith.constant 2 : i32
      %get3A_491 = arith.index_cast %get3A_490 : i32 to index
      %get3A_492 = arith.index_cast %scan3A_124 : i32 to index
      %get3A_493 = arith.constant 112 : index
      %get3A_494 = tpu.vector_load %arg8[%get3A_491, %get3A_492, %get3A_493] {strides = array<i32>} : memref<3x19x208xf32, #tpu.memory_space<vmem>>, vector<16xf32>,
      %div3A_495 = arith.divf %get3A_494, %gather3A_412 : vector<16xf32>
      %swap3A_496 = arith.constant 2 : i32
      %swap3A_497 = arith.index_cast %swap3A_496 : i32 to index
      %swap3A_498 = arith.index_cast %scan3A_124 : i32 to index
      %swap3A_499 = arith.constant 112 : index
      %swap3A_500 = tpu.vector_load %arg8[%swap3A_497, %swap3A_498, %swap3A_499] {strides = array<i32>} : memref<3x19x208xf32, #tpu.memory_space<vmem>>, vector<16xf32>,
      tpu.vector_store %arg8[%swap3A_497, %swap3A_498, %swap3A_499], %div3A_495 {strides = array<i32>} : memref<3x19x208xf32, #tpu.memory_space<vmem>>, vector<16xf32>,
      %get3A_501 = arith.constant 2 : i32
      %get3A_502 = arith.index_cast %get3A_501 : i32 to index
      %get3A_503 = arith.index_cast %scan3A_124 : i32 to index
      %get3A_504 = arith.constant 128 : index
      %get3A_505 = tpu.vector_load %arg8[%get3A_502, %get3A_503, %get3A_504] {strides = array<i32>} : memref<3x19x208xf32, #tpu.memory_space<vmem>>, vector<16xf32>,
      %div3A_506 = arith.divf %get3A_505, %gather3A_412 : vector<16xf32>
      %swap3A_507 = arith.constant 2 : i32
      %swap3A_508 = arith.index_cast %swap3A_507 : i32 to index
      %swap3A_509 = arith.index_cast %scan3A_124 : i32 to index
      %swap3A_510 = arith.constant 128 : index
      %swap3A_511 = tpu.vector_load %arg8[%swap3A_508, %swap3A_509, %swap3A_510] {strides = array<i32>} : memref<3x19x208xf32, #tpu.memory_space<vmem>>, vector<16xf32>,
      tpu.vector_store %arg8[%swap3A_508, %swap3A_509, %swap3A_510], %div3A_506 {strides = array<i32>} : memref<3x19x208xf32, #tpu.memory_space<vmem>>, vector<16xf32>,
      %get3A_512 = arith.constant 2 : i32
      %get3A_513 = arith.index_cast %get3A_512 : i32 to index
      %get3A_514 = arith.index_cast %scan3A_124 : i32 to index
      %get3A_515 = arith.constant 144 : index
      %get3A_516 = tpu.vector_load %arg8[%get3A_513, %get3A_514, %get3A_515] {strides = array<i32>} : memref<3x19x208xf32, #tpu.memory_space<vmem>>, vector<16xf32>,
      %div3A_517 = arith.divf %get3A_516, %gather3A_412 : vector<16xf32>
      %swap3A_518 = arith.constant 2 : i32
      %swap3A_519 = arith.index_cast %swap3A_518 : i32 to index
      %swap3A_520 = arith.index_cast %scan3A_124 : i32 to index
      %swap3A_521 = arith.constant 144 : index
      %swap3A_522 = tpu.vector_load %arg8[%swap3A_519, %swap3A_520, %swap3A_521] {strides = array<i32>} : memref<3x19x208xf32, #tpu.memory_space<vmem>>, vector<16xf32>,
      tpu.vector_store %arg8[%swap3A_519, %swap3A_520, %swap3A_521], %div3A_517 {strides = array<i32>} : memref<3x19x208xf32, #tpu.memory_space<vmem>>, vector<16xf32>,
      %get3A_523 = arith.constant 2 : i32
      %get3A_524 = arith.index_cast %get3A_523 : i32 to index
      %get3A_525 = arith.index_cast %scan3A_124 : i32 to index
      %get3A_526 = arith.constant 160 : index
      %get3A_527 = tpu.vector_load %arg8[%get3A_524, %get3A_525, %get3A_526] {strides = array<i32>} : memref<3x19x208xf32, #tpu.memory_space<vmem>>, vector<16xf32>,
      %div3A_528 = arith.divf %get3A_527, %gather3A_412 : vector<16xf32>
      %swap3A_529 = arith.constant 2 : i32
      %swap3A_530 = arith.index_cast %swap3A_529 : i32 to index
      %swap3A_531 = arith.index_cast %scan3A_124 : i32 to index
      %swap3A_532 = arith.constant 160 : index
      %swap3A_533 = tpu.vector_load %arg8[%swap3A_530, %swap3A_531, %swap3A_532] {strides = array<i32>} : memref<3x19x208xf32, #tpu.memory_space<vmem>>, vector<16xf32>,
      tpu.vector_store %arg8[%swap3A_530, %swap3A_531, %swap3A_532], %div3A_528 {strides = array<i32>} : memref<3x19x208xf32, #tpu.memory_space<vmem>>, vector<16xf32>,
      %get3A_534 = arith.constant 2 : i32
      %get3A_535 = arith.index_cast %get3A_534 : i32 to index
      %get3A_536 = arith.index_cast %scan3A_124 : i32 to index
      %get3A_537 = arith.constant 176 : index
      %get3A_538 = tpu.vector_load %arg8[%get3A_535, %get3A_536, %get3A_537] {strides = array<i32>} : memref<3x19x208xf32, #tpu.memory_space<vmem>>, vector<16xf32>,
      %div3A_539 = arith.divf %get3A_538, %gather3A_412 : vector<16xf32>
      %swap3A_540 = arith.constant 2 : i32
      %swap3A_541 = arith.index_cast %swap3A_540 : i32 to index
      %swap3A_542 = arith.index_cast %scan3A_124 : i32 to index
      %swap3A_543 = arith.constant 176 : index
      %swap3A_544 = tpu.vector_load %arg8[%swap3A_541, %swap3A_542, %swap3A_543] {strides = array<i32>} : memref<3x19x208xf32, #tpu.memory_space<vmem>>, vector<16xf32>,
      tpu.vector_store %arg8[%swap3A_541, %swap3A_542, %swap3A_543], %div3A_539 {strides = array<i32>} : memref<3x19x208xf32, #tpu.memory_space<vmem>>, vector<16xf32>,
      %get3A_545 = arith.constant 2 : i32
      %get3A_546 = arith.index_cast %get3A_545 : i32 to index
      %get3A_547 = arith.index_cast %scan3A_124 : i32 to index
      %get3A_548 = arith.constant 192 : index
      %get3A_549 = tpu.vector_load %arg8[%get3A_546, %get3A_547, %get3A_548] {strides = array<i32>} : memref<3x19x208xf32, #tpu.memory_space<vmem>>, vector<16xf32>,
      %div3A_550 = arith.divf %get3A_549, %gather3A_412 : vector<16xf32>
      %swap3A_551 = arith.constant 2 : i32
      %swap3A_552 = arith.index_cast %swap3A_551 : i32 to index
      %swap3A_553 = arith.index_cast %scan3A_124 : i32 to index
      %swap3A_554 = arith.constant 192 : index
      %swap3A_555 = tpu.vector_load %arg8[%swap3A_552, %swap3A_553, %swap3A_554] {strides = array<i32>} : memref<3x19x208xf32, #tpu.memory_space<vmem>>, vector<16xf32>,
      tpu.vector_store %arg8[%swap3A_552, %swap3A_553, %swap3A_554], %div3A_550 {strides = array<i32>} : memref<3x19x208xf32, #tpu.memory_space<vmem>>, vector<16xf32>,
    }
    %scan3A_12 = arith.constant 19 : i32
    %broadcast_in_dim3A_13 = arith.constant 5.000000e+18 : f32
    %broadcast_in_dim3A_14 = vector.broadcast %broadcast_in_dim3A_13 : f32 to vector<16xf32>
    %scan3A_15 = arith.constant 0 : i32
    %scan3A_16 = arith.constant 19 : i32
    %scan3A_17 = arith.addi %scan3A_15, %scan3A_16 : i32
    %scan3A_18 = arith.constant 1 : i32
    %scan3A_19:6 = scf.for %scan3A_124 = %scan3A_15 to %scan3A_17 step %scan3A_18 iter_args(%scan3A_125 = %broadcast_in_dim3A_14, %scan3A_126 = %broadcast_in_dim3A_14, %scan3A_127 = %broadcast_in_dim3A_14, %scan3A_128 = %broadcast_in_dim3A_14, %scan3A_129 = %broadcast_in_dim3A_14, %scan3A_130 = %broadcast_in_dim3A_14) -> (vector<16xf32>, vector<16xf32>, vector<16xf32>, vector<16xf32>, vector<16xf32>, vector<16xf32>)  : i32 {
      %get3A = arith.constant 0 : i32
      %get3A_131 = arith.index_cast %get3A : i32 to index
      %get3A_132 = arith.index_cast %scan3A_124 : i32 to index
      %get3A_133 = arith.constant 0 : index
      %get3A_134 = tpu.vector_load %arg8[%get3A_131, %get3A_132, %get3A_133] {strides = array<i32>} : memref<3x19x208xf32, #tpu.memory_space<vmem>>, vector<16xf32>,
      %get3A_135 = arith.constant 0 : i32
      %get3A_136 = arith.index_cast %get3A_135 : i32 to index
      %get3A_137 = arith.index_cast %scan3A_124 : i32 to index
      %get3A_138 = arith.constant 16 : index
      %get3A_139 = tpu.vector_load %arg8[%get3A_136, %get3A_137, %get3A_138] {strides = array<i32>} : memref<3x19x208xf32, #tpu.memory_space<vmem>>, vector<16xf32>,
      %add3A_140 = arith.addf %get3A_134, %get3A_139 : vector<16xf32>
      %get3A_141 = arith.constant 0 : i32
      %get3A_142 = arith.index_cast %get3A_141 : i32 to index
      %get3A_143 = arith.index_cast %scan3A_124 : i32 to index
      %get3A_144 = arith.constant 32 : index
      %get3A_145 = tpu.vector_load %arg8[%get3A_142, %get3A_143, %get3A_144] {strides = array<i32>} : memref<3x19x208xf32, #tpu.memory_space<vmem>>, vector<16xf32>,
      %add3A_146 = arith.addf %add3A_140, %get3A_145 : vector<16xf32>
      %get3A_147 = arith.constant 0 : i32
      %get3A_148 = arith.index_cast %get3A_147 : i32 to index
      %get3A_149 = arith.index_cast %scan3A_124 : i32 to index
      %get3A_150 = arith.constant 48 : index
      %get3A_151 = tpu.vector_load %arg8[%get3A_148, %get3A_149, %get3A_150] {strides = array<i32>} : memref<3x19x208xf32, #tpu.memory_space<vmem>>, vector<16xf32>,
      %add3A_152 = arith.addf %add3A_146, %get3A_151 : vector<16xf32>
      %get3A_153 = arith.constant 0 : i32
      %get3A_154 = arith.index_cast %get3A_153 : i32 to index
      %get3A_155 = arith.index_cast %scan3A_124 : i32 to index
      %get3A_156 = arith.constant 64 : index
      %get3A_157 = tpu.vector_load %arg8[%get3A_154, %get3A_155, %get3A_156] {strides = array<i32>} : memref<3x19x208xf32, #tpu.memory_space<vmem>>, vector<16xf32>,
      %add3A_158 = arith.addf %add3A_152, %get3A_157 : vector<16xf32>
      %get3A_159 = arith.constant 0 : i32
      %get3A_160 = arith.index_cast %get3A_159 : i32 to index
      %get3A_161 = arith.index_cast %scan3A_124 : i32 to index
      %get3A_162 = arith.constant 80 : index
      %get3A_163 = tpu.vector_load %arg8[%get3A_160, %get3A_161, %get3A_162] {strides = array<i32>} : memref<3x19x208xf32, #tpu.memory_space<vmem>>, vector<16xf32>,
      %add3A_164 = arith.addf %add3A_158, %get3A_163 : vector<16xf32>
      %get3A_165 = arith.constant 0 : i32
      %get3A_166 = arith.index_cast %get3A_165 : i32 to index
      %get3A_167 = arith.index_cast %scan3A_124 : i32 to index
      %get3A_168 = arith.constant 96 : index
      %get3A_169 = tpu.vector_load %arg8[%get3A_166, %get3A_167, %get3A_168] {strides = array<i32>} : memref<3x19x208xf32, #tpu.memory_space<vmem>>, vector<16xf32>,
      %add3A_170 = arith.addf %add3A_164, %get3A_169 : vector<16xf32>
      %get3A_171 = arith.constant 0 : i32
      %get3A_172 = arith.index_cast %get3A_171 : i32 to index
      %get3A_173 = arith.index_cast %scan3A_124 : i32 to index
      %get3A_174 = arith.constant 112 : index
      %get3A_175 = tpu.vector_load %arg8[%get3A_172, %get3A_173, %get3A_174] {strides = array<i32>} : memref<3x19x208xf32, #tpu.memory_space<vmem>>, vector<16xf32>,
      %add3A_176 = arith.addf %add3A_170, %get3A_175 : vector<16xf32>
      %get3A_177 = arith.constant 0 : i32
      %get3A_178 = arith.index_cast %get3A_177 : i32 to index
      %get3A_179 = arith.index_cast %scan3A_124 : i32 to index
      %get3A_180 = arith.constant 128 : index
      %get3A_181 = tpu.vector_load %arg8[%get3A_178, %get3A_179, %get3A_180] {strides = array<i32>} : memref<3x19x208xf32, #tpu.memory_space<vmem>>, vector<16xf32>,
      %add3A_182 = arith.addf %add3A_176, %get3A_181 : vector<16xf32>
      %get3A_183 = arith.constant 0 : i32
      %get3A_184 = arith.index_cast %get3A_183 : i32 to index
      %get3A_185 = arith.index_cast %scan3A_124 : i32 to index
      %get3A_186 = arith.constant 144 : index
      %get3A_187 = tpu.vector_load %arg8[%get3A_184, %get3A_185, %get3A_186] {strides = array<i32>} : memref<3x19x208xf32, #tpu.memory_space<vmem>>, vector<16xf32>,
      %add3A_188 = arith.addf %add3A_182, %get3A_187 : vector<16xf32>
      %get3A_189 = arith.constant 0 : i32
      %get3A_190 = arith.index_cast %get3A_189 : i32 to index
      %get3A_191 = arith.index_cast %scan3A_124 : i32 to index
      %get3A_192 = arith.constant 160 : index
      %get3A_193 = tpu.vector_load %arg8[%get3A_190, %get3A_191, %get3A_192] {strides = array<i32>} : memref<3x19x208xf32, #tpu.memory_space<vmem>>, vector<16xf32>,
      %add3A_194 = arith.addf %add3A_188, %get3A_193 : vector<16xf32>
      %get3A_195 = arith.constant 0 : i32
      %get3A_196 = arith.index_cast %get3A_195 : i32 to index
      %get3A_197 = arith.index_cast %scan3A_124 : i32 to index
      %get3A_198 = arith.constant 176 : index
      %get3A_199 = tpu.vector_load %arg8[%get3A_196, %get3A_197, %get3A_198] {strides = array<i32>} : memref<3x19x208xf32, #tpu.memory_space<vmem>>, vector<16xf32>,
      %add3A_200 = arith.addf %add3A_194, %get3A_199 : vector<16xf32>
      %lt3A = arith.constant 8 : i32
      %lt3A_201 = vector.broadcast %lt3A : i32 to vector<16xi32>
      %lt3A_202 = arith.cmpi slt, %iota3A, %lt3A_201 : vector<16xi32>
      %get3A_203 = arith.constant 0 : i32
      %get3A_204 = arith.index_cast %get3A_203 : i32 to index
      %get3A_205 = arith.index_cast %scan3A_124 : i32 to index
      %get3A_206 = arith.constant 192 : index
      %get3A_207 = tpu.vector_load %arg8[%get3A_204, %get3A_205, %get3A_206] {strides = array<i32>} : memref<3x19x208xf32, #tpu.memory_space<vmem>>, vector<16xf32>,
      %jit3A = arith.constant 0.000000e+00 : f32
      %broadcast_in_dim3A_208 = vector.broadcast %jit3A : f32 to vector<16xf32>
      %select_n3A_209 = arith.select %lt3A_202, %get3A_207, %broadcast_in_dim3A_208 : vector<16xi1>, vector<16xf32>
      %add3A_210 = arith.addf %add3A_200, %select_n3A_209 : vector<16xf32>
      %reduce_sum3A = arith.constant true
      %reduce_sum3A_211 = vector.broadcast %reduce_sum3A : i1 to vector<16xi1>
      %reduce_sum3A_212 = tpu.scan <sum>, %add3A_210 masked %reduce_sum3A_211 : vector<16xf32>, vector<16xi1> -> vector<16xf32>
      %reduce_sum3A_213 = vector.extract %reduce_sum3A_212[15] : f32 from vector<16xf32>
      %mul3A_214 = arith.constant 5.000000e-03 : f32
      %mul3A_215 = arith.mulf %reduce_sum3A_213, %mul3A_214 : f32
      %add3A_216 = arith.constant 0 : i32
      %add3A_217 = vector.broadcast %add3A_216 : i32 to vector<16xi32>
      %add3A_218 = arith.addi %iota3A, %add3A_217 : vector<16xi32>
      %eq3A = vector.broadcast %scan3A_124 : i32 to vector<16xi32>
      %eq3A_219 = arith.cmpi eq, %add3A_218, %eq3A : vector<16xi32>
      %broadcast_in_dim3A_220 = vector.broadcast %mul3A_215 : f32 to vector<16xf32>
      %select_n3A_221 = arith.select %eq3A_219, %broadcast_in_dim3A_220, %scan3A_125 : vector<16xi1>, vector<16xf32>
      %add3A_222 = arith.constant 16 : i32
      %add3A_223 = vector.broadcast %add3A_222 : i32 to vector<16xi32>
      %add3A_224 = arith.addi %iota3A, %add3A_223 : vector<16xi32>
      %eq3A_225 = vector.broadcast %scan3A_124 : i32 to vector<16xi32>
      %eq3A_226 = arith.cmpi eq, %add3A_224, %eq3A_225 : vector<16xi32>
      %broadcast_in_dim3A_227 = vector.broadcast %mul3A_215 : f32 to vector<16xf32>
      %select_n3A_228 = arith.select %eq3A_226, %broadcast_in_dim3A_227, %scan3A_126 : vector<16xi1>, vector<16xf32>
      %get3A_229 = arith.constant 1 : i32
      %get3A_230 = arith.index_cast %get3A_229 : i32 to index
      %get3A_231 = arith.index_cast %scan3A_124 : i32 to index
      %get3A_232 = arith.constant 0 : index
      %get3A_233 = tpu.vector_load %arg8[%get3A_230, %get3A_231, %get3A_232] {strides = array<i32>} : memref<3x19x208xf32, #tpu.memory_space<vmem>>, vector<16xf32>,
      %get3A_234 = arith.constant 1 : i32
      %get3A_235 = arith.index_cast %get3A_234 : i32 to index
      %get3A_236 = arith.index_cast %scan3A_124 : i32 to index
      %get3A_237 = arith.constant 16 : index
      %get3A_238 = tpu.vector_load %arg8[%get3A_235, %get3A_236, %get3A_237] {strides = array<i32>} : memref<3x19x208xf32, #tpu.memory_space<vmem>>, vector<16xf32>,
      %add3A_239 = arith.addf %get3A_233, %get3A_238 : vector<16xf32>
      %get3A_240 = arith.constant 1 : i32
      %get3A_241 = arith.index_cast %get3A_240 : i32 to index
      %get3A_242 = arith.index_cast %scan3A_124 : i32 to index
      %get3A_243 = arith.constant 32 : index
      %get3A_244 = tpu.vector_load %arg8[%get3A_241, %get3A_242, %get3A_243] {strides = array<i32>} : memref<3x19x208xf32, #tpu.memory_space<vmem>>, vector<16xf32>,
      %add3A_245 = arith.addf %add3A_239, %get3A_244 : vector<16xf32>
      %get3A_246 = arith.constant 1 : i32
      %get3A_247 = arith.index_cast %get3A_246 : i32 to index
      %get3A_248 = arith.index_cast %scan3A_124 : i32 to index
      %get3A_249 = arith.constant 48 : index
      %get3A_250 = tpu.vector_load %arg8[%get3A_247, %get3A_248, %get3A_249] {strides = array<i32>} : memref<3x19x208xf32, #tpu.memory_space<vmem>>, vector<16xf32>,
      %add3A_251 = arith.addf %add3A_245, %get3A_250 : vector<16xf32>
      %get3A_252 = arith.constant 1 : i32
      %get3A_253 = arith.index_cast %get3A_252 : i32 to index
      %get3A_254 = arith.index_cast %scan3A_124 : i32 to index
      %get3A_255 = arith.constant 64 : index
      %get3A_256 = tpu.vector_load %arg8[%get3A_253, %get3A_254, %get3A_255] {strides = array<i32>} : memref<3x19x208xf32, #tpu.memory_space<vmem>>, vector<16xf32>,
      %add3A_257 = arith.addf %add3A_251, %get3A_256 : vector<16xf32>
      %get3A_258 = arith.constant 1 : i32
      %get3A_259 = arith.index_cast %get3A_258 : i32 to index
      %get3A_260 = arith.index_cast %scan3A_124 : i32 to index
      %get3A_261 = arith.constant 80 : index
      %get3A_262 = tpu.vector_load %arg8[%get3A_259, %get3A_260, %get3A_261] {strides = array<i32>} : memref<3x19x208xf32, #tpu.memory_space<vmem>>, vector<16xf32>,
      %add3A_263 = arith.addf %add3A_257, %get3A_262 : vector<16xf32>
      %get3A_264 = arith.constant 1 : i32
      %get3A_265 = arith.index_cast %get3A_264 : i32 to index
      %get3A_266 = arith.index_cast %scan3A_124 : i32 to index
      %get3A_267 = arith.constant 96 : index
      %get3A_268 = tpu.vector_load %arg8[%get3A_265, %get3A_266, %get3A_267] {strides = array<i32>} : memref<3x19x208xf32, #tpu.memory_space<vmem>>, vector<16xf32>,
      %add3A_269 = arith.addf %add3A_263, %get3A_268 : vector<16xf32>
      %get3A_270 = arith.constant 1 : i32
      %get3A_271 = arith.index_cast %get3A_270 : i32 to index
      %get3A_272 = arith.index_cast %scan3A_124 : i32 to index
      %get3A_273 = arith.constant 112 : index
      %get3A_274 = tpu.vector_load %arg8[%get3A_271, %get3A_272, %get3A_273] {strides = array<i32>} : memref<3x19x208xf32, #tpu.memory_space<vmem>>, vector<16xf32>,
      %add3A_275 = arith.addf %add3A_269, %get3A_274 : vector<16xf32>
      %get3A_276 = arith.constant 1 : i32
      %get3A_277 = arith.index_cast %get3A_276 : i32 to index
      %get3A_278 = arith.index_cast %scan3A_124 : i32 to index
      %get3A_279 = arith.constant 128 : index
      %get3A_280 = tpu.vector_load %arg8[%get3A_277, %get3A_278, %get3A_279] {strides = array<i32>} : memref<3x19x208xf32, #tpu.memory_space<vmem>>, vector<16xf32>,
      %add3A_281 = arith.addf %add3A_275, %get3A_280 : vector<16xf32>
      %get3A_282 = arith.constant 1 : i32
      %get3A_283 = arith.index_cast %get3A_282 : i32 to index
      %get3A_284 = arith.index_cast %scan3A_124 : i32 to index
      %get3A_285 = arith.constant 144 : index
      %get3A_286 = tpu.vector_load %arg8[%get3A_283, %get3A_284, %get3A_285] {strides = array<i32>} : memref<3x19x208xf32, #tpu.memory_space<vmem>>, vector<16xf32>,
      %add3A_287 = arith.addf %add3A_281, %get3A_286 : vector<16xf32>
      %get3A_288 = arith.constant 1 : i32
      %get3A_289 = arith.index_cast %get3A_288 : i32 to index
      %get3A_290 = arith.index_cast %scan3A_124 : i32 to index
      %get3A_291 = arith.constant 160 : index
      %get3A_292 = tpu.vector_load %arg8[%get3A_289, %get3A_290, %get3A_291] {strides = array<i32>} : memref<3x19x208xf32, #tpu.memory_space<vmem>>, vector<16xf32>,
      %add3A_293 = arith.addf %add3A_287, %get3A_292 : vector<16xf32>
      %get3A_294 = arith.constant 1 : i32
      %get3A_295 = arith.index_cast %get3A_294 : i32 to index
      %get3A_296 = arith.index_cast %scan3A_124 : i32 to index
      %get3A_297 = arith.constant 176 : index
      %get3A_298 = tpu.vector_load %arg8[%get3A_295, %get3A_296, %get3A_297] {strides = array<i32>} : memref<3x19x208xf32, #tpu.memory_space<vmem>>, vector<16xf32>,
      %add3A_299 = arith.addf %add3A_293, %get3A_298 : vector<16xf32>
      %lt3A_300 = arith.constant 8 : i32
      %lt3A_301 = vector.broadcast %lt3A_300 : i32 to vector<16xi32>
      %lt3A_302 = arith.cmpi slt, %iota3A, %lt3A_301 : vector<16xi32>
      %get3A_303 = arith.constant 1 : i32
      %get3A_304 = arith.index_cast %get3A_303 : i32 to index
      %get3A_305 = arith.index_cast %scan3A_124 : i32 to index
      %get3A_306 = arith.constant 192 : index
      %get3A_307 = tpu.vector_load %arg8[%get3A_304, %get3A_305, %get3A_306] {strides = array<i32>} : memref<3x19x208xf32, #tpu.memory_space<vmem>>, vector<16xf32>,
      %jit3A_308 = arith.constant 0.000000e+00 : f32
      %broadcast_in_dim3A_309 = vector.broadcast %jit3A_308 : f32 to vector<16xf32>
      %select_n3A_310 = arith.select %lt3A_302, %get3A_307, %broadcast_in_dim3A_309 : vector<16xi1>, vector<16xf32>
      %add3A_311 = arith.addf %add3A_299, %select_n3A_310 : vector<16xf32>
      %reduce_sum3A_312 = arith.constant true
      %reduce_sum3A_313 = vector.broadcast %reduce_sum3A_312 : i1 to vector<16xi1>
      %reduce_sum3A_314 = tpu.scan <sum>, %add3A_311 masked %reduce_sum3A_313 : vector<16xf32>, vector<16xi1> -> vector<16xf32>
      %reduce_sum3A_315 = vector.extract %reduce_sum3A_314[15] : f32 from vector<16xf32>
      %mul3A_316 = arith.constant 5.000000e-03 : f32
      %mul3A_317 = arith.mulf %reduce_sum3A_315, %mul3A_316 : f32
      %add3A_318 = arith.constant 0 : i32
      %add3A_319 = vector.broadcast %add3A_318 : i32 to vector<16xi32>
      %add3A_320 = arith.addi %iota3A, %add3A_319 : vector<16xi32>
      %eq3A_321 = vector.broadcast %scan3A_124 : i32 to vector<16xi32>
      %eq3A_322 = arith.cmpi eq, %add3A_320, %eq3A_321 : vector<16xi32>
      %broadcast_in_dim3A_323 = vector.broadcast %mul3A_317 : f32 to vector<16xf32>
      %select_n3A_324 = arith.select %eq3A_322, %broadcast_in_dim3A_323, %scan3A_127 : vector<16xi1>, vector<16xf32>
      %add3A_325 = arith.constant 16 : i32
      %add3A_326 = vector.broadcast %add3A_325 : i32 to vector<16xi32>
      %add3A_327 = arith.addi %iota3A, %add3A_326 : vector<16xi32>
      %eq3A_328 = vector.broadcast %scan3A_124 : i32 to vector<16xi32>
      %eq3A_329 = arith.cmpi eq, %add3A_327, %eq3A_328 : vector<16xi32>
      %broadcast_in_dim3A_330 = vector.broadcast %mul3A_317 : f32 to vector<16xf32>
      %select_n3A_331 = arith.select %eq3A_329, %broadcast_in_dim3A_330, %scan3A_128 : vector<16xi1>, vector<16xf32>
      %get3A_332 = arith.constant 2 : i32
      %get3A_333 = arith.index_cast %get3A_332 : i32 to index
      %get3A_334 = arith.index_cast %scan3A_124 : i32 to index
      %get3A_335 = arith.constant 0 : index
      %get3A_336 = tpu.vector_load %arg8[%get3A_333, %get3A_334, %get3A_335] {strides = array<i32>} : memref<3x19x208xf32, #tpu.memory_space<vmem>>, vector<16xf32>,
      %get3A_337 = arith.constant 2 : i32
      %get3A_338 = arith.index_cast %get3A_337 : i32 to index
      %get3A_339 = arith.index_cast %scan3A_124 : i32 to index
      %get3A_340 = arith.constant 16 : index
      %get3A_341 = tpu.vector_load %arg8[%get3A_338, %get3A_339, %get3A_340] {strides = array<i32>} : memref<3x19x208xf32, #tpu.memory_space<vmem>>, vector<16xf32>,
      %add3A_342 = arith.addf %get3A_336, %get3A_341 : vector<16xf32>
      %get3A_343 = arith.constant 2 : i32
      %get3A_344 = arith.index_cast %get3A_343 : i32 to index
      %get3A_345 = arith.index_cast %scan3A_124 : i32 to index
      %get3A_346 = arith.constant 32 : index
      %get3A_347 = tpu.vector_load %arg8[%get3A_344, %get3A_345, %get3A_346] {strides = array<i32>} : memref<3x19x208xf32, #tpu.memory_space<vmem>>, vector<16xf32>,
      %add3A_348 = arith.addf %add3A_342, %get3A_347 : vector<16xf32>
      %get3A_349 = arith.constant 2 : i32
      %get3A_350 = arith.index_cast %get3A_349 : i32 to index
      %get3A_351 = arith.index_cast %scan3A_124 : i32 to index
      %get3A_352 = arith.constant 48 : index
      %get3A_353 = tpu.vector_load %arg8[%get3A_350, %get3A_351, %get3A_352] {strides = array<i32>} : memref<3x19x208xf32, #tpu.memory_space<vmem>>, vector<16xf32>,
      %add3A_354 = arith.addf %add3A_348, %get3A_353 : vector<16xf32>
      %get3A_355 = arith.constant 2 : i32
      %get3A_356 = arith.index_cast %get3A_355 : i32 to index
      %get3A_357 = arith.index_cast %scan3A_124 : i32 to index
      %get3A_358 = arith.constant 64 : index
      %get3A_359 = tpu.vector_load %arg8[%get3A_356, %get3A_357, %get3A_358] {strides = array<i32>} : memref<3x19x208xf32, #tpu.memory_space<vmem>>, vector<16xf32>,
      %add3A_360 = arith.addf %add3A_354, %get3A_359 : vector<16xf32>
      %get3A_361 = arith.constant 2 : i32
      %get3A_362 = arith.index_cast %get3A_361 : i32 to index
      %get3A_363 = arith.index_cast %scan3A_124 : i32 to index
      %get3A_364 = arith.constant 80 : index
      %get3A_365 = tpu.vector_load %arg8[%get3A_362, %get3A_363, %get3A_364] {strides = array<i32>} : memref<3x19x208xf32, #tpu.memory_space<vmem>>, vector<16xf32>,
      %add3A_366 = arith.addf %add3A_360, %get3A_365 : vector<16xf32>
      %get3A_367 = arith.constant 2 : i32
      %get3A_368 = arith.index_cast %get3A_367 : i32 to index
      %get3A_369 = arith.index_cast %scan3A_124 : i32 to index
      %get3A_370 = arith.constant 96 : index
      %get3A_371 = tpu.vector_load %arg8[%get3A_368, %get3A_369, %get3A_370] {strides = array<i32>} : memref<3x19x208xf32, #tpu.memory_space<vmem>>, vector<16xf32>,
      %add3A_372 = arith.addf %add3A_366, %get3A_371 : vector<16xf32>
      %get3A_373 = arith.constant 2 : i32
      %get3A_374 = arith.index_cast %get3A_373 : i32 to index
      %get3A_375 = arith.index_cast %scan3A_124 : i32 to index
      %get3A_376 = arith.constant 112 : index
      %get3A_377 = tpu.vector_load %arg8[%get3A_374, %get3A_375, %get3A_376] {strides = array<i32>} : memref<3x19x208xf32, #tpu.memory_space<vmem>>, vector<16xf32>,
      %add3A_378 = arith.addf %add3A_372, %get3A_377 : vector<16xf32>
      %get3A_379 = arith.constant 2 : i32
      %get3A_380 = arith.index_cast %get3A_379 : i32 to index
      %get3A_381 = arith.index_cast %scan3A_124 : i32 to index
      %get3A_382 = arith.constant 128 : index
      %get3A_383 = tpu.vector_load %arg8[%get3A_380, %get3A_381, %get3A_382] {strides = array<i32>} : memref<3x19x208xf32, #tpu.memory_space<vmem>>, vector<16xf32>,
      %add3A_384 = arith.addf %add3A_378, %get3A_383 : vector<16xf32>
      %get3A_385 = arith.constant 2 : i32
      %get3A_386 = arith.index_cast %get3A_385 : i32 to index
      %get3A_387 = arith.index_cast %scan3A_124 : i32 to index
      %get3A_388 = arith.constant 144 : index
      %get3A_389 = tpu.vector_load %arg8[%get3A_386, %get3A_387, %get3A_388] {strides = array<i32>} : memref<3x19x208xf32, #tpu.memory_space<vmem>>, vector<16xf32>,
      %add3A_390 = arith.addf %add3A_384, %get3A_389 : vector<16xf32>
      %get3A_391 = arith.constant 2 : i32
      %get3A_392 = arith.index_cast %get3A_391 : i32 to index
      %get3A_393 = arith.index_cast %scan3A_124 : i32 to index
      %get3A_394 = arith.constant 160 : index
      %get3A_395 = tpu.vector_load %arg8[%get3A_392, %get3A_393, %get3A_394] {strides = array<i32>} : memref<3x19x208xf32, #tpu.memory_space<vmem>>, vector<16xf32>,
      %add3A_396 = arith.addf %add3A_390, %get3A_395 : vector<16xf32>
      %get3A_397 = arith.constant 2 : i32
      %get3A_398 = arith.index_cast %get3A_397 : i32 to index
      %get3A_399 = arith.index_cast %scan3A_124 : i32 to index
      %get3A_400 = arith.constant 176 : index
      %get3A_401 = tpu.vector_load %arg8[%get3A_398, %get3A_399, %get3A_400] {strides = array<i32>} : memref<3x19x208xf32, #tpu.memory_space<vmem>>, vector<16xf32>,
      %add3A_402 = arith.addf %add3A_396, %get3A_401 : vector<16xf32>
      %lt3A_403 = arith.constant 8 : i32
      %lt3A_404 = vector.broadcast %lt3A_403 : i32 to vector<16xi32>
      %lt3A_405 = arith.cmpi slt, %iota3A, %lt3A_404 : vector<16xi32>
      %get3A_406 = arith.constant 2 : i32
      %get3A_407 = arith.index_cast %get3A_406 : i32 to index
      %get3A_408 = arith.index_cast %scan3A_124 : i32 to index
      %get3A_409 = arith.constant 192 : index
      %get3A_410 = tpu.vector_load %arg8[%get3A_407, %get3A_408, %get3A_409] {strides = array<i32>} : memref<3x19x208xf32, #tpu.memory_space<vmem>>, vector<16xf32>,
      %jit3A_411 = arith.constant 0.000000e+00 : f32
      %broadcast_in_dim3A_412 = vector.broadcast %jit3A_411 : f32 to vector<16xf32>
      %select_n3A_413 = arith.select %lt3A_405, %get3A_410, %broadcast_in_dim3A_412 : vector<16xi1>, vector<16xf32>
      %add3A_414 = arith.addf %add3A_402, %select_n3A_413 : vector<16xf32>
      %reduce_sum3A_415 = arith.constant true
      %reduce_sum3A_416 = vector.broadcast %reduce_sum3A_415 : i1 to vector<16xi1>
      %reduce_sum3A_417 = tpu.scan <sum>, %add3A_414 masked %reduce_sum3A_416 : vector<16xf32>, vector<16xi1> -> vector<16xf32>
      %reduce_sum3A_418 = vector.extract %reduce_sum3A_417[15] : f32 from vector<16xf32>
      %mul3A_419 = arith.constant 5.000000e-03 : f32
      %mul3A_420 = arith.mulf %reduce_sum3A_418, %mul3A_419 : f32
      %add3A_421 = arith.constant 0 : i32
      %add3A_422 = vector.broadcast %add3A_421 : i32 to vector<16xi32>
      %add3A_423 = arith.addi %iota3A, %add3A_422 : vector<16xi32>
      %eq3A_424 = vector.broadcast %scan3A_124 : i32 to vector<16xi32>
      %eq3A_425 = arith.cmpi eq, %add3A_423, %eq3A_424 : vector<16xi32>
      %broadcast_in_dim3A_426 = vector.broadcast %mul3A_420 : f32 to vector<16xf32>
      %select_n3A_427 = arith.select %eq3A_425, %broadcast_in_dim3A_426, %scan3A_129 : vector<16xi1>, vector<16xf32>
      %add3A_428 = arith.constant 16 : i32
      %add3A_429 = vector.broadcast %add3A_428 : i32 to vector<16xi32>
      %add3A_430 = arith.addi %iota3A, %add3A_429 : vector<16xi32>
      %eq3A_431 = vector.broadcast %scan3A_124 : i32 to vector<16xi32>
      %eq3A_432 = arith.cmpi eq, %add3A_430, %eq3A_431 : vector<16xi32>
      %broadcast_in_dim3A_433 = vector.broadcast %mul3A_420 : f32 to vector<16xf32>
      %select_n3A_434 = arith.select %eq3A_432, %broadcast_in_dim3A_433, %scan3A_130 : vector<16xi1>, vector<16xf32>
      scf.yield %select_n3A_221, %select_n3A_228, %select_n3A_324, %select_n3A_331, %select_n3A_427, %select_n3A_434 : vector<16xf32>, vector<16xf32>, vector<16xf32>, vector<16xf32>, vector<16xf32>, vector<16xf32>
    }
    %scan3A_20 = arith.constant 19 : i32
    %add3A_21 = arith.constant 0 : i32
    %add3A_22 = vector.broadcast %add3A_21 : i32 to vector<16xi32>
    %add3A_23 = arith.addi %iota3A, %add3A_22 : vector<16xi32>
    %gather3A = tpu.vector_load_idx %arg9[%add3A_23, %broadcast_in_dim3A_3] : memref<32x3xf32, #tpu.memory_space<vmem>>[vector<16xi32>, vector<16xi32>], vector<16xf32>,
    %div3A = arith.constant 1.000000e+00 : f32
    %div3A_24 = vector.broadcast %div3A : f32 to vector<16xf32>
    %div3A_25 = arith.divf %div3A_24, %gather3A : vector<16xf32>
    %add3A_26 = arith.constant 0 : i32
    %add3A_27 = vector.broadcast %add3A_26 : i32 to vector<16xi32>
    %add3A_28 = arith.addi %iota3A, %add3A_27 : vector<16xi32>
    %gather3A_29 = tpu.vector_load_idx %arg9[%add3A_28, %broadcast_in_dim3A_5] : memref<32x3xf32, #tpu.memory_space<vmem>>[vector<16xi32>, vector<16xi32>], vector<16xf32>,
    %div3A_30 = arith.constant 1.000000e+00 : f32
    %div3A_31 = vector.broadcast %div3A_30 : f32 to vector<16xf32>
    %div3A_32 = arith.divf %div3A_31, %gather3A_29 : vector<16xf32>
    %add3A_33 = arith.constant 0 : i32
    %add3A_34 = vector.broadcast %add3A_33 : i32 to vector<16xi32>
    %add3A_35 = arith.addi %iota3A, %add3A_34 : vector<16xi32>
    %gather3A_36 = tpu.vector_load_idx %arg9[%add3A_35, %broadcast_in_dim3A_7] : memref<32x3xf32, #tpu.memory_space<vmem>>[vector<16xi32>, vector<16xi32>], vector<16xf32>,
    %div3A_37 = arith.constant 1.000000e+00 : f32
    %div3A_38 = vector.broadcast %div3A_37 : f32 to vector<16xf32>
    %div3A_39 = arith.divf %div3A_38, %gather3A_36 : vector<16xf32>
    %add3A_40 = arith.constant 16 : i32
    %add3A_41 = vector.broadcast %add3A_40 : i32 to vector<16xi32>
    %add3A_42 = arith.addi %iota3A, %add3A_41 : vector<16xi32>
    %gather3A_43 = tpu.vector_load_idx %arg9[%add3A_42, %broadcast_in_dim3A_3] : memref<32x3xf32, #tpu.memory_space<vmem>>[vector<16xi32>, vector<16xi32>], vector<16xf32>,
    %div3A_44 = arith.constant 1.000000e+00 : f32
    %div3A_45 = vector.broadcast %div3A_44 : f32 to vector<16xf32>
    %div3A_46 = arith.divf %div3A_45, %gather3A_43 : vector<16xf32>
    %add3A_47 = arith.constant 16 : i32
    %add3A_48 = vector.broadcast %add3A_47 : i32 to vector<16xi32>
    %add3A_49 = arith.addi %iota3A, %add3A_48 : vector<16xi32>
    %gather3A_50 = tpu.vector_load_idx %arg9[%add3A_49, %broadcast_in_dim3A_5] : memref<32x3xf32, #tpu.memory_space<vmem>>[vector<16xi32>, vector<16xi32>], vector<16xf32>,
    %div3A_51 = arith.constant 1.000000e+00 : f32
    %div3A_52 = vector.broadcast %div3A_51 : f32 to vector<16xf32>
    %div3A_53 = arith.divf %div3A_52, %gather3A_50 : vector<16xf32>
    %add3A_54 = arith.constant 16 : i32
    %add3A_55 = vector.broadcast %add3A_54 : i32 to vector<16xi32>
    %add3A_56 = arith.addi %iota3A, %add3A_55 : vector<16xi32>
    %gather3A_57 = tpu.vector_load_idx %arg9[%add3A_56, %broadcast_in_dim3A_7] : memref<32x3xf32, #tpu.memory_space<vmem>>[vector<16xi32>, vector<16xi32>], vector<16xf32>,
    %div3A_58 = arith.constant 1.000000e+00 : f32
    %div3A_59 = vector.broadcast %div3A_58 : f32 to vector<16xf32>
    %div3A_60 = arith.divf %div3A_59, %gather3A_57 : vector<16xf32>
    %broadcast_in_dim3A_61 = arith.constant 0 : i32
    %broadcast_in_dim3A_62 = vector.broadcast %broadcast_in_dim3A_61 : i32 to vector<16xi32>
    %gather3A_63 = tpu.vector_load_idx %arg7[%broadcast_in_dim3A_62, %broadcast_in_dim3A_3] : memref<512x3xf32, #tpu.memory_space<vmem>>[vector<16xi32>, vector<16xi32>], vector<16xf32>,
    %gather3A_64 = tpu.vector_load_idx %arg7[%broadcast_in_dim3A_62, %broadcast_in_dim3A_5] : memref<512x3xf32, #tpu.memory_space<vmem>>[vector<16xi32>, vector<16xi32>], vector<16xf32>,
    %gather3A_65 = tpu.vector_load_idx %arg7[%broadcast_in_dim3A_62, %broadcast_in_dim3A_7] : memref<512x3xf32, #tpu.memory_space<vmem>>[vector<16xi32>, vector<16xi32>], vector<16xf32>,
    %mul3A_66 = arith.mulf %gather3A_63, %div3A_25 : vector<16xf32>
    %sub3A = arith.subf %mul3A_66, %scan3A_19#0 : vector<16xf32>
    %mul3A_67 = arith.mulf %sub3A, %sub3A : vector<16xf32>
    %mul3A_68 = arith.mulf %gather3A_64, %div3A_32 : vector<16xf32>
    %sub3A_69 = arith.subf %mul3A_68, %scan3A_19#2 : vector<16xf32>
    %mul3A_70 = arith.mulf %sub3A_69, %sub3A_69 : vector<16xf32>
    %add3A_71 = arith.addf %mul3A_67, %mul3A_70 : vector<16xf32>
    %mul3A_72 = arith.mulf %gather3A_65, %div3A_39 : vector<16xf32>
    %sub3A_73 = arith.subf %mul3A_72, %scan3A_19#4 : vector<16xf32>
    %mul3A_74 = arith.mulf %sub3A_73, %sub3A_73 : vector<16xf32>
    %add3A_75 = arith.addf %add3A_71, %mul3A_74 : vector<16xf32>
    %add3A_76 = arith.constant 0 : i32
    %add3A_77 = vector.broadcast %add3A_76 : i32 to vector<16xi32>
    %add3A_78 = arith.addi %iota3A, %add3A_77 : vector<16xi32>
    %masked_sort3A = arith.constant dense<true> : vector<16xi1>
    %masked_sort3A_79, %masked_sort3A_80, %masked_sort3A_81 = tpu.sort %add3A_75, %add3A_78 masked %masked_sort3A : (vector<16xf32>, vector<16xi32>, vector<16xi1>) -> (vector<16xi1>, vector<16xf32>, vector<16xi32>)
    %mul3A_82 = arith.mulf %gather3A_63, %div3A_46 : vector<16xf32>
    %sub3A_83 = arith.subf %mul3A_82, %scan3A_19#1 : vector<16xf32>
    %mul3A_84 = arith.mulf %sub3A_83, %sub3A_83 : vector<16xf32>
    %mul3A_85 = arith.mulf %gather3A_64, %div3A_53 : vector<16xf32>
    %sub3A_86 = arith.subf %mul3A_85, %scan3A_19#3 : vector<16xf32>
    %mul3A_87 = arith.mulf %sub3A_86, %sub3A_86 : vector<16xf32>
    %add3A_88 = arith.addf %mul3A_84, %mul3A_87 : vector<16xf32>
    %mul3A_89 = arith.mulf %gather3A_65, %div3A_60 : vector<16xf32>
    %sub3A_90 = arith.subf %mul3A_89, %scan3A_19#5 : vector<16xf32>
    %mul3A_91 = arith.mulf %sub3A_90, %sub3A_90 : vector<16xf32>
    %add3A_92 = arith.addf %add3A_88, %mul3A_91 : vector<16xf32>
    %add3A_93 = arith.constant 16 : i32
    %add3A_94 = vector.broadcast %add3A_93 : i32 to vector<16xi32>
    %add3A_95 = arith.addi %iota3A, %add3A_94 : vector<16xi32>
    %masked_sort3A_96 = arith.constant dense<true> : vector<16xi1>
    %masked_sort3A_97, %masked_sort3A_98, %masked_sort3A_99 = tpu.sort %add3A_92, %add3A_95 masked %masked_sort3A_96 : (vector<16xf32>, vector<16xi32>, vector<16xi1>) -> (vector<16xi1>, vector<16xf32>, vector<16xi32>)
    %rev3A = arith.constant 15 : i32
    %rev3A_100 = vector.broadcast %rev3A : i32 to vector<16xi32>
    %rev3A_101 = tpu.iota {dimensions = array<i32: 0>} : vector<16xi32>
    %rev3A_102 = arith.subi %rev3A_100, %rev3A_101 : vector<16xi32>
    %rev3A_103 = tpu.dynamic_gather %masked_sort3A_98[%rev3A_102] in [0] : vector<16xf32>, vector<16xi32> -> vector<16xf32>
    %rev3A_104 = arith.constant 15 : i32
    %rev3A_105 = vector.broadcast %rev3A_104 : i32 to vector<16xi32>
    %rev3A_106 = tpu.iota {dimensions = array<i32: 0>} : vector<16xi32>
    %rev3A_107 = arith.subi %rev3A_105, %rev3A_106 : vector<16xi32>
    %rev3A_108 = tpu.dynamic_gather %masked_sort3A_99[%rev3A_107] in [0] : vector<16xi32>, vector<16xi32> -> vector<16xi32>
    %le3A = arith.cmpf ole, %masked_sort3A_80, %rev3A_103 : vector<16xf32>
    %select_n3A = arith.select %le3A, %masked_sort3A_80, %rev3A_103 : vector<16xi1>, vector<16xf32>
    %select_n3A_109 = arith.select %le3A, %masked_sort3A_81, %rev3A_108 : vector<16xi1>, vector<16xi32>
    %masked_sort3A_110 = arith.constant dense<true> : vector<16xi1>
    %masked_sort3A_111, %masked_sort3A_112, %masked_sort3A_113 = tpu.sort %select_n3A, %select_n3A_109 masked %masked_sort3A_110 : (vector<16xf32>, vector<16xi32>, vector<16xi1>) -> (vector<16xi1>, vector<16xf32>, vector<16xi32>)
    %scan3A_114 = arith.constant 0 : i32
    %scan3A_115 = arith.constant 512 : i32
    %scan3A_116 = arith.addi %scan3A_114, %scan3A_115 : i32
    %scan3A_117 = arith.constant 1 : i32
    %scan3A_118:4 = scf.for %scan3A_124 = %scan3A_114 to %scan3A_116 step %scan3A_117 iter_args(%scan3A_125 = %masked_sort3A_113, %scan3A_126 = %gather3A_63, %scan3A_127 = %gather3A_64, %scan3A_128 = %gather3A_65) -> (vector<16xi32>, vector<16xf32>, vector<16xf32>, vector<16xf32>)  : i32 {
      %add3A_129 = arith.constant 1 : i32
      %add3A_130 = arith.addi %scan3A_124, %add3A_129 : i32
      %min3A = arith.constant 511 : i32
      %min3A_131 = arith.minsi %add3A_130, %min3A : i32
      %broadcast_in_dim3A_132 = vector.broadcast %min3A_131 : i32 to vector<16xi32>
      %gather3A_133 = tpu.vector_load_idx %arg7[%broadcast_in_dim3A_132, %broadcast_in_dim3A_3] : memref<512x3xf32, #tpu.memory_space<vmem>>[vector<16xi32>, vector<16xi32>], vector<16xf32>,
      %gather3A_134 = tpu.vector_load_idx %arg7[%broadcast_in_dim3A_132, %broadcast_in_dim3A_5] : memref<512x3xf32, #tpu.memory_space<vmem>>[vector<16xi32>, vector<16xi32>], vector<16xf32>,
      %gather3A_135 = tpu.vector_load_idx %arg7[%broadcast_in_dim3A_132, %broadcast_in_dim3A_7] : memref<512x3xf32, #tpu.memory_space<vmem>>[vector<16xi32>, vector<16xi32>], vector<16xf32>,
      %mul3A_136 = arith.mulf %gather3A_133, %div3A_25 : vector<16xf32>
      %sub3A_137 = arith.subf %mul3A_136, %scan3A_19#0 : vector<16xf32>
      %mul3A_138 = arith.mulf %sub3A_137, %sub3A_137 : vector<16xf32>
      %mul3A_139 = arith.mulf %gather3A_134, %div3A_32 : vector<16xf32>
      %sub3A_140 = arith.subf %mul3A_139, %scan3A_19#2 : vector<16xf32>
      %mul3A_141 = arith.mulf %sub3A_140, %sub3A_140 : vector<16xf32>
      %add3A_142 = arith.addf %mul3A_138, %mul3A_141 : vector<16xf32>
      %mul3A_143 = arith.mulf %gather3A_135, %div3A_39 : vector<16xf32>
      %sub3A_144 = arith.subf %mul3A_143, %scan3A_19#4 : vector<16xf32>
      %mul3A_145 = arith.mulf %sub3A_144, %sub3A_144 : vector<16xf32>
      %add3A_146 = arith.addf %add3A_142, %mul3A_145 : vector<16xf32>
      %add3A_147 = arith.constant 0 : i32
      %add3A_148 = vector.broadcast %add3A_147 : i32 to vector<16xi32>
      %add3A_149 = arith.addi %iota3A, %add3A_148 : vector<16xi32>
      %masked_sort3A_150 = arith.constant dense<true> : vector<16xi1>
      %masked_sort3A_151, %masked_sort3A_152, %masked_sort3A_153 = tpu.sort %add3A_146, %add3A_149 masked %masked_sort3A_150 : (vector<16xf32>, vector<16xi32>, vector<16xi1>) -> (vector<16xi1>, vector<16xf32>, vector<16xi32>)
      %mul3A_154 = arith.mulf %gather3A_133, %div3A_46 : vector<16xf32>
      %sub3A_155 = arith.subf %mul3A_154, %scan3A_19#1 : vector<16xf32>
      %mul3A_156 = arith.mulf %sub3A_155, %sub3A_155 : vector<16xf32>
      %mul3A_157 = arith.mulf %gather3A_134, %div3A_53 : vector<16xf32>
      %sub3A_158 = arith.subf %mul3A_157, %scan3A_19#3 : vector<16xf32>
      %mul3A_159 = arith.mulf %sub3A_158, %sub3A_158 : vector<16xf32>
      %add3A_160 = arith.addf %mul3A_156, %mul3A_159 : vector<16xf32>
      %mul3A_161 = arith.mulf %gather3A_135, %div3A_60 : vector<16xf32>
      %sub3A_162 = arith.subf %mul3A_161, %scan3A_19#5 : vector<16xf32>
      %mul3A_163 = arith.mulf %sub3A_162, %sub3A_162 : vector<16xf32>
      %add3A_164 = arith.addf %add3A_160, %mul3A_163 : vector<16xf32>
      %add3A_165 = arith.constant 16 : i32
      %add3A_166 = vector.broadcast %add3A_165 : i32 to vector<16xi32>
      %add3A_167 = arith.addi %iota3A, %add3A_166 : vector<16xi32>
      %masked_sort3A_168 = arith.constant dense<true> : vector<16xi1>
      %masked_sort3A_169, %masked_sort3A_170, %masked_sort3A_171 = tpu.sort %add3A_164, %add3A_167 masked %masked_sort3A_168 : (vector<16xf32>, vector<16xi32>, vector<16xi1>) -> (vector<16xi1>, vector<16xf32>, vector<16xi32>)
      %rev3A_172 = arith.constant 15 : i32
      %rev3A_173 = vector.broadcast %rev3A_172 : i32 to vector<16xi32>
      %rev3A_174 = tpu.iota {dimensions = array<i32: 0>} : vector<16xi32>
      %rev3A_175 = arith.subi %rev3A_173, %rev3A_174 : vector<16xi32>
      %rev3A_176 = tpu.dynamic_gather %masked_sort3A_170[%rev3A_175] in [0] : vector<16xf32>, vector<16xi32> -> vector<16xf32>
      %rev3A_177 = arith.constant 15 : i32
      %rev3A_178 = vector.broadcast %rev3A_177 : i32 to vector<16xi32>
      %rev3A_179 = tpu.iota {dimensions = array<i32: 0>} : vector<16xi32>
      %rev3A_180 = arith.subi %rev3A_178, %rev3A_179 : vector<16xi32>
      %rev3A_181 = tpu.dynamic_gather %masked_sort3A_171[%rev3A_180] in [0] : vector<16xi32>, vector<16xi32> -> vector<16xi32>
      %le3A_182 = arith.cmpf ole, %masked_sort3A_152, %rev3A_176 : vector<16xf32>
      %select_n3A_183 = arith.select %le3A_182, %masked_sort3A_152, %rev3A_176 : vector<16xi1>, vector<16xf32>
      %select_n3A_184 = arith.select %le3A_182, %masked_sort3A_153, %rev3A_181 : vector<16xi1>, vector<16xi32>
      %masked_sort3A_185 = arith.constant dense<true> : vector<16xi1>
      %masked_sort3A_186, %masked_sort3A_187, %masked_sort3A_188 = tpu.sort %select_n3A_183, %select_n3A_184 masked %masked_sort3A_185 : (vector<16xf32>, vector<16xi32>, vector<16xi1>) -> (vector<16xi1>, vector<16xf32>, vector<16xi32>)
      %slice3A = vector.extract_strided_slice %scan3A_125 {offsets = [0], sizes = [1], strides = [1]} : vector<16xi32> to vector<1xi32>
      %squeeze3A = vector.extract %slice3A[0] : i32 from vector<1xi32>
      %broadcast_in_dim3A_189 = vector.broadcast %squeeze3A : i32 to vector<16xi32>
      %gather3A_190 = tpu.vector_load_idx %arg9[%broadcast_in_dim3A_189, %broadcast_in_dim3A_3] : memref<32x3xf32, #tpu.memory_space<vmem>>[vector<16xi32>, vector<16xi32>], vector<16xf32>,
      %div3A_191 = arith.divf %scan3A_126, %gather3A_190 : vector<16xf32>
      %gather3A_192 = tpu.vector_load_idx %arg9[%broadcast_in_dim3A_189, %broadcast_in_dim3A_5] : memref<32x3xf32, #tpu.memory_space<vmem>>[vector<16xi32>, vector<16xi32>], vector<16xf32>,
      %div3A_193 = arith.divf %scan3A_127, %gather3A_192 : vector<16xf32>
      %gather3A_194 = tpu.vector_load_idx %arg9[%broadcast_in_dim3A_189, %broadcast_in_dim3A_7] : memref<32x3xf32, #tpu.memory_space<vmem>>[vector<16xi32>, vector<16xi32>], vector<16xf32>,
      %div3A_195 = arith.divf %scan3A_128, %gather3A_194 : vector<16xf32>
      %mul3A_196 = arith.constant 200 : i32
      %mul3A_197 = vector.broadcast %mul3A_196 : i32 to vector<16xi32>
      %mul3A_198 = arith.muli %broadcast_in_dim3A_189, %mul3A_197 : vector<16xi32>
      %add3A_199 = arith.constant 0 : i32
      %add3A_200 = vector.broadcast %add3A_199 : i32 to vector<16xi32>
      %add3A_201 = arith.addi %iota3A, %add3A_200 : vector<16xi32>
      %get3A = arith.constant 0 : i32
      %get3A_202 = arith.index_cast %get3A : i32 to index
      %get3A_203 = arith.index_cast %squeeze3A : i32 to index
      %get3A_204 = arith.constant 0 : index
      %get3A_205 = tpu.vector_load %arg8[%get3A_202, %get3A_203, %get3A_204] {strides = array<i32>} : memref<3x19x208xf32, #tpu.memory_space<vmem>>, vector<16xf32>,
      %sub3A_206 = arith.subf %div3A_191, %get3A_205 : vector<16xf32>
      %mul3A_207 = arith.mulf %sub3A_206, %sub3A_206 : vector<16xf32>
      %get3A_208 = arith.constant 1 : i32
      %get3A_209 = arith.index_cast %get3A_208 : i32 to index
      %get3A_210 = arith.index_cast %squeeze3A : i32 to index
      %get3A_211 = arith.constant 0 : index
      %get3A_212 = tpu.vector_load %arg8[%get3A_209, %get3A_210, %get3A_211] {strides = array<i32>} : memref<3x19x208xf32, #tpu.memory_space<vmem>>, vector<16xf32>,
      %sub3A_213 = arith.subf %div3A_193, %get3A_212 : vector<16xf32>
      %mul3A_214 = arith.mulf %sub3A_213, %sub3A_213 : vector<16xf32>
      %add3A_215 = arith.addf %mul3A_207, %mul3A_214 : vector<16xf32>
      %get3A_216 = arith.constant 2 : i32
      %get3A_217 = arith.index_cast %get3A_216 : i32 to index
      %get3A_218 = arith.index_cast %squeeze3A : i32 to index
      %get3A_219 = arith.constant 0 : index
      %get3A_220 = tpu.vector_load %arg8[%get3A_217, %get3A_218, %get3A_219] {strides = array<i32>} : memref<3x19x208xf32, #tpu.memory_space<vmem>>, vector<16xf32>,
      %sub3A_221 = arith.subf %div3A_195, %get3A_220 : vector<16xf32>
      %mul3A_222 = arith.mulf %sub3A_221, %sub3A_221 : vector<16xf32>
      %add3A_223 = arith.addf %add3A_215, %mul3A_222 : vector<16xf32>
      %add3A_224 = arith.addi %mul3A_198, %add3A_201 : vector<16xi32>
      %masked_sort3A_225 = arith.constant dense<true> : vector<16xi1>
      %masked_sort3A_226, %masked_sort3A_227, %masked_sort3A_228 = tpu.sort %add3A_223, %add3A_224 masked %masked_sort3A_225 : (vector<16xf32>, vector<16xi32>, vector<16xi1>) -> (vector<16xi1>, vector<16xf32>, vector<16xi32>)
      %add3A_229 = arith.constant 16 : i32
      %add3A_230 = vector.broadcast %add3A_229 : i32 to vector<16xi32>
      %add3A_231 = arith.addi %iota3A, %add3A_230 : vector<16xi32>
      %get3A_232 = arith.constant 0 : i32
      %get3A_233 = arith.index_cast %get3A_232 : i32 to index
      %get3A_234 = arith.index_cast %squeeze3A : i32 to index
      %get3A_235 = arith.constant 16 : index
      %get3A_236 = tpu.vector_load %arg8[%get3A_233, %get3A_234, %get3A_235] {strides = array<i32>} : memref<3x19x208xf32, #tpu.memory_space<vmem>>, vector<16xf32>,
      %sub3A_237 = arith.subf %div3A_191, %get3A_236 : vector<16xf32>
      %mul3A_238 = arith.mulf %sub3A_237, %sub3A_237 : vector<16xf32>
      %get3A_239 = arith.constant 1 : i32
      %get3A_240 = arith.index_cast %get3A_239 : i32 to index
      %get3A_241 = arith.index_cast %squeeze3A : i32 to index
      %get3A_242 = arith.constant 16 : index
      %get3A_243 = tpu.vector_load %arg8[%get3A_240, %get3A_241, %get3A_242] {strides = array<i32>} : memref<3x19x208xf32, #tpu.memory_space<vmem>>, vector<16xf32>,
      %sub3A_244 = arith.subf %div3A_193, %get3A_243 : vector<16xf32>
      %mul3A_245 = arith.mulf %sub3A_244, %sub3A_244 : vector<16xf32>
      %add3A_246 = arith.addf %mul3A_238, %mul3A_245 : vector<16xf32>
      %get3A_247 = arith.constant 2 : i32
      %get3A_248 = arith.index_cast %get3A_247 : i32 to index
      %get3A_249 = arith.index_cast %squeeze3A : i32 to index
      %get3A_250 = arith.constant 16 : index
      %get3A_251 = tpu.vector_load %arg8[%get3A_248, %get3A_249, %get3A_250] {strides = array<i32>} : memref<3x19x208xf32, #tpu.memory_space<vmem>>, vector<16xf32>,
      %sub3A_252 = arith.subf %div3A_195, %get3A_251 : vector<16xf32>
      %mul3A_253 = arith.mulf %sub3A_252, %sub3A_252 : vector<16xf32>
      %add3A_254 = arith.addf %add3A_246, %mul3A_253 : vector<16xf32>
      %add3A_255 = arith.addi %mul3A_198, %add3A_231 : vector<16xi32>
      %masked_sort3A_256 = arith.constant dense<true> : vector<16xi1>
      %masked_sort3A_257, %masked_sort3A_258, %masked_sort3A_259 = tpu.sort %add3A_254, %add3A_255 masked %masked_sort3A_256 : (vector<16xf32>, vector<16xi32>, vector<16xi1>) -> (vector<16xi1>, vector<16xf32>, vector<16xi32>)
      %add3A_260 = arith.constant 32 : i32
      %add3A_261 = vector.broadcast %add3A_260 : i32 to vector<16xi32>
      %add3A_262 = arith.addi %iota3A, %add3A_261 : vector<16xi32>
      %get3A_263 = arith.constant 0 : i32
      %get3A_264 = arith.index_cast %get3A_263 : i32 to index
      %get3A_265 = arith.index_cast %squeeze3A : i32 to index
      %get3A_266 = arith.constant 32 : index
      %get3A_267 = tpu.vector_load %arg8[%get3A_264, %get3A_265, %get3A_266] {strides = array<i32>} : memref<3x19x208xf32, #tpu.memory_space<vmem>>, vector<16xf32>,
      %sub3A_268 = arith.subf %div3A_191, %get3A_267 : vector<16xf32>
      %mul3A_269 = arith.mulf %sub3A_268, %sub3A_268 : vector<16xf32>
      %get3A_270 = arith.constant 1 : i32
      %get3A_271 = arith.index_cast %get3A_270 : i32 to index
      %get3A_272 = arith.index_cast %squeeze3A : i32 to index
      %get3A_273 = arith.constant 32 : index
      %get3A_274 = tpu.vector_load %arg8[%get3A_271, %get3A_272, %get3A_273] {strides = array<i32>} : memref<3x19x208xf32, #tpu.memory_space<vmem>>, vector<16xf32>,
      %sub3A_275 = arith.subf %div3A_193, %get3A_274 : vector<16xf32>
      %mul3A_276 = arith.mulf %sub3A_275, %sub3A_275 : vector<16xf32>
      %add3A_277 = arith.addf %mul3A_269, %mul3A_276 : vector<16xf32>
      %get3A_278 = arith.constant 2 : i32
      %get3A_279 = arith.index_cast %get3A_278 : i32 to index
      %get3A_280 = arith.index_cast %squeeze3A : i32 to index
      %get3A_281 = arith.constant 32 : index
      %get3A_282 = tpu.vector_load %arg8[%get3A_279, %get3A_280, %get3A_281] {strides = array<i32>} : memref<3x19x208xf32, #tpu.memory_space<vmem>>, vector<16xf32>,
      %sub3A_283 = arith.subf %div3A_195, %get3A_282 : vector<16xf32>
      %mul3A_284 = arith.mulf %sub3A_283, %sub3A_283 : vector<16xf32>
      %add3A_285 = arith.addf %add3A_277, %mul3A_284 : vector<16xf32>
      %add3A_286 = arith.addi %mul3A_198, %add3A_262 : vector<16xi32>
      %masked_sort3A_287 = arith.constant dense<true> : vector<16xi1>
      %masked_sort3A_288, %masked_sort3A_289, %masked_sort3A_290 = tpu.sort %add3A_285, %add3A_286 masked %masked_sort3A_287 : (vector<16xf32>, vector<16xi32>, vector<16xi1>) -> (vector<16xi1>, vector<16xf32>, vector<16xi32>)
      %add3A_291 = arith.constant 48 : i32
      %add3A_292 = vector.broadcast %add3A_291 : i32 to vector<16xi32>
      %add3A_293 = arith.addi %iota3A, %add3A_292 : vector<16xi32>
      %get3A_294 = arith.constant 0 : i32
      %get3A_295 = arith.index_cast %get3A_294 : i32 to index
      %get3A_296 = arith.index_cast %squeeze3A : i32 to index
      %get3A_297 = arith.constant 48 : index
      %get3A_298 = tpu.vector_load %arg8[%get3A_295, %get3A_296, %get3A_297] {strides = array<i32>} : memref<3x19x208xf32, #tpu.memory_space<vmem>>, vector<16xf32>,
      %sub3A_299 = arith.subf %div3A_191, %get3A_298 : vector<16xf32>
      %mul3A_300 = arith.mulf %sub3A_299, %sub3A_299 : vector<16xf32>
      %get3A_301 = arith.constant 1 : i32
      %get3A_302 = arith.index_cast %get3A_301 : i32 to index
      %get3A_303 = arith.index_cast %squeeze3A : i32 to index
      %get3A_304 = arith.constant 48 : index
      %get3A_305 = tpu.vector_load %arg8[%get3A_302, %get3A_303, %get3A_304] {strides = array<i32>} : memref<3x19x208xf32, #tpu.memory_space<vmem>>, vector<16xf32>,
      %sub3A_306 = arith.subf %div3A_193, %get3A_305 : vector<16xf32>
      %mul3A_307 = arith.mulf %sub3A_306, %sub3A_306 : vector<16xf32>
      %add3A_308 = arith.addf %mul3A_300, %mul3A_307 : vector<16xf32>
      %get3A_309 = arith.constant 2 : i32
      %get3A_310 = arith.index_cast %get3A_309 : i32 to index
      %get3A_311 = arith.index_cast %squeeze3A : i32 to index
      %get3A_312 = arith.constant 48 : index
      %get3A_313 = tpu.vector_load %arg8[%get3A_310, %get3A_311, %get3A_312] {strides = array<i32>} : memref<3x19x208xf32, #tpu.memory_space<vmem>>, vector<16xf32>,
      %sub3A_314 = arith.subf %div3A_195, %get3A_313 : vector<16xf32>
      %mul3A_315 = arith.mulf %sub3A_314, %sub3A_314 : vector<16xf32>
      %add3A_316 = arith.addf %add3A_308, %mul3A_315 : vector<16xf32>
      %add3A_317 = arith.addi %mul3A_198, %add3A_293 : vector<16xi32>
      %masked_sort3A_318 = arith.constant dense<true> : vector<16xi1>
      %masked_sort3A_319, %masked_sort3A_320, %masked_sort3A_321 = tpu.sort %add3A_316, %add3A_317 masked %masked_sort3A_318 : (vector<16xf32>, vector<16xi32>, vector<16xi1>) -> (vector<16xi1>, vector<16xf32>, vector<16xi32>)
      %add3A_322 = arith.constant 64 : i32
      %add3A_323 = vector.broadcast %add3A_322 : i32 to vector<16xi32>
      %add3A_324 = arith.addi %iota3A, %add3A_323 : vector<16xi32>
      %get3A_325 = arith.constant 0 : i32
      %get3A_326 = arith.index_cast %get3A_325 : i32 to index
      %get3A_327 = arith.index_cast %squeeze3A : i32 to index
      %get3A_328 = arith.constant 64 : index
      %get3A_329 = tpu.vector_load %arg8[%get3A_326, %get3A_327, %get3A_328] {strides = array<i32>} : memref<3x19x208xf32, #tpu.memory_space<vmem>>, vector<16xf32>,
      %sub3A_330 = arith.subf %div3A_191, %get3A_329 : vector<16xf32>
      %mul3A_331 = arith.mulf %sub3A_330, %sub3A_330 : vector<16xf32>
      %get3A_332 = arith.constant 1 : i32
      %get3A_333 = arith.index_cast %get3A_332 : i32 to index
      %get3A_334 = arith.index_cast %squeeze3A : i32 to index
      %get3A_335 = arith.constant 64 : index
      %get3A_336 = tpu.vector_load %arg8[%get3A_333, %get3A_334, %get3A_335] {strides = array<i32>} : memref<3x19x208xf32, #tpu.memory_space<vmem>>, vector<16xf32>,
      %sub3A_337 = arith.subf %div3A_193, %get3A_336 : vector<16xf32>
      %mul3A_338 = arith.mulf %sub3A_337, %sub3A_337 : vector<16xf32>
      %add3A_339 = arith.addf %mul3A_331, %mul3A_338 : vector<16xf32>
      %get3A_340 = arith.constant 2 : i32
      %get3A_341 = arith.index_cast %get3A_340 : i32 to index
      %get3A_342 = arith.index_cast %squeeze3A : i32 to index
      %get3A_343 = arith.constant 64 : index
      %get3A_344 = tpu.vector_load %arg8[%get3A_341, %get3A_342, %get3A_343] {strides = array<i32>} : memref<3x19x208xf32, #tpu.memory_space<vmem>>, vector<16xf32>,
      %sub3A_345 = arith.subf %div3A_195, %get3A_344 : vector<16xf32>
      %mul3A_346 = arith.mulf %sub3A_345, %sub3A_345 : vector<16xf32>
      %add3A_347 = arith.addf %add3A_339, %mul3A_346 : vector<16xf32>
      %add3A_348 = arith.addi %mul3A_198, %add3A_324 : vector<16xi32>
      %masked_sort3A_349 = arith.constant dense<true> : vector<16xi1>
      %masked_sort3A_350, %masked_sort3A_351, %masked_sort3A_352 = tpu.sort %add3A_347, %add3A_348 masked %masked_sort3A_349 : (vector<16xf32>, vector<16xi32>, vector<16xi1>) -> (vector<16xi1>, vector<16xf32>, vector<16xi32>)
      %add3A_353 = arith.constant 80 : i32
      %add3A_354 = vector.broadcast %add3A_353 : i32 to vector<16xi32>
      %add3A_355 = arith.addi %iota3A, %add3A_354 : vector<16xi32>
      %get3A_356 = arith.constant 0 : i32
      %get3A_357 = arith.index_cast %get3A_356 : i32 to index
      %get3A_358 = arith.index_cast %squeeze3A : i32 to index
      %get3A_359 = arith.constant 80 : index
      %get3A_360 = tpu.vector_load %arg8[%get3A_357, %get3A_358, %get3A_359] {strides = array<i32>} : memref<3x19x208xf32, #tpu.memory_space<vmem>>, vector<16xf32>,
      %sub3A_361 = arith.subf %div3A_191, %get3A_360 : vector<16xf32>
      %mul3A_362 = arith.mulf %sub3A_361, %sub3A_361 : vector<16xf32>
      %get3A_363 = arith.constant 1 : i32
      %get3A_364 = arith.index_cast %get3A_363 : i32 to index
      %get3A_365 = arith.index_cast %squeeze3A : i32 to index
      %get3A_366 = arith.constant 80 : index
      %get3A_367 = tpu.vector_load %arg8[%get3A_364, %get3A_365, %get3A_366] {strides = array<i32>} : memref<3x19x208xf32, #tpu.memory_space<vmem>>, vector<16xf32>,
      %sub3A_368 = arith.subf %div3A_193, %get3A_367 : vector<16xf32>
      %mul3A_369 = arith.mulf %sub3A_368, %sub3A_368 : vector<16xf32>
      %add3A_370 = arith.addf %mul3A_362, %mul3A_369 : vector<16xf32>
      %get3A_371 = arith.constant 2 : i32
      %get3A_372 = arith.index_cast %get3A_371 : i32 to index
      %get3A_373 = arith.index_cast %squeeze3A : i32 to index
      %get3A_374 = arith.constant 80 : index
      %get3A_375 = tpu.vector_load %arg8[%get3A_372, %get3A_373, %get3A_374] {strides = array<i32>} : memref<3x19x208xf32, #tpu.memory_space<vmem>>, vector<16xf32>,
      %sub3A_376 = arith.subf %div3A_195, %get3A_375 : vector<16xf32>
      %mul3A_377 = arith.mulf %sub3A_376, %sub3A_376 : vector<16xf32>
      %add3A_378 = arith.addf %add3A_370, %mul3A_377 : vector<16xf32>
      %add3A_379 = arith.addi %mul3A_198, %add3A_355 : vector<16xi32>
      %masked_sort3A_380 = arith.constant dense<true> : vector<16xi1>
      %masked_sort3A_381, %masked_sort3A_382, %masked_sort3A_383 = tpu.sort %add3A_378, %add3A_379 masked %masked_sort3A_380 : (vector<16xf32>, vector<16xi32>, vector<16xi1>) -> (vector<16xi1>, vector<16xf32>, vector<16xi32>)
      %add3A_384 = arith.constant 96 : i32
      %add3A_385 = vector.broadcast %add3A_384 : i32 to vector<16xi32>
      %add3A_386 = arith.addi %iota3A, %add3A_385 : vector<16xi32>
      %get3A_387 = arith.constant 0 : i32
      %get3A_388 = arith.index_cast %get3A_387 : i32 to index
      %get3A_389 = arith.index_cast %squeeze3A : i32 to index
      %get3A_390 = arith.constant 96 : index
      %get3A_391 = tpu.vector_load %arg8[%get3A_388, %get3A_389, %get3A_390] {strides = array<i32>} : memref<3x19x208xf32, #tpu.memory_space<vmem>>, vector<16xf32>,
      %sub3A_392 = arith.subf %div3A_191, %get3A_391 : vector<16xf32>
      %mul3A_393 = arith.mulf %sub3A_392, %sub3A_392 : vector<16xf32>
      %get3A_394 = arith.constant 1 : i32
      %get3A_395 = arith.index_cast %get3A_394 : i32 to index
      %get3A_396 = arith.index_cast %squeeze3A : i32 to index
      %get3A_397 = arith.constant 96 : index
      %get3A_398 = tpu.vector_load %arg8[%get3A_395, %get3A_396, %get3A_397] {strides = array<i32>} : memref<3x19x208xf32, #tpu.memory_space<vmem>>, vector<16xf32>,
      %sub3A_399 = arith.subf %div3A_193, %get3A_398 : vector<16xf32>
      %mul3A_400 = arith.mulf %sub3A_399, %sub3A_399 : vector<16xf32>
      %add3A_401 = arith.addf %mul3A_393, %mul3A_400 : vector<16xf32>
      %get3A_402 = arith.constant 2 : i32
      %get3A_403 = arith.index_cast %get3A_402 : i32 to index
      %get3A_404 = arith.index_cast %squeeze3A : i32 to index
      %get3A_405 = arith.constant 96 : index
      %get3A_406 = tpu.vector_load %arg8[%get3A_403, %get3A_404, %get3A_405] {strides = array<i32>} : memref<3x19x208xf32, #tpu.memory_space<vmem>>, vector<16xf32>,
      %sub3A_407 = arith.subf %div3A_195, %get3A_406 : vector<16xf32>
      %mul3A_408 = arith.mulf %sub3A_407, %sub3A_407 : vector<16xf32>
      %add3A_409 = arith.addf %add3A_401, %mul3A_408 : vector<16xf32>
      %add3A_410 = arith.addi %mul3A_198, %add3A_386 : vector<16xi32>
      %masked_sort3A_411 = arith.constant dense<true> : vector<16xi1>
      %masked_sort3A_412, %masked_sort3A_413, %masked_sort3A_414 = tpu.sort %add3A_409, %add3A_410 masked %masked_sort3A_411 : (vector<16xf32>, vector<16xi32>, vector<16xi1>) -> (vector<16xi1>, vector<16xf32>, vector<16xi32>)
      %add3A_415 = arith.constant 112 : i32
      %add3A_416 = vector.broadcast %add3A_415 : i32 to vector<16xi32>
      %add3A_417 = arith.addi %iota3A, %add3A_416 : vector<16xi32>
      %get3A_418 = arith.constant 0 : i32
      %get3A_419 = arith.index_cast %get3A_418 : i32 to index
      %get3A_420 = arith.index_cast %squeeze3A : i32 to index
      %get3A_421 = arith.constant 112 : index
      %get3A_422 = tpu.vector_load %arg8[%get3A_419, %get3A_420, %get3A_421] {strides = array<i32>} : memref<3x19x208xf32, #tpu.memory_space<vmem>>, vector<16xf32>,
      %sub3A_423 = arith.subf %div3A_191, %get3A_422 : vector<16xf32>
      %mul3A_424 = arith.mulf %sub3A_423, %sub3A_423 : vector<16xf32>
      %get3A_425 = arith.constant 1 : i32
      %get3A_426 = arith.index_cast %get3A_425 : i32 to index
      %get3A_427 = arith.index_cast %squeeze3A : i32 to index
      %get3A_428 = arith.constant 112 : index
      %get3A_429 = tpu.vector_load %arg8[%get3A_426, %get3A_427, %get3A_428] {strides = array<i32>} : memref<3x19x208xf32, #tpu.memory_space<vmem>>, vector<16xf32>,
      %sub3A_430 = arith.subf %div3A_193, %get3A_429 : vector<16xf32>
      %mul3A_431 = arith.mulf %sub3A_430, %sub3A_430 : vector<16xf32>
      %add3A_432 = arith.addf %mul3A_424, %mul3A_431 : vector<16xf32>
      %get3A_433 = arith.constant 2 : i32
      %get3A_434 = arith.index_cast %get3A_433 : i32 to index
      %get3A_435 = arith.index_cast %squeeze3A : i32 to index
      %get3A_436 = arith.constant 112 : index
      %get3A_437 = tpu.vector_load %arg8[%get3A_434, %get3A_435, %get3A_436] {strides = array<i32>} : memref<3x19x208xf32, #tpu.memory_space<vmem>>, vector<16xf32>,
      %sub3A_438 = arith.subf %div3A_195, %get3A_437 : vector<16xf32>
      %mul3A_439 = arith.mulf %sub3A_438, %sub3A_438 : vector<16xf32>
      %add3A_440 = arith.addf %add3A_432, %mul3A_439 : vector<16xf32>
      %add3A_441 = arith.addi %mul3A_198, %add3A_417 : vector<16xi32>
      %masked_sort3A_442 = arith.constant dense<true> : vector<16xi1>
      %masked_sort3A_443, %masked_sort3A_444, %masked_sort3A_445 = tpu.sort %add3A_440, %add3A_441 masked %masked_sort3A_442 : (vector<16xf32>, vector<16xi32>, vector<16xi1>) -> (vector<16xi1>, vector<16xf32>, vector<16xi32>)
      %add3A_446 = arith.constant 128 : i32
      %add3A_447 = vector.broadcast %add3A_446 : i32 to vector<16xi32>
      %add3A_448 = arith.addi %iota3A, %add3A_447 : vector<16xi32>
      %get3A_449 = arith.constant 0 : i32
      %get3A_450 = arith.index_cast %get3A_449 : i32 to index
      %get3A_451 = arith.index_cast %squeeze3A : i32 to index
      %get3A_452 = arith.constant 128 : index
      %get3A_453 = tpu.vector_load %arg8[%get3A_450, %get3A_451, %get3A_452] {strides = array<i32>} : memref<3x19x208xf32, #tpu.memory_space<vmem>>, vector<16xf32>,
      %sub3A_454 = arith.subf %div3A_191, %get3A_453 : vector<16xf32>
      %mul3A_455 = arith.mulf %sub3A_454, %sub3A_454 : vector<16xf32>
      %get3A_456 = arith.constant 1 : i32
      %get3A_457 = arith.index_cast %get3A_456 : i32 to index
      %get3A_458 = arith.index_cast %squeeze3A : i32 to index
      %get3A_459 = arith.constant 128 : index
      %get3A_460 = tpu.vector_load %arg8[%get3A_457, %get3A_458, %get3A_459] {strides = array<i32>} : memref<3x19x208xf32, #tpu.memory_space<vmem>>, vector<16xf32>,
      %sub3A_461 = arith.subf %div3A_193, %get3A_460 : vector<16xf32>
      %mul3A_462 = arith.mulf %sub3A_461, %sub3A_461 : vector<16xf32>
      %add3A_463 = arith.addf %mul3A_455, %mul3A_462 : vector<16xf32>
      %get3A_464 = arith.constant 2 : i32
      %get3A_465 = arith.index_cast %get3A_464 : i32 to index
      %get3A_466 = arith.index_cast %squeeze3A : i32 to index
      %get3A_467 = arith.constant 128 : index
      %get3A_468 = tpu.vector_load %arg8[%get3A_465, %get3A_466, %get3A_467] {strides = array<i32>} : memref<3x19x208xf32, #tpu.memory_space<vmem>>, vector<16xf32>,
      %sub3A_469 = arith.subf %div3A_195, %get3A_468 : vector<16xf32>
      %mul3A_470 = arith.mulf %sub3A_469, %sub3A_469 : vector<16xf32>
      %add3A_471 = arith.addf %add3A_463, %mul3A_470 : vector<16xf32>
      %add3A_472 = arith.addi %mul3A_198, %add3A_448 : vector<16xi32>
      %masked_sort3A_473 = arith.constant dense<true> : vector<16xi1>
      %masked_sort3A_474, %masked_sort3A_475, %masked_sort3A_476 = tpu.sort %add3A_471, %add3A_472 masked %masked_sort3A_473 : (vector<16xf32>, vector<16xi32>, vector<16xi1>) -> (vector<16xi1>, vector<16xf32>, vector<16xi32>)
      %add3A_477 = arith.constant 144 : i32
      %add3A_478 = vector.broadcast %add3A_477 : i32 to vector<16xi32>
      %add3A_479 = arith.addi %iota3A, %add3A_478 : vector<16xi32>
      %get3A_480 = arith.constant 0 : i32
      %get3A_481 = arith.index_cast %get3A_480 : i32 to index
      %get3A_482 = arith.index_cast %squeeze3A : i32 to index
      %get3A_483 = arith.constant 144 : index
      %get3A_484 = tpu.vector_load %arg8[%get3A_481, %get3A_482, %get3A_483] {strides = array<i32>} : memref<3x19x208xf32, #tpu.memory_space<vmem>>, vector<16xf32>,
      %sub3A_485 = arith.subf %div3A_191, %get3A_484 : vector<16xf32>
      %mul3A_486 = arith.mulf %sub3A_485, %sub3A_485 : vector<16xf32>
      %get3A_487 = arith.constant 1 : i32
      %get3A_488 = arith.index_cast %get3A_487 : i32 to index
      %get3A_489 = arith.index_cast %squeeze3A : i32 to index
      %get3A_490 = arith.constant 144 : index
      %get3A_491 = tpu.vector_load %arg8[%get3A_488, %get3A_489, %get3A_490] {strides = array<i32>} : memref<3x19x208xf32, #tpu.memory_space<vmem>>, vector<16xf32>,
      %sub3A_492 = arith.subf %div3A_193, %get3A_491 : vector<16xf32>
      %mul3A_493 = arith.mulf %sub3A_492, %sub3A_492 : vector<16xf32>
      %add3A_494 = arith.addf %mul3A_486, %mul3A_493 : vector<16xf32>
      %get3A_495 = arith.constant 2 : i32
      %get3A_496 = arith.index_cast %get3A_495 : i32 to index
      %get3A_497 = arith.index_cast %squeeze3A : i32 to index
      %get3A_498 = arith.constant 144 : index
      %get3A_499 = tpu.vector_load %arg8[%get3A_496, %get3A_497, %get3A_498] {strides = array<i32>} : memref<3x19x208xf32, #tpu.memory_space<vmem>>, vector<16xf32>,
      %sub3A_500 = arith.subf %div3A_195, %get3A_499 : vector<16xf32>
      %mul3A_501 = arith.mulf %sub3A_500, %sub3A_500 : vector<16xf32>
      %add3A_502 = arith.addf %add3A_494, %mul3A_501 : vector<16xf32>
      %add3A_503 = arith.addi %mul3A_198, %add3A_479 : vector<16xi32>
      %masked_sort3A_504 = arith.constant dense<true> : vector<16xi1>
      %masked_sort3A_505, %masked_sort3A_506, %masked_sort3A_507 = tpu.sort %add3A_502, %add3A_503 masked %masked_sort3A_504 : (vector<16xf32>, vector<16xi32>, vector<16xi1>) -> (vector<16xi1>, vector<16xf32>, vector<16xi32>)
      %add3A_508 = arith.constant 160 : i32
      %add3A_509 = vector.broadcast %add3A_508 : i32 to vector<16xi32>
      %add3A_510 = arith.addi %iota3A, %add3A_509 : vector<16xi32>
      %get3A_511 = arith.constant 0 : i32
      %get3A_512 = arith.index_cast %get3A_511 : i32 to index
      %get3A_513 = arith.index_cast %squeeze3A : i32 to index
      %get3A_514 = arith.constant 160 : index
      %get3A_515 = tpu.vector_load %arg8[%get3A_512, %get3A_513, %get3A_514] {strides = array<i32>} : memref<3x19x208xf32, #tpu.memory_space<vmem>>, vector<16xf32>,
      %sub3A_516 = arith.subf %div3A_191, %get3A_515 : vector<16xf32>
      %mul3A_517 = arith.mulf %sub3A_516, %sub3A_516 : vector<16xf32>
      %get3A_518 = arith.constant 1 : i32
      %get3A_519 = arith.index_cast %get3A_518 : i32 to index
      %get3A_520 = arith.index_cast %squeeze3A : i32 to index
      %get3A_521 = arith.constant 160 : index
      %get3A_522 = tpu.vector_load %arg8[%get3A_519, %get3A_520, %get3A_521] {strides = array<i32>} : memref<3x19x208xf32, #tpu.memory_space<vmem>>, vector<16xf32>,
      %sub3A_523 = arith.subf %div3A_193, %get3A_522 : vector<16xf32>
      %mul3A_524 = arith.mulf %sub3A_523, %sub3A_523 : vector<16xf32>
      %add3A_525 = arith.addf %mul3A_517, %mul3A_524 : vector<16xf32>
      %get3A_526 = arith.constant 2 : i32
      %get3A_527 = arith.index_cast %get3A_526 : i32 to index
      %get3A_528 = arith.index_cast %squeeze3A : i32 to index
      %get3A_529 = arith.constant 160 : index
      %get3A_530 = tpu.vector_load %arg8[%get3A_527, %get3A_528, %get3A_529] {strides = array<i32>} : memref<3x19x208xf32, #tpu.memory_space<vmem>>, vector<16xf32>,
      %sub3A_531 = arith.subf %div3A_195, %get3A_530 : vector<16xf32>
      %mul3A_532 = arith.mulf %sub3A_531, %sub3A_531 : vector<16xf32>
      %add3A_533 = arith.addf %add3A_525, %mul3A_532 : vector<16xf32>
      %add3A_534 = arith.addi %mul3A_198, %add3A_510 : vector<16xi32>
      %masked_sort3A_535 = arith.constant dense<true> : vector<16xi1>
      %masked_sort3A_536, %masked_sort3A_537, %masked_sort3A_538 = tpu.sort %add3A_533, %add3A_534 masked %masked_sort3A_535 : (vector<16xf32>, vector<16xi32>, vector<16xi1>) -> (vector<16xi1>, vector<16xf32>, vector<16xi32>)
      %add3A_539 = arith.constant 176 : i32
      %add3A_540 = vector.broadcast %add3A_539 : i32 to vector<16xi32>
      %add3A_541 = arith.addi %iota3A, %add3A_540 : vector<16xi32>
      %get3A_542 = arith.constant 0 : i32
      %get3A_543 = arith.index_cast %get3A_542 : i32 to index
      %get3A_544 = arith.index_cast %squeeze3A : i32 to index
      %get3A_545 = arith.constant 176 : index
      %get3A_546 = tpu.vector_load %arg8[%get3A_543, %get3A_544, %get3A_545] {strides = array<i32>} : memref<3x19x208xf32, #tpu.memory_space<vmem>>, vector<16xf32>,
      %sub3A_547 = arith.subf %div3A_191, %get3A_546 : vector<16xf32>
      %mul3A_548 = arith.mulf %sub3A_547, %sub3A_547 : vector<16xf32>
      %get3A_549 = arith.constant 1 : i32
      %get3A_550 = arith.index_cast %get3A_549 : i32 to index
      %get3A_551 = arith.index_cast %squeeze3A : i32 to index
      %get3A_552 = arith.constant 176 : index
      %get3A_553 = tpu.vector_load %arg8[%get3A_550, %get3A_551, %get3A_552] {strides = array<i32>} : memref<3x19x208xf32, #tpu.memory_space<vmem>>, vector<16xf32>,
      %sub3A_554 = arith.subf %div3A_193, %get3A_553 : vector<16xf32>
      %mul3A_555 = arith.mulf %sub3A_554, %sub3A_554 : vector<16xf32>
      %add3A_556 = arith.addf %mul3A_548, %mul3A_555 : vector<16xf32>
      %get3A_557 = arith.constant 2 : i32
      %get3A_558 = arith.index_cast %get3A_557 : i32 to index
      %get3A_559 = arith.index_cast %squeeze3A : i32 to index
      %get3A_560 = arith.constant 176 : index
      %get3A_561 = tpu.vector_load %arg8[%get3A_558, %get3A_559, %get3A_560] {strides = array<i32>} : memref<3x19x208xf32, #tpu.memory_space<vmem>>, vector<16xf32>,
      %sub3A_562 = arith.subf %div3A_195, %get3A_561 : vector<16xf32>
      %mul3A_563 = arith.mulf %sub3A_562, %sub3A_562 : vector<16xf32>
      %add3A_564 = arith.addf %add3A_556, %mul3A_563 : vector<16xf32>
      %add3A_565 = arith.addi %mul3A_198, %add3A_541 : vector<16xi32>
      %masked_sort3A_566 = arith.constant dense<true> : vector<16xi1>
      %masked_sort3A_567, %masked_sort3A_568, %masked_sort3A_569 = tpu.sort %add3A_564, %add3A_565 masked %masked_sort3A_566 : (vector<16xf32>, vector<16xi32>, vector<16xi1>) -> (vector<16xi1>, vector<16xf32>, vector<16xi32>)
      %add3A_570 = arith.constant 192 : i32
      %add3A_571 = vector.broadcast %add3A_570 : i32 to vector<16xi32>
      %add3A_572 = arith.addi %iota3A, %add3A_571 : vector<16xi32>
      %get3A_573 = arith.constant 0 : i32
      %get3A_574 = arith.index_cast %get3A_573 : i32 to index
      %get3A_575 = arith.index_cast %squeeze3A : i32 to index
      %get3A_576 = arith.constant 192 : index
      %get3A_577 = tpu.vector_load %arg8[%get3A_574, %get3A_575, %get3A_576] {strides = array<i32>} : memref<3x19x208xf32, #tpu.memory_space<vmem>>, vector<16xf32>,
      %sub3A_578 = arith.subf %div3A_191, %get3A_577 : vector<16xf32>
      %mul3A_579 = arith.mulf %sub3A_578, %sub3A_578 : vector<16xf32>
      %get3A_580 = arith.constant 1 : i32
      %get3A_581 = arith.index_cast %get3A_580 : i32 to index
      %get3A_582 = arith.index_cast %squeeze3A : i32 to index
      %get3A_583 = arith.constant 192 : index
      %get3A_584 = tpu.vector_load %arg8[%get3A_581, %get3A_582, %get3A_583] {strides = array<i32>} : memref<3x19x208xf32, #tpu.memory_space<vmem>>, vector<16xf32>,
      %sub3A_585 = arith.subf %div3A_193, %get3A_584 : vector<16xf32>
      %mul3A_586 = arith.mulf %sub3A_585, %sub3A_585 : vector<16xf32>
      %add3A_587 = arith.addf %mul3A_579, %mul3A_586 : vector<16xf32>
      %get3A_588 = arith.constant 2 : i32
      %get3A_589 = arith.index_cast %get3A_588 : i32 to index
      %get3A_590 = arith.index_cast %squeeze3A : i32 to index
      %get3A_591 = arith.constant 192 : index
      %get3A_592 = tpu.vector_load %arg8[%get3A_589, %get3A_590, %get3A_591] {strides = array<i32>} : memref<3x19x208xf32, #tpu.memory_space<vmem>>, vector<16xf32>,
      %sub3A_593 = arith.subf %div3A_195, %get3A_592 : vector<16xf32>
      %mul3A_594 = arith.mulf %sub3A_593, %sub3A_593 : vector<16xf32>
      %add3A_595 = arith.addf %add3A_587, %mul3A_594 : vector<16xf32>
      %add3A_596 = arith.addi %mul3A_198, %add3A_572 : vector<16xi32>
      %masked_sort3A_597 = arith.constant dense<true> : vector<16xi1>
      %masked_sort3A_598, %masked_sort3A_599, %masked_sort3A_600 = tpu.sort %add3A_595, %add3A_596 masked %masked_sort3A_597 : (vector<16xf32>, vector<16xi32>, vector<16xi1>) -> (vector<16xi1>, vector<16xf32>, vector<16xi32>)
      %slice3A_601 = vector.extract_strided_slice %scan3A_125 {offsets = [1], sizes = [1], strides = [1]} : vector<16xi32> to vector<1xi32>
      %squeeze3A_602 = vector.extract %slice3A_601[0] : i32 from vector<1xi32>
      %broadcast_in_dim3A_603 = vector.broadcast %squeeze3A_602 : i32 to vector<16xi32>
      %gather3A_604 = tpu.vector_load_idx %arg9[%broadcast_in_dim3A_603, %broadcast_in_dim3A_3] : memref<32x3xf32, #tpu.memory_space<vmem>>[vector<16xi32>, vector<16xi32>], vector<16xf32>,
      %div3A_605 = arith.divf %scan3A_126, %gather3A_604 : vector<16xf32>
      %gather3A_606 = tpu.vector_load_idx %arg9[%broadcast_in_dim3A_603, %broadcast_in_dim3A_5] : memref<32x3xf32, #tpu.memory_space<vmem>>[vector<16xi32>, vector<16xi32>], vector<16xf32>,
      %div3A_607 = arith.divf %scan3A_127, %gather3A_606 : vector<16xf32>
      %gather3A_608 = tpu.vector_load_idx %arg9[%broadcast_in_dim3A_603, %broadcast_in_dim3A_7] : memref<32x3xf32, #tpu.memory_space<vmem>>[vector<16xi32>, vector<16xi32>], vector<16xf32>,
      %div3A_609 = arith.divf %scan3A_128, %gather3A_608 : vector<16xf32>
      %mul3A_610 = arith.constant 200 : i32
      %mul3A_611 = vector.broadcast %mul3A_610 : i32 to vector<16xi32>
      %mul3A_612 = arith.muli %broadcast_in_dim3A_603, %mul3A_611 : vector<16xi32>
      %add3A_613 = arith.constant 0 : i32
      %add3A_614 = vector.broadcast %add3A_613 : i32 to vector<16xi32>
      %add3A_615 = arith.addi %iota3A, %add3A_614 : vector<16xi32>
      %get3A_616 = arith.constant 0 : i32
      %get3A_617 = arith.index_cast %get3A_616 : i32 to index
      %get3A_618 = arith.index_cast %squeeze3A_602 : i32 to index
      %get3A_619 = arith.constant 0 : index
      %get3A_620 = tpu.vector_load %arg8[%get3A_617, %get3A_618, %get3A_619] {strides = array<i32>} : memref<3x19x208xf32, #tpu.memory_space<vmem>>, vector<16xf32>,
      %sub3A_621 = arith.subf %div3A_605, %get3A_620 : vector<16xf32>
      %mul3A_622 = arith.mulf %sub3A_621, %sub3A_621 : vector<16xf32>
      %get3A_623 = arith.constant 1 : i32
      %get3A_624 = arith.index_cast %get3A_623 : i32 to index
      %get3A_625 = arith.index_cast %squeeze3A_602 : i32 to index
      %get3A_626 = arith.constant 0 : index
      %get3A_627 = tpu.vector_load %arg8[%get3A_624, %get3A_625, %get3A_626] {strides = array<i32>} : memref<3x19x208xf32, #tpu.memory_space<vmem>>, vector<16xf32>,
      %sub3A_628 = arith.subf %div3A_607, %get3A_627 : vector<16xf32>
      %mul3A_629 = arith.mulf %sub3A_628, %sub3A_628 : vector<16xf32>
      %add3A_630 = arith.addf %mul3A_622, %mul3A_629 : vector<16xf32>
      %get3A_631 = arith.constant 2 : i32
      %get3A_632 = arith.index_cast %get3A_631 : i32 to index
      %get3A_633 = arith.index_cast %squeeze3A_602 : i32 to index
      %get3A_634 = arith.constant 0 : index
      %get3A_635 = tpu.vector_load %arg8[%get3A_632, %get3A_633, %get3A_634] {strides = array<i32>} : memref<3x19x208xf32, #tpu.memory_space<vmem>>, vector<16xf32>,
      %sub3A_636 = arith.subf %div3A_609, %get3A_635 : vector<16xf32>
      %mul3A_637 = arith.mulf %sub3A_636, %sub3A_636 : vector<16xf32>
      %add3A_638 = arith.addf %add3A_630, %mul3A_637 : vector<16xf32>
      %add3A_639 = arith.addi %mul3A_612, %add3A_615 : vector<16xi32>
      %masked_sort3A_640 = arith.constant dense<true> : vector<16xi1>
      %masked_sort3A_641, %masked_sort3A_642, %masked_sort3A_643 = tpu.sort %add3A_638, %add3A_639 masked %masked_sort3A_640 : (vector<16xf32>, vector<16xi32>, vector<16xi1>) -> (vector<16xi1>, vector<16xf32>, vector<16xi32>)
      %add3A_644 = arith.constant 16 : i32
      %add3A_645 = vector.broadcast %add3A_644 : i32 to vector<16xi32>
      %add3A_646 = arith.addi %iota3A, %add3A_645 : vector<16xi32>
      %get3A_647 = arith.constant 0 : i32
      %get3A_648 = arith.index_cast %get3A_647 : i32 to index
      %get3A_649 = arith.index_cast %squeeze3A_602 : i32 to index
      %get3A_650 = arith.constant 16 : index
      %get3A_651 = tpu.vector_load %arg8[%get3A_648, %get3A_649, %get3A_650] {strides = array<i32>} : memref<3x19x208xf32, #tpu.memory_space<vmem>>, vector<16xf32>,
      %sub3A_652 = arith.subf %div3A_605, %get3A_651 : vector<16xf32>
      %mul3A_653 = arith.mulf %sub3A_652, %sub3A_652 : vector<16xf32>
      %get3A_654 = arith.constant 1 : i32
      %get3A_655 = arith.index_cast %get3A_654 : i32 to index
      %get3A_656 = arith.index_cast %squeeze3A_602 : i32 to index
      %get3A_657 = arith.constant 16 : index
      %get3A_658 = tpu.vector_load %arg8[%get3A_655, %get3A_656, %get3A_657] {strides = array<i32>} : memref<3x19x208xf32, #tpu.memory_space<vmem>>, vector<16xf32>,
      %sub3A_659 = arith.subf %div3A_607, %get3A_658 : vector<16xf32>
      %mul3A_660 = arith.mulf %sub3A_659, %sub3A_659 : vector<16xf32>
      %add3A_661 = arith.addf %mul3A_653, %mul3A_660 : vector<16xf32>
      %get3A_662 = arith.constant 2 : i32
      %get3A_663 = arith.index_cast %get3A_662 : i32 to index
      %get3A_664 = arith.index_cast %squeeze3A_602 : i32 to index
      %get3A_665 = arith.constant 16 : index
      %get3A_666 = tpu.vector_load %arg8[%get3A_663, %get3A_664, %get3A_665] {strides = array<i32>} : memref<3x19x208xf32, #tpu.memory_space<vmem>>, vector<16xf32>,
      %sub3A_667 = arith.subf %div3A_609, %get3A_666 : vector<16xf32>
      %mul3A_668 = arith.mulf %sub3A_667, %sub3A_667 : vector<16xf32>
      %add3A_669 = arith.addf %add3A_661, %mul3A_668 : vector<16xf32>
      %add3A_670 = arith.addi %mul3A_612, %add3A_646 : vector<16xi32>
      %masked_sort3A_671 = arith.constant dense<true> : vector<16xi1>
      %masked_sort3A_672, %masked_sort3A_673, %masked_sort3A_674 = tpu.sort %add3A_669, %add3A_670 masked %masked_sort3A_671 : (vector<16xf32>, vector<16xi32>, vector<16xi1>) -> (vector<16xi1>, vector<16xf32>, vector<16xi32>)
      %add3A_675 = arith.constant 32 : i32
      %add3A_676 = vector.broadcast %add3A_675 : i32 to vector<16xi32>
      %add3A_677 = arith.addi %iota3A, %add3A_676 : vector<16xi32>
      %get3A_678 = arith.constant 0 : i32
      %get3A_679 = arith.index_cast %get3A_678 : i32 to index
      %get3A_680 = arith.index_cast %squeeze3A_602 : i32 to index
      %get3A_681 = arith.constant 32 : index
      %get3A_682 = tpu.vector_load %arg8[%get3A_679, %get3A_680, %get3A_681] {strides = array<i32>} : memref<3x19x208xf32, #tpu.memory_space<vmem>>, vector<16xf32>,
      %sub3A_683 = arith.subf %div3A_605, %get3A_682 : vector<16xf32>
      %mul3A_684 = arith.mulf %sub3A_683, %sub3A_683 : vector<16xf32>
      %get3A_685 = arith.constant 1 : i32
      %get3A_686 = arith.index_cast %get3A_685 : i32 to index
      %get3A_687 = arith.index_cast %squeeze3A_602 : i32 to index
      %get3A_688 = arith.constant 32 : index
      %get3A_689 = tpu.vector_load %arg8[%get3A_686, %get3A_687, %get3A_688] {strides = array<i32>} : memref<3x19x208xf32, #tpu.memory_space<vmem>>, vector<16xf32>,
      %sub3A_690 = arith.subf %div3A_607, %get3A_689 : vector<16xf32>
      %mul3A_691 = arith.mulf %sub3A_690, %sub3A_690 : vector<16xf32>
      %add3A_692 = arith.addf %mul3A_684, %mul3A_691 : vector<16xf32>
      %get3A_693 = arith.constant 2 : i32
      %get3A_694 = arith.index_cast %get3A_693 : i32 to index
      %get3A_695 = arith.index_cast %squeeze3A_602 : i32 to index
      %get3A_696 = arith.constant 32 : index
      %get3A_697 = tpu.vector_load %arg8[%get3A_694, %get3A_695, %get3A_696] {strides = array<i32>} : memref<3x19x208xf32, #tpu.memory_space<vmem>>, vector<16xf32>,
      %sub3A_698 = arith.subf %div3A_609, %get3A_697 : vector<16xf32>
      %mul3A_699 = arith.mulf %sub3A_698, %sub3A_698 : vector<16xf32>
      %add3A_700 = arith.addf %add3A_692, %mul3A_699 : vector<16xf32>
      %add3A_701 = arith.addi %mul3A_612, %add3A_677 : vector<16xi32>
      %masked_sort3A_702 = arith.constant dense<true> : vector<16xi1>
      %masked_sort3A_703, %masked_sort3A_704, %masked_sort3A_705 = tpu.sort %add3A_700, %add3A_701 masked %masked_sort3A_702 : (vector<16xf32>, vector<16xi32>, vector<16xi1>) -> (vector<16xi1>, vector<16xf32>, vector<16xi32>)
      %add3A_706 = arith.constant 48 : i32
      %add3A_707 = vector.broadcast %add3A_706 : i32 to vector<16xi32>
      %add3A_708 = arith.addi %iota3A, %add3A_707 : vector<16xi32>
      %get3A_709 = arith.constant 0 : i32
      %get3A_710 = arith.index_cast %get3A_709 : i32 to index
      %get3A_711 = arith.index_cast %squeeze3A_602 : i32 to index
      %get3A_712 = arith.constant 48 : index
      %get3A_713 = tpu.vector_load %arg8[%get3A_710, %get3A_711, %get3A_712] {strides = array<i32>} : memref<3x19x208xf32, #tpu.memory_space<vmem>>, vector<16xf32>,
      %sub3A_714 = arith.subf %div3A_605, %get3A_713 : vector<16xf32>
      %mul3A_715 = arith.mulf %sub3A_714, %sub3A_714 : vector<16xf32>
      %get3A_716 = arith.constant 1 : i32
      %get3A_717 = arith.index_cast %get3A_716 : i32 to index
      %get3A_718 = arith.index_cast %squeeze3A_602 : i32 to index
      %get3A_719 = arith.constant 48 : index
      %get3A_720 = tpu.vector_load %arg8[%get3A_717, %get3A_718, %get3A_719] {strides = array<i32>} : memref<3x19x208xf32, #tpu.memory_space<vmem>>, vector<16xf32>,
      %sub3A_721 = arith.subf %div3A_607, %get3A_720 : vector<16xf32>
      %mul3A_722 = arith.mulf %sub3A_721, %sub3A_721 : vector<16xf32>
      %add3A_723 = arith.addf %mul3A_715, %mul3A_722 : vector<16xf32>
      %get3A_724 = arith.constant 2 : i32
      %get3A_725 = arith.index_cast %get3A_724 : i32 to index
      %get3A_726 = arith.index_cast %squeeze3A_602 : i32 to index
      %get3A_727 = arith.constant 48 : index
      %get3A_728 = tpu.vector_load %arg8[%get3A_725, %get3A_726, %get3A_727] {strides = array<i32>} : memref<3x19x208xf32, #tpu.memory_space<vmem>>, vector<16xf32>,
      %sub3A_729 = arith.subf %div3A_609, %get3A_728 : vector<16xf32>
      %mul3A_730 = arith.mulf %sub3A_729, %sub3A_729 : vector<16xf32>
      %add3A_731 = arith.addf %add3A_723, %mul3A_730 : vector<16xf32>
      %add3A_732 = arith.addi %mul3A_612, %add3A_708 : vector<16xi32>
      %masked_sort3A_733 = arith.constant dense<true> : vector<16xi1>
      %masked_sort3A_734, %masked_sort3A_735, %masked_sort3A_736 = tpu.sort %add3A_731, %add3A_732 masked %masked_sort3A_733 : (vector<16xf32>, vector<16xi32>, vector<16xi1>) -> (vector<16xi1>, vector<16xf32>, vector<16xi32>)
      %add3A_737 = arith.constant 64 : i32
      %add3A_738 = vector.broadcast %add3A_737 : i32 to vector<16xi32>
      %add3A_739 = arith.addi %iota3A, %add3A_738 : vector<16xi32>
      %get3A_740 = arith.constant 0 : i32
      %get3A_741 = arith.index_cast %get3A_740 : i32 to index
      %get3A_742 = arith.index_cast %squeeze3A_602 : i32 to index
      %get3A_743 = arith.constant 64 : index
      %get3A_744 = tpu.vector_load %arg8[%get3A_741, %get3A_742, %get3A_743] {strides = array<i32>} : memref<3x19x208xf32, #tpu.memory_space<vmem>>, vector<16xf32>,
      %sub3A_745 = arith.subf %div3A_605, %get3A_744 : vector<16xf32>
      %mul3A_746 = arith.mulf %sub3A_745, %sub3A_745 : vector<16xf32>
      %get3A_747 = arith.constant 1 : i32
      %get3A_748 = arith.index_cast %get3A_747 : i32 to index
      %get3A_749 = arith.index_cast %squeeze3A_602 : i32 to index
      %get3A_750 = arith.constant 64 : index
      %get3A_751 = tpu.vector_load %arg8[%get3A_748, %get3A_749, %get3A_750] {strides = array<i32>} : memref<3x19x208xf32, #tpu.memory_space<vmem>>, vector<16xf32>,
      %sub3A_752 = arith.subf %div3A_607, %get3A_751 : vector<16xf32>
      %mul3A_753 = arith.mulf %sub3A_752, %sub3A_752 : vector<16xf32>
      %add3A_754 = arith.addf %mul3A_746, %mul3A_753 : vector<16xf32>
      %get3A_755 = arith.constant 2 : i32
      %get3A_756 = arith.index_cast %get3A_755 : i32 to index
      %get3A_757 = arith.index_cast %squeeze3A_602 : i32 to index
      %get3A_758 = arith.constant 64 : index
      %get3A_759 = tpu.vector_load %arg8[%get3A_756, %get3A_757, %get3A_758] {strides = array<i32>} : memref<3x19x208xf32, #tpu.memory_space<vmem>>, vector<16xf32>,
      %sub3A_760 = arith.subf %div3A_609, %get3A_759 : vector<16xf32>
      %mul3A_761 = arith.mulf %sub3A_760, %sub3A_760 : vector<16xf32>
      %add3A_762 = arith.addf %add3A_754, %mul3A_761 : vector<16xf32>
      %add3A_763 = arith.addi %mul3A_612, %add3A_739 : vector<16xi32>
      %masked_sort3A_764 = arith.constant dense<true> : vector<16xi1>
      %masked_sort3A_765, %masked_sort3A_766, %masked_sort3A_767 = tpu.sort %add3A_762, %add3A_763 masked %masked_sort3A_764 : (vector<16xf32>, vector<16xi32>, vector<16xi1>) -> (vector<16xi1>, vector<16xf32>, vector<16xi32>)
      %add3A_768 = arith.constant 80 : i32
      %add3A_769 = vector.broadcast %add3A_768 : i32 to vector<16xi32>
      %add3A_770 = arith.addi %iota3A, %add3A_769 : vector<16xi32>
      %get3A_771 = arith.constant 0 : i32
      %get3A_772 = arith.index_cast %get3A_771 : i32 to index
      %get3A_773 = arith.index_cast %squeeze3A_602 : i32 to index
      %get3A_774 = arith.constant 80 : index
      %get3A_775 = tpu.vector_load %arg8[%get3A_772, %get3A_773, %get3A_774] {strides = array<i32>} : memref<3x19x208xf32, #tpu.memory_space<vmem>>, vector<16xf32>,
      %sub3A_776 = arith.subf %div3A_605, %get3A_775 : vector<16xf32>
      %mul3A_777 = arith.mulf %sub3A_776, %sub3A_776 : vector<16xf32>
      %get3A_778 = arith.constant 1 : i32
      %get3A_779 = arith.index_cast %get3A_778 : i32 to index
      %get3A_780 = arith.index_cast %squeeze3A_602 : i32 to index
      %get3A_781 = arith.constant 80 : index
      %get3A_782 = tpu.vector_load %arg8[%get3A_779, %get3A_780, %get3A_781] {strides = array<i32>} : memref<3x19x208xf32, #tpu.memory_space<vmem>>, vector<16xf32>,
      %sub3A_783 = arith.subf %div3A_607, %get3A_782 : vector<16xf32>
      %mul3A_784 = arith.mulf %sub3A_783, %sub3A_783 : vector<16xf32>
      %add3A_785 = arith.addf %mul3A_777, %mul3A_784 : vector<16xf32>
      %get3A_786 = arith.constant 2 : i32
      %get3A_787 = arith.index_cast %get3A_786 : i32 to index
      %get3A_788 = arith.index_cast %squeeze3A_602 : i32 to index
      %get3A_789 = arith.constant 80 : index
      %get3A_790 = tpu.vector_load %arg8[%get3A_787, %get3A_788, %get3A_789] {strides = array<i32>} : memref<3x19x208xf32, #tpu.memory_space<vmem>>, vector<16xf32>,
      %sub3A_791 = arith.subf %div3A_609, %get3A_790 : vector<16xf32>
      %mul3A_792 = arith.mulf %sub3A_791, %sub3A_791 : vector<16xf32>
      %add3A_793 = arith.addf %add3A_785, %mul3A_792 : vector<16xf32>
      %add3A_794 = arith.addi %mul3A_612, %add3A_770 : vector<16xi32>
      %masked_sort3A_795 = arith.constant dense<true> : vector<16xi1>
      %masked_sort3A_796, %masked_sort3A_797, %masked_sort3A_798 = tpu.sort %add3A_793, %add3A_794 masked %masked_sort3A_795 : (vector<16xf32>, vector<16xi32>, vector<16xi1>) -> (vector<16xi1>, vector<16xf32>, vector<16xi32>)
      %add3A_799 = arith.constant 96 : i32
      %add3A_800 = vector.broadcast %add3A_799 : i32 to vector<16xi32>
      %add3A_801 = arith.addi %iota3A, %add3A_800 : vector<16xi32>
      %get3A_802 = arith.constant 0 : i32
      %get3A_803 = arith.index_cast %get3A_802 : i32 to index
      %get3A_804 = arith.index_cast %squeeze3A_602 : i32 to index
      %get3A_805 = arith.constant 96 : index
      %get3A_806 = tpu.vector_load %arg8[%get3A_803, %get3A_804, %get3A_805] {strides = array<i32>} : memref<3x19x208xf32, #tpu.memory_space<vmem>>, vector<16xf32>,
      %sub3A_807 = arith.subf %div3A_605, %get3A_806 : vector<16xf32>
      %mul3A_808 = arith.mulf %sub3A_807, %sub3A_807 : vector<16xf32>
      %get3A_809 = arith.constant 1 : i32
      %get3A_810 = arith.index_cast %get3A_809 : i32 to index
      %get3A_811 = arith.index_cast %squeeze3A_602 : i32 to index
      %get3A_812 = arith.constant 96 : index
      %get3A_813 = tpu.vector_load %arg8[%get3A_810, %get3A_811, %get3A_812] {strides = array<i32>} : memref<3x19x208xf32, #tpu.memory_space<vmem>>, vector<16xf32>,
      %sub3A_814 = arith.subf %div3A_607, %get3A_813 : vector<16xf32>
      %mul3A_815 = arith.mulf %sub3A_814, %sub3A_814 : vector<16xf32>
      %add3A_816 = arith.addf %mul3A_808, %mul3A_815 : vector<16xf32>
      %get3A_817 = arith.constant 2 : i32
      %get3A_818 = arith.index_cast %get3A_817 : i32 to index
      %get3A_819 = arith.index_cast %squeeze3A_602 : i32 to index
      %get3A_820 = arith.constant 96 : index
      %get3A_821 = tpu.vector_load %arg8[%get3A_818, %get3A_819, %get3A_820] {strides = array<i32>} : memref<3x19x208xf32, #tpu.memory_space<vmem>>, vector<16xf32>,
      %sub3A_822 = arith.subf %div3A_609, %get3A_821 : vector<16xf32>
      %mul3A_823 = arith.mulf %sub3A_822, %sub3A_822 : vector<16xf32>
      %add3A_824 = arith.addf %add3A_816, %mul3A_823 : vector<16xf32>
      %add3A_825 = arith.addi %mul3A_612, %add3A_801 : vector<16xi32>
      %masked_sort3A_826 = arith.constant dense<true> : vector<16xi1>
      %masked_sort3A_827, %masked_sort3A_828, %masked_sort3A_829 = tpu.sort %add3A_824, %add3A_825 masked %masked_sort3A_826 : (vector<16xf32>, vector<16xi32>, vector<16xi1>) -> (vector<16xi1>, vector<16xf32>, vector<16xi32>)
      %add3A_830 = arith.constant 112 : i32
      %add3A_831 = vector.broadcast %add3A_830 : i32 to vector<16xi32>
      %add3A_832 = arith.addi %iota3A, %add3A_831 : vector<16xi32>
      %get3A_833 = arith.constant 0 : i32
      %get3A_834 = arith.index_cast %get3A_833 : i32 to index
      %get3A_835 = arith.index_cast %squeeze3A_602 : i32 to index
      %get3A_836 = arith.constant 112 : index
      %get3A_837 = tpu.vector_load %arg8[%get3A_834, %get3A_835, %get3A_836] {strides = array<i32>} : memref<3x19x208xf32, #tpu.memory_space<vmem>>, vector<16xf32>,
      %sub3A_838 = arith.subf %div3A_605, %get3A_837 : vector<16xf32>
      %mul3A_839 = arith.mulf %sub3A_838, %sub3A_838 : vector<16xf32>
      %get3A_840 = arith.constant 1 : i32
      %get3A_841 = arith.index_cast %get3A_840 : i32 to index
      %get3A_842 = arith.index_cast %squeeze3A_602 : i32 to index
      %get3A_843 = arith.constant 112 : index
      %get3A_844 = tpu.vector_load %arg8[%get3A_841, %get3A_842, %get3A_843] {strides = array<i32>} : memref<3x19x208xf32, #tpu.memory_space<vmem>>, vector<16xf32>,
      %sub3A_845 = arith.subf %div3A_607, %get3A_844 : vector<16xf32>
      %mul3A_846 = arith.mulf %sub3A_845, %sub3A_845 : vector<16xf32>
      %add3A_847 = arith.addf %mul3A_839, %mul3A_846 : vector<16xf32>
      %get3A_848 = arith.constant 2 : i32
      %get3A_849 = arith.index_cast %get3A_848 : i32 to index
      %get3A_850 = arith.index_cast %squeeze3A_602 : i32 to index
      %get3A_851 = arith.constant 112 : index
      %get3A_852 = tpu.vector_load %arg8[%get3A_849, %get3A_850, %get3A_851] {strides = array<i32>} : memref<3x19x208xf32, #tpu.memory_space<vmem>>, vector<16xf32>,
      %sub3A_853 = arith.subf %div3A_609, %get3A_852 : vector<16xf32>
      %mul3A_854 = arith.mulf %sub3A_853, %sub3A_853 : vector<16xf32>
      %add3A_855 = arith.addf %add3A_847, %mul3A_854 : vector<16xf32>
      %add3A_856 = arith.addi %mul3A_612, %add3A_832 : vector<16xi32>
      %masked_sort3A_857 = arith.constant dense<true> : vector<16xi1>
      %masked_sort3A_858, %masked_sort3A_859, %masked_sort3A_860 = tpu.sort %add3A_855, %add3A_856 masked %masked_sort3A_857 : (vector<16xf32>, vector<16xi32>, vector<16xi1>) -> (vector<16xi1>, vector<16xf32>, vector<16xi32>)
      %add3A_861 = arith.constant 128 : i32
      %add3A_862 = vector.broadcast %add3A_861 : i32 to vector<16xi32>
      %add3A_863 = arith.addi %iota3A, %add3A_862 : vector<16xi32>
      %get3A_864 = arith.constant 0 : i32
      %get3A_865 = arith.index_cast %get3A_864 : i32 to index
      %get3A_866 = arith.index_cast %squeeze3A_602 : i32 to index
      %get3A_867 = arith.constant 128 : index
      %get3A_868 = tpu.vector_load %arg8[%get3A_865, %get3A_866, %get3A_867] {strides = array<i32>} : memref<3x19x208xf32, #tpu.memory_space<vmem>>, vector<16xf32>,
      %sub3A_869 = arith.subf %div3A_605, %get3A_868 : vector<16xf32>
      %mul3A_870 = arith.mulf %sub3A_869, %sub3A_869 : vector<16xf32>
      %get3A_871 = arith.constant 1 : i32
      %get3A_872 = arith.index_cast %get3A_871 : i32 to index
      %get3A_873 = arith.index_cast %squeeze3A_602 : i32 to index
      %get3A_874 = arith.constant 128 : index
      %get3A_875 = tpu.vector_load %arg8[%get3A_872, %get3A_873, %get3A_874] {strides = array<i32>} : memref<3x19x208xf32, #tpu.memory_space<vmem>>, vector<16xf32>,
      %sub3A_876 = arith.subf %div3A_607, %get3A_875 : vector<16xf32>
      %mul3A_877 = arith.mulf %sub3A_876, %sub3A_876 : vector<16xf32>
      %add3A_878 = arith.addf %mul3A_870, %mul3A_877 : vector<16xf32>
      %get3A_879 = arith.constant 2 : i32
      %get3A_880 = arith.index_cast %get3A_879 : i32 to index
      %get3A_881 = arith.index_cast %squeeze3A_602 : i32 to index
      %get3A_882 = arith.constant 128 : index
      %get3A_883 = tpu.vector_load %arg8[%get3A_880, %get3A_881, %get3A_882] {strides = array<i32>} : memref<3x19x208xf32, #tpu.memory_space<vmem>>, vector<16xf32>,
      %sub3A_884 = arith.subf %div3A_609, %get3A_883 : vector<16xf32>
      %mul3A_885 = arith.mulf %sub3A_884, %sub3A_884 : vector<16xf32>
      %add3A_886 = arith.addf %add3A_878, %mul3A_885 : vector<16xf32>
      %add3A_887 = arith.addi %mul3A_612, %add3A_863 : vector<16xi32>
      %masked_sort3A_888 = arith.constant dense<true> : vector<16xi1>
      %masked_sort3A_889, %masked_sort3A_890, %masked_sort3A_891 = tpu.sort %add3A_886, %add3A_887 masked %masked_sort3A_888 : (vector<16xf32>, vector<16xi32>, vector<16xi1>) -> (vector<16xi1>, vector<16xf32>, vector<16xi32>)
      %add3A_892 = arith.constant 144 : i32
      %add3A_893 = vector.broadcast %add3A_892 : i32 to vector<16xi32>
      %add3A_894 = arith.addi %iota3A, %add3A_893 : vector<16xi32>
      %get3A_895 = arith.constant 0 : i32
      %get3A_896 = arith.index_cast %get3A_895 : i32 to index
      %get3A_897 = arith.index_cast %squeeze3A_602 : i32 to index
      %get3A_898 = arith.constant 144 : index
      %get3A_899 = tpu.vector_load %arg8[%get3A_896, %get3A_897, %get3A_898] {strides = array<i32>} : memref<3x19x208xf32, #tpu.memory_space<vmem>>, vector<16xf32>,
      %sub3A_900 = arith.subf %div3A_605, %get3A_899 : vector<16xf32>
      %mul3A_901 = arith.mulf %sub3A_900, %sub3A_900 : vector<16xf32>
      %get3A_902 = arith.constant 1 : i32
      %get3A_903 = arith.index_cast %get3A_902 : i32 to index
      %get3A_904 = arith.index_cast %squeeze3A_602 : i32 to index
      %get3A_905 = arith.constant 144 : index
      %get3A_906 = tpu.vector_load %arg8[%get3A_903, %get3A_904, %get3A_905] {strides = array<i32>} : memref<3x19x208xf32, #tpu.memory_space<vmem>>, vector<16xf32>,
      %sub3A_907 = arith.subf %div3A_607, %get3A_906 : vector<16xf32>
      %mul3A_908 = arith.mulf %sub3A_907, %sub3A_907 : vector<16xf32>
      %add3A_909 = arith.addf %mul3A_901, %mul3A_908 : vector<16xf32>
      %get3A_910 = arith.constant 2 : i32
      %get3A_911 = arith.index_cast %get3A_910 : i32 to index
      %get3A_912 = arith.index_cast %squeeze3A_602 : i32 to index
      %get3A_913 = arith.constant 144 : index
      %get3A_914 = tpu.vector_load %arg8[%get3A_911, %get3A_912, %get3A_913] {strides = array<i32>} : memref<3x19x208xf32, #tpu.memory_space<vmem>>, vector<16xf32>,
      %sub3A_915 = arith.subf %div3A_609, %get3A_914 : vector<16xf32>
      %mul3A_916 = arith.mulf %sub3A_915, %sub3A_915 : vector<16xf32>
      %add3A_917 = arith.addf %add3A_909, %mul3A_916 : vector<16xf32>
      %add3A_918 = arith.addi %mul3A_612, %add3A_894 : vector<16xi32>
      %masked_sort3A_919 = arith.constant dense<true> : vector<16xi1>
      %masked_sort3A_920, %masked_sort3A_921, %masked_sort3A_922 = tpu.sort %add3A_917, %add3A_918 masked %masked_sort3A_919 : (vector<16xf32>, vector<16xi32>, vector<16xi1>) -> (vector<16xi1>, vector<16xf32>, vector<16xi32>)
      %add3A_923 = arith.constant 160 : i32
      %add3A_924 = vector.broadcast %add3A_923 : i32 to vector<16xi32>
      %add3A_925 = arith.addi %iota3A, %add3A_924 : vector<16xi32>
      %get3A_926 = arith.constant 0 : i32
      %get3A_927 = arith.index_cast %get3A_926 : i32 to index
      %get3A_928 = arith.index_cast %squeeze3A_602 : i32 to index
      %get3A_929 = arith.constant 160 : index
      %get3A_930 = tpu.vector_load %arg8[%get3A_927, %get3A_928, %get3A_929] {strides = array<i32>} : memref<3x19x208xf32, #tpu.memory_space<vmem>>, vector<16xf32>,
      %sub3A_931 = arith.subf %div3A_605, %get3A_930 : vector<16xf32>
      %mul3A_932 = arith.mulf %sub3A_931, %sub3A_931 : vector<16xf32>
      %get3A_933 = arith.constant 1 : i32
      %get3A_934 = arith.index_cast %get3A_933 : i32 to index
      %get3A_935 = arith.index_cast %squeeze3A_602 : i32 to index
      %get3A_936 = arith.constant 160 : index
      %get3A_937 = tpu.vector_load %arg8[%get3A_934, %get3A_935, %get3A_936] {strides = array<i32>} : memref<3x19x208xf32, #tpu.memory_space<vmem>>, vector<16xf32>,
      %sub3A_938 = arith.subf %div3A_607, %get3A_937 : vector<16xf32>
      %mul3A_939 = arith.mulf %sub3A_938, %sub3A_938 : vector<16xf32>
      %add3A_940 = arith.addf %mul3A_932, %mul3A_939 : vector<16xf32>
      %get3A_941 = arith.constant 2 : i32
      %get3A_942 = arith.index_cast %get3A_941 : i32 to index
      %get3A_943 = arith.index_cast %squeeze3A_602 : i32 to index
      %get3A_944 = arith.constant 160 : index
      %get3A_945 = tpu.vector_load %arg8[%get3A_942, %get3A_943, %get3A_944] {strides = array<i32>} : memref<3x19x208xf32, #tpu.memory_space<vmem>>, vector<16xf32>,
      %sub3A_946 = arith.subf %div3A_609, %get3A_945 : vector<16xf32>
      %mul3A_947 = arith.mulf %sub3A_946, %sub3A_946 : vector<16xf32>
      %add3A_948 = arith.addf %add3A_940, %mul3A_947 : vector<16xf32>
      %add3A_949 = arith.addi %mul3A_612, %add3A_925 : vector<16xi32>
      %masked_sort3A_950 = arith.constant dense<true> : vector<16xi1>
      %masked_sort3A_951, %masked_sort3A_952, %masked_sort3A_953 = tpu.sort %add3A_948, %add3A_949 masked %masked_sort3A_950 : (vector<16xf32>, vector<16xi32>, vector<16xi1>) -> (vector<16xi1>, vector<16xf32>, vector<16xi32>)
      %add3A_954 = arith.constant 176 : i32
      %add3A_955 = vector.broadcast %add3A_954 : i32 to vector<16xi32>
      %add3A_956 = arith.addi %iota3A, %add3A_955 : vector<16xi32>
      %get3A_957 = arith.constant 0 : i32
      %get3A_958 = arith.index_cast %get3A_957 : i32 to index
      %get3A_959 = arith.index_cast %squeeze3A_602 : i32 to index
      %get3A_960 = arith.constant 176 : index
      %get3A_961 = tpu.vector_load %arg8[%get3A_958, %get3A_959, %get3A_960] {strides = array<i32>} : memref<3x19x208xf32, #tpu.memory_space<vmem>>, vector<16xf32>,
      %sub3A_962 = arith.subf %div3A_605, %get3A_961 : vector<16xf32>
      %mul3A_963 = arith.mulf %sub3A_962, %sub3A_962 : vector<16xf32>
      %get3A_964 = arith.constant 1 : i32
      %get3A_965 = arith.index_cast %get3A_964 : i32 to index
      %get3A_966 = arith.index_cast %squeeze3A_602 : i32 to index
      %get3A_967 = arith.constant 176 : index
      %get3A_968 = tpu.vector_load %arg8[%get3A_965, %get3A_966, %get3A_967] {strides = array<i32>} : memref<3x19x208xf32, #tpu.memory_space<vmem>>, vector<16xf32>,
      %sub3A_969 = arith.subf %div3A_607, %get3A_968 : vector<16xf32>
      %mul3A_970 = arith.mulf %sub3A_969, %sub3A_969 : vector<16xf32>
      %add3A_971 = arith.addf %mul3A_963, %mul3A_970 : vector<16xf32>
      %get3A_972 = arith.constant 2 : i32
      %get3A_973 = arith.index_cast %get3A_972 : i32 to index
      %get3A_974 = arith.index_cast %squeeze3A_602 : i32 to index
      %get3A_975 = arith.constant 176 : index
      %get3A_976 = tpu.vector_load %arg8[%get3A_973, %get3A_974, %get3A_975] {strides = array<i32>} : memref<3x19x208xf32, #tpu.memory_space<vmem>>, vector<16xf32>,
      %sub3A_977 = arith.subf %div3A_609, %get3A_976 : vector<16xf32>
      %mul3A_978 = arith.mulf %sub3A_977, %sub3A_977 : vector<16xf32>
      %add3A_979 = arith.addf %add3A_971, %mul3A_978 : vector<16xf32>
      %add3A_980 = arith.addi %mul3A_612, %add3A_956 : vector<16xi32>
      %masked_sort3A_981 = arith.constant dense<true> : vector<16xi1>
      %masked_sort3A_982, %masked_sort3A_983, %masked_sort3A_984 = tpu.sort %add3A_979, %add3A_980 masked %masked_sort3A_981 : (vector<16xf32>, vector<16xi32>, vector<16xi1>) -> (vector<16xi1>, vector<16xf32>, vector<16xi32>)
      %add3A_985 = arith.constant 192 : i32
      %add3A_986 = vector.broadcast %add3A_985 : i32 to vector<16xi32>
      %add3A_987 = arith.addi %iota3A, %add3A_986 : vector<16xi32>
      %get3A_988 = arith.constant 0 : i32
      %get3A_989 = arith.index_cast %get3A_988 : i32 to index
      %get3A_990 = arith.index_cast %squeeze3A_602 : i32 to index
      %get3A_991 = arith.constant 192 : index
      %get3A_992 = tpu.vector_load %arg8[%get3A_989, %get3A_990, %get3A_991] {strides = array<i32>} : memref<3x19x208xf32, #tpu.memory_space<vmem>>, vector<16xf32>,
      %sub3A_993 = arith.subf %div3A_605, %get3A_992 : vector<16xf32>
      %mul3A_994 = arith.mulf %sub3A_993, %sub3A_993 : vector<16xf32>
      %get3A_995 = arith.constant 1 : i32
      %get3A_996 = arith.index_cast %get3A_995 : i32 to index
      %get3A_997 = arith.index_cast %squeeze3A_602 : i32 to index
      %get3A_998 = arith.constant 192 : index
      %get3A_999 = tpu.vector_load %arg8[%get3A_996, %get3A_997, %get3A_998] {strides = array<i32>} : memref<3x19x208xf32, #tpu.memory_space<vmem>>, vector<16xf32>,
      %sub3A_1000 = arith.subf %div3A_607, %get3A_999 : vector<16xf32>
      %mul3A_1001 = arith.mulf %sub3A_1000, %sub3A_1000 : vector<16xf32>
      %add3A_1002 = arith.addf %mul3A_994, %mul3A_1001 : vector<16xf32>
      %get3A_1003 = arith.constant 2 : i32
      %get3A_1004 = arith.index_cast %get3A_1003 : i32 to index
      %get3A_1005 = arith.index_cast %squeeze3A_602 : i32 to index
      %get3A_1006 = arith.constant 192 : index
      %get3A_1007 = tpu.vector_load %arg8[%get3A_1004, %get3A_1005, %get3A_1006] {strides = array<i32>} : memref<3x19x208xf32, #tpu.memory_space<vmem>>, vector<16xf32>,
      %sub3A_1008 = arith.subf %div3A_609, %get3A_1007 : vector<16xf32>
      %mul3A_1009 = arith.mulf %sub3A_1008, %sub3A_1008 : vector<16xf32>
      %add3A_1010 = arith.addf %add3A_1002, %mul3A_1009 : vector<16xf32>
      %add3A_1011 = arith.addi %mul3A_612, %add3A_987 : vector<16xi32>
      %masked_sort3A_1012 = arith.constant dense<true> : vector<16xi1>
      %masked_sort3A_1013, %masked_sort3A_1014, %masked_sort3A_1015 = tpu.sort %add3A_1010, %add3A_1011 masked %masked_sort3A_1012 : (vector<16xf32>, vector<16xi32>, vector<16xi1>) -> (vector<16xi1>, vector<16xf32>, vector<16xi32>)
      %slice3A_1016 = vector.extract_strided_slice %scan3A_125 {offsets = [2], sizes = [1], strides = [1]} : vector<16xi32> to vector<1xi32>
      %squeeze3A_1017 = vector.extract %slice3A_1016[0] : i32 from vector<1xi32>
      %broadcast_in_dim3A_1018 = vector.broadcast %squeeze3A_1017 : i32 to vector<16xi32>
      %gather3A_1019 = tpu.vector_load_idx %arg9[%broadcast_in_dim3A_1018, %broadcast_in_dim3A_3] : memref<32x3xf32, #tpu.memory_space<vmem>>[vector<16xi32>, vector<16xi32>], vector<16xf32>,
      %div3A_1020 = arith.divf %scan3A_126, %gather3A_1019 : vector<16xf32>
      %gather3A_1021 = tpu.vector_load_idx %arg9[%broadcast_in_dim3A_1018, %broadcast_in_dim3A_5] : memref<32x3xf32, #tpu.memory_space<vmem>>[vector<16xi32>, vector<16xi32>], vector<16xf32>,
      %div3A_1022 = arith.divf %scan3A_127, %gather3A_1021 : vector<16xf32>
      %gather3A_1023 = tpu.vector_load_idx %arg9[%broadcast_in_dim3A_1018, %broadcast_in_dim3A_7] : memref<32x3xf32, #tpu.memory_space<vmem>>[vector<16xi32>, vector<16xi32>], vector<16xf32>,
      %div3A_1024 = arith.divf %scan3A_128, %gather3A_1023 : vector<16xf32>
      %mul3A_1025 = arith.constant 200 : i32
      %mul3A_1026 = vector.broadcast %mul3A_1025 : i32 to vector<16xi32>
      %mul3A_1027 = arith.muli %broadcast_in_dim3A_1018, %mul3A_1026 : vector<16xi32>
      %add3A_1028 = arith.constant 0 : i32
      %add3A_1029 = vector.broadcast %add3A_1028 : i32 to vector<16xi32>
      %add3A_1030 = arith.addi %iota3A, %add3A_1029 : vector<16xi32>
      %get3A_1031 = arith.constant 0 : i32
      %get3A_1032 = arith.index_cast %get3A_1031 : i32 to index
      %get3A_1033 = arith.index_cast %squeeze3A_1017 : i32 to index
      %get3A_1034 = arith.constant 0 : index
      %get3A_1035 = tpu.vector_load %arg8[%get3A_1032, %get3A_1033, %get3A_1034] {strides = array<i32>} : memref<3x19x208xf32, #tpu.memory_space<vmem>>, vector<16xf32>,
      %sub3A_1036 = arith.subf %div3A_1020, %get3A_1035 : vector<16xf32>
      %mul3A_1037 = arith.mulf %sub3A_1036, %sub3A_1036 : vector<16xf32>
      %get3A_1038 = arith.constant 1 : i32
      %get3A_1039 = arith.index_cast %get3A_1038 : i32 to index
      %get3A_1040 = arith.index_cast %squeeze3A_1017 : i32 to index
      %get3A_1041 = arith.constant 0 : index
      %get3A_1042 = tpu.vector_load %arg8[%get3A_1039, %get3A_1040, %get3A_1041] {strides = array<i32>} : memref<3x19x208xf32, #tpu.memory_space<vmem>>, vector<16xf32>,
      %sub3A_1043 = arith.subf %div3A_1022, %get3A_1042 : vector<16xf32>
      %mul3A_1044 = arith.mulf %sub3A_1043, %sub3A_1043 : vector<16xf32>
      %add3A_1045 = arith.addf %mul3A_1037, %mul3A_1044 : vector<16xf32>
      %get3A_1046 = arith.constant 2 : i32
      %get3A_1047 = arith.index_cast %get3A_1046 : i32 to index
      %get3A_1048 = arith.index_cast %squeeze3A_1017 : i32 to index
      %get3A_1049 = arith.constant 0 : index
      %get3A_1050 = tpu.vector_load %arg8[%get3A_1047, %get3A_1048, %get3A_1049] {strides = array<i32>} : memref<3x19x208xf32, #tpu.memory_space<vmem>>, vector<16xf32>,
      %sub3A_1051 = arith.subf %div3A_1024, %get3A_1050 : vector<16xf32>
      %mul3A_1052 = arith.mulf %sub3A_1051, %sub3A_1051 : vector<16xf32>
      %add3A_1053 = arith.addf %add3A_1045, %mul3A_1052 : vector<16xf32>
      %add3A_1054 = arith.addi %mul3A_1027, %add3A_1030 : vector<16xi32>
      %masked_sort3A_1055 = arith.constant dense<true> : vector<16xi1>
      %masked_sort3A_1056, %masked_sort3A_1057, %masked_sort3A_1058 = tpu.sort %add3A_1053, %add3A_1054 masked %masked_sort3A_1055 : (vector<16xf32>, vector<16xi32>, vector<16xi1>) -> (vector<16xi1>, vector<16xf32>, vector<16xi32>)
      %add3A_1059 = arith.constant 16 : i32
      %add3A_1060 = vector.broadcast %add3A_1059 : i32 to vector<16xi32>
      %add3A_1061 = arith.addi %iota3A, %add3A_1060 : vector<16xi32>
      %get3A_1062 = arith.constant 0 : i32
      %get3A_1063 = arith.index_cast %get3A_1062 : i32 to index
      %get3A_1064 = arith.index_cast %squeeze3A_1017 : i32 to index
      %get3A_1065 = arith.constant 16 : index
      %get3A_1066 = tpu.vector_load %arg8[%get3A_1063, %get3A_1064, %get3A_1065] {strides = array<i32>} : memref<3x19x208xf32, #tpu.memory_space<vmem>>, vector<16xf32>,
      %sub3A_1067 = arith.subf %div3A_1020, %get3A_1066 : vector<16xf32>
      %mul3A_1068 = arith.mulf %sub3A_1067, %sub3A_1067 : vector<16xf32>
      %get3A_1069 = arith.constant 1 : i32
      %get3A_1070 = arith.index_cast %get3A_1069 : i32 to index
      %get3A_1071 = arith.index_cast %squeeze3A_1017 : i32 to index
      %get3A_1072 = arith.constant 16 : index
      %get3A_1073 = tpu.vector_load %arg8[%get3A_1070, %get3A_1071, %get3A_1072] {strides = array<i32>} : memref<3x19x208xf32, #tpu.memory_space<vmem>>, vector<16xf32>,
      %sub3A_1074 = arith.subf %div3A_1022, %get3A_1073 : vector<16xf32>
      %mul3A_1075 = arith.mulf %sub3A_1074, %sub3A_1074 : vector<16xf32>
      %add3A_1076 = arith.addf %mul3A_1068, %mul3A_1075 : vector<16xf32>
      %get3A_1077 = arith.constant 2 : i32
      %get3A_1078 = arith.index_cast %get3A_1077 : i32 to index
      %get3A_1079 = arith.index_cast %squeeze3A_1017 : i32 to index
      %get3A_1080 = arith.constant 16 : index
      %get3A_1081 = tpu.vector_load %arg8[%get3A_1078, %get3A_1079, %get3A_1080] {strides = array<i32>} : memref<3x19x208xf32, #tpu.memory_space<vmem>>, vector<16xf32>,
      %sub3A_1082 = arith.subf %div3A_1024, %get3A_1081 : vector<16xf32>
      %mul3A_1083 = arith.mulf %sub3A_1082, %sub3A_1082 : vector<16xf32>
      %add3A_1084 = arith.addf %add3A_1076, %mul3A_1083 : vector<16xf32>
      %add3A_1085 = arith.addi %mul3A_1027, %add3A_1061 : vector<16xi32>
      %masked_sort3A_1086 = arith.constant dense<true> : vector<16xi1>
      %masked_sort3A_1087, %masked_sort3A_1088, %masked_sort3A_1089 = tpu.sort %add3A_1084, %add3A_1085 masked %masked_sort3A_1086 : (vector<16xf32>, vector<16xi32>, vector<16xi1>) -> (vector<16xi1>, vector<16xf32>, vector<16xi32>)
      %add3A_1090 = arith.constant 32 : i32
      %add3A_1091 = vector.broadcast %add3A_1090 : i32 to vector<16xi32>
      %add3A_1092 = arith.addi %iota3A, %add3A_1091 : vector<16xi32>
      %get3A_1093 = arith.constant 0 : i32
      %get3A_1094 = arith.index_cast %get3A_1093 : i32 to index
      %get3A_1095 = arith.index_cast %squeeze3A_1017 : i32 to index
      %get3A_1096 = arith.constant 32 : index
      %get3A_1097 = tpu.vector_load %arg8[%get3A_1094, %get3A_1095, %get3A_1096] {strides = array<i32>} : memref<3x19x208xf32, #tpu.memory_space<vmem>>, vector<16xf32>,
      %sub3A_1098 = arith.subf %div3A_1020, %get3A_1097 : vector<16xf32>
      %mul3A_1099 = arith.mulf %sub3A_1098, %sub3A_1098 : vector<16xf32>
      %get3A_1100 = arith.constant 1 : i32
      %get3A_1101 = arith.index_cast %get3A_1100 : i32 to index
      %get3A_1102 = arith.index_cast %squeeze3A_1017 : i32 to index
      %get3A_1103 = arith.constant 32 : index
      %get3A_1104 = tpu.vector_load %arg8[%get3A_1101, %get3A_1102, %get3A_1103] {strides = array<i32>} : memref<3x19x208xf32, #tpu.memory_space<vmem>>, vector<16xf32>,
      %sub3A_1105 = arith.subf %div3A_1022, %get3A_1104 : vector<16xf32>
      %mul3A_1106 = arith.mulf %sub3A_1105, %sub3A_1105 : vector<16xf32>
      %add3A_1107 = arith.addf %mul3A_1099, %mul3A_1106 : vector<16xf32>
      %get3A_1108 = arith.constant 2 : i32
      %get3A_1109 = arith.index_cast %get3A_1108 : i32 to index
      %get3A_1110 = arith.index_cast %squeeze3A_1017 : i32 to index
      %get3A_1111 = arith.constant 32 : index
      %get3A_1112 = tpu.vector_load %arg8[%get3A_1109, %get3A_1110, %get3A_1111] {strides = array<i32>} : memref<3x19x208xf32, #tpu.memory_space<vmem>>, vector<16xf32>,
      %sub3A_1113 = arith.subf %div3A_1024, %get3A_1112 : vector<16xf32>
      %mul3A_1114 = arith.mulf %sub3A_1113, %sub3A_1113 : vector<16xf32>
      %add3A_1115 = arith.addf %add3A_1107, %mul3A_1114 : vector<16xf32>
      %add3A_1116 = arith.addi %mul3A_1027, %add3A_1092 : vector<16xi32>
      %masked_sort3A_1117 = arith.constant dense<true> : vector<16xi1>
      %masked_sort3A_1118, %masked_sort3A_1119, %masked_sort3A_1120 = tpu.sort %add3A_1115, %add3A_1116 masked %masked_sort3A_1117 : (vector<16xf32>, vector<16xi32>, vector<16xi1>) -> (vector<16xi1>, vector<16xf32>, vector<16xi32>)
      %add3A_1121 = arith.constant 48 : i32
      %add3A_1122 = vector.broadcast %add3A_1121 : i32 to vector<16xi32>
      %add3A_1123 = arith.addi %iota3A, %add3A_1122 : vector<16xi32>
      %get3A_1124 = arith.constant 0 : i32
      %get3A_1125 = arith.index_cast %get3A_1124 : i32 to index
      %get3A_1126 = arith.index_cast %squeeze3A_1017 : i32 to index
      %get3A_1127 = arith.constant 48 : index
      %get3A_1128 = tpu.vector_load %arg8[%get3A_1125, %get3A_1126, %get3A_1127] {strides = array<i32>} : memref<3x19x208xf32, #tpu.memory_space<vmem>>, vector<16xf32>,
      %sub3A_1129 = arith.subf %div3A_1020, %get3A_1128 : vector<16xf32>
      %mul3A_1130 = arith.mulf %sub3A_1129, %sub3A_1129 : vector<16xf32>
      %get3A_1131 = arith.constant 1 : i32
      %get3A_1132 = arith.index_cast %get3A_1131 : i32 to index
      %get3A_1133 = arith.index_cast %squeeze3A_1017 : i32 to index
      %get3A_1134 = arith.constant 48 : index
      %get3A_1135 = tpu.vector_load %arg8[%get3A_1132, %get3A_1133, %get3A_1134] {strides = array<i32>} : memref<3x19x208xf32, #tpu.memory_space<vmem>>, vector<16xf32>,
      %sub3A_1136 = arith.subf %div3A_1022, %get3A_1135 : vector<16xf32>
      %mul3A_1137 = arith.mulf %sub3A_1136, %sub3A_1136 : vector<16xf32>
      %add3A_1138 = arith.addf %mul3A_1130, %mul3A_1137 : vector<16xf32>
      %get3A_1139 = arith.constant 2 : i32
      %get3A_1140 = arith.index_cast %get3A_1139 : i32 to index
      %get3A_1141 = arith.index_cast %squeeze3A_1017 : i32 to index
      %get3A_1142 = arith.constant 48 : index
      %get3A_1143 = tpu.vector_load %arg8[%get3A_1140, %get3A_1141, %get3A_1142] {strides = array<i32>} : memref<3x19x208xf32, #tpu.memory_space<vmem>>, vector<16xf32>,
      %sub3A_1144 = arith.subf %div3A_1024, %get3A_1143 : vector<16xf32>
      %mul3A_1145 = arith.mulf %sub3A_1144, %sub3A_1144 : vector<16xf32>
      %add3A_1146 = arith.addf %add3A_1138, %mul3A_1145 : vector<16xf32>
      %add3A_1147 = arith.addi %mul3A_1027, %add3A_1123 : vector<16xi32>
      %masked_sort3A_1148 = arith.constant dense<true> : vector<16xi1>
      %masked_sort3A_1149, %masked_sort3A_1150, %masked_sort3A_1151 = tpu.sort %add3A_1146, %add3A_1147 masked %masked_sort3A_1148 : (vector<16xf32>, vector<16xi32>, vector<16xi1>) -> (vector<16xi1>, vector<16xf32>, vector<16xi32>)
      %add3A_1152 = arith.constant 64 : i32
      %add3A_1153 = vector.broadcast %add3A_1152 : i32 to vector<16xi32>
      %add3A_1154 = arith.addi %iota3A, %add3A_1153 : vector<16xi32>
      %get3A_1155 = arith.constant 0 : i32
      %get3A_1156 = arith.index_cast %get3A_1155 : i32 to index
      %get3A_1157 = arith.index_cast %squeeze3A_1017 : i32 to index
      %get3A_1158 = arith.constant 64 : index
      %get3A_1159 = tpu.vector_load %arg8[%get3A_1156, %get3A_1157, %get3A_1158] {strides = array<i32>} : memref<3x19x208xf32, #tpu.memory_space<vmem>>, vector<16xf32>,
      %sub3A_1160 = arith.subf %div3A_1020, %get3A_1159 : vector<16xf32>
      %mul3A_1161 = arith.mulf %sub3A_1160, %sub3A_1160 : vector<16xf32>
      %get3A_1162 = arith.constant 1 : i32
      %get3A_1163 = arith.index_cast %get3A_1162 : i32 to index
      %get3A_1164 = arith.index_cast %squeeze3A_1017 : i32 to index
      %get3A_1165 = arith.constant 64 : index
      %get3A_1166 = tpu.vector_load %arg8[%get3A_1163, %get3A_1164, %get3A_1165] {strides = array<i32>} : memref<3x19x208xf32, #tpu.memory_space<vmem>>, vector<16xf32>,
      %sub3A_1167 = arith.subf %div3A_1022, %get3A_1166 : vector<16xf32>
      %mul3A_1168 = arith.mulf %sub3A_1167, %sub3A_1167 : vector<16xf32>
      %add3A_1169 = arith.addf %mul3A_1161, %mul3A_1168 : vector<16xf32>
      %get3A_1170 = arith.constant 2 : i32
      %get3A_1171 = arith.index_cast %get3A_1170 : i32 to index
      %get3A_1172 = arith.index_cast %squeeze3A_1017 : i32 to index
      %get3A_1173 = arith.constant 64 : index
      %get3A_1174 = tpu.vector_load %arg8[%get3A_1171, %get3A_1172, %get3A_1173] {strides = array<i32>} : memref<3x19x208xf32, #tpu.memory_space<vmem>>, vector<16xf32>,
      %sub3A_1175 = arith.subf %div3A_1024, %get3A_1174 : vector<16xf32>
      %mul3A_1176 = arith.mulf %sub3A_1175, %sub3A_1175 : vector<16xf32>
      %add3A_1177 = arith.addf %add3A_1169, %mul3A_1176 : vector<16xf32>
      %add3A_1178 = arith.addi %mul3A_1027, %add3A_1154 : vector<16xi32>
      %masked_sort3A_1179 = arith.constant dense<true> : vector<16xi1>
      %masked_sort3A_1180, %masked_sort3A_1181, %masked_sort3A_1182 = tpu.sort %add3A_1177, %add3A_1178 masked %masked_sort3A_1179 : (vector<16xf32>, vector<16xi32>, vector<16xi1>) -> (vector<16xi1>, vector<16xf32>, vector<16xi32>)
      %add3A_1183 = arith.constant 80 : i32
      %add3A_1184 = vector.broadcast %add3A_1183 : i32 to vector<16xi32>
      %add3A_1185 = arith.addi %iota3A, %add3A_1184 : vector<16xi32>
      %get3A_1186 = arith.constant 0 : i32
      %get3A_1187 = arith.index_cast %get3A_1186 : i32 to index
      %get3A_1188 = arith.index_cast %squeeze3A_1017 : i32 to index
      %get3A_1189 = arith.constant 80 : index
      %get3A_1190 = tpu.vector_load %arg8[%get3A_1187, %get3A_1188, %get3A_1189] {strides = array<i32>} : memref<3x19x208xf32, #tpu.memory_space<vmem>>, vector<16xf32>,
      %sub3A_1191 = arith.subf %div3A_1020, %get3A_1190 : vector<16xf32>
      %mul3A_1192 = arith.mulf %sub3A_1191, %sub3A_1191 : vector<16xf32>
      %get3A_1193 = arith.constant 1 : i32
      %get3A_1194 = arith.index_cast %get3A_1193 : i32 to index
      %get3A_1195 = arith.index_cast %squeeze3A_1017 : i32 to index
      %get3A_1196 = arith.constant 80 : index
      %get3A_1197 = tpu.vector_load %arg8[%get3A_1194, %get3A_1195, %get3A_1196] {strides = array<i32>} : memref<3x19x208xf32, #tpu.memory_space<vmem>>, vector<16xf32>,
      %sub3A_1198 = arith.subf %div3A_1022, %get3A_1197 : vector<16xf32>
      %mul3A_1199 = arith.mulf %sub3A_1198, %sub3A_1198 : vector<16xf32>
      %add3A_1200 = arith.addf %mul3A_1192, %mul3A_1199 : vector<16xf32>
      %get3A_1201 = arith.constant 2 : i32
      %get3A_1202 = arith.index_cast %get3A_1201 : i32 to index
      %get3A_1203 = arith.index_cast %squeeze3A_1017 : i32 to index
      %get3A_1204 = arith.constant 80 : index
      %get3A_1205 = tpu.vector_load %arg8[%get3A_1202, %get3A_1203, %get3A_1204] {strides = array<i32>} : memref<3x19x208xf32, #tpu.memory_space<vmem>>, vector<16xf32>,
      %sub3A_1206 = arith.subf %div3A_1024, %get3A_1205 : vector<16xf32>
      %mul3A_1207 = arith.mulf %sub3A_1206, %sub3A_1206 : vector<16xf32>
      %add3A_1208 = arith.addf %add3A_1200, %mul3A_1207 : vector<16xf32>
      %add3A_1209 = arith.addi %mul3A_1027, %add3A_1185 : vector<16xi32>
      %masked_sort3A_1210 = arith.constant dense<true> : vector<16xi1>
      %masked_sort3A_1211, %masked_sort3A_1212, %masked_sort3A_1213 = tpu.sort %add3A_1208, %add3A_1209 masked %masked_sort3A_1210 : (vector<16xf32>, vector<16xi32>, vector<16xi1>) -> (vector<16xi1>, vector<16xf32>, vector<16xi32>)
      %add3A_1214 = arith.constant 96 : i32
      %add3A_1215 = vector.broadcast %add3A_1214 : i32 to vector<16xi32>
      %add3A_1216 = arith.addi %iota3A, %add3A_1215 : vector<16xi32>
      %get3A_1217 = arith.constant 0 : i32
      %get3A_1218 = arith.index_cast %get3A_1217 : i32 to index
      %get3A_1219 = arith.index_cast %squeeze3A_1017 : i32 to index
      %get3A_1220 = arith.constant 96 : index
      %get3A_1221 = tpu.vector_load %arg8[%get3A_1218, %get3A_1219, %get3A_1220] {strides = array<i32>} : memref<3x19x208xf32, #tpu.memory_space<vmem>>, vector<16xf32>,
      %sub3A_1222 = arith.subf %div3A_1020, %get3A_1221 : vector<16xf32>
      %mul3A_1223 = arith.mulf %sub3A_1222, %sub3A_1222 : vector<16xf32>
      %get3A_1224 = arith.constant 1 : i32
      %get3A_1225 = arith.index_cast %get3A_1224 : i32 to index
      %get3A_1226 = arith.index_cast %squeeze3A_1017 : i32 to index
      %get3A_1227 = arith.constant 96 : index
      %get3A_1228 = tpu.vector_load %arg8[%get3A_1225, %get3A_1226, %get3A_1227] {strides = array<i32>} : memref<3x19x208xf32, #tpu.memory_space<vmem>>, vector<16xf32>,
      %sub3A_1229 = arith.subf %div3A_1022, %get3A_1228 : vector<16xf32>
      %mul3A_1230 = arith.mulf %sub3A_1229, %sub3A_1229 : vector<16xf32>
      %add3A_1231 = arith.addf %mul3A_1223, %mul3A_1230 : vector<16xf32>
      %get3A_1232 = arith.constant 2 : i32
      %get3A_1233 = arith.index_cast %get3A_1232 : i32 to index
      %get3A_1234 = arith.index_cast %squeeze3A_1017 : i32 to index
      %get3A_1235 = arith.constant 96 : index
      %get3A_1236 = tpu.vector_load %arg8[%get3A_1233, %get3A_1234, %get3A_1235] {strides = array<i32>} : memref<3x19x208xf32, #tpu.memory_space<vmem>>, vector<16xf32>,
      %sub3A_1237 = arith.subf %div3A_1024, %get3A_1236 : vector<16xf32>
      %mul3A_1238 = arith.mulf %sub3A_1237, %sub3A_1237 : vector<16xf32>
      %add3A_1239 = arith.addf %add3A_1231, %mul3A_1238 : vector<16xf32>
      %add3A_1240 = arith.addi %mul3A_1027, %add3A_1216 : vector<16xi32>
      %masked_sort3A_1241 = arith.constant dense<true> : vector<16xi1>
      %masked_sort3A_1242, %masked_sort3A_1243, %masked_sort3A_1244 = tpu.sort %add3A_1239, %add3A_1240 masked %masked_sort3A_1241 : (vector<16xf32>, vector<16xi32>, vector<16xi1>) -> (vector<16xi1>, vector<16xf32>, vector<16xi32>)
      %add3A_1245 = arith.constant 112 : i32
      %add3A_1246 = vector.broadcast %add3A_1245 : i32 to vector<16xi32>
      %add3A_1247 = arith.addi %iota3A, %add3A_1246 : vector<16xi32>
      %get3A_1248 = arith.constant 0 : i32
      %get3A_1249 = arith.index_cast %get3A_1248 : i32 to index
      %get3A_1250 = arith.index_cast %squeeze3A_1017 : i32 to index
      %get3A_1251 = arith.constant 112 : index
      %get3A_1252 = tpu.vector_load %arg8[%get3A_1249, %get3A_1250, %get3A_1251] {strides = array<i32>} : memref<3x19x208xf32, #tpu.memory_space<vmem>>, vector<16xf32>,
      %sub3A_1253 = arith.subf %div3A_1020, %get3A_1252 : vector<16xf32>
      %mul3A_1254 = arith.mulf %sub3A_1253, %sub3A_1253 : vector<16xf32>
      %get3A_1255 = arith.constant 1 : i32
      %get3A_1256 = arith.index_cast %get3A_1255 : i32 to index
      %get3A_1257 = arith.index_cast %squeeze3A_1017 : i32 to index
      %get3A_1258 = arith.constant 112 : index
      %get3A_1259 = tpu.vector_load %arg8[%get3A_1256, %get3A_1257, %get3A_1258] {strides = array<i32>} : memref<3x19x208xf32, #tpu.memory_space<vmem>>, vector<16xf32>,
      %sub3A_1260 = arith.subf %div3A_1022, %get3A_1259 : vector<16xf32>
      %mul3A_1261 = arith.mulf %sub3A_1260, %sub3A_1260 : vector<16xf32>
      %add3A_1262 = arith.addf %mul3A_1254, %mul3A_1261 : vector<16xf32>
      %get3A_1263 = arith.constant 2 : i32
      %get3A_1264 = arith.index_cast %get3A_1263 : i32 to index
      %get3A_1265 = arith.index_cast %squeeze3A_1017 : i32 to index
      %get3A_1266 = arith.constant 112 : index
      %get3A_1267 = tpu.vector_load %arg8[%get3A_1264, %get3A_1265, %get3A_1266] {strides = array<i32>} : memref<3x19x208xf32, #tpu.memory_space<vmem>>, vector<16xf32>,
      %sub3A_1268 = arith.subf %div3A_1024, %get3A_1267 : vector<16xf32>
      %mul3A_1269 = arith.mulf %sub3A_1268, %sub3A_1268 : vector<16xf32>
      %add3A_1270 = arith.addf %add3A_1262, %mul3A_1269 : vector<16xf32>
      %add3A_1271 = arith.addi %mul3A_1027, %add3A_1247 : vector<16xi32>
      %masked_sort3A_1272 = arith.constant dense<true> : vector<16xi1>
      %masked_sort3A_1273, %masked_sort3A_1274, %masked_sort3A_1275 = tpu.sort %add3A_1270, %add3A_1271 masked %masked_sort3A_1272 : (vector<16xf32>, vector<16xi32>, vector<16xi1>) -> (vector<16xi1>, vector<16xf32>, vector<16xi32>)
      %add3A_1276 = arith.constant 128 : i32
      %add3A_1277 = vector.broadcast %add3A_1276 : i32 to vector<16xi32>
      %add3A_1278 = arith.addi %iota3A, %add3A_1277 : vector<16xi32>
      %get3A_1279 = arith.constant 0 : i32
      %get3A_1280 = arith.index_cast %get3A_1279 : i32 to index
      %get3A_1281 = arith.index_cast %squeeze3A_1017 : i32 to index
      %get3A_1282 = arith.constant 128 : index
      %get3A_1283 = tpu.vector_load %arg8[%get3A_1280, %get3A_1281, %get3A_1282] {strides = array<i32>} : memref<3x19x208xf32, #tpu.memory_space<vmem>>, vector<16xf32>,
      %sub3A_1284 = arith.subf %div3A_1020, %get3A_1283 : vector<16xf32>
      %mul3A_1285 = arith.mulf %sub3A_1284, %sub3A_1284 : vector<16xf32>
      %get3A_1286 = arith.constant 1 : i32
      %get3A_1287 = arith.index_cast %get3A_1286 : i32 to index
      %get3A_1288 = arith.index_cast %squeeze3A_1017 : i32 to index
      %get3A_1289 = arith.constant 128 : index
      %get3A_1290 = tpu.vector_load %arg8[%get3A_1287, %get3A_1288, %get3A_1289] {strides = array<i32>} : memref<3x19x208xf32, #tpu.memory_space<vmem>>, vector<16xf32>,
      %sub3A_1291 = arith.subf %div3A_1022, %get3A_1290 : vector<16xf32>
      %mul3A_1292 = arith.mulf %sub3A_1291, %sub3A_1291 : vector<16xf32>
      %add3A_1293 = arith.addf %mul3A_1285, %mul3A_1292 : vector<16xf32>
      %get3A_1294 = arith.constant 2 : i32
      %get3A_1295 = arith.index_cast %get3A_1294 : i32 to index
      %get3A_1296 = arith.index_cast %squeeze3A_1017 : i32 to index
      %get3A_1297 = arith.constant 128 : index
      %get3A_1298 = tpu.vector_load %arg8[%get3A_1295, %get3A_1296, %get3A_1297] {strides = array<i32>} : memref<3x19x208xf32, #tpu.memory_space<vmem>>, vector<16xf32>,
      %sub3A_1299 = arith.subf %div3A_1024, %get3A_1298 : vector<16xf32>
      %mul3A_1300 = arith.mulf %sub3A_1299, %sub3A_1299 : vector<16xf32>
      %add3A_1301 = arith.addf %add3A_1293, %mul3A_1300 : vector<16xf32>
      %add3A_1302 = arith.addi %mul3A_1027, %add3A_1278 : vector<16xi32>
      %masked_sort3A_1303 = arith.constant dense<true> : vector<16xi1>
      %masked_sort3A_1304, %masked_sort3A_1305, %masked_sort3A_1306 = tpu.sort %add3A_1301, %add3A_1302 masked %masked_sort3A_1303 : (vector<16xf32>, vector<16xi32>, vector<16xi1>) -> (vector<16xi1>, vector<16xf32>, vector<16xi32>)
      %add3A_1307 = arith.constant 144 : i32
      %add3A_1308 = vector.broadcast %add3A_1307 : i32 to vector<16xi32>
      %add3A_1309 = arith.addi %iota3A, %add3A_1308 : vector<16xi32>
      %get3A_1310 = arith.constant 0 : i32
      %get3A_1311 = arith.index_cast %get3A_1310 : i32 to index
      %get3A_1312 = arith.index_cast %squeeze3A_1017 : i32 to index
      %get3A_1313 = arith.constant 144 : index
      %get3A_1314 = tpu.vector_load %arg8[%get3A_1311, %get3A_1312, %get3A_1313] {strides = array<i32>} : memref<3x19x208xf32, #tpu.memory_space<vmem>>, vector<16xf32>,
      %sub3A_1315 = arith.subf %div3A_1020, %get3A_1314 : vector<16xf32>
      %mul3A_1316 = arith.mulf %sub3A_1315, %sub3A_1315 : vector<16xf32>
      %get3A_1317 = arith.constant 1 : i32
      %get3A_1318 = arith.index_cast %get3A_1317 : i32 to index
      %get3A_1319 = arith.index_cast %squeeze3A_1017 : i32 to index
      %get3A_1320 = arith.constant 144 : index
      %get3A_1321 = tpu.vector_load %arg8[%get3A_1318, %get3A_1319, %get3A_1320] {strides = array<i32>} : memref<3x19x208xf32, #tpu.memory_space<vmem>>, vector<16xf32>,
      %sub3A_1322 = arith.subf %div3A_1022, %get3A_1321 : vector<16xf32>
      %mul3A_1323 = arith.mulf %sub3A_1322, %sub3A_1322 : vector<16xf32>
      %add3A_1324 = arith.addf %mul3A_1316, %mul3A_1323 : vector<16xf32>
      %get3A_1325 = arith.constant 2 : i32
      %get3A_1326 = arith.index_cast %get3A_1325 : i32 to index
      %get3A_1327 = arith.index_cast %squeeze3A_1017 : i32 to index
      %get3A_1328 = arith.constant 144 : index
      %get3A_1329 = tpu.vector_load %arg8[%get3A_1326, %get3A_1327, %get3A_1328] {strides = array<i32>} : memref<3x19x208xf32, #tpu.memory_space<vmem>>, vector<16xf32>,
      %sub3A_1330 = arith.subf %div3A_1024, %get3A_1329 : vector<16xf32>
      %mul3A_1331 = arith.mulf %sub3A_1330, %sub3A_1330 : vector<16xf32>
      %add3A_1332 = arith.addf %add3A_1324, %mul3A_1331 : vector<16xf32>
      %add3A_1333 = arith.addi %mul3A_1027, %add3A_1309 : vector<16xi32>
      %masked_sort3A_1334 = arith.constant dense<true> : vector<16xi1>
      %masked_sort3A_1335, %masked_sort3A_1336, %masked_sort3A_1337 = tpu.sort %add3A_1332, %add3A_1333 masked %masked_sort3A_1334 : (vector<16xf32>, vector<16xi32>, vector<16xi1>) -> (vector<16xi1>, vector<16xf32>, vector<16xi32>)
      %add3A_1338 = arith.constant 160 : i32
      %add3A_1339 = vector.broadcast %add3A_1338 : i32 to vector<16xi32>
      %add3A_1340 = arith.addi %iota3A, %add3A_1339 : vector<16xi32>
      %get3A_1341 = arith.constant 0 : i32
      %get3A_1342 = arith.index_cast %get3A_1341 : i32 to index
      %get3A_1343 = arith.index_cast %squeeze3A_1017 : i32 to index
      %get3A_1344 = arith.constant 160 : index
      %get3A_1345 = tpu.vector_load %arg8[%get3A_1342, %get3A_1343, %get3A_1344] {strides = array<i32>} : memref<3x19x208xf32, #tpu.memory_space<vmem>>, vector<16xf32>,
      %sub3A_1346 = arith.subf %div3A_1020, %get3A_1345 : vector<16xf32>
      %mul3A_1347 = arith.mulf %sub3A_1346, %sub3A_1346 : vector<16xf32>
      %get3A_1348 = arith.constant 1 : i32
      %get3A_1349 = arith.index_cast %get3A_1348 : i32 to index
      %get3A_1350 = arith.index_cast %squeeze3A_1017 : i32 to index
      %get3A_1351 = arith.constant 160 : index
      %get3A_1352 = tpu.vector_load %arg8[%get3A_1349, %get3A_1350, %get3A_1351] {strides = array<i32>} : memref<3x19x208xf32, #tpu.memory_space<vmem>>, vector<16xf32>,
      %sub3A_1353 = arith.subf %div3A_1022, %get3A_1352 : vector<16xf32>
      %mul3A_1354 = arith.mulf %sub3A_1353, %sub3A_1353 : vector<16xf32>
      %add3A_1355 = arith.addf %mul3A_1347, %mul3A_1354 : vector<16xf32>
      %get3A_1356 = arith.constant 2 : i32
      %get3A_1357 = arith.index_cast %get3A_1356 : i32 to index
      %get3A_1358 = arith.index_cast %squeeze3A_1017 : i32 to index
      %get3A_1359 = arith.constant 160 : index
      %get3A_1360 = tpu.vector_load %arg8[%get3A_1357, %get3A_1358, %get3A_1359] {strides = array<i32>} : memref<3x19x208xf32, #tpu.memory_space<vmem>>, vector<16xf32>,
      %sub3A_1361 = arith.subf %div3A_1024, %get3A_1360 : vector<16xf32>
      %mul3A_1362 = arith.mulf %sub3A_1361, %sub3A_1361 : vector<16xf32>
      %add3A_1363 = arith.addf %add3A_1355, %mul3A_1362 : vector<16xf32>
      %add3A_1364 = arith.addi %mul3A_1027, %add3A_1340 : vector<16xi32>
      %masked_sort3A_1365 = arith.constant dense<true> : vector<16xi1>
      %masked_sort3A_1366, %masked_sort3A_1367, %masked_sort3A_1368 = tpu.sort %add3A_1363, %add3A_1364 masked %masked_sort3A_1365 : (vector<16xf32>, vector<16xi32>, vector<16xi1>) -> (vector<16xi1>, vector<16xf32>, vector<16xi32>)
      %add3A_1369 = arith.constant 176 : i32
      %add3A_1370 = vector.broadcast %add3A_1369 : i32 to vector<16xi32>
      %add3A_1371 = arith.addi %iota3A, %add3A_1370 : vector<16xi32>
      %get3A_1372 = arith.constant 0 : i32
      %get3A_1373 = arith.index_cast %get3A_1372 : i32 to index
      %get3A_1374 = arith.index_cast %squeeze3A_1017 : i32 to index
      %get3A_1375 = arith.constant 176 : index
      %get3A_1376 = tpu.vector_load %arg8[%get3A_1373, %get3A_1374, %get3A_1375] {strides = array<i32>} : memref<3x19x208xf32, #tpu.memory_space<vmem>>, vector<16xf32>,
      %sub3A_1377 = arith.subf %div3A_1020, %get3A_1376 : vector<16xf32>
      %mul3A_1378 = arith.mulf %sub3A_1377, %sub3A_1377 : vector<16xf32>
      %get3A_1379 = arith.constant 1 : i32
      %get3A_1380 = arith.index_cast %get3A_1379 : i32 to index
      %get3A_1381 = arith.index_cast %squeeze3A_1017 : i32 to index
      %get3A_1382 = arith.constant 176 : index
      %get3A_1383 = tpu.vector_load %arg8[%get3A_1380, %get3A_1381, %get3A_1382] {strides = array<i32>} : memref<3x19x208xf32, #tpu.memory_space<vmem>>, vector<16xf32>,
      %sub3A_1384 = arith.subf %div3A_1022, %get3A_1383 : vector<16xf32>
      %mul3A_1385 = arith.mulf %sub3A_1384, %sub3A_1384 : vector<16xf32>
      %add3A_1386 = arith.addf %mul3A_1378, %mul3A_1385 : vector<16xf32>
      %get3A_1387 = arith.constant 2 : i32
      %get3A_1388 = arith.index_cast %get3A_1387 : i32 to index
      %get3A_1389 = arith.index_cast %squeeze3A_1017 : i32 to index
      %get3A_1390 = arith.constant 176 : index
      %get3A_1391 = tpu.vector_load %arg8[%get3A_1388, %get3A_1389, %get3A_1390] {strides = array<i32>} : memref<3x19x208xf32, #tpu.memory_space<vmem>>, vector<16xf32>,
      %sub3A_1392 = arith.subf %div3A_1024, %get3A_1391 : vector<16xf32>
      %mul3A_1393 = arith.mulf %sub3A_1392, %sub3A_1392 : vector<16xf32>
      %add3A_1394 = arith.addf %add3A_1386, %mul3A_1393 : vector<16xf32>
      %add3A_1395 = arith.addi %mul3A_1027, %add3A_1371 : vector<16xi32>
      %masked_sort3A_1396 = arith.constant dense<true> : vector<16xi1>
      %masked_sort3A_1397, %masked_sort3A_1398, %masked_sort3A_1399 = tpu.sort %add3A_1394, %add3A_1395 masked %masked_sort3A_1396 : (vector<16xf32>, vector<16xi32>, vector<16xi1>) -> (vector<16xi1>, vector<16xf32>, vector<16xi32>)
      %add3A_1400 = arith.constant 192 : i32
      %add3A_1401 = vector.broadcast %add3A_1400 : i32 to vector<16xi32>
      %add3A_1402 = arith.addi %iota3A, %add3A_1401 : vector<16xi32>
      %get3A_1403 = arith.constant 0 : i32
      %get3A_1404 = arith.index_cast %get3A_1403 : i32 to index
      %get3A_1405 = arith.index_cast %squeeze3A_1017 : i32 to index
      %get3A_1406 = arith.constant 192 : index
      %get3A_1407 = tpu.vector_load %arg8[%get3A_1404, %get3A_1405, %get3A_1406] {strides = array<i32>} : memref<3x19x208xf32, #tpu.memory_space<vmem>>, vector<16xf32>,
      %sub3A_1408 = arith.subf %div3A_1020, %get3A_1407 : vector<16xf32>
      %mul3A_1409 = arith.mulf %sub3A_1408, %sub3A_1408 : vector<16xf32>
      %get3A_1410 = arith.constant 1 : i32
      %get3A_1411 = arith.index_cast %get3A_1410 : i32 to index
      %get3A_1412 = arith.index_cast %squeeze3A_1017 : i32 to index
      %get3A_1413 = arith.constant 192 : index
      %get3A_1414 = tpu.vector_load %arg8[%get3A_1411, %get3A_1412, %get3A_1413] {strides = array<i32>} : memref<3x19x208xf32, #tpu.memory_space<vmem>>, vector<16xf32>,
      %sub3A_1415 = arith.subf %div3A_1022, %get3A_1414 : vector<16xf32>
      %mul3A_1416 = arith.mulf %sub3A_1415, %sub3A_1415 : vector<16xf32>
      %add3A_1417 = arith.addf %mul3A_1409, %mul3A_1416 : vector<16xf32>
      %get3A_1418 = arith.constant 2 : i32
      %get3A_1419 = arith.index_cast %get3A_1418 : i32 to index
      %get3A_1420 = arith.index_cast %squeeze3A_1017 : i32 to index
      %get3A_1421 = arith.constant 192 : index
      %get3A_1422 = tpu.vector_load %arg8[%get3A_1419, %get3A_1420, %get3A_1421] {strides = array<i32>} : memref<3x19x208xf32, #tpu.memory_space<vmem>>, vector<16xf32>,
      %sub3A_1423 = arith.subf %div3A_1024, %get3A_1422 : vector<16xf32>
      %mul3A_1424 = arith.mulf %sub3A_1423, %sub3A_1423 : vector<16xf32>
      %add3A_1425 = arith.addf %add3A_1417, %mul3A_1424 : vector<16xf32>
      %add3A_1426 = arith.addi %mul3A_1027, %add3A_1402 : vector<16xi32>
      %masked_sort3A_1427 = arith.constant dense<true> : vector<16xi1>
      %masked_sort3A_1428, %masked_sort3A_1429, %masked_sort3A_1430 = tpu.sort %add3A_1425, %add3A_1426 masked %masked_sort3A_1427 : (vector<16xf32>, vector<16xi32>, vector<16xi1>) -> (vector<16xi1>, vector<16xf32>, vector<16xi32>)
      %rev3A_1431 = arith.constant 15 : i32
      %rev3A_1432 = vector.broadcast %rev3A_1431 : i32 to vector<16xi32>
      %rev3A_1433 = tpu.iota {dimensions = array<i32: 0>} : vector<16xi32>
      %rev3A_1434 = arith.subi %rev3A_1432, %rev3A_1433 : vector<16xi32>
      %rev3A_1435 = tpu.dynamic_gather %masked_sort3A_258[%rev3A_1434] in [0] : vector<16xf32>, vector<16xi32> -> vector<16xf32>
      %rev3A_1436 = arith.constant 15 : i32
      %rev3A_1437 = vector.broadcast %rev3A_1436 : i32 to vector<16xi32>
      %rev3A_1438 = tpu.iota {dimensions = array<i32: 0>} : vector<16xi32>
      %rev3A_1439 = arith.subi %rev3A_1437, %rev3A_1438 : vector<16xi32>
      %rev3A_1440 = tpu.dynamic_gather %masked_sort3A_259[%rev3A_1439] in [0] : vector<16xi32>, vector<16xi32> -> vector<16xi32>
      %le3A_1441 = arith.cmpf ole, %masked_sort3A_227, %rev3A_1435 : vector<16xf32>
      %select_n3A_1442 = arith.select %le3A_1441, %masked_sort3A_227, %rev3A_1435 : vector<16xi1>, vector<16xf32>
      %select_n3A_1443 = arith.select %le3A_1441, %masked_sort3A_228, %rev3A_1440 : vector<16xi1>, vector<16xi32>
      %masked_sort3A_1444 = arith.constant dense<true> : vector<16xi1>
      %masked_sort3A_1445, %masked_sort3A_1446, %masked_sort3A_1447 = tpu.sort %select_n3A_1442, %select_n3A_1443 masked %masked_sort3A_1444 : (vector<16xf32>, vector<16xi32>, vector<16xi1>) -> (vector<16xi1>, vector<16xf32>, vector<16xi32>)
      %rev3A_1448 = arith.constant 15 : i32
      %rev3A_1449 = vector.broadcast %rev3A_1448 : i32 to vector<16xi32>
      %rev3A_1450 = tpu.iota {dimensions = array<i32: 0>} : vector<16xi32>
      %rev3A_1451 = arith.subi %rev3A_1449, %rev3A_1450 : vector<16xi32>
      %rev3A_1452 = tpu.dynamic_gather %masked_sort3A_320[%rev3A_1451] in [0] : vector<16xf32>, vector<16xi32> -> vector<16xf32>
      %rev3A_1453 = arith.constant 15 : i32
      %rev3A_1454 = vector.broadcast %rev3A_1453 : i32 to vector<16xi32>
      %rev3A_1455 = tpu.iota {dimensions = array<i32: 0>} : vector<16xi32>
      %rev3A_1456 = arith.subi %rev3A_1454, %rev3A_1455 : vector<16xi32>
      %rev3A_1457 = tpu.dynamic_gather %masked_sort3A_321[%rev3A_1456] in [0] : vector<16xi32>, vector<16xi32> -> vector<16xi32>
      %le3A_1458 = arith.cmpf ole, %masked_sort3A_289, %rev3A_1452 : vector<16xf32>
      %select_n3A_1459 = arith.select %le3A_1458, %masked_sort3A_289, %rev3A_1452 : vector<16xi1>, vector<16xf32>
      %select_n3A_1460 = arith.select %le3A_1458, %masked_sort3A_290, %rev3A_1457 : vector<16xi1>, vector<16xi32>
      %masked_sort3A_1461 = arith.constant dense<true> : vector<16xi1>
      %masked_sort3A_1462, %masked_sort3A_1463, %masked_sort3A_1464 = tpu.sort %select_n3A_1459, %select_n3A_1460 masked %masked_sort3A_1461 : (vector<16xf32>, vector<16xi32>, vector<16xi1>) -> (vector<16xi1>, vector<16xf32>, vector<16xi32>)
      %rev3A_1465 = arith.constant 15 : i32
      %rev3A_1466 = vector.broadcast %rev3A_1465 : i32 to vector<16xi32>
      %rev3A_1467 = tpu.iota {dimensions = array<i32: 0>} : vector<16xi32>
      %rev3A_1468 = arith.subi %rev3A_1466, %rev3A_1467 : vector<16xi32>
      %rev3A_1469 = tpu.dynamic_gather %masked_sort3A_382[%rev3A_1468] in [0] : vector<16xf32>, vector<16xi32> -> vector<16xf32>
      %rev3A_1470 = arith.constant 15 : i32
      %rev3A_1471 = vector.broadcast %rev3A_1470 : i32 to vector<16xi32>
      %rev3A_1472 = tpu.iota {dimensions = array<i32: 0>} : vector<16xi32>
      %rev3A_1473 = arith.subi %rev3A_1471, %rev3A_1472 : vector<16xi32>
      %rev3A_1474 = tpu.dynamic_gather %masked_sort3A_383[%rev3A_1473] in [0] : vector<16xi32>, vector<16xi32> -> vector<16xi32>
      %le3A_1475 = arith.cmpf ole, %masked_sort3A_351, %rev3A_1469 : vector<16xf32>
      %select_n3A_1476 = arith.select %le3A_1475, %masked_sort3A_351, %rev3A_1469 : vector<16xi1>, vector<16xf32>
      %select_n3A_1477 = arith.select %le3A_1475, %masked_sort3A_352, %rev3A_1474 : vector<16xi1>, vector<16xi32>
      %masked_sort3A_1478 = arith.constant dense<true> : vector<16xi1>
      %masked_sort3A_1479, %masked_sort3A_1480, %masked_sort3A_1481 = tpu.sort %select_n3A_1476, %select_n3A_1477 masked %masked_sort3A_1478 : (vector<16xf32>, vector<16xi32>, vector<16xi1>) -> (vector<16xi1>, vector<16xf32>, vector<16xi32>)
      %rev3A_1482 = arith.constant 15 : i32
      %rev3A_1483 = vector.broadcast %rev3A_1482 : i32 to vector<16xi32>
      %rev3A_1484 = tpu.iota {dimensions = array<i32: 0>} : vector<16xi32>
      %rev3A_1485 = arith.subi %rev3A_1483, %rev3A_1484 : vector<16xi32>
      %rev3A_1486 = tpu.dynamic_gather %masked_sort3A_444[%rev3A_1485] in [0] : vector<16xf32>, vector<16xi32> -> vector<16xf32>
      %rev3A_1487 = arith.constant 15 : i32
      %rev3A_1488 = vector.broadcast %rev3A_1487 : i32 to vector<16xi32>
      %rev3A_1489 = tpu.iota {dimensions = array<i32: 0>} : vector<16xi32>
      %rev3A_1490 = arith.subi %rev3A_1488, %rev3A_1489 : vector<16xi32>
      %rev3A_1491 = tpu.dynamic_gather %masked_sort3A_445[%rev3A_1490] in [0] : vector<16xi32>, vector<16xi32> -> vector<16xi32>
      %le3A_1492 = arith.cmpf ole, %masked_sort3A_413, %rev3A_1486 : vector<16xf32>
      %select_n3A_1493 = arith.select %le3A_1492, %masked_sort3A_413, %rev3A_1486 : vector<16xi1>, vector<16xf32>
      %select_n3A_1494 = arith.select %le3A_1492, %masked_sort3A_414, %rev3A_1491 : vector<16xi1>, vector<16xi32>
      %masked_sort3A_1495 = arith.constant dense<true> : vector<16xi1>
      %masked_sort3A_1496, %masked_sort3A_1497, %masked_sort3A_1498 = tpu.sort %select_n3A_1493, %select_n3A_1494 masked %masked_sort3A_1495 : (vector<16xf32>, vector<16xi32>, vector<16xi1>) -> (vector<16xi1>, vector<16xf32>, vector<16xi32>)
      %rev3A_1499 = arith.constant 15 : i32
      %rev3A_1500 = vector.broadcast %rev3A_1499 : i32 to vector<16xi32>
      %rev3A_1501 = tpu.iota {dimensions = array<i32: 0>} : vector<16xi32>
      %rev3A_1502 = arith.subi %rev3A_1500, %rev3A_1501 : vector<16xi32>
      %rev3A_1503 = tpu.dynamic_gather %masked_sort3A_506[%rev3A_1502] in [0] : vector<16xf32>, vector<16xi32> -> vector<16xf32>
      %rev3A_1504 = arith.constant 15 : i32
      %rev3A_1505 = vector.broadcast %rev3A_1504 : i32 to vector<16xi32>
      %rev3A_1506 = tpu.iota {dimensions = array<i32: 0>} : vector<16xi32>
      %rev3A_1507 = arith.subi %rev3A_1505, %rev3A_1506 : vector<16xi32>
      %rev3A_1508 = tpu.dynamic_gather %masked_sort3A_507[%rev3A_1507] in [0] : vector<16xi32>, vector<16xi32> -> vector<16xi32>
      %le3A_1509 = arith.cmpf ole, %masked_sort3A_475, %rev3A_1503 : vector<16xf32>
      %select_n3A_1510 = arith.select %le3A_1509, %masked_sort3A_475, %rev3A_1503 : vector<16xi1>, vector<16xf32>
      %select_n3A_1511 = arith.select %le3A_1509, %masked_sort3A_476, %rev3A_1508 : vector<16xi1>, vector<16xi32>
      %masked_sort3A_1512 = arith.constant dense<true> : vector<16xi1>
      %masked_sort3A_1513, %masked_sort3A_1514, %masked_sort3A_1515 = tpu.sort %select_n3A_1510, %select_n3A_1511 masked %masked_sort3A_1512 : (vector<16xf32>, vector<16xi32>, vector<16xi1>) -> (vector<16xi1>, vector<16xf32>, vector<16xi32>)
      %rev3A_1516 = arith.constant 15 : i32
      %rev3A_1517 = vector.broadcast %rev3A_1516 : i32 to vector<16xi32>
      %rev3A_1518 = tpu.iota {dimensions = array<i32: 0>} : vector<16xi32>
      %rev3A_1519 = arith.subi %rev3A_1517, %rev3A_1518 : vector<16xi32>
      %rev3A_1520 = tpu.dynamic_gather %masked_sort3A_568[%rev3A_1519] in [0] : vector<16xf32>, vector<16xi32> -> vector<16xf32>
      %rev3A_1521 = arith.constant 15 : i32
      %rev3A_1522 = vector.broadcast %rev3A_1521 : i32 to vector<16xi32>
      %rev3A_1523 = tpu.iota {dimensions = array<i32: 0>} : vector<16xi32>
      %rev3A_1524 = arith.subi %rev3A_1522, %rev3A_1523 : vector<16xi32>
      %rev3A_1525 = tpu.dynamic_gather %masked_sort3A_569[%rev3A_1524] in [0] : vector<16xi32>, vector<16xi32> -> vector<16xi32>
      %le3A_1526 = arith.cmpf ole, %masked_sort3A_537, %rev3A_1520 : vector<16xf32>
      %select_n3A_1527 = arith.select %le3A_1526, %masked_sort3A_537, %rev3A_1520 : vector<16xi1>, vector<16xf32>
      %select_n3A_1528 = arith.select %le3A_1526, %masked_sort3A_538, %rev3A_1525 : vector<16xi1>, vector<16xi32>
      %masked_sort3A_1529 = arith.constant dense<true> : vector<16xi1>
      %masked_sort3A_1530, %masked_sort3A_1531, %masked_sort3A_1532 = tpu.sort %select_n3A_1527, %select_n3A_1528 masked %masked_sort3A_1529 : (vector<16xf32>, vector<16xi32>, vector<16xi1>) -> (vector<16xi1>, vector<16xf32>, vector<16xi32>)
      %rev3A_1533 = arith.constant 15 : i32
      %rev3A_1534 = vector.broadcast %rev3A_1533 : i32 to vector<16xi32>
      %rev3A_1535 = tpu.iota {dimensions = array<i32: 0>} : vector<16xi32>
      %rev3A_1536 = arith.subi %rev3A_1534, %rev3A_1535 : vector<16xi32>
      %rev3A_1537 = tpu.dynamic_gather %masked_sort3A_642[%rev3A_1536] in [0] : vector<16xf32>, vector<16xi32> -> vector<16xf32>
      %rev3A_1538 = arith.constant 15 : i32
      %rev3A_1539 = vector.broadcast %rev3A_1538 : i32 to vector<16xi32>
      %rev3A_1540 = tpu.iota {dimensions = array<i32: 0>} : vector<16xi32>
      %rev3A_1541 = arith.subi %rev3A_1539, %rev3A_1540 : vector<16xi32>
      %rev3A_1542 = tpu.dynamic_gather %masked_sort3A_643[%rev3A_1541] in [0] : vector<16xi32>, vector<16xi32> -> vector<16xi32>
      %le3A_1543 = arith.cmpf ole, %masked_sort3A_599, %rev3A_1537 : vector<16xf32>
      %select_n3A_1544 = arith.select %le3A_1543, %masked_sort3A_599, %rev3A_1537 : vector<16xi1>, vector<16xf32>
      %select_n3A_1545 = arith.select %le3A_1543, %masked_sort3A_600, %rev3A_1542 : vector<16xi1>, vector<16xi32>
      %masked_sort3A_1546 = arith.constant dense<true> : vector<16xi1>
      %masked_sort3A_1547, %masked_sort3A_1548, %masked_sort3A_1549 = tpu.sort %select_n3A_1544, %select_n3A_1545 masked %masked_sort3A_1546 : (vector<16xf32>, vector<16xi32>, vector<16xi1>) -> (vector<16xi1>, vector<16xf32>, vector<16xi32>)
      %rev3A_1550 = arith.constant 15 : i32
      %rev3A_1551 = vector.broadcast %rev3A_1550 : i32 to vector<16xi32>
      %rev3A_1552 = tpu.iota {dimensions = array<i32: 0>} : vector<16xi32>
      %rev3A_1553 = arith.subi %rev3A_1551, %rev3A_1552 : vector<16xi32>
      %rev3A_1554 = tpu.dynamic_gather %masked_sort3A_704[%rev3A_1553] in [0] : vector<16xf32>, vector<16xi32> -> vector<16xf32>
      %rev3A_1555 = arith.constant 15 : i32
      %rev3A_1556 = vector.broadcast %rev3A_1555 : i32 to vector<16xi32>
      %rev3A_1557 = tpu.iota {dimensions = array<i32: 0>} : vector<16xi32>
      %rev3A_1558 = arith.subi %rev3A_1556, %rev3A_1557 : vector<16xi32>
      %rev3A_1559 = tpu.dynamic_gather %masked_sort3A_705[%rev3A_1558] in [0] : vector<16xi32>, vector<16xi32> -> vector<16xi32>
      %le3A_1560 = arith.cmpf ole, %masked_sort3A_673, %rev3A_1554 : vector<16xf32>
      %select_n3A_1561 = arith.select %le3A_1560, %masked_sort3A_673, %rev3A_1554 : vector<16xi1>, vector<16xf32>
      %select_n3A_1562 = arith.select %le3A_1560, %masked_sort3A_674, %rev3A_1559 : vector<16xi1>, vector<16xi32>
      %masked_sort3A_1563 = arith.constant dense<true> : vector<16xi1>
      %masked_sort3A_1564, %masked_sort3A_1565, %masked_sort3A_1566 = tpu.sort %select_n3A_1561, %select_n3A_1562 masked %masked_sort3A_1563 : (vector<16xf32>, vector<16xi32>, vector<16xi1>) -> (vector<16xi1>, vector<16xf32>, vector<16xi32>)
      %rev3A_1567 = arith.constant 15 : i32
      %rev3A_1568 = vector.broadcast %rev3A_1567 : i32 to vector<16xi32>
      %rev3A_1569 = tpu.iota {dimensions = array<i32: 0>} : vector<16xi32>
      %rev3A_1570 = arith.subi %rev3A_1568, %rev3A_1569 : vector<16xi32>
      %rev3A_1571 = tpu.dynamic_gather %masked_sort3A_766[%rev3A_1570] in [0] : vector<16xf32>, vector<16xi32> -> vector<16xf32>
      %rev3A_1572 = arith.constant 15 : i32
      %rev3A_1573 = vector.broadcast %rev3A_1572 : i32 to vector<16xi32>
      %rev3A_1574 = tpu.iota {dimensions = array<i32: 0>} : vector<16xi32>
      %rev3A_1575 = arith.subi %rev3A_1573, %rev3A_1574 : vector<16xi32>
      %rev3A_1576 = tpu.dynamic_gather %masked_sort3A_767[%rev3A_1575] in [0] : vector<16xi32>, vector<16xi32> -> vector<16xi32>
      %le3A_1577 = arith.cmpf ole, %masked_sort3A_735, %rev3A_1571 : vector<16xf32>
      %select_n3A_1578 = arith.select %le3A_1577, %masked_sort3A_735, %rev3A_1571 : vector<16xi1>, vector<16xf32>
      %select_n3A_1579 = arith.select %le3A_1577, %masked_sort3A_736, %rev3A_1576 : vector<16xi1>, vector<16xi32>
      %masked_sort3A_1580 = arith.constant dense<true> : vector<16xi1>
      %masked_sort3A_1581, %masked_sort3A_1582, %masked_sort3A_1583 = tpu.sort %select_n3A_1578, %select_n3A_1579 masked %masked_sort3A_1580 : (vector<16xf32>, vector<16xi32>, vector<16xi1>) -> (vector<16xi1>, vector<16xf32>, vector<16xi32>)
      %rev3A_1584 = arith.constant 15 : i32
      %rev3A_1585 = vector.broadcast %rev3A_1584 : i32 to vector<16xi32>
      %rev3A_1586 = tpu.iota {dimensions = array<i32: 0>} : vector<16xi32>
      %rev3A_1587 = arith.subi %rev3A_1585, %rev3A_1586 : vector<16xi32>
      %rev3A_1588 = tpu.dynamic_gather %masked_sort3A_828[%rev3A_1587] in [0] : vector<16xf32>, vector<16xi32> -> vector<16xf32>
      %rev3A_1589 = arith.constant 15 : i32
      %rev3A_1590 = vector.broadcast %rev3A_1589 : i32 to vector<16xi32>
      %rev3A_1591 = tpu.iota {dimensions = array<i32: 0>} : vector<16xi32>
      %rev3A_1592 = arith.subi %rev3A_1590, %rev3A_1591 : vector<16xi32>
      %rev3A_1593 = tpu.dynamic_gather %masked_sort3A_829[%rev3A_1592] in [0] : vector<16xi32>, vector<16xi32> -> vector<16xi32>
      %le3A_1594 = arith.cmpf ole, %masked_sort3A_797, %rev3A_1588 : vector<16xf32>
      %select_n3A_1595 = arith.select %le3A_1594, %masked_sort3A_797, %rev3A_1588 : vector<16xi1>, vector<16xf32>
      %select_n3A_1596 = arith.select %le3A_1594, %masked_sort3A_798, %rev3A_1593 : vector<16xi1>, vector<16xi32>
      %masked_sort3A_1597 = arith.constant dense<true> : vector<16xi1>
      %masked_sort3A_1598, %masked_sort3A_1599, %masked_sort3A_1600 = tpu.sort %select_n3A_1595, %select_n3A_1596 masked %masked_sort3A_1597 : (vector<16xf32>, vector<16xi32>, vector<16xi1>) -> (vector<16xi1>, vector<16xf32>, vector<16xi32>)
      %rev3A_1601 = arith.constant 15 : i32
      %rev3A_1602 = vector.broadcast %rev3A_1601 : i32 to vector<16xi32>
      %rev3A_1603 = tpu.iota {dimensions = array<i32: 0>} : vector<16xi32>
      %rev3A_1604 = arith.subi %rev3A_1602, %rev3A_1603 : vector<16xi32>
      %rev3A_1605 = tpu.dynamic_gather %masked_sort3A_890[%rev3A_1604] in [0] : vector<16xf32>, vector<16xi32> -> vector<16xf32>
      %rev3A_1606 = arith.constant 15 : i32
      %rev3A_1607 = vector.broadcast %rev3A_1606 : i32 to vector<16xi32>
      %rev3A_1608 = tpu.iota {dimensions = array<i32: 0>} : vector<16xi32>
      %rev3A_1609 = arith.subi %rev3A_1607, %rev3A_1608 : vector<16xi32>
      %rev3A_1610 = tpu.dynamic_gather %masked_sort3A_891[%rev3A_1609] in [0] : vector<16xi32>, vector<16xi32> -> vector<16xi32>
      %le3A_1611 = arith.cmpf ole, %masked_sort3A_859, %rev3A_1605 : vector<16xf32>
      %select_n3A_1612 = arith.select %le3A_1611, %masked_sort3A_859, %rev3A_1605 : vector<16xi1>, vector<16xf32>
      %select_n3A_1613 = arith.select %le3A_1611, %masked_sort3A_860, %rev3A_1610 : vector<16xi1>, vector<16xi32>
      %masked_sort3A_1614 = arith.constant dense<true> : vector<16xi1>
      %masked_sort3A_1615, %masked_sort3A_1616, %masked_sort3A_1617 = tpu.sort %select_n3A_1612, %select_n3A_1613 masked %masked_sort3A_1614 : (vector<16xf32>, vector<16xi32>, vector<16xi1>) -> (vector<16xi1>, vector<16xf32>, vector<16xi32>)
      %rev3A_1618 = arith.constant 15 : i32
      %rev3A_1619 = vector.broadcast %rev3A_1618 : i32 to vector<16xi32>
      %rev3A_1620 = tpu.iota {dimensions = array<i32: 0>} : vector<16xi32>
      %rev3A_1621 = arith.subi %rev3A_1619, %rev3A_1620 : vector<16xi32>
      %rev3A_1622 = tpu.dynamic_gather %masked_sort3A_952[%rev3A_1621] in [0] : vector<16xf32>, vector<16xi32> -> vector<16xf32>
      %rev3A_1623 = arith.constant 15 : i32
      %rev3A_1624 = vector.broadcast %rev3A_1623 : i32 to vector<16xi32>
      %rev3A_1625 = tpu.iota {dimensions = array<i32: 0>} : vector<16xi32>
      %rev3A_1626 = arith.subi %rev3A_1624, %rev3A_1625 : vector<16xi32>
      %rev3A_1627 = tpu.dynamic_gather %masked_sort3A_953[%rev3A_1626] in [0] : vector<16xi32>, vector<16xi32> -> vector<16xi32>
      %le3A_1628 = arith.cmpf ole, %masked_sort3A_921, %rev3A_1622 : vector<16xf32>
      %select_n3A_1629 = arith.select %le3A_1628, %masked_sort3A_921, %rev3A_1622 : vector<16xi1>, vector<16xf32>
      %select_n3A_1630 = arith.select %le3A_1628, %masked_sort3A_922, %rev3A_1627 : vector<16xi1>, vector<16xi32>
      %masked_sort3A_1631 = arith.constant dense<true> : vector<16xi1>
      %masked_sort3A_1632, %masked_sort3A_1633, %masked_sort3A_1634 = tpu.sort %select_n3A_1629, %select_n3A_1630 masked %masked_sort3A_1631 : (vector<16xf32>, vector<16xi32>, vector<16xi1>) -> (vector<16xi1>, vector<16xf32>, vector<16xi32>)
      %rev3A_1635 = arith.constant 15 : i32
      %rev3A_1636 = vector.broadcast %rev3A_1635 : i32 to vector<16xi32>
      %rev3A_1637 = tpu.iota {dimensions = array<i32: 0>} : vector<16xi32>
      %rev3A_1638 = arith.subi %rev3A_1636, %rev3A_1637 : vector<16xi32>
      %rev3A_1639 = tpu.dynamic_gather %masked_sort3A_1014[%rev3A_1638] in [0] : vector<16xf32>, vector<16xi32> -> vector<16xf32>
      %rev3A_1640 = arith.constant 15 : i32
      %rev3A_1641 = vector.broadcast %rev3A_1640 : i32 to vector<16xi32>
      %rev3A_1642 = tpu.iota {dimensions = array<i32: 0>} : vector<16xi32>
      %rev3A_1643 = arith.subi %rev3A_1641, %rev3A_1642 : vector<16xi32>
      %rev3A_1644 = tpu.dynamic_gather %masked_sort3A_1015[%rev3A_1643] in [0] : vector<16xi32>, vector<16xi32> -> vector<16xi32>
      %le3A_1645 = arith.cmpf ole, %masked_sort3A_983, %rev3A_1639 : vector<16xf32>
      %select_n3A_1646 = arith.select %le3A_1645, %masked_sort3A_983, %rev3A_1639 : vector<16xi1>, vector<16xf32>
      %select_n3A_1647 = arith.select %le3A_1645, %masked_sort3A_984, %rev3A_1644 : vector<16xi1>, vector<16xi32>
      %masked_sort3A_1648 = arith.constant dense<true> : vector<16xi1>
      %masked_sort3A_1649, %masked_sort3A_1650, %masked_sort3A_1651 = tpu.sort %select_n3A_1646, %select_n3A_1647 masked %masked_sort3A_1648 : (vector<16xf32>, vector<16xi32>, vector<16xi1>) -> (vector<16xi1>, vector<16xf32>, vector<16xi32>)
      %rev3A_1652 = arith.constant 15 : i32
      %rev3A_1653 = vector.broadcast %rev3A_1652 : i32 to vector<16xi32>
      %rev3A_1654 = tpu.iota {dimensions = array<i32: 0>} : vector<16xi32>
      %rev3A_1655 = arith.subi %rev3A_1653, %rev3A_1654 : vector<16xi32>
      %rev3A_1656 = tpu.dynamic_gather %masked_sort3A_1088[%rev3A_1655] in [0] : vector<16xf32>, vector<16xi32> -> vector<16xf32>
      %rev3A_1657 = arith.constant 15 : i32
      %rev3A_1658 = vector.broadcast %rev3A_1657 : i32 to vector<16xi32>
      %rev3A_1659 = tpu.iota {dimensions = array<i32: 0>} : vector<16xi32>
      %rev3A_1660 = arith.subi %rev3A_1658, %rev3A_1659 : vector<16xi32>
      %rev3A_1661 = tpu.dynamic_gather %masked_sort3A_1089[%rev3A_1660] in [0] : vector<16xi32>, vector<16xi32> -> vector<16xi32>
      %le3A_1662 = arith.cmpf ole, %masked_sort3A_1057, %rev3A_1656 : vector<16xf32>
      %select_n3A_1663 = arith.select %le3A_1662, %masked_sort3A_1057, %rev3A_1656 : vector<16xi1>, vector<16xf32>
      %select_n3A_1664 = arith.select %le3A_1662, %masked_sort3A_1058, %rev3A_1661 : vector<16xi1>, vector<16xi32>
      %masked_sort3A_1665 = arith.constant dense<true> : vector<16xi1>
      %masked_sort3A_1666, %masked_sort3A_1667, %masked_sort3A_1668 = tpu.sort %select_n3A_1663, %select_n3A_1664 masked %masked_sort3A_1665 : (vector<16xf32>, vector<16xi32>, vector<16xi1>) -> (vector<16xi1>, vector<16xf32>, vector<16xi32>)
      %rev3A_1669 = arith.constant 15 : i32
      %rev3A_1670 = vector.broadcast %rev3A_1669 : i32 to vector<16xi32>
      %rev3A_1671 = tpu.iota {dimensions = array<i32: 0>} : vector<16xi32>
      %rev3A_1672 = arith.subi %rev3A_1670, %rev3A_1671 : vector<16xi32>
      %rev3A_1673 = tpu.dynamic_gather %masked_sort3A_1150[%rev3A_1672] in [0] : vector<16xf32>, vector<16xi32> -> vector<16xf32>
      %rev3A_1674 = arith.constant 15 : i32
      %rev3A_1675 = vector.broadcast %rev3A_1674 : i32 to vector<16xi32>
      %rev3A_1676 = tpu.iota {dimensions = array<i32: 0>} : vector<16xi32>
      %rev3A_1677 = arith.subi %rev3A_1675, %rev3A_1676 : vector<16xi32>
      %rev3A_1678 = tpu.dynamic_gather %masked_sort3A_1151[%rev3A_1677] in [0] : vector<16xi32>, vector<16xi32> -> vector<16xi32>
      %le3A_1679 = arith.cmpf ole, %masked_sort3A_1119, %rev3A_1673 : vector<16xf32>
      %select_n3A_1680 = arith.select %le3A_1679, %masked_sort3A_1119, %rev3A_1673 : vector<16xi1>, vector<16xf32>
      %select_n3A_1681 = arith.select %le3A_1679, %masked_sort3A_1120, %rev3A_1678 : vector<16xi1>, vector<16xi32>
      %masked_sort3A_1682 = arith.constant dense<true> : vector<16xi1>
      %masked_sort3A_1683, %masked_sort3A_1684, %masked_sort3A_1685 = tpu.sort %select_n3A_1680, %select_n3A_1681 masked %masked_sort3A_1682 : (vector<16xf32>, vector<16xi32>, vector<16xi1>) -> (vector<16xi1>, vector<16xf32>, vector<16xi32>)
      %rev3A_1686 = arith.constant 15 : i32
      %rev3A_1687 = vector.broadcast %rev3A_1686 : i32 to vector<16xi32>
      %rev3A_1688 = tpu.iota {dimensions = array<i32: 0>} : vector<16xi32>
      %rev3A_1689 = arith.subi %rev3A_1687, %rev3A_1688 : vector<16xi32>
      %rev3A_1690 = tpu.dynamic_gather %masked_sort3A_1212[%rev3A_1689] in [0] : vector<16xf32>, vector<16xi32> -> vector<16xf32>
      %rev3A_1691 = arith.constant 15 : i32
      %rev3A_1692 = vector.broadcast %rev3A_1691 : i32 to vector<16xi32>
      %rev3A_1693 = tpu.iota {dimensions = array<i32: 0>} : vector<16xi32>
      %rev3A_1694 = arith.subi %rev3A_1692, %rev3A_1693 : vector<16xi32>
      %rev3A_1695 = tpu.dynamic_gather %masked_sort3A_1213[%rev3A_1694] in [0] : vector<16xi32>, vector<16xi32> -> vector<16xi32>
      %le3A_1696 = arith.cmpf ole, %masked_sort3A_1181, %rev3A_1690 : vector<16xf32>
      %select_n3A_1697 = arith.select %le3A_1696, %masked_sort3A_1181, %rev3A_1690 : vector<16xi1>, vector<16xf32>
      %select_n3A_1698 = arith.select %le3A_1696, %masked_sort3A_1182, %rev3A_1695 : vector<16xi1>, vector<16xi32>
      %masked_sort3A_1699 = arith.constant dense<true> : vector<16xi1>
      %masked_sort3A_1700, %masked_sort3A_1701, %masked_sort3A_1702 = tpu.sort %select_n3A_1697, %select_n3A_1698 masked %masked_sort3A_1699 : (vector<16xf32>, vector<16xi32>, vector<16xi1>) -> (vector<16xi1>, vector<16xf32>, vector<16xi32>)
      %rev3A_1703 = arith.constant 15 : i32
      %rev3A_1704 = vector.broadcast %rev3A_1703 : i32 to vector<16xi32>
      %rev3A_1705 = tpu.iota {dimensions = array<i32: 0>} : vector<16xi32>
      %rev3A_1706 = arith.subi %rev3A_1704, %rev3A_1705 : vector<16xi32>
      %rev3A_1707 = tpu.dynamic_gather %masked_sort3A_1274[%rev3A_1706] in [0] : vector<16xf32>, vector<16xi32> -> vector<16xf32>
      %rev3A_1708 = arith.constant 15 : i32
      %rev3A_1709 = vector.broadcast %rev3A_1708 : i32 to vector<16xi32>
      %rev3A_1710 = tpu.iota {dimensions = array<i32: 0>} : vector<16xi32>
      %rev3A_1711 = arith.subi %rev3A_1709, %rev3A_1710 : vector<16xi32>
      %rev3A_1712 = tpu.dynamic_gather %masked_sort3A_1275[%rev3A_1711] in [0] : vector<16xi32>, vector<16xi32> -> vector<16xi32>
      %le3A_1713 = arith.cmpf ole, %masked_sort3A_1243, %rev3A_1707 : vector<16xf32>
      %select_n3A_1714 = arith.select %le3A_1713, %masked_sort3A_1243, %rev3A_1707 : vector<16xi1>, vector<16xf32>
      %select_n3A_1715 = arith.select %le3A_1713, %masked_sort3A_1244, %rev3A_1712 : vector<16xi1>, vector<16xi32>
      %masked_sort3A_1716 = arith.constant dense<true> : vector<16xi1>
      %masked_sort3A_1717, %masked_sort3A_1718, %masked_sort3A_1719 = tpu.sort %select_n3A_1714, %select_n3A_1715 masked %masked_sort3A_1716 : (vector<16xf32>, vector<16xi32>, vector<16xi1>) -> (vector<16xi1>, vector<16xf32>, vector<16xi32>)
      %rev3A_1720 = arith.constant 15 : i32
      %rev3A_1721 = vector.broadcast %rev3A_1720 : i32 to vector<16xi32>
      %rev3A_1722 = tpu.iota {dimensions = array<i32: 0>} : vector<16xi32>
      %rev3A_1723 = arith.subi %rev3A_1721, %rev3A_1722 : vector<16xi32>
      %rev3A_1724 = tpu.dynamic_gather %masked_sort3A_1336[%rev3A_1723] in [0] : vector<16xf32>, vector<16xi32> -> vector<16xf32>
      %rev3A_1725 = arith.constant 15 : i32
      %rev3A_1726 = vector.broadcast %rev3A_1725 : i32 to vector<16xi32>
      %rev3A_1727 = tpu.iota {dimensions = array<i32: 0>} : vector<16xi32>
      %rev3A_1728 = arith.subi %rev3A_1726, %rev3A_1727 : vector<16xi32>
      %rev3A_1729 = tpu.dynamic_gather %masked_sort3A_1337[%rev3A_1728] in [0] : vector<16xi32>, vector<16xi32> -> vector<16xi32>
      %le3A_1730 = arith.cmpf ole, %masked_sort3A_1305, %rev3A_1724 : vector<16xf32>
      %select_n3A_1731 = arith.select %le3A_1730, %masked_sort3A_1305, %rev3A_1724 : vector<16xi1>, vector<16xf32>
      %select_n3A_1732 = arith.select %le3A_1730, %masked_sort3A_1306, %rev3A_1729 : vector<16xi1>, vector<16xi32>
      %masked_sort3A_1733 = arith.constant dense<true> : vector<16xi1>
      %masked_sort3A_1734, %masked_sort3A_1735, %masked_sort3A_1736 = tpu.sort %select_n3A_1731, %select_n3A_1732 masked %masked_sort3A_1733 : (vector<16xf32>, vector<16xi32>, vector<16xi1>) -> (vector<16xi1>, vector<16xf32>, vector<16xi32>)
      %rev3A_1737 = arith.constant 15 : i32
      %rev3A_1738 = vector.broadcast %rev3A_1737 : i32 to vector<16xi32>
      %rev3A_1739 = tpu.iota {dimensions = array<i32: 0>} : vector<16xi32>
      %rev3A_1740 = arith.subi %rev3A_1738, %rev3A_1739 : vector<16xi32>
      %rev3A_1741 = tpu.dynamic_gather %masked_sort3A_1398[%rev3A_1740] in [0] : vector<16xf32>, vector<16xi32> -> vector<16xf32>
      %rev3A_1742 = arith.constant 15 : i32
      %rev3A_1743 = vector.broadcast %rev3A_1742 : i32 to vector<16xi32>
      %rev3A_1744 = tpu.iota {dimensions = array<i32: 0>} : vector<16xi32>
      %rev3A_1745 = arith.subi %rev3A_1743, %rev3A_1744 : vector<16xi32>
      %rev3A_1746 = tpu.dynamic_gather %masked_sort3A_1399[%rev3A_1745] in [0] : vector<16xi32>, vector<16xi32> -> vector<16xi32>
      %le3A_1747 = arith.cmpf ole, %masked_sort3A_1367, %rev3A_1741 : vector<16xf32>
      %select_n3A_1748 = arith.select %le3A_1747, %masked_sort3A_1367, %rev3A_1741 : vector<16xi1>, vector<16xf32>
      %select_n3A_1749 = arith.select %le3A_1747, %masked_sort3A_1368, %rev3A_1746 : vector<16xi1>, vector<16xi32>
      %masked_sort3A_1750 = arith.constant dense<true> : vector<16xi1>
      %masked_sort3A_1751, %masked_sort3A_1752, %masked_sort3A_1753 = tpu.sort %select_n3A_1748, %select_n3A_1749 masked %masked_sort3A_1750 : (vector<16xf32>, vector<16xi32>, vector<16xi1>) -> (vector<16xi1>, vector<16xf32>, vector<16xi32>)
      %rev3A_1754 = arith.constant 15 : i32
      %rev3A_1755 = vector.broadcast %rev3A_1754 : i32 to vector<16xi32>
      %rev3A_1756 = tpu.iota {dimensions = array<i32: 0>} : vector<16xi32>
      %rev3A_1757 = arith.subi %rev3A_1755, %rev3A_1756 : vector<16xi32>
      %rev3A_1758 = tpu.dynamic_gather %masked_sort3A_1463[%rev3A_1757] in [0] : vector<16xf32>, vector<16xi32> -> vector<16xf32>
      %rev3A_1759 = arith.constant 15 : i32
      %rev3A_1760 = vector.broadcast %rev3A_1759 : i32 to vector<16xi32>
      %rev3A_1761 = tpu.iota {dimensions = array<i32: 0>} : vector<16xi32>
      %rev3A_1762 = arith.subi %rev3A_1760, %rev3A_1761 : vector<16xi32>
      %rev3A_1763 = tpu.dynamic_gather %masked_sort3A_1464[%rev3A_1762] in [0] : vector<16xi32>, vector<16xi32> -> vector<16xi32>
      %le3A_1764 = arith.cmpf ole, %masked_sort3A_1446, %rev3A_1758 : vector<16xf32>
      %select_n3A_1765 = arith.select %le3A_1764, %masked_sort3A_1446, %rev3A_1758 : vector<16xi1>, vector<16xf32>
      %select_n3A_1766 = arith.select %le3A_1764, %masked_sort3A_1447, %rev3A_1763 : vector<16xi1>, vector<16xi32>
      %masked_sort3A_1767 = arith.constant dense<true> : vector<16xi1>
      %masked_sort3A_1768, %masked_sort3A_1769, %masked_sort3A_1770 = tpu.sort %select_n3A_1765, %select_n3A_1766 masked %masked_sort3A_1767 : (vector<16xf32>, vector<16xi32>, vector<16xi1>) -> (vector<16xi1>, vector<16xf32>, vector<16xi32>)
      %rev3A_1771 = arith.constant 15 : i32
      %rev3A_1772 = vector.broadcast %rev3A_1771 : i32 to vector<16xi32>
      %rev3A_1773 = tpu.iota {dimensions = array<i32: 0>} : vector<16xi32>
      %rev3A_1774 = arith.subi %rev3A_1772, %rev3A_1773 : vector<16xi32>
      %rev3A_1775 = tpu.dynamic_gather %masked_sort3A_1497[%rev3A_1774] in [0] : vector<16xf32>, vector<16xi32> -> vector<16xf32>
      %rev3A_1776 = arith.constant 15 : i32
      %rev3A_1777 = vector.broadcast %rev3A_1776 : i32 to vector<16xi32>
      %rev3A_1778 = tpu.iota {dimensions = array<i32: 0>} : vector<16xi32>
      %rev3A_1779 = arith.subi %rev3A_1777, %rev3A_1778 : vector<16xi32>
      %rev3A_1780 = tpu.dynamic_gather %masked_sort3A_1498[%rev3A_1779] in [0] : vector<16xi32>, vector<16xi32> -> vector<16xi32>
      %le3A_1781 = arith.cmpf ole, %masked_sort3A_1480, %rev3A_1775 : vector<16xf32>
      %select_n3A_1782 = arith.select %le3A_1781, %masked_sort3A_1480, %rev3A_1775 : vector<16xi1>, vector<16xf32>
      %select_n3A_1783 = arith.select %le3A_1781, %masked_sort3A_1481, %rev3A_1780 : vector<16xi1>, vector<16xi32>
      %masked_sort3A_1784 = arith.constant dense<true> : vector<16xi1>
      %masked_sort3A_1785, %masked_sort3A_1786, %masked_sort3A_1787 = tpu.sort %select_n3A_1782, %select_n3A_1783 masked %masked_sort3A_1784 : (vector<16xf32>, vector<16xi32>, vector<16xi1>) -> (vector<16xi1>, vector<16xf32>, vector<16xi32>)
      %rev3A_1788 = arith.constant 15 : i32
      %rev3A_1789 = vector.broadcast %rev3A_1788 : i32 to vector<16xi32>
      %rev3A_1790 = tpu.iota {dimensions = array<i32: 0>} : vector<16xi32>
      %rev3A_1791 = arith.subi %rev3A_1789, %rev3A_1790 : vector<16xi32>
      %rev3A_1792 = tpu.dynamic_gather %masked_sort3A_1531[%rev3A_1791] in [0] : vector<16xf32>, vector<16xi32> -> vector<16xf32>
      %rev3A_1793 = arith.constant 15 : i32
      %rev3A_1794 = vector.broadcast %rev3A_1793 : i32 to vector<16xi32>
      %rev3A_1795 = tpu.iota {dimensions = array<i32: 0>} : vector<16xi32>
      %rev3A_1796 = arith.subi %rev3A_1794, %rev3A_1795 : vector<16xi32>
      %rev3A_1797 = tpu.dynamic_gather %masked_sort3A_1532[%rev3A_1796] in [0] : vector<16xi32>, vector<16xi32> -> vector<16xi32>
      %le3A_1798 = arith.cmpf ole, %masked_sort3A_1514, %rev3A_1792 : vector<16xf32>
      %select_n3A_1799 = arith.select %le3A_1798, %masked_sort3A_1514, %rev3A_1792 : vector<16xi1>, vector<16xf32>
      %select_n3A_1800 = arith.select %le3A_1798, %masked_sort3A_1515, %rev3A_1797 : vector<16xi1>, vector<16xi32>
      %masked_sort3A_1801 = arith.constant dense<true> : vector<16xi1>
      %masked_sort3A_1802, %masked_sort3A_1803, %masked_sort3A_1804 = tpu.sort %select_n3A_1799, %select_n3A_1800 masked %masked_sort3A_1801 : (vector<16xf32>, vector<16xi32>, vector<16xi1>) -> (vector<16xi1>, vector<16xf32>, vector<16xi32>)
      %rev3A_1805 = arith.constant 15 : i32
      %rev3A_1806 = vector.broadcast %rev3A_1805 : i32 to vector<16xi32>
      %rev3A_1807 = tpu.iota {dimensions = array<i32: 0>} : vector<16xi32>
      %rev3A_1808 = arith.subi %rev3A_1806, %rev3A_1807 : vector<16xi32>
      %rev3A_1809 = tpu.dynamic_gather %masked_sort3A_1565[%rev3A_1808] in [0] : vector<16xf32>, vector<16xi32> -> vector<16xf32>
      %rev3A_1810 = arith.constant 15 : i32
      %rev3A_1811 = vector.broadcast %rev3A_1810 : i32 to vector<16xi32>
      %rev3A_1812 = tpu.iota {dimensions = array<i32: 0>} : vector<16xi32>
      %rev3A_1813 = arith.subi %rev3A_1811, %rev3A_1812 : vector<16xi32>
      %rev3A_1814 = tpu.dynamic_gather %masked_sort3A_1566[%rev3A_1813] in [0] : vector<16xi32>, vector<16xi32> -> vector<16xi32>
      %le3A_1815 = arith.cmpf ole, %masked_sort3A_1548, %rev3A_1809 : vector<16xf32>
      %select_n3A_1816 = arith.select %le3A_1815, %masked_sort3A_1548, %rev3A_1809 : vector<16xi1>, vector<16xf32>
      %select_n3A_1817 = arith.select %le3A_1815, %masked_sort3A_1549, %rev3A_1814 : vector<16xi1>, vector<16xi32>
      %masked_sort3A_1818 = arith.constant dense<true> : vector<16xi1>
      %masked_sort3A_1819, %masked_sort3A_1820, %masked_sort3A_1821 = tpu.sort %select_n3A_1816, %select_n3A_1817 masked %masked_sort3A_1818 : (vector<16xf32>, vector<16xi32>, vector<16xi1>) -> (vector<16xi1>, vector<16xf32>, vector<16xi32>)
      %rev3A_1822 = arith.constant 15 : i32
      %rev3A_1823 = vector.broadcast %rev3A_1822 : i32 to vector<16xi32>
      %rev3A_1824 = tpu.iota {dimensions = array<i32: 0>} : vector<16xi32>
      %rev3A_1825 = arith.subi %rev3A_1823, %rev3A_1824 : vector<16xi32>
      %rev3A_1826 = tpu.dynamic_gather %masked_sort3A_1599[%rev3A_1825] in [0] : vector<16xf32>, vector<16xi32> -> vector<16xf32>
      %rev3A_1827 = arith.constant 15 : i32
      %rev3A_1828 = vector.broadcast %rev3A_1827 : i32 to vector<16xi32>
      %rev3A_1829 = tpu.iota {dimensions = array<i32: 0>} : vector<16xi32>
      %rev3A_1830 = arith.subi %rev3A_1828, %rev3A_1829 : vector<16xi32>
      %rev3A_1831 = tpu.dynamic_gather %masked_sort3A_1600[%rev3A_1830] in [0] : vector<16xi32>, vector<16xi32> -> vector<16xi32>
      %le3A_1832 = arith.cmpf ole, %masked_sort3A_1582, %rev3A_1826 : vector<16xf32>
      %select_n3A_1833 = arith.select %le3A_1832, %masked_sort3A_1582, %rev3A_1826 : vector<16xi1>, vector<16xf32>
      %select_n3A_1834 = arith.select %le3A_1832, %masked_sort3A_1583, %rev3A_1831 : vector<16xi1>, vector<16xi32>
      %masked_sort3A_1835 = arith.constant dense<true> : vector<16xi1>
      %masked_sort3A_1836, %masked_sort3A_1837, %masked_sort3A_1838 = tpu.sort %select_n3A_1833, %select_n3A_1834 masked %masked_sort3A_1835 : (vector<16xf32>, vector<16xi32>, vector<16xi1>) -> (vector<16xi1>, vector<16xf32>, vector<16xi32>)
      %rev3A_1839 = arith.constant 15 : i32
      %rev3A_1840 = vector.broadcast %rev3A_1839 : i32 to vector<16xi32>
      %rev3A_1841 = tpu.iota {dimensions = array<i32: 0>} : vector<16xi32>
      %rev3A_1842 = arith.subi %rev3A_1840, %rev3A_1841 : vector<16xi32>
      %rev3A_1843 = tpu.dynamic_gather %masked_sort3A_1633[%rev3A_1842] in [0] : vector<16xf32>, vector<16xi32> -> vector<16xf32>
      %rev3A_1844 = arith.constant 15 : i32
      %rev3A_1845 = vector.broadcast %rev3A_1844 : i32 to vector<16xi32>
      %rev3A_1846 = tpu.iota {dimensions = array<i32: 0>} : vector<16xi32>
      %rev3A_1847 = arith.subi %rev3A_1845, %rev3A_1846 : vector<16xi32>
      %rev3A_1848 = tpu.dynamic_gather %masked_sort3A_1634[%rev3A_1847] in [0] : vector<16xi32>, vector<16xi32> -> vector<16xi32>
      %le3A_1849 = arith.cmpf ole, %masked_sort3A_1616, %rev3A_1843 : vector<16xf32>
      %select_n3A_1850 = arith.select %le3A_1849, %masked_sort3A_1616, %rev3A_1843 : vector<16xi1>, vector<16xf32>
      %select_n3A_1851 = arith.select %le3A_1849, %masked_sort3A_1617, %rev3A_1848 : vector<16xi1>, vector<16xi32>
      %masked_sort3A_1852 = arith.constant dense<true> : vector<16xi1>
      %masked_sort3A_1853, %masked_sort3A_1854, %masked_sort3A_1855 = tpu.sort %select_n3A_1850, %select_n3A_1851 masked %masked_sort3A_1852 : (vector<16xf32>, vector<16xi32>, vector<16xi1>) -> (vector<16xi1>, vector<16xf32>, vector<16xi32>)
      %rev3A_1856 = arith.constant 15 : i32
      %rev3A_1857 = vector.broadcast %rev3A_1856 : i32 to vector<16xi32>
      %rev3A_1858 = tpu.iota {dimensions = array<i32: 0>} : vector<16xi32>
      %rev3A_1859 = arith.subi %rev3A_1857, %rev3A_1858 : vector<16xi32>
      %rev3A_1860 = tpu.dynamic_gather %masked_sort3A_1667[%rev3A_1859] in [0] : vector<16xf32>, vector<16xi32> -> vector<16xf32>
      %rev3A_1861 = arith.constant 15 : i32
      %rev3A_1862 = vector.broadcast %rev3A_1861 : i32 to vector<16xi32>
      %rev3A_1863 = tpu.iota {dimensions = array<i32: 0>} : vector<16xi32>
      %rev3A_1864 = arith.subi %rev3A_1862, %rev3A_1863 : vector<16xi32>
      %rev3A_1865 = tpu.dynamic_gather %masked_sort3A_1668[%rev3A_1864] in [0] : vector<16xi32>, vector<16xi32> -> vector<16xi32>
      %le3A_1866 = arith.cmpf ole, %masked_sort3A_1650, %rev3A_1860 : vector<16xf32>
      %select_n3A_1867 = arith.select %le3A_1866, %masked_sort3A_1650, %rev3A_1860 : vector<16xi1>, vector<16xf32>
      %select_n3A_1868 = arith.select %le3A_1866, %masked_sort3A_1651, %rev3A_1865 : vector<16xi1>, vector<16xi32>
      %masked_sort3A_1869 = arith.constant dense<true> : vector<16xi1>
      %masked_sort3A_1870, %masked_sort3A_1871, %masked_sort3A_1872 = tpu.sort %select_n3A_1867, %select_n3A_1868 masked %masked_sort3A_1869 : (vector<16xf32>, vector<16xi32>, vector<16xi1>) -> (vector<16xi1>, vector<16xf32>, vector<16xi32>)
      %rev3A_1873 = arith.constant 15 : i32
      %rev3A_1874 = vector.broadcast %rev3A_1873 : i32 to vector<16xi32>
      %rev3A_1875 = tpu.iota {dimensions = array<i32: 0>} : vector<16xi32>
      %rev3A_1876 = arith.subi %rev3A_1874, %rev3A_1875 : vector<16xi32>
      %rev3A_1877 = tpu.dynamic_gather %masked_sort3A_1701[%rev3A_1876] in [0] : vector<16xf32>, vector<16xi32> -> vector<16xf32>
      %rev3A_1878 = arith.constant 15 : i32
      %rev3A_1879 = vector.broadcast %rev3A_1878 : i32 to vector<16xi32>
      %rev3A_1880 = tpu.iota {dimensions = array<i32: 0>} : vector<16xi32>
      %rev3A_1881 = arith.subi %rev3A_1879, %rev3A_1880 : vector<16xi32>
      %rev3A_1882 = tpu.dynamic_gather %masked_sort3A_1702[%rev3A_1881] in [0] : vector<16xi32>, vector<16xi32> -> vector<16xi32>
      %le3A_1883 = arith.cmpf ole, %masked_sort3A_1684, %rev3A_1877 : vector<16xf32>
      %select_n3A_1884 = arith.select %le3A_1883, %masked_sort3A_1684, %rev3A_1877 : vector<16xi1>, vector<16xf32>
      %select_n3A_1885 = arith.select %le3A_1883, %masked_sort3A_1685, %rev3A_1882 : vector<16xi1>, vector<16xi32>
      %masked_sort3A_1886 = arith.constant dense<true> : vector<16xi1>
      %masked_sort3A_1887, %masked_sort3A_1888, %masked_sort3A_1889 = tpu.sort %select_n3A_1884, %select_n3A_1885 masked %masked_sort3A_1886 : (vector<16xf32>, vector<16xi32>, vector<16xi1>) -> (vector<16xi1>, vector<16xf32>, vector<16xi32>)
      %rev3A_1890 = arith.constant 15 : i32
      %rev3A_1891 = vector.broadcast %rev3A_1890 : i32 to vector<16xi32>
      %rev3A_1892 = tpu.iota {dimensions = array<i32: 0>} : vector<16xi32>
      %rev3A_1893 = arith.subi %rev3A_1891, %rev3A_1892 : vector<16xi32>
      %rev3A_1894 = tpu.dynamic_gather %masked_sort3A_1735[%rev3A_1893] in [0] : vector<16xf32>, vector<16xi32> -> vector<16xf32>
      %rev3A_1895 = arith.constant 15 : i32
      %rev3A_1896 = vector.broadcast %rev3A_1895 : i32 to vector<16xi32>
      %rev3A_1897 = tpu.iota {dimensions = array<i32: 0>} : vector<16xi32>
      %rev3A_1898 = arith.subi %rev3A_1896, %rev3A_1897 : vector<16xi32>
      %rev3A_1899 = tpu.dynamic_gather %masked_sort3A_1736[%rev3A_1898] in [0] : vector<16xi32>, vector<16xi32> -> vector<16xi32>
      %le3A_1900 = arith.cmpf ole, %masked_sort3A_1718, %rev3A_1894 : vector<16xf32>
      %select_n3A_1901 = arith.select %le3A_1900, %masked_sort3A_1718, %rev3A_1894 : vector<16xi1>, vector<16xf32>
      %select_n3A_1902 = arith.select %le3A_1900, %masked_sort3A_1719, %rev3A_1899 : vector<16xi1>, vector<16xi32>
      %masked_sort3A_1903 = arith.constant dense<true> : vector<16xi1>
      %masked_sort3A_1904, %masked_sort3A_1905, %masked_sort3A_1906 = tpu.sort %select_n3A_1901, %select_n3A_1902 masked %masked_sort3A_1903 : (vector<16xf32>, vector<16xi32>, vector<16xi1>) -> (vector<16xi1>, vector<16xf32>, vector<16xi32>)
      %rev3A_1907 = arith.constant 15 : i32
      %rev3A_1908 = vector.broadcast %rev3A_1907 : i32 to vector<16xi32>
      %rev3A_1909 = tpu.iota {dimensions = array<i32: 0>} : vector<16xi32>
      %rev3A_1910 = arith.subi %rev3A_1908, %rev3A_1909 : vector<16xi32>
      %rev3A_1911 = tpu.dynamic_gather %masked_sort3A_1429[%rev3A_1910] in [0] : vector<16xf32>, vector<16xi32> -> vector<16xf32>
      %rev3A_1912 = arith.constant 15 : i32
      %rev3A_1913 = vector.broadcast %rev3A_1912 : i32 to vector<16xi32>
      %rev3A_1914 = tpu.iota {dimensions = array<i32: 0>} : vector<16xi32>
      %rev3A_1915 = arith.subi %rev3A_1913, %rev3A_1914 : vector<16xi32>
      %rev3A_1916 = tpu.dynamic_gather %masked_sort3A_1430[%rev3A_1915] in [0] : vector<16xi32>, vector<16xi32> -> vector<16xi32>
      %le3A_1917 = arith.cmpf ole, %masked_sort3A_1752, %rev3A_1911 : vector<16xf32>
      %select_n3A_1918 = arith.select %le3A_1917, %masked_sort3A_1752, %rev3A_1911 : vector<16xi1>, vector<16xf32>
      %select_n3A_1919 = arith.select %le3A_1917, %masked_sort3A_1753, %rev3A_1916 : vector<16xi1>, vector<16xi32>
      %masked_sort3A_1920 = arith.constant dense<true> : vector<16xi1>
      %masked_sort3A_1921, %masked_sort3A_1922, %masked_sort3A_1923 = tpu.sort %select_n3A_1918, %select_n3A_1919 masked %masked_sort3A_1920 : (vector<16xf32>, vector<16xi32>, vector<16xi1>) -> (vector<16xi1>, vector<16xf32>, vector<16xi32>)
      %rev3A_1924 = arith.constant 15 : i32
      %rev3A_1925 = vector.broadcast %rev3A_1924 : i32 to vector<16xi32>
      %rev3A_1926 = tpu.iota {dimensions = array<i32: 0>} : vector<16xi32>
      %rev3A_1927 = arith.subi %rev3A_1925, %rev3A_1926 : vector<16xi32>
      %rev3A_1928 = tpu.dynamic_gather %masked_sort3A_1786[%rev3A_1927] in [0] : vector<16xf32>, vector<16xi32> -> vector<16xf32>
      %rev3A_1929 = arith.constant 15 : i32
      %rev3A_1930 = vector.broadcast %rev3A_1929 : i32 to vector<16xi32>
      %rev3A_1931 = tpu.iota {dimensions = array<i32: 0>} : vector<16xi32>
      %rev3A_1932 = arith.subi %rev3A_1930, %rev3A_1931 : vector<16xi32>
      %rev3A_1933 = tpu.dynamic_gather %masked_sort3A_1787[%rev3A_1932] in [0] : vector<16xi32>, vector<16xi32> -> vector<16xi32>
      %le3A_1934 = arith.cmpf ole, %masked_sort3A_1769, %rev3A_1928 : vector<16xf32>
      %select_n3A_1935 = arith.select %le3A_1934, %masked_sort3A_1769, %rev3A_1928 : vector<16xi1>, vector<16xf32>
      %select_n3A_1936 = arith.select %le3A_1934, %masked_sort3A_1770, %rev3A_1933 : vector<16xi1>, vector<16xi32>
      %masked_sort3A_1937 = arith.constant dense<true> : vector<16xi1>
      %masked_sort3A_1938, %masked_sort3A_1939, %masked_sort3A_1940 = tpu.sort %select_n3A_1935, %select_n3A_1936 masked %masked_sort3A_1937 : (vector<16xf32>, vector<16xi32>, vector<16xi1>) -> (vector<16xi1>, vector<16xf32>, vector<16xi32>)
      %rev3A_1941 = arith.constant 15 : i32
      %rev3A_1942 = vector.broadcast %rev3A_1941 : i32 to vector<16xi32>
      %rev3A_1943 = tpu.iota {dimensions = array<i32: 0>} : vector<16xi32>
      %rev3A_1944 = arith.subi %rev3A_1942, %rev3A_1943 : vector<16xi32>
      %rev3A_1945 = tpu.dynamic_gather %masked_sort3A_1820[%rev3A_1944] in [0] : vector<16xf32>, vector<16xi32> -> vector<16xf32>
      %rev3A_1946 = arith.constant 15 : i32
      %rev3A_1947 = vector.broadcast %rev3A_1946 : i32 to vector<16xi32>
      %rev3A_1948 = tpu.iota {dimensions = array<i32: 0>} : vector<16xi32>
      %rev3A_1949 = arith.subi %rev3A_1947, %rev3A_1948 : vector<16xi32>
      %rev3A_1950 = tpu.dynamic_gather %masked_sort3A_1821[%rev3A_1949] in [0] : vector<16xi32>, vector<16xi32> -> vector<16xi32>
      %le3A_1951 = arith.cmpf ole, %masked_sort3A_1803, %rev3A_1945 : vector<16xf32>
      %select_n3A_1952 = arith.select %le3A_1951, %masked_sort3A_1803, %rev3A_1945 : vector<16xi1>, vector<16xf32>
      %select_n3A_1953 = arith.select %le3A_1951, %masked_sort3A_1804, %rev3A_1950 : vector<16xi1>, vector<16xi32>
      %masked_sort3A_1954 = arith.constant dense<true> : vector<16xi1>
      %masked_sort3A_1955, %masked_sort3A_1956, %masked_sort3A_1957 = tpu.sort %select_n3A_1952, %select_n3A_1953 masked %masked_sort3A_1954 : (vector<16xf32>, vector<16xi32>, vector<16xi1>) -> (vector<16xi1>, vector<16xf32>, vector<16xi32>)
      %rev3A_1958 = arith.constant 15 : i32
      %rev3A_1959 = vector.broadcast %rev3A_1958 : i32 to vector<16xi32>
      %rev3A_1960 = tpu.iota {dimensions = array<i32: 0>} : vector<16xi32>
      %rev3A_1961 = arith.subi %rev3A_1959, %rev3A_1960 : vector<16xi32>
      %rev3A_1962 = tpu.dynamic_gather %masked_sort3A_1854[%rev3A_1961] in [0] : vector<16xf32>, vector<16xi32> -> vector<16xf32>
      %rev3A_1963 = arith.constant 15 : i32
      %rev3A_1964 = vector.broadcast %rev3A_1963 : i32 to vector<16xi32>
      %rev3A_1965 = tpu.iota {dimensions = array<i32: 0>} : vector<16xi32>
      %rev3A_1966 = arith.subi %rev3A_1964, %rev3A_1965 : vector<16xi32>
      %rev3A_1967 = tpu.dynamic_gather %masked_sort3A_1855[%rev3A_1966] in [0] : vector<16xi32>, vector<16xi32> -> vector<16xi32>
      %le3A_1968 = arith.cmpf ole, %masked_sort3A_1837, %rev3A_1962 : vector<16xf32>
      %select_n3A_1969 = arith.select %le3A_1968, %masked_sort3A_1837, %rev3A_1962 : vector<16xi1>, vector<16xf32>
      %select_n3A_1970 = arith.select %le3A_1968, %masked_sort3A_1838, %rev3A_1967 : vector<16xi1>, vector<16xi32>
      %masked_sort3A_1971 = arith.constant dense<true> : vector<16xi1>
      %masked_sort3A_1972, %masked_sort3A_1973, %masked_sort3A_1974 = tpu.sort %select_n3A_1969, %select_n3A_1970 masked %masked_sort3A_1971 : (vector<16xf32>, vector<16xi32>, vector<16xi1>) -> (vector<16xi1>, vector<16xf32>, vector<16xi32>)
      %rev3A_1975 = arith.constant 15 : i32
      %rev3A_1976 = vector.broadcast %rev3A_1975 : i32 to vector<16xi32>
      %rev3A_1977 = tpu.iota {dimensions = array<i32: 0>} : vector<16xi32>
      %rev3A_1978 = arith.subi %rev3A_1976, %rev3A_1977 : vector<16xi32>
      %rev3A_1979 = tpu.dynamic_gather %masked_sort3A_1888[%rev3A_1978] in [0] : vector<16xf32>, vector<16xi32> -> vector<16xf32>
      %rev3A_1980 = arith.constant 15 : i32
      %rev3A_1981 = vector.broadcast %rev3A_1980 : i32 to vector<16xi32>
      %rev3A_1982 = tpu.iota {dimensions = array<i32: 0>} : vector<16xi32>
      %rev3A_1983 = arith.subi %rev3A_1981, %rev3A_1982 : vector<16xi32>
      %rev3A_1984 = tpu.dynamic_gather %masked_sort3A_1889[%rev3A_1983] in [0] : vector<16xi32>, vector<16xi32> -> vector<16xi32>
      %le3A_1985 = arith.cmpf ole, %masked_sort3A_1871, %rev3A_1979 : vector<16xf32>
      %select_n3A_1986 = arith.select %le3A_1985, %masked_sort3A_1871, %rev3A_1979 : vector<16xi1>, vector<16xf32>
      %select_n3A_1987 = arith.select %le3A_1985, %masked_sort3A_1872, %rev3A_1984 : vector<16xi1>, vector<16xi32>
      %masked_sort3A_1988 = arith.constant dense<true> : vector<16xi1>
      %masked_sort3A_1989, %masked_sort3A_1990, %masked_sort3A_1991 = tpu.sort %select_n3A_1986, %select_n3A_1987 masked %masked_sort3A_1988 : (vector<16xf32>, vector<16xi32>, vector<16xi1>) -> (vector<16xi1>, vector<16xf32>, vector<16xi32>)
      %rev3A_1992 = arith.constant 15 : i32
      %rev3A_1993 = vector.broadcast %rev3A_1992 : i32 to vector<16xi32>
      %rev3A_1994 = tpu.iota {dimensions = array<i32: 0>} : vector<16xi32>
      %rev3A_1995 = arith.subi %rev3A_1993, %rev3A_1994 : vector<16xi32>
      %rev3A_1996 = tpu.dynamic_gather %masked_sort3A_1922[%rev3A_1995] in [0] : vector<16xf32>, vector<16xi32> -> vector<16xf32>
      %rev3A_1997 = arith.constant 15 : i32
      %rev3A_1998 = vector.broadcast %rev3A_1997 : i32 to vector<16xi32>
      %rev3A_1999 = tpu.iota {dimensions = array<i32: 0>} : vector<16xi32>
      %rev3A_2000 = arith.subi %rev3A_1998, %rev3A_1999 : vector<16xi32>
      %rev3A_2001 = tpu.dynamic_gather %masked_sort3A_1923[%rev3A_2000] in [0] : vector<16xi32>, vector<16xi32> -> vector<16xi32>
      %le3A_2002 = arith.cmpf ole, %masked_sort3A_1905, %rev3A_1996 : vector<16xf32>
      %select_n3A_2003 = arith.select %le3A_2002, %masked_sort3A_1905, %rev3A_1996 : vector<16xi1>, vector<16xf32>
      %select_n3A_2004 = arith.select %le3A_2002, %masked_sort3A_1906, %rev3A_2001 : vector<16xi1>, vector<16xi32>
      %masked_sort3A_2005 = arith.constant dense<true> : vector<16xi1>
      %masked_sort3A_2006, %masked_sort3A_2007, %masked_sort3A_2008 = tpu.sort %select_n3A_2003, %select_n3A_2004 masked %masked_sort3A_2005 : (vector<16xf32>, vector<16xi32>, vector<16xi1>) -> (vector<16xi1>, vector<16xf32>, vector<16xi32>)
      %rev3A_2009 = arith.constant 15 : i32
      %rev3A_2010 = vector.broadcast %rev3A_2009 : i32 to vector<16xi32>
      %rev3A_2011 = tpu.iota {dimensions = array<i32: 0>} : vector<16xi32>
      %rev3A_2012 = arith.subi %rev3A_2010, %rev3A_2011 : vector<16xi32>
      %rev3A_2013 = tpu.dynamic_gather %masked_sort3A_1956[%rev3A_2012] in [0] : vector<16xf32>, vector<16xi32> -> vector<16xf32>
      %rev3A_2014 = arith.constant 15 : i32
      %rev3A_2015 = vector.broadcast %rev3A_2014 : i32 to vector<16xi32>
      %rev3A_2016 = tpu.iota {dimensions = array<i32: 0>} : vector<16xi32>
      %rev3A_2017 = arith.subi %rev3A_2015, %rev3A_2016 : vector<16xi32>
      %rev3A_2018 = tpu.dynamic_gather %masked_sort3A_1957[%rev3A_2017] in [0] : vector<16xi32>, vector<16xi32> -> vector<16xi32>
      %le3A_2019 = arith.cmpf ole, %masked_sort3A_1939, %rev3A_2013 : vector<16xf32>
      %select_n3A_2020 = arith.select %le3A_2019, %masked_sort3A_1939, %rev3A_2013 : vector<16xi1>, vector<16xf32>
      %select_n3A_2021 = arith.select %le3A_2019, %masked_sort3A_1940, %rev3A_2018 : vector<16xi1>, vector<16xi32>
      %masked_sort3A_2022 = arith.constant dense<true> : vector<16xi1>
      %masked_sort3A_2023, %masked_sort3A_2024, %masked_sort3A_2025 = tpu.sort %select_n3A_2020, %select_n3A_2021 masked %masked_sort3A_2022 : (vector<16xf32>, vector<16xi32>, vector<16xi1>) -> (vector<16xi1>, vector<16xf32>, vector<16xi32>)
      %rev3A_2026 = arith.constant 15 : i32
      %rev3A_2027 = vector.broadcast %rev3A_2026 : i32 to vector<16xi32>
      %rev3A_2028 = tpu.iota {dimensions = array<i32: 0>} : vector<16xi32>
      %rev3A_2029 = arith.subi %rev3A_2027, %rev3A_2028 : vector<16xi32>
      %rev3A_2030 = tpu.dynamic_gather %masked_sort3A_1990[%rev3A_2029] in [0] : vector<16xf32>, vector<16xi32> -> vector<16xf32>
      %rev3A_2031 = arith.constant 15 : i32
      %rev3A_2032 = vector.broadcast %rev3A_2031 : i32 to vector<16xi32>
      %rev3A_2033 = tpu.iota {dimensions = array<i32: 0>} : vector<16xi32>
      %rev3A_2034 = arith.subi %rev3A_2032, %rev3A_2033 : vector<16xi32>
      %rev3A_2035 = tpu.dynamic_gather %masked_sort3A_1991[%rev3A_2034] in [0] : vector<16xi32>, vector<16xi32> -> vector<16xi32>
      %le3A_2036 = arith.cmpf ole, %masked_sort3A_1973, %rev3A_2030 : vector<16xf32>
      %select_n3A_2037 = arith.select %le3A_2036, %masked_sort3A_1973, %rev3A_2030 : vector<16xi1>, vector<16xf32>
      %select_n3A_2038 = arith.select %le3A_2036, %masked_sort3A_1974, %rev3A_2035 : vector<16xi1>, vector<16xi32>
      %masked_sort3A_2039 = arith.constant dense<true> : vector<16xi1>
      %masked_sort3A_2040, %masked_sort3A_2041, %masked_sort3A_2042 = tpu.sort %select_n3A_2037, %select_n3A_2038 masked %masked_sort3A_2039 : (vector<16xf32>, vector<16xi32>, vector<16xi1>) -> (vector<16xi1>, vector<16xf32>, vector<16xi32>)
      %rev3A_2043 = arith.constant 15 : i32
      %rev3A_2044 = vector.broadcast %rev3A_2043 : i32 to vector<16xi32>
      %rev3A_2045 = tpu.iota {dimensions = array<i32: 0>} : vector<16xi32>
      %rev3A_2046 = arith.subi %rev3A_2044, %rev3A_2045 : vector<16xi32>
      %rev3A_2047 = tpu.dynamic_gather %masked_sort3A_2041[%rev3A_2046] in [0] : vector<16xf32>, vector<16xi32> -> vector<16xf32>
      %rev3A_2048 = arith.constant 15 : i32
      %rev3A_2049 = vector.broadcast %rev3A_2048 : i32 to vector<16xi32>
      %rev3A_2050 = tpu.iota {dimensions = array<i32: 0>} : vector<16xi32>
      %rev3A_2051 = arith.subi %rev3A_2049, %rev3A_2050 : vector<16xi32>
      %rev3A_2052 = tpu.dynamic_gather %masked_sort3A_2042[%rev3A_2051] in [0] : vector<16xi32>, vector<16xi32> -> vector<16xi32>
      %le3A_2053 = arith.cmpf ole, %masked_sort3A_2024, %rev3A_2047 : vector<16xf32>
      %select_n3A_2054 = arith.select %le3A_2053, %masked_sort3A_2024, %rev3A_2047 : vector<16xi1>, vector<16xf32>
      %select_n3A_2055 = arith.select %le3A_2053, %masked_sort3A_2025, %rev3A_2052 : vector<16xi1>, vector<16xi32>
      %masked_sort3A_2056 = arith.constant dense<true> : vector<16xi1>
      %masked_sort3A_2057, %masked_sort3A_2058, %masked_sort3A_2059 = tpu.sort %select_n3A_2054, %select_n3A_2055 masked %masked_sort3A_2056 : (vector<16xf32>, vector<16xi32>, vector<16xi1>) -> (vector<16xi1>, vector<16xf32>, vector<16xi32>)
      %rev3A_2060 = arith.constant 15 : i32
      %rev3A_2061 = vector.broadcast %rev3A_2060 : i32 to vector<16xi32>
      %rev3A_2062 = tpu.iota {dimensions = array<i32: 0>} : vector<16xi32>
      %rev3A_2063 = arith.subi %rev3A_2061, %rev3A_2062 : vector<16xi32>
      %rev3A_2064 = tpu.dynamic_gather %masked_sort3A_2007[%rev3A_2063] in [0] : vector<16xf32>, vector<16xi32> -> vector<16xf32>
      %rev3A_2065 = arith.constant 15 : i32
      %rev3A_2066 = vector.broadcast %rev3A_2065 : i32 to vector<16xi32>
      %rev3A_2067 = tpu.iota {dimensions = array<i32: 0>} : vector<16xi32>
      %rev3A_2068 = arith.subi %rev3A_2066, %rev3A_2067 : vector<16xi32>
      %rev3A_2069 = tpu.dynamic_gather %masked_sort3A_2008[%rev3A_2068] in [0] : vector<16xi32>, vector<16xi32> -> vector<16xi32>
      %le3A_2070 = arith.cmpf ole, %masked_sort3A_2058, %rev3A_2064 : vector<16xf32>
      %select_n3A_2071 = arith.select %le3A_2070, %masked_sort3A_2058, %rev3A_2064 : vector<16xi1>, vector<16xf32>
      %select_n3A_2072 = arith.select %le3A_2070, %masked_sort3A_2059, %rev3A_2069 : vector<16xi1>, vector<16xi32>
      %masked_sort3A_2073 = arith.constant dense<true> : vector<16xi1>
      %masked_sort3A_2074, %masked_sort3A_2075, %masked_sort3A_2076 = tpu.sort %select_n3A_2071, %select_n3A_2072 masked %masked_sort3A_2073 : (vector<16xf32>, vector<16xi32>, vector<16xi1>) -> (vector<16xi1>, vector<16xf32>, vector<16xi32>)
      %lt3A = arith.constant 8 : i32
      %lt3A_2077 = vector.broadcast %lt3A : i32 to vector<16xi32>
      %lt3A_2078 = arith.cmpi slt, %iota3A, %lt3A_2077 : vector<16xi32>
      %mul3A_2079 = arith.constant 8 : i32
      %mul3A_2080 = arith.muli %scan3A_124, %mul3A_2079 : i32
      %swap3A = arith.index_cast %mul3A_2080 : i32 to index
      %swap3A_2081 = tpu.vector_load %arg10[%swap3A] masked %lt3A_2078 {strides = array<i32>} : memref<4104xf32, #tpu.memory_space<vmem>>, vector<16xf32>, vector<16xi1>
      tpu.vector_store %arg10[%swap3A], %masked_sort3A_2075 masked %lt3A_2078 {strides = array<i32>} : memref<4104xf32, #tpu.memory_space<vmem>>, vector<16xf32>, vector<16xi1>
      %mul3A_2082 = arith.constant 8 : i32
      %mul3A_2083 = arith.muli %scan3A_124, %mul3A_2082 : i32
      %swap3A_2084 = arith.index_cast %mul3A_2083 : i32 to index
      %swap3A_2085 = tpu.vector_load %arg11[%swap3A_2084] masked %lt3A_2078 {strides = array<i32>} : memref<4104xi32, #tpu.memory_space<vmem>>, vector<16xi32>, vector<16xi1>
      tpu.vector_store %arg11[%swap3A_2084], %masked_sort3A_2076 masked %lt3A_2078 {strides = array<i32>} : memref<4104xi32, #tpu.memory_space<vmem>>, vector<16xi32>, vector<16xi1>
      scf.yield %masked_sort3A_188, %gather3A_133, %gather3A_134, %gather3A_135 : vector<16xi32>, vector<16xf32>, vector<16xf32>, vector<16xf32>
    }
    %scan3A_119 = arith.constant 512 : i32
    %mul3A_120 = arith.constant 8 : i32
    %mul3A_121 = arith.muli %mul3A_2, %mul3A_120 : i32
    "tpu.region"() ({
      %run_scoped3A = tpu.sem_alloc : memref<!tpu.dma_semaphore, #tpu.memory_space<semaphore_mem>>
      %dma_start3A = arith.constant 0 : i32
      %dma_start3A_124 = tpu.memref_slice %arg10[%dma_start3A] : memref<4104xf32, #tpu.memory_space<vmem>> -> memref<4096xf32, #tpu.memory_space<vmem>>
      %dma_start3A_125 = tpu.memref_slice %arg5[%mul3A_121] : memref<131072xf32, #tpu.memory_space<hbm>> -> memref<4096xf32, #tpu.memory_space<hbm>>
      %dma_start3A_126 = tpu.memref_slice %arg5[%mul3A_121] : memref<131072xf32, #tpu.memory_space<hbm>> -> memref<4096xf32, #tpu.memory_space<hbm>>
      %dma_start3A_127 = arith.constant 0 : i32
      %dma_start3A_128 = tpu.memref_slice %arg10[%dma_start3A_127] : memref<4104xf32, #tpu.memory_space<vmem>> -> memref<4096xf32, #tpu.memory_space<vmem>>
      tpu.enqueue_dma source(%dma_start3A_128 : memref<4096xf32, #tpu.memory_space<vmem>>) target(%dma_start3A_126 : memref<4096xf32, #tpu.memory_space<hbm>>) target_semaphore(%run_scoped3A : memref<!tpu.dma_semaphore, #tpu.memory_space<semaphore_mem>>)
      %dma_wait3A = arith.constant 0 : i32
      %dma_wait3A_129 = tpu.memref_slice %arg10[%dma_wait3A] : memref<4104xf32, #tpu.memory_space<vmem>> -> memref<4096xf32, #tpu.memory_space<vmem>>
      %dma_wait3A_130 = tpu.memref_slice %arg5[%mul3A_121] : memref<131072xf32, #tpu.memory_space<hbm>> -> memref<4096xf32, #tpu.memory_space<hbm>>
      %dma_wait3A_131 = tpu.memref_slice %arg5[%mul3A_121] : memref<131072xf32, #tpu.memory_space<hbm>> -> memref<4096xf32, #tpu.memory_space<hbm>>
      %dma_wait3A_132 = arith.constant 0 : i32
      %dma_wait3A_133 = tpu.memref_slice %arg10[%dma_wait3A_132] : memref<4104xf32, #tpu.memory_space<vmem>> -> memref<4096xf32, #tpu.memory_space<vmem>>
      tpu.wait_dma2 semaphore(%run_scoped3A : memref<!tpu.dma_semaphore, #tpu.memory_space<semaphore_mem>>) src(%dma_wait3A_133 : memref<4096xf32, #tpu.memory_space<vmem>>) dst(%dma_wait3A_131 : memref<4096xf32, #tpu.memory_space<hbm>>)
      tpu.yield
    }) : () -> ()
    %mul3A_122 = arith.constant 8 : i32
    %mul3A_123 = arith.muli %mul3A_2, %mul3A_122 : i32
    "tpu.region"() ({
      %run_scoped3A = tpu.sem_alloc : memref<!tpu.dma_semaphore, #tpu.memory_space<semaphore_mem>>
      %dma_start3A = arith.constant 0 : i32
      %dma_start3A_124 = tpu.memref_slice %arg11[%dma_start3A] : memref<4104xi32, #tpu.memory_space<vmem>> -> memref<4096xi32, #tpu.memory_space<vmem>>
      %dma_start3A_125 = tpu.memref_slice %arg6[%mul3A_123] : memref<131072xi32, #tpu.memory_space<hbm>> -> memref<4096xi32, #tpu.memory_space<hbm>>
      %dma_start3A_126 = tpu.memref_slice %arg6[%mul3A_123] : memref<131072xi32, #tpu.memory_space<hbm>> -> memref<4096xi32, #tpu.memory_space<hbm>>
      %dma_start3A_127 = arith.constant 0 : i32
      %dma_start3A_128 = tpu.memref_slice %arg11[%dma_start3A_127] : memref<4104xi32, #tpu.memory_space<vmem>> -> memref<4096xi32, #tpu.memory_space<vmem>>
      tpu.enqueue_dma source(%dma_start3A_128 : memref<4096xi32, #tpu.memory_space<vmem>>) target(%dma_start3A_126 : memref<4096xi32, #tpu.memory_space<hbm>>) target_semaphore(%run_scoped3A : memref<!tpu.dma_semaphore, #tpu.memory_space<semaphore_mem>>)
      %dma_wait3A = arith.constant 0 : i32
      %dma_wait3A_129 = tpu.memref_slice %arg11[%dma_wait3A] : memref<4104xi32, #tpu.memory_space<vmem>> -> memref<4096xi32, #tpu.memory_space<vmem>>
      %dma_wait3A_130 = tpu.memref_slice %arg6[%mul3A_123] : memref<131072xi32, #tpu.memory_space<hbm>> -> memref<4096xi32, #tpu.memory_space<hbm>>
      %dma_wait3A_131 = tpu.memref_slice %arg6[%mul3A_123] : memref<131072xi32, #tpu.memory_space<hbm>> -> memref<4096xi32, #tpu.memory_space<hbm>>
      %dma_wait3A_132 = arith.constant 0 : i32
      %dma_wait3A_133 = tpu.memref_slice %arg11[%dma_wait3A_132] : memref<4104xi32, #tpu.memory_space<vmem>> -> memref<4096xi32, #tpu.memory_space<vmem>>
      tpu.wait_dma2 semaphore(%run_scoped3A : memref<!tpu.dma_semaphore, #tpu.memory_space<semaphore_mem>>) src(%dma_wait3A_133 : memref<4096xi32, #tpu.memory_space<vmem>>) dst(%dma_wait3A_131 : memref<4096xi32, #tpu.memory_space<hbm>>)
      tpu.yield
    }) : () -> ()
    return
  }
}

</mosaic_0001>

<sc_bundles>
// kernel: kernel.3.cloned.1.call-start
scs
__scs_entry_jumppad:
0x0: {  	(pc) =	sbr.rel $0x88, $3  }
0x1: {  	(tag) =	ssettag $0x0;
	lr =	simm.s32 $0x1  }
0x2: {  	[smem:$0x3F9E] =	sst lr;
	_ =	strace $0xD0000000  }
0x3: {  	_ = 	snop  }
0x4: {  	_ = 	snop  }
0x5: {  	_ = 	snop  }
0x6: {  	_ = 	snop  }
0x7: {  	_ = 	snop  }
__scs_overlays_trampoline_lowered:
0x8: {  	[smem:$0x3FAD] =	sst s0  }
0x9: {  	[smem:$0x3FAE] =	sst s1  }
0xa: {  	[smem:$0x3FAF] =	sst s2  }
0xb: {  	[smem:$0x3FB0] =	sst s3  }
0xc: {  	[smem:$0x3FB1] =	sst s4  }
0xd: {  	[smem:$0x3FB2] =	sst s5  }
0xe: {  	[smem:$0x3FB3] =	sst s6  }
0xf: {  	[smem:$0x3FB4] =	sst s7  }
0x10: {  	[smem:$0x3FB5] =	sst s8  }
0x11: {  	[smem:$0x3FB6] =	sst s9;
	s0 =	simm.s32 @!p0 $0x0  }
0x12: {  	s1 =	sld [smem:$0x3F9C];
	s0 =	simm.s32 @p0 $0x1  }
0x13: {  	[smem:$0x3FB7] =	sst s0;
	s0 =	simm.s32 @!p1 $0x0  }
0x14: {  	s2 =	sld [smem:$0x3F9B];
	s0 =	simm.s32 @p1 $0x1  }
0x15: {  	[smem:$0x3FB8] =	sst s0;
	s0 =	simm.s32 @!p2 $0x0  }
0x16: {  	s3 =	sld [smem:$0x3FDB];
	s0 =	simm.s32 @p2 $0x1  }
0x17: {  	s4 =	simm.s32 $0x1BF5;
	[smem:$0x3FBA] =	sst s0  }
0x18: {  	s0 =	sld [smem:$0x3F9D];
	_ =	swait.ge [sflag:s4], $0x0  }
0x19: {  	s7 =	sld [smem:$0x3F9E]  }
0x1a: {  	s8 =	sadd.s32 $0xFFFFE003, lr  }
0x1b: {  	s9 =	sadd.s32 $0xFFFFFEF7, lr;
	s5 =	simm.s32 $0xFFFFFFFF;
	p2 =	slt.u32 s8, $0xFFFFF086  }
0x1c: {  	p1 =	slt.u32 s9, $0xF7A;
	s5 =	simm.s32 @!p2 $0x0  }
0x1d: {  	s5 =	simm.s32 @p1 $0x1;
	p0 =	seq.s32 s7, s2  }
0x1e: {  	s7 =	smul.u32 @!p0 $0xF7A, s2;
	p2 =	seq.s32 @!p0 s5, $0x0  }
0x1f: {  	s9 =	smul.u32 $0xF7A, s1;
	s8 =	simm.s32 @!p0 $0x1BF5;
	p2 =	por !p2, p0  }
0x20: {  	[sflag:s8] =	ssyncset.s32 @!p0 $0xFFFFF086;
	s6 =	sadd.s32 @!p0 s3, s7;
	s7 =	simm.s32 @!p0 $0x108  }
0x21: {  	s3 =	sadd.s32 s3, s9;
	s6 =	sadd.s32 @!p0 $0x88, s6;
	s7 =	simm.s32 @p2 $0x1082  }
0x22: {  	[simem:s7], [sflag:s8] =	dma.local @!p0 [hbm:s6], $0xF7A  }
0x23: {  	s9 =	sor.u32 $0xD0000000, s2;
	s6 =	simm.s32 $0x108;
	_ =	swait.ge @!p0 [sflag:s8], $0x0  }
0x24: {  	s3 =	sadd.s32 $0x88, s3;
	s6 =	simm.s32 @!p1 $0x1082;
	[sflag:s4] =	ssyncset.s32 $0xFFFFF086  }
0x25: {  	[simem:s6], [sflag:s4] =	dma.local [hbm:s3], $0xF7A  }
0x26: {  	[smem:$0x3F9E] =	sst s1;
	(tag) =	ssettag s2;
	_ =	strace s9  }
0x27: {  	s1 =	sld [smem:$0x3FAE]  }
0x28: {  	s2 =	sld [smem:$0x3FAF]  }
0x29: {  	s4 =	sld [smem:$0x3FB1]  }
0x2a: {  	p0 =	seq.s32 s5, $0x0;
	s5 =	sld [smem:$0x3FB2]  }
0x2b: {  	s6 =	sld [smem:$0x3FB3]  }
0x2c: {  	s7 =	sld [smem:$0x3FB4]  }
0x2d: {  	s3 =	simm.s32 $0x108;
	s8 =	sld [smem:$0x3FB5]  }
0x2e: {  	s3 =	simm.s32 @!p0 $0x1082;
	s9 =	sld [smem:$0x3FB6]  }
0x2f: {  	lr =	sadd.s32 s0, s3;
	s0 =	sld [smem:$0x3FAD]  }
0x30: {  	s3 =	sld [smem:$0x3FB0]  }
0x31: {  	[smem:$0x3FB9] =	sst s10  }
0x32: {  	s10 =	sld [smem:$0x3FB7];
	_ =	sdelay $0x3  }
0x33: {  	p0 =	seq.s32 s10, $0x1;
	s10 =	sld [smem:$0x3FB9];
	_ =	sdelay $0x3  }
0x34: {  	[smem:$0x3FB9] =	sst s10  }
0x35: {  	s10 =	sld [smem:$0x3FB8];
	_ =	sdelay $0x3  }
0x36: {  	p1 =	seq.s32 s10, $0x1;
	s10 =	sld [smem:$0x3FB9];
	_ =	sdelay $0x3  }
0x37: {  	[smem:$0x3FB9] =	sst s10  }
0x38: {  	s10 =	sld [smem:$0x3FBA]  }
0x39: {  	_ = 	snop;
	(pc) =	sbr.ind lr, $3  }
0x3a: {  	_ = 	snop  }
0x3b: {  	_ = 	snop  }
0x3c: {  	p2 =	seq.s32 s10, $0x1;
	s10 =	sld [smem:$0x3FB9]  }
0x3d: {  	_ =	shalt  }
0x3e: {  	_ =	shalt  }
0x3f: {  	_ =	shalt  }
0x40: {  	_ =	shalt  }
0x41: {  	_ =	shalt  }
0x42: {  	_ =	shalt  }
0x43: {  	_ =	shalt  }
0x44: {  	_ =	shalt  }
0x45: {  	_ =	shalt  }
0x46: {  	_ =	shalt  }
0x47: {  	_ =	shalt  }
0x48: {  	_ =	shalt  }
0x49: {  	_ =	shalt  }
0x4a: {  	_ =	shalt  }
0x4b: {  	_ =	shalt  }
0x4c: {  	_ =	shalt  }
0x4d: {  	_ =	shalt  }
0x4e: {  	_ =	shalt  }
0x4f: {  	_ =	shalt  }
0x50: {  	_ =	shalt  }
0x51: {  	_ =	shalt  }
0x52: {  	_ =	shalt  }
0x53: {  	_ =	shalt  }
0x54: {  	_ =	shalt  }
0x55: {  	_ =	shalt  }
0x56: {  	_ =	shalt  }
0x57: {  	_ =	shalt  }
0x58: {  	_ =	shalt  }
0x59: {  	_ =	shalt  }
0x5a: {  	_ =	shalt  }
0x5b: {  	_ =	shalt  }
0x5c: {  	_ =	shalt  }
0x5d: {  	_ =	shalt  }
0x5e: {  	_ =	shalt  }
0x5f: {  	_ =	shalt  }
0x60: {  	_ =	shalt  }
0x61: {  	_ =	shalt  }
0x62: {  	_ =	shalt  }
0x63: {  	_ =	shalt  }
0x64: {  	_ =	shalt  }
0x65: {  	_ =	shalt  }
0x66: {  	_ =	shalt  }
0x67: {  	_ =	shalt  }
0x68: {  	_ =	shalt  }
0x69: {  	_ =	shalt  }
0x6a: {  	_ =	shalt  }
0x6b: {  	_ =	shalt  }
0x6c: {  	_ =	shalt  }
0x6d: {  	_ =	shalt  }
0x6e: {  	_ =	shalt  }
0x6f: {  	_ =	shalt  }
0x70: {  	_ =	shalt  }
0x71: {  	_ =	shalt  }
0x72: {  	_ =	shalt  }
0x73: {  	_ =	shalt  }
0x74: {  	_ =	shalt  }
0x75: {  	_ =	shalt  }
0x76: {  	_ =	shalt  }
0x77: {  	_ =	shalt  }
0x78: {  	_ =	shalt  }
0x79: {  	_ =	shalt  }
0x7a: {  	_ =	shalt  }
0x7b: {  	_ =	shalt  }
0x7c: {  	_ =	shalt  }
0x7d: {  	_ =	shalt  }
0x7e: {  	_ =	shalt  }
0x7f: {  	_ =	shalt  }
0x80: {  	_ =	shalt  }
0x81: {  	_ =	shalt  }
0x82: {  	_ =	shalt  }
0x83: {  	_ =	shalt  }
0x84: {  	_ =	shalt  }
0x85: {  	_ =	shalt  }
0x86: {  	_ =	shalt  }
0x87: {  	_ =	shalt  }
.Lfunc_end0:
.L_simem_size_0:
called_computation_lowered:
.L_overlay_start_0:
0x88: {  	s2 =	sld [smem:$0x3FD9]  }
0x89: {  	s3 =	sld [smem:$0x3FFE];
	_ =	sdelay $0x1  }
0x8a: {  	s1 =	srdreg.scid  }
0x8b: {  	s0 =	sand.u32 $0x1, s1  }
0x8c: {  	s14 =	sshll.u32 s0, $0xA;
	s2 =	sadd.s32 s3, s2  }
0x8d: {  	s2 =	sadd.s32 s2, s14  }
0x8e: {  	[smem:$0x3FC5] =	sst s2  }
0x8f: {  	_ = 	snop  }
0x90: {  	s2 =	sld [smem:$0x3FD0];
	_ =	sdelay $0x2  }
0x91: {  	s15 =	simm.s32 $0xA;
	s4 =	simm.s32 $0x10  }
0x92: {  	[smem:s4], [sflag:s15] =	dma.local [hbm:s2], $0x1  }
0x93: {  	_ =	swait.eq [sflag:s15], $0x1  }
0x94: {  	[sflag:s15] =	ssyncset.done $0x0  }
0x95: {  	s16 =	sld [smem:$0x10];
	[sflag:s15] =	ssyncadd.s32 $0xFFFFFFFF  }
0x96: {  	s17 =	sld [smem:$0x11];
	(tm) =	ssettm $0x1  }
0x97: {  	s18 =	sld [smem:$0x3FFB];
	_ =	sdelay $0x3  }
0x98: {  	_ =	strace s18  }
0x99: {  	s4 =	sld [smem:$0x3FFC];
	_ =	sdelay $0x3  }
0x9a: {  	_ =	strace s4  }
0x9b: {  	s4 =	sld [smem:$0x3FFD];
	_ =	sdelay $0x3  }
0x9c: {  	_ =	strace s4  }
0x9d: {  	_ =	strace $0x8FFFFFFF  }
0x9e: {  	s19 =	sld [smem:$0x3FDB];
	_ =	sdelay $0x1  }
0x9f: {  	s5 =	simm.s32 $_scs_section_size  }
0xa0: {  	s6 =	simm.s32 $_size__tile_overlayer_lowered;
	s7 =	simm.s32 $_tile_overlayer_lowered  }
0xa1: {  	s22 =	simm.s32 $0x1BFF;
	s21 =	sshll.u32 s7, $0x1;
	s4 =	sadd.s32 s5, s19  }
0xa2: {  	s8 =	simm.s32 $0x0;
	s20 =	sshll.u32 s6, $0x1;
	s6 =	sadd.s32 s21, s4  }
0xa3: {  	[timem:s8], [sflag:s22] =	dma.local [hbm:s6], s20  }
0xa4: {  	_ =	swait.ge [sflag:s22], s20  }
0xa5: {  	s5 =	ssub.s32 $0x0, s20;
	[sflag:s22] =	ssyncset.done $0x0  }
0xa6: {  	[sflag:s22] =	ssyncadd.s32 s5;
	_ =	sdelay $0x1  }
0xa7: {  	s23 =	simm.s32 $0x1B8B  }
0xa8: {  	_ =	swait.ge [sflag:s23], $0x1  }
0xa9: {  	[sflag:s23] =	ssyncset.done $0x0  }
0xaa: {  	s25 =	simm.s32 $0x1B8E;
	s24 =	sld [smem:$0x3FFE];
	[sflag:s23] =	ssyncadd.s32 $0xFFFFFFFF  }
0xab: {  	s26 =	simm.s32 $execute0_lowered;
	[smem:$0x3FD2] =	sst s25  }
0xac: {  	s6 =	sshll.u32 s26, $0x1;
	_ =	strace $0x80000046;
	[dreg:$0x1] =	wrdreg $0xFFFFFFFF  }
0xad: {  	s28 =	simm.s32 $_size_execute0_lowered;
	s4 =	sadd.s32 s4, s6;
	[dreg:$0x0] =	wrdreg $0x0  }
0xae: {  	s6 =	sshll.u32 s28, $0x1;
	[dreg:$0x2] =	wrdreg s4  }
0xaf: {  	[dreg:$0x3] =	wrdreg s6  }
0xb0: {  	[dreg:$0x4] =	wrdreg $0xC0  }
0xb1: {  	_ =	task [dreg:s8], $0x5FFFF  }
0xb2: {  	[dreg:$0x1] =	wrdreg $0xFFFFFFFF  }
0xb3: {  	[dreg:$0x0] =	wrdreg $0x60  }
0xb4: {  	[dreg:$0x2] =	wrdreg s24  }
0xb5: {  	[dreg:$0x3] =	wrdreg s16  }
0xb6: {  	[dreg:$0x4] =	wrdreg s17  }
0xb7: {  	[dreg:$0x5] =	wrdreg $0x9  }
0xb8: {  	_ =	task.clear_ibuf [dreg:s8], $0x6FFFF;
	_ =	strace $0x90000046  }
0xb9: {  	s29 =	simm.s32 $0x9;
	_ =	strace $0x80000048  }
0xba: {  	_ =	swait.ge [sflag:s29], $0x1  }
0xbb: {  	[sflag:s29] =	ssyncadd.s32 $0xFFFFFFFF  }
0xbc: {  	_ =	strace $0x90000048  }
0xbd: {  	_ =	sfence  }
0xbe: {  	s30 =	sld [smem:$0x0];
	_ =	sdelay $0x2  }
0xbf: {  	s31 =	sshll.u32 s1, $0xD;
	s1 =	sshrl.u32 s1, $0x2  }
0xc0: {  	s3 =	sand.u32 $0x4000, s31;
	s1 =	sadd.s32 s1, s30  }
0xc1: {  	s0 =	sor.u32 s3, s0;
	s1 =	sshll.u32 s1, $0x11  }
0xc2: {  	s0 =	sor.u32 s1, s0  }
0xc3: {  	s0 =	sadd.s32 $0x8F2B, s0  }
0xc4: {  	[sflag:s0] =	ssyncadd.remote.s32 $0x1  }
0xc5: {  	_ =	sfence.sel $0xFFFF  }
0xc6: {  	[dreg:$0x0] =	wrdreg $0xFFFFFFFF;
	(pc) =	sbr.abs _section_cstart, $3  }
0xc7: {  	[dreg:$0x1] =	wrdreg $0xFFFFFFFF  }
0xc8: {  	_ =	task.clear_ibuf [dreg:s8], $0x2FFFF;
	_ =	strace $0x9FFFFFFF  }
0xc9: {  	(tm) =	ssettm $0x7FFFFFFF  }
tec
execute0_lowered:
.L_overlay_start_1:
0x0: {  	(tag) =	ssettag $0x1  }
0x1: {  	v21 =	vlaneseq.u32  }
0x2: {  	v3 =	vmul.u32 $0x80, v21  }
0x3: {  	s5 =	rddreg [dreg:$0x0]  }
0x4: {  	s1 =	rddreg [dreg:$0x1];
	v1 =	vor.u32 $0x1, v3  }
0x5: {  	s6 =	rddreg [dreg:$0x2];
	s3 =	simm.s32 $0x0;
	[tilespmem:$0x1FF20] =	vst v1;
	v1 =	vor.u32 $0x2, v3  }
0x6: {  	s2 =	srdreg.scid;
	[smem:$0x7FF] =	sst s3;
	[tilespmem:$0x1FF30] =	vst v1;
	v1 =	vor.u32 $0x800, v3  }
0x7: {  	s4 =	sand.u32 $0x1, s2;
	s2 =	rddreg [dreg:$0x3];
	_ =	strace $0x80000047;
	[tilespmem:$0x1FF40] =	vst v1  }
0x8: {  	v17 =	vor.u32 $0x90, v21;
	[tilespmem:$0x1FF60] =	vst v3  }
0x9: {  	v11 =	vor.u32 $0x20, v21;
	[tilespmem:$0x1FF80] =	vst v17  }
0xa: {  	v19 =	vor.u32 $0xA0, v21;
	[tilespmem:$0x1FF90] =	vst v11  }
0xb: {  	s0 =	stileid.u32;
	v12 =	vor.u32 $0x30, v21;
	[tilespmem:$0x1FFA0] =	vst v19  }
0xc: {  	s12 =	simm.s32 $0x15800;
	s7 =	sshll.u32 s0, $0x1;
	v20 =	vor.u32 $0xB0, v21;
	[tilespmem:$0x1FFB0] =	vst v12  }
0xd: {  	s13 =	simm.s32 $0x16880;
	s14 =	simm.s32 $0x0;
	v13 =	vor.u32 $0x40, v21;
	s7 =	sor.u32 s4, s7;
	[tilespmem:$0x1FFC0] =	vst v20  }
0xe: {  	v34 =	vor.u32 $0xC0, v21;
	s9 =	ssub.s32 $0x2, s4;
	s4 =	sadd.s32 $0x40C00, s5;
	s8 =	sshll.u32 s7, $0xD;
	[tilespmem:$0x1FFD0] =	vst v13  }
0xf: {  	s7 =	sshll.u32 s7, $0x9;
	s10 =	sshrl.u32 s9, $0x1;
	s8 =	sadd.s32 s8, s5;
	v1 =	vor.u32 $0x801, v3;
	[tilespmem:$0x1FFE0] =	vst v34  }
0x10: {  	v2 =	vor.u32 $0x10, v21;
	v14 =	vor.u32 $0x50, v21;
	s11 =	sadd.s32 s7, s5;
	s9 =	ssub.s32 s9, s10;
	s6 =	sadd.s32 s6, s7;
	[tilespmem:$0x1FF50] =	vst v1;
	v1 =	vmul.u32 $0xFFFFFFFF, v21  }
0x11: {  	vm0 =	vmmov $0xff;
	v15 =	vor.u32 $0x60, v21;
	s10 =	simm.s32 $0x10000;
	s5 =	sadd.s32 $0xC00, s8;
	s7 =	sadd.s32 $0x40E00, s11;
	v3 =	vor.u32 $0x802, v3;
	[tilespmem:$0x1FFF0] =	vst v14  }
0x12: {  	v16 =	vor.u32 $0x70, v21;
	v18 =	vor.u32 $0x80, v21;
	s8 =	smax.u32 s9, $0x1;
	s9 =	simm.s32 $0x1;
	s11 =	simm.s32 $0x14800;
	[tilespmem:$0x1FF70] =	vst v3;
	v10 =	vadd.s32 $0xF, v1  }
.LBB2_1:
0x13: {  	[tilespmem:s3], [sflag:$0x1] =	stream.linear.gather [hbm4b:s5+s3], $0x10000, $0x38;
	[tilespmem:$0x17900] =	vst v63  }
0x14: {  	_ =	swait.ge [sflag:s9], $0x10000  }
0x15: {  	[sflag:s9] =	ssyncset.done $0x0  }
0x16: {  	[sflag:s9] =	ssyncadd.s32 $0xFFFF0000  }
0x17: {  	[tilespmem:s10], [sflag:$0x1] =	stream.linear.gather [hbm4b:s1+s3], $0x4800, $0x38;
	[tilespmem:$0x17900] =	vst v63  }
0x18: {  	_ =	swait.ge [sflag:s9], $0x4800  }
0x19: {  	s15 =	simm.s32 $0x0;
	[sflag:s9] =	ssyncset.done $0x0  }
0x1a: {  	v22 =	vmov s15;
	[sflag:s9] =	ssyncadd.s32 $0xFFFFB800  }
0x1b: {  	[tilespmem:s11], [sflag:$0x1] =	stream.linear.gather [hbm4b:s4+s3], $0x1000, $0x38;
	[tilespmem:$0x17900] =	vst v63  }
0x1c: {  	_ =	swait.ge [sflag:s9], $0x1000  }
0x1d: {  	[sflag:s9] =	ssyncset.done $0x0  }
0x1e: {  	[sflag:s9] =	ssyncadd.s32 $0xFFFFF000  }
0x1f: {  	v1 =	vld.idx.msk [tilespmem:v22+s11+$0x0], $0xffff;
	_ =	sdelay $0x4  }
0x20: {  	(erf) = vrcp.f32 v1;
	_ =	sdelay $0x2  }
0x21: {  	s31 =	sand.u32 $0x1800, s3;
	s16 =	sand.u32 $0x380, s3  }
0x22: {  	s15 =	sor.u32 s16, s31  }
0x23: {  	v3 =	vld [tilespmem:s15+$0x10430]  }
0x24: {  	v1 =	vld [tilespmem:s15+$0x10440]  }
0x25: {  	v5 =	vld [tilespmem:s15+$0x10000]  }
0x26: {  	v6 =	vld [tilespmem:s15+$0x10400]  }
0x27: {  	v4 =	vld [tilespmem:s15+$0x10010];
	v8 =	vpop (erf)  }
0x28: {  	v9 =	vld [tilespmem:s15+$0x10060];
	v3 =	vmul.f32 v3, v8  }
0x29: {  	v7 =	vld [tilespmem:s15+$0x10410];
	v1 =	vmul.f32 v1, v8  }
0x2a: {  	v24 =	vld [tilespmem:s15+$0x10020];
	v5 =	vmul.f32 v8, v5;
	[tilespmem:s15+$0x10430] =	vst v3  }
0x2b: {  	v6 =	vmul.f32 v6, v8;
	v3 =	vld [tilespmem:s15+$0x10030];
	[tilespmem:s15+$0x10440] =	vst v1  }
0x2c: {  	v23 =	vld [tilespmem:s15+$0x10420];
	v4 =	vmul.f32 v4, v8;
	[tilespmem:s15+$0x10000] =	vst v5  }
0x2d: {  	v9 =	vmul.f32 v9, v8;
	v1 =	vld [tilespmem:s15+$0x10070];
	[tilespmem:s15+$0x10400] =	vst v6  }
0x2e: {  	v7 =	vmul.f32 v7, v8;
	v6 =	vld [tilespmem:s15+$0x10050];
	[tilespmem:s15+$0x10010] =	vst v4  }
0x2f: {  	v5 =	vld [tilespmem:s15+$0x10040];
	v4 =	vmul.f32 v24, v8;
	[tilespmem:s15+$0x10060] =	vst v9  }
0x30: {  	[tilespmem:s15+$0x10410] =	vst v7;
	v3 =	vmul.f32 v3, v8  }
0x31: {  	[tilespmem:s15+$0x10020] =	vst v4;
	v4 =	vmul.f32 v23, v8  }
0x32: {  	v1 =	vmul.f32 v1, v8;
	[tilespmem:s15+$0x10030] =	vst v3;
	v3 =	vor.u32 $0x1, v22  }
0x33: {  	[tilespmem:s15+$0x10420] =	vst v4;
	v6 =	vmul.f32 v6, v8  }
0x34: {  	[tilespmem:s15+$0x10070] =	vst v1;
	v1 =	vmul.f32 v5, v8  }
0x35: {  	[tilespmem:s15+$0x10050] =	vst v6  }
0x36: {  	[tilespmem:s15+$0x10040] =	vst v1  }
0x37: {  	v1 =	vld.idx.msk [tilespmem:v3+s11+$0x0], $0xffff;
	_ =	sdelay $0x4  }
0x38: {  	(erf) = vrcp.f32 v1;
	_ =	sdelay $0x4  }
0x39: {  	v3 =	vld [tilespmem:s15+$0x11800];
	_ =	sdelay $0x2  }
0x3a: {  	s16 =	sadd.s32 $0x11800, s15  }
0x3b: {  	v4 =	vld [tilespmem:s16+$0x50];
	v1 =	vpop (erf)  }
0x3c: {  	v5 =	vld [tilespmem:s16+$0x40];
	v3 =	vmul.f32 v1, v3  }
0x3d: {  	v6 =	vld [tilespmem:s16+$0x70]  }
0x3e: {  	v7 =	vld [tilespmem:s16+$0x60];
	[tilespmem:s15+$0x11800] =	vst v3  }
0x3f: {  	v3 =	vld [tilespmem:s16+$0x10]  }
0x40: {  	v4 =	vmul.f32 v4, v1;
	v8 =	vld [tilespmem:s16+$0x20]  }
0x41: {  	v5 =	vmul.f32 v5, v1;
	v9 =	vld [tilespmem:s16+$0x30]  }
0x42: {  	v6 =	vmul.f32 v6, v1;
	[tilespmem:s16+$0x50] =	vst v4  }
0x43: {  	v4 =	vmul.f32 v7, v1;
	[tilespmem:s16+$0x40] =	vst v5  }
0x44: {  	[tilespmem:s16+$0x70] =	vst v6;
	v3 =	vmul.f32 v3, v1  }
0x45: {  	[tilespmem:s16+$0x60] =	vst v4;
	v5 =	vmul.f32 v8, v1  }
0x46: {  	[tilespmem:s16+$0x10] =	vst v3;
	v3 =	vmul.f32 v9, v1  }
0x47: {  	[tilespmem:s16+$0x20] =	vst v5  }
0x48: {  	[tilespmem:s16+$0x30] =	vst v3  }
0x49: {  	s19 =	sadd.s32 $0x11C00, s15;
	v3 =	vld [tilespmem:s15+$0x11C00]  }
0x4a: {  	s17 =	simm.s32 $0x0;
	s18 =	simm.s32 $0x0;
	s16 =	simm.s32 $0x1;
	v4 =	vld [tilespmem:s19+$0x40]  }
.LBB2_2:
0x4b: {  	_ = 	snop  }
0x4c: {  	p0 =	sne.s32 s16, $0x12;
	s17 =	sadd.s32 $0x80, s17;
	s18 =	sadd.s32 $0x100, s18  }
0x4d: {  	s20 =	smov.u32 s16;
	s16 =	sadd.s32 $0x1, s16  }
0x4e: {  	v3 =	vmul.f32 v3, v1  }
0x4f: {  	v4 =	vmul.f32 v4, v1  }
0x50: {  	[tilespmem:s15+$0x11C00] =	vst v3  }
0x51: {  	v3 =	vld [tilespmem:s19+$0x30];
	[tilespmem:s19+$0x40] =	vst v4  }
0x52: {  	v4 =	vld [tilespmem:s19+$0x10]  }
0x53: {  	v5 =	vld [tilespmem:s19+$0x20];
	_ =	sdelay $0x2  }
0x54: {  	v6 =	vor.u32 $0x2, v22;
	v3 =	vmul.f32 v3, v1  }
0x55: {  	v4 =	vmul.f32 v4, v1  }
0x56: {  	v1 =	vmul.f32 v5, v1;
	[tilespmem:s19+$0x30] =	vst v3  }
0x57: {  	[tilespmem:s19+$0x10] =	vst v4  }
0x58: {  	[tilespmem:s19+$0x20] =	vst v1  }
0x59: {  	s19 =	sshll.u32 s20, $0x7;
	v1 =	vld.idx.msk [tilespmem:v6+s11+$0x0], $0xffff  }
0x5a: {  	v22 =	vmov s19;
	s19 =	sadd.s32 $0x13000, s15;
	v3 =	vld [tilespmem:s15+$0x13000]  }
0x5b: {  	v4 =	vld [tilespmem:s19+$0x50]  }
0x5c: {  	v5 =	vld [tilespmem:s19+$0x60]  }
0x5d: {  	v6 =	vld [tilespmem:s19+$0x70]  }
0x5e: {  	v7 =	vld [tilespmem:s19+$0x40]  }
0x5f: {  	(erf) = vrcp.f32 v1;
	_ =	sdelay $0x8  }
0x60: {  	v1 =	vpop (erf)  }
0x61: {  	v3 =	vmul.f32 v1, v3;
	v4 =	vmul.f32 v4, v1  }
0x62: {  	v5 =	vmul.f32 v5, v1;
	v6 =	vmul.f32 v6, v1  }
0x63: {  	[tilespmem:s15+$0x13000] =	vst v3  }
0x64: {  	v3 =	vld [tilespmem:s19+$0x10];
	[tilespmem:s19+$0x50] =	vst v4  }
0x65: {  	v7 =	vmul.f32 v7, v1;
	v4 =	vld [tilespmem:s19+$0x20];
	[tilespmem:s19+$0x60] =	vst v5  }
0x66: {  	v5 =	vld [tilespmem:s19+$0x30];
	[tilespmem:s19+$0x70] =	vst v6  }
0x67: {  	[tilespmem:s19+$0x40] =	vst v7;
	_ =	sdelay $0x1  }
0x68: {  	v3 =	vmul.f32 v3, v1  }
0x69: {  	v4 =	vmul.f32 v4, v1  }
0x6a: {  	[tilespmem:s19+$0x10] =	vst v3;
	v3 =	vmul.f32 v5, v1  }
0x6b: {  	[tilespmem:s19+$0x20] =	vst v4  }
0x6c: {  	[tilespmem:s19+$0x30] =	vst v3  }
0x6d: {  	s19 =	sadd.s32 $0x13400, s15;
	v3 =	vld [tilespmem:s15+$0x13400]  }
0x6e: {  	v4 =	vld [tilespmem:s19+$0x40];
	_ =	sdelay $0x3  }
0x6f: {  	v3 =	vmul.f32 v3, v1  }
0x70: {  	v4 =	vmul.f32 v4, v1  }
0x71: {  	[tilespmem:s15+$0x13400] =	vst v3  }
0x72: {  	v3 =	vld [tilespmem:s19+$0x20];
	[tilespmem:s19+$0x40] =	vst v4  }
0x73: {  	v4 =	vld [tilespmem:s19+$0x10]  }
0x74: {  	v5 =	vld [tilespmem:s19+$0x30];
	_ =	sdelay $0x2  }
0x75: {  	v3 =	vmul.f32 v3, v1  }
0x76: {  	v4 =	vmul.f32 v4, v1  }
0x77: {  	[tilespmem:s19+$0x20] =	vst v3;
	v1 =	vmul.f32 v5, v1  }
0x78: {  	[tilespmem:s19+$0x10] =	vst v4  }
0x79: {  	s20 =	sand.u32 $0x380, s17;
	s15 =	sand.u32 $0x1800, s18;
	[tilespmem:s19+$0x30] =	vst v1  }
0x7a: {  	s15 =	sor.u32 s20, s15;
	v1 =	vld.idx.msk [tilespmem:v22+s11+$0x0], $0xffff  }
0x7b: {  	v3 =	vld [tilespmem:s15+$0x10070]  }
0x7c: {  	v4 =	vld [tilespmem:s15+$0x10020];
	_ =	sdelay $0x1  }
0x7d: {  	v5 =	vld [tilespmem:s15+$0x10440]  }
0x7e: {  	v6 =	vld [tilespmem:s15+$0x10010]  }
0x7f: {  	v7 =	vld [tilespmem:s15+$0x10410];
	(erf) = vrcp.f32 v1;
	_ =	sdelay $0x1  }
0x80: {  	v1 =	vld [tilespmem:s15+$0x10000];
	_ =	sdelay $0x2  }
0x81: {  	v8 =	vld [tilespmem:s15+$0x10430]  }
0x82: {  	v9 =	vld [tilespmem:s15+$0x10400]  }
0x83: {  	v23 =	vld [tilespmem:s15+$0x10060]  }
0x84: {  	v24 =	vld [tilespmem:s15+$0x10030]  }
0x85: {  	v25 =	vpop (erf)  }
0x86: {  	v6 =	vmul.f32 v6, v25;
	v26 =	vld [tilespmem:s15+$0x10420];
	v8 =	vmul.f32 v8, v25  }
0x87: {  	v5 =	vmul.f32 v5, v25;
	v27 =	vld [tilespmem:s15+$0x10050];
	v9 =	vmul.f32 v9, v25  }
0x88: {  	v1 =	vmul.f32 v25, v1;
	v4 =	vmul.f32 v4, v25;
	v28 =	vld [tilespmem:s15+$0x10040];
	[tilespmem:s15+$0x10430] =	vst v8  }
0x89: {  	v23 =	vmul.f32 v23, v25;
	v8 =	vmul.f32 v24, v25;
	[tilespmem:s15+$0x10440] =	vst v5  }
0x8a: {  	[tilespmem:s15+$0x10000] =	vst v1;
	v1 =	vmul.f32 v3, v25;
	v3 =	vmul.f32 v7, v25  }
0x8b: {  	[tilespmem:s15+$0x10400] =	vst v9;
	v5 =	vmul.f32 v26, v25  }
0x8c: {  	[tilespmem:s15+$0x10010] =	vst v6;
	v6 =	vmul.f32 v27, v25  }
0x8d: {  	v7 =	vmul.f32 v28, v25;
	[tilespmem:s15+$0x10060] =	vst v23  }
0x8e: {  	[tilespmem:s15+$0x10410] =	vst v3  }
0x8f: {  	[tilespmem:s15+$0x10020] =	vst v4  }
0x90: {  	v3 =	vor.u32 $0x1, v22;
	[tilespmem:s15+$0x10030] =	vst v8  }
0x91: {  	[tilespmem:s15+$0x10070] =	vst v1  }
0x92: {  	[tilespmem:s15+$0x10420] =	vst v5  }
0x93: {  	[tilespmem:s15+$0x10050] =	vst v6  }
0x94: {  	[tilespmem:s15+$0x10040] =	vst v7  }
0x95: {  	v1 =	vld.idx.msk [tilespmem:v3+s11+$0x0], $0xffff;
	_ =	sdelay $0x5  }
0x96: {  	(erf) = vrcp.f32 v1;
	_ =	sdelay $0x2  }
0x97: {  	s19 =	sadd.s32 $0x11800, s15;
	v3 =	vld [tilespmem:s15+$0x11800]  }
0x98: {  	v4 =	vld [tilespmem:s19+$0x60]  }
0x99: {  	v5 =	vld [tilespmem:s19+$0x40]  }
0x9a: {  	v6 =	vld [tilespmem:s19+$0x50]  }
0x9b: {  	v7 =	vld [tilespmem:s19+$0x70];
	_ =	sdelay $0x1  }
0x9c: {  	v1 =	vpop (erf)  }
0x9d: {  	v3 =	vmul.f32 v1, v3;
	v5 =	vmul.f32 v5, v1  }
0x9e: {  	v4 =	vmul.f32 v4, v1;
	v6 =	vmul.f32 v6, v1  }
0x9f: {  	[tilespmem:s15+$0x11800] =	vst v3;
	v3 =	vmul.f32 v7, v1  }
0xa0: {  	v7 =	vld [tilespmem:s19+$0x10]  }
0xa1: {  	v8 =	vld [tilespmem:s19+$0x20]  }
0xa2: {  	v9 =	vld [tilespmem:s19+$0x30]  }
0xa3: {  	[tilespmem:s19+$0x50] =	vst v6  }
0xa4: {  	[tilespmem:s19+$0x40] =	vst v5  }
0xa5: {  	v5 =	vmul.f32 v7, v1;
	[tilespmem:s19+$0x70] =	vst v3  }
0xa6: {  	v3 =	vmul.f32 v8, v1;
	[tilespmem:s19+$0x60] =	vst v4  }
.Ltmp0:
0xa7: {  	[tilespmem:s19+$0x10] =	vst v5;
	v4 =	vmul.f32 v9, v1;
	(pc) =	sbr.rel @p0 .LBB2_2-.Ltmp0, $4  }
0xa8: {  	[tilespmem:s19+$0x20] =	vst v3  }
0xa9: {  	[tilespmem:s19+$0x30] =	vst v4  }
0xaa: {  	s19 =	sadd.s32 $0x11C00, s15;
	v3 =	vld [tilespmem:s15+$0x11C00]  }
0xab: {  	v4 =	vld [tilespmem:s19+$0x40]  }
0xac: {  	_ =	sdelay $0x2  }
0xad: {  	v3 =	vmul.f32 v3, v1;
	_ =	sdelay $0x1  }
0xae: {  	v4 =	vmul.f32 v4, v1;
	[tilespmem:s15+$0x11C00] =	vst v3  }
0xaf: {  	v3 =	vld [tilespmem:s19+$0x30]  }
0xb0: {  	[tilespmem:s19+$0x40] =	vst v4;
	v4 =	vld [tilespmem:s19+$0x10]  }
0xb1: {  	v5 =	vld [tilespmem:s19+$0x20];
	_ =	sdelay $0x2  }
0xb2: {  	v6 =	vor.u32 $0x2, v22;
	v3 =	vmul.f32 v3, v1  }
0xb3: {  	v4 =	vmul.f32 v4, v1  }
0xb4: {  	v1 =	vmul.f32 v5, v1;
	[tilespmem:s19+$0x30] =	vst v3  }
0xb5: {  	[tilespmem:s19+$0x10] =	vst v4  }
0xb6: {  	[tilespmem:s19+$0x20] =	vst v1  }
0xb7: {  	v1 =	vld.idx.msk [tilespmem:v6+s11+$0x0], $0xffff;
	_ =	sdelay $0x4  }
0xb8: {  	(erf) = vrcp.f32 v1;
	_ =	sdelay $0x4  }
0xb9: {  	v1 =	vld [tilespmem:s15+$0x13000];
	_ =	sdelay $0x2  }
0xba: {  	s16 =	sadd.s32 $0x13000, s15  }
0xbb: {  	v3 =	vld [tilespmem:s16+$0x50];
	v4 =	vpop (erf)  }
0xbc: {  	v5 =	vld [tilespmem:s16+$0x60];
	v1 =	vmul.f32 v4, v1  }
0xbd: {  	v6 =	vld [tilespmem:s16+$0x70]  }
0xbe: {  	v7 =	vld [tilespmem:s16+$0x40];
	[tilespmem:s15+$0x13000] =	vst v1  }
0xbf: {  	v1 =	vld [tilespmem:s16+$0x10]  }
0xc0: {  	v3 =	vmul.f32 v3, v4;
	v8 =	vld [tilespmem:s16+$0x20]  }
0xc1: {  	v5 =	vmul.f32 v5, v4;
	v9 =	vld [tilespmem:s16+$0x30]  }
0xc2: {  	v6 =	vmul.f32 v6, v4;
	[tilespmem:s16+$0x50] =	vst v3  }
0xc3: {  	v3 =	vmul.f32 v7, v4;
	[tilespmem:s16+$0x60] =	vst v5  }
0xc4: {  	[tilespmem:s16+$0x70] =	vst v6;
	v1 =	vmul.f32 v1, v4  }
0xc5: {  	[tilespmem:s16+$0x40] =	vst v3;
	v3 =	vmul.f32 v8, v4  }
0xc6: {  	[tilespmem:s16+$0x10] =	vst v1;
	v1 =	vmul.f32 v9, v4  }
0xc7: {  	[tilespmem:s16+$0x20] =	vst v3  }
0xc8: {  	[tilespmem:s16+$0x30] =	vst v1  }
0xc9: {  	v1 =	vld [tilespmem:s15+$0x13400];
	_ =	sdelay $0x4  }
0xca: {  	v1 =	vmul.f32 v1, v4  }
0xcb: {  	s19 =	sadd.s32 $0x13400, s15  }
0xcc: {  	v3 =	vld [tilespmem:s19+$0x40];
	[tilespmem:s15+$0x13400] =	vst v1  }
0xcd: {  	v1 =	vld [tilespmem:s19+$0x20]  }
0xce: {  	v5 =	vld [tilespmem:s19+$0x10]  }
0xcf: {  	v6 =	vld [tilespmem:s19+$0x30];
	_ =	sdelay $0x1  }
0xd0: {  	v3 =	vmul.f32 v3, v4  }
0xd1: {  	v1 =	vmul.f32 v1, v4  }
0xd2: {  	[tilespmem:s19+$0x40] =	vst v3;
	v3 =	vmul.f32 v5, v4  }
0xd3: {  	s20 =	simm.s32 $0x0;
	[tilespmem:s19+$0x20] =	vst v1;
	v1 =	vmul.f32 v6, v4  }
0xd4: {  	s17 =	sand.u32 $0x1800, s20;
	s18 =	sand.u32 $0x380, s20;
	[tilespmem:s19+$0x10] =	vst v3  }
0xd5: {  	s21 =	sor.u32 s18, s17;
	[tilespmem:s19+$0x30] =	vst v1  }
0xd6: {  	s17 =	sadd.s32 $0x13000, s21;
	v1 =	vld [tilespmem:s21+$0x13000]  }
0xd7: {  	s18 =	sadd.s32 $0x11800, s21;
	v3 =	vld [tilespmem:s17+$0x10]  }
0xd8: {  	v4 =	vld [tilespmem:s18+$0x10]  }
0xd9: {  	v5 =	vld [tilespmem:s17+$0x20]  }
0xda: {  	v6 =	vld [tilespmem:s21+$0x10000]  }
0xdb: {  	v7 =	vld [tilespmem:s17+$0x30]  }
0xdc: {  	v8 =	vld [tilespmem:s21+$0x10010]  }
0xdd: {  	v9 =	vld [tilespmem:s17+$0x40]  }
0xde: {  	v22 =	vld [tilespmem:s21+$0x11800]  }
0xdf: {  	v23 =	vld [tilespmem:s17+$0x50]  }
0xe0: {  	v24 =	vld [tilespmem:s18+$0x20]  }
0xe1: {  	v25 =	vld [tilespmem:s17+$0x60]  }
0xe2: {  	v26 =	vld [tilespmem:s21+$0x10020]  }
0xe3: {  	v27 =	vld [tilespmem:s17+$0x70]  }
0xe4: {  	v28 =	vld [tilespmem:s18+$0x30]  }
0xe5: {  	v29 =	vld [tilespmem:s21+$0x13400]  }
0xe6: {  	s22 =	sadd.s32 $0x13400, s21;
	v30 =	vld [tilespmem:s21+$0x10030]  }
0xe7: {  	v31 =	vld [tilespmem:s22+$0x10]  }
0xe8: {  	v32 =	vld [tilespmem:s18+$0x40]  }
0xe9: {  	v33 =	vld [tilespmem:s22+$0x20]  }
0xea: {  	v0 =	vld [tilespmem:s21+$0x10040]  }
0xeb: {  	v1 =	vadd.f32 v3, v1;
	v3 =	vld [tilespmem:s22+$0x30]  }
0xec: {  	v4 =	vadd.f32 v4, v22;
	v22 =	vld [tilespmem:s22+$0x40]  }
0xed: {  	v6 =	vadd.f32 v8, v6;
	v8 =	vld [tilespmem:s21+$0x10050];
	v1 =	vadd.f32 v5, v1  }
0xee: {  	v5 =	vld [tilespmem:s18+$0x50];
	v4 =	vadd.f32 v24, v4  }
0xef: {  	v6 =	vadd.f32 v26, v6;
	v24 =	vld [tilespmem:s21+$0x10060];
	v1 =	vadd.f32 v7, v1  }
0xf0: {  	v26 =	vld [tilespmem:s21+$0x10070];
	v4 =	vadd.f32 v28, v4  }
0xf1: {  	v7 =	vld [tilespmem:s18+$0x60];
	v6 =	vadd.f32 v30, v6;
	v1 =	vadd.f32 v9, v1  }
0xf2: {  	v9 =	vld [tilespmem:s18+$0x70];
	v4 =	vadd.f32 v32, v4  }
0xf3: {  	v6 =	vadd.f32 v0, v6;
	v1 =	vadd.f32 v23, v1;
	v23 =	vld [tilespmem:s21+$0x10400]  }
0xf4: {  	s23 =	sadd.s32 $0x11C00, s21;
	v4 =	vadd.f32 v5, v4;
	v5 =	vld [tilespmem:s21+$0x11C00]  }
0xf5: {  	v6 =	vadd.f32 v8, v6;
	v8 =	vld [tilespmem:s23+$0x20]  }
0xf6: {  	v1 =	vadd.f32 v25, v1;
	v25 =	vld [tilespmem:s23+$0x10]  }
0xf7: {  	v4 =	vadd.f32 v7, v4;
	v7 =	vld [tilespmem:s21+$0x10410]  }
0xf8: {  	s24 =	simm.s32 $0x80;
	s25 =	simm.s32 $0x100;
	v6 =	vadd.f32 v24, v6;
	v24 =	vld [tilespmem:s23+$0x30]  }
0xf9: {  	s19 =	sand.u32 $0x1800, s25;
	s18 =	sand.u32 $0x380, s24;
	v4 =	vadd.f32 v9, v4;
	v9 =	vld [tilespmem:s21+$0x10420]  }
0xfa: {  	s17 =	sor.u32 s18, s19;
	v1 =	vadd.f32 v27, v1;
	v6 =	vadd.f32 v26, v6;
	v26 =	vld [tilespmem:s23+$0x40]  }
0xfb: {  	v27 =	vld [tilespmem:s17+$0x13400]  }
0xfc: {  	v1 =	vadd.f32 v29, v1;
	v4 =	vadd.f32 v5, v4;
	v5 =	vld [tilespmem:s21+$0x10430]  }
0xfd: {  	s28 =	sadd.s32 $0x13400, s17;
	v6 =	vadd.f32 v23, v6;
	v23 =	vld [tilespmem:s21+$0x10440]  }
0xfe: {  	v29 =	vld [tilespmem:s28+$0x10];
	v1 =	vadd.f32 v31, v1  }
0xff: {  	s18 =	sadd.s32 $0x13000, s17;
	v4 =	vadd.f32 v25, v4;
	v25 =	vld [tilespmem:s17+$0x13000];
	v6 =	vadd.f32 v7, v6  }
0x100: {  	v7 =	vld [tilespmem:s18+$0x10];
	v1 =	vadd.f32 v33, v1  }
0x101: {  	v4 =	vadd.f32 v8, v4;
	v6 =	vadd.f32 v9, v6;
	v9 =	vld [tilespmem:s18+$0x20]  }
0x102: {  	s26 =	sadd.s32 $0x11800, s17;
	v8 =	vnsel vm0, $0x0, v22;
	v22 =	vld [tilespmem:s17+$0x10000];
	v1 =	vadd.f32 v3, v1  }
0x103: {  	v3 =	vld [tilespmem:s26+$0x10];
	v4 =	vadd.f32 v24, v4  }
0x104: {  	v5 =	vadd.f32 v5, v6;
	v6 =	vld [tilespmem:s18+$0x30];
	v1 =	vadd.f32 v8, v1;
	v8 =	vnsel vm0, $0x0, v26  }
0x105: {  	v24 =	vld [tilespmem:s18+$0x60];
	v4 =	vadd.f32 v8, v4  }
0x106: {  	v7 =	vadd.f32 v7, v25;
	v25 =	vld [tilespmem:s17+$0x10020];
	(xrf2) =	vadd.scan.msk.f32 $0xffff, v1;
	v1 =	vnsel vm0, $0x0, v23  }
0x107: {  	v1 =	vadd.f32 v1, v5;
	(xrf2) =	vadd.scan.msk.f32 $0xffff, v4;
	v4 =	vld [tilespmem:s18+$0x40]  }
0x108: {  	v8 =	vld [tilespmem:s17+$0x10010];
	v7 =	vadd.f32 v9, v7  }
0x109: {  	v23 =	vld [tilespmem:s18+$0x50];
	(xrf2) =	vadd.scan.msk.f32 $0xffff, v1  }
0x10a: {  	v5 =	vld [tilespmem:s17+$0x11800];
	v6 =	vadd.f32 v6, v7  }
0x10b: {  	v26 =	vld [tilespmem:s18+$0x70]  }
0x10c: {  	v1 =	vld [tilespmem:s26+$0x20];
	v4 =	vadd.f32 v4, v6  }
0x10d: {  	v9 =	vld [tilespmem:s26+$0x30]  }
0x10e: {  	v7 =	vld [tilespmem:s17+$0x10030];
	v4 =	vadd.f32 v23, v4  }
0x10f: {  	v8 =	vadd.f32 v8, v22;
	v22 =	vld [tilespmem:s17+$0x10050];
	v3 =	vadd.f32 v3, v5  }
0x110: {  	v6 =	vld [tilespmem:s26+$0x40];
	v4 =	vadd.f32 v24, v4  }
0x111: {  	v5 =	vld [tilespmem:s28+$0x30];
	v1 =	vadd.f32 v1, v3;
	v28, _, _ =	vpop (xrf2)  }
0x112: {  	v23 =	vld [tilespmem:s17+$0x10040];
	(v2sf) =	vpush v28, $0xF;
	v28, _, _ =	vpop (xrf2);
	v4 =	vadd.f32 v26, v4  }
0x113: {  	v3 =	vadd.f32 v25, v8;
	(v2sf) =	vpush v28, $0xF;
	v28 =	vld [tilespmem:s28+$0x20];
	v63, _, _ =	vpop (xrf2)  }
0x114: {  	v8 =	vld [tilespmem:s26+$0x50];
	(v2sf) =	vpush v63, $0xF;
	v4 =	vadd.f32 v27, v4  }
0x115: {  	v24 =	vld [tilespmem:s28+$0x40];
	v3 =	vadd.f32 v7, v3  }
0x116: {  	v1 =	vadd.f32 v9, v1;
	v9 =	vld [tilespmem:s17+$0x10060];
	v4 =	vadd.f32 v29, v4  }
0x117: {  	v3 =	vadd.f32 v23, v3  }
0x118: {  	v7 =	vld [tilespmem:s26+$0x60];
	v1 =	vadd.f32 v6, v1;
	v4 =	vadd.f32 v28, v4  }
0x119: {  	v3 =	vadd.f32 v22, v3  }
0x11a: {  	v6 =	vld [tilespmem:s26+$0x70];
	v1 =	vadd.f32 v8, v1;
	v4 =	vadd.f32 v5, v4  }
0x11b: {  	v23 =	vld [tilespmem:s17+$0x10070];
	v3 =	vadd.f32 v9, v3;
	v9 =	vmov s20;
	v5 =	vnsel vm0, $0x0, v24  }
0x11c: {  	v25 =	vld [tilespmem:s17+$0x11C00];
	vm2 =	veq.s32 v9, v21;
	vm1 =	veq.s32 v9, v2;
	v9 =	vadd.f32 v5, v4  }
0x11d: {  	s22 =	sadd.s32 $0x11C00, s17;
	v8 =	vld [tilespmem:s17+$0x10400];
	v1 =	vadd.f32 v7, v1  }
0x11e: {  	v7 =	vld [tilespmem:s22+$0x10];
	(xrf2) =	vadd.scan.msk.f32 $0xffff, v9  }
0x11f: {  	v27 =	vld [tilespmem:s17+$0x10410];
	v6 =	vadd.f32 v6, v1  }
0x120: {  	v3 =	vadd.f32 v23, v3  }
0x121: {  	v1 =	vld [tilespmem:s22+$0x20];
	v6 =	vadd.f32 v25, v6;
	s29 =	spop (v2sf)  }
0x122: {  	s16 =	simm.s32 $0x1;
	v8 =	vadd.f32 v8, v3;
	v5 =	vld [tilespmem:s17+$0x10420];
	s30 =	smul.f32 $4.999999890e-03, s29;
	s31 =	spop (v2sf)  }
0x123: {  	s15 =	simm.s32 $0x2;
	v22 =	vimm.f32 $4.999999990e+18;
	v3 =	vld [tilespmem:s17+$0x10430];
	v7 =	vadd.f32 v7, v6;
	s20 =	smul.f32 $4.999999890e-03, s31;
	s21 =	spop (v2sf)  }
0x124: {  	s19 =	simm.s32 $0x200;
	s18 =	simm.s32 $0x100;
	v4 =	vld [tilespmem:s22+$0x30];
	v8 =	vadd.f32 v27, v8;
	v27 =	vimm.f32 $4.999999990e+18;
	v23 =	vsel vm1, s30, v22;
	s21 =	smul.f32 $4.999999890e-03, s21  }
0x125: {  	s23 =	sand.u32 $0x1800, s19;
	s24 =	sand.u32 $0x380, s18;
	v6 =	vld [tilespmem:s22+$0x40];
	v24 =	vsel vm2, s30, v22;
	v25 =	vsel vm2, s20, v22;
	v26 =	vsel vm1, s20, v22;
	s20 =	simm.s32 $0x3  }
.LBB2_4:
0x126: {  	p0 =	sne.s32 s20, $0x12;
	v9 =	vld [tilespmem:s17+$0x10440];
	s17 =	sor.u32 s24, s23;
	v22 =	vsel vm2, s21, v22;
	v27 =	vsel vm1, s21, v27  }
0x127: {  	s21 =	sadd.s32 $0x11800, s17;
	s22 =	sadd.s32 $0x11C00, s17;
	s23 =	sadd.s32 $0x13000, s17;
	v28 =	vld [tilespmem:s17+$0x13000];
	v5 =	vadd.f32 v5, v8;
	v1 =	vadd.f32 v1, v7  }
0x128: {  	v7 =	vld [tilespmem:s23+$0x10];
	v8, _, _ =	vpop (xrf2)  }
0x129: {  	v29 =	vld [tilespmem:s21+$0x10];
	v1 =	vadd.f32 v4, v1;
	(v2sf) =	vpush v8, $0xF  }
0x12a: {  	v3 =	vadd.f32 v3, v5;
	v4 =	vld [tilespmem:s23+$0x20];
	v5 =	vnsel vm0, $0x0, v6  }
0x12b: {  	v6 =	vld [tilespmem:s17+$0x10000];
	v8 =	vnsel vm0, $0x0, v9;
	v1 =	vadd.f32 v5, v1  }
0x12c: {  	v5 =	vld [tilespmem:s23+$0x30];
	v3 =	vadd.f32 v8, v3  }
0x12d: {  	v8 =	vld [tilespmem:s17+$0x10010];
	v7 =	vadd.f32 v7, v28;
	(xrf2) =	vadd.scan.msk.f32 $0xffff, v1  }
0x12e: {  	v1 =	vld [tilespmem:s23+$0x40]  }
0x12f: {  	v9 =	vld [tilespmem:s17+$0x11800];
	v4 =	vadd.f32 v4, v7  }
0x130: {  	v7 =	vld [tilespmem:s23+$0x50];
	(xrf2) =	vadd.scan.msk.f32 $0xffff, v3  }
0x131: {  	v3 =	vld [tilespmem:s21+$0x20];
	v4 =	vadd.f32 v5, v4  }
0x132: {  	v5 =	vadd.f32 v8, v6;
	v6 =	vld [tilespmem:s23+$0x60]  }
0x133: {  	v8 =	vld [tilespmem:s17+$0x10020];
	v1 =	vadd.f32 v1, v4  }
0x134: {  	v4 =	vadd.f32 v29, v9;
	v9 =	vld [tilespmem:s23+$0x70]  }
0x135: {  	v28 =	vld [tilespmem:s21+$0x30];
	v1 =	vadd.f32 v7, v1  }
0x136: {  	v3 =	vadd.f32 v3, v4;
	v4 =	vld [tilespmem:s17+$0x13400]  }
0x137: {  	s23 =	sadd.s32 $0x13400, s17;
	v7 =	vld [tilespmem:s17+$0x10030];
	v1 =	vadd.f32 v6, v1;
	v6, _, _ =	vpop (xrf2)  }
0x138: {  	v5 =	vadd.f32 v8, v5;
	v8 =	vld [tilespmem:s23+$0x10];
	(v2sf) =	vpush v6, $0xF;
	s24 =	spop (v2sf)  }
0x139: {  	v0 =	vmov s16;
	s16 =	smov.u32 s15;
	s15 =	smov.u32 s20;
	v6 =	vld [tilespmem:s21+$0x40];
	v1 =	vadd.f32 v9, v1;
	s24 =	smul.f32 $4.999999890e-03, s24  }
0x13a: {  	vm2 =	veq.s32 v0, v21;
	vm1 =	veq.s32 v0, v2;
	v3 =	vadd.f32 v28, v3;
	v28 =	vld [tilespmem:s23+$0x20];
	v9, _, _ =	vpop (xrf2)  }
0x13b: {  	v29 =	vld [tilespmem:s17+$0x10040];
	v1 =	vadd.f32 v4, v1;
	v23 =	vsel vm1, s24, v23;
	(v2sf) =	vpush v9, $0xF  }
0x13c: {  	v24 =	vsel vm2, s24, v24;
	v4 =	vadd.f32 v7, v5;
	v5 =	vld [tilespmem:s23+$0x30]  }
0x13d: {  	v1 =	vadd.f32 v8, v1;
	v7 =	vld [tilespmem:s23+$0x40]  }
0x13e: {  	v3 =	vadd.f32 v6, v3;
	v6 =	vld [tilespmem:s21+$0x50]  }
0x13f: {  	v8 =	vld [tilespmem:s17+$0x10050];
	v1 =	vadd.f32 v28, v1  }
0x140: {  	v4 =	vadd.f32 v29, v4;
	v9 =	vld [tilespmem:s21+$0x60]  }
0x141: {  	v28 =	vld [tilespmem:s17+$0x10060];
	v1 =	vadd.f32 v5, v1  }
0x142: {  	v5 =	vld [tilespmem:s21+$0x70];
	v7 =	vnsel vm0, $0x0, v7  }
0x143: {  	v29 =	vld [tilespmem:s17+$0x10070];
	v3 =	vadd.f32 v6, v3;
	v1 =	vadd.f32 v7, v1  }
0x144: {  	v4 =	vadd.f32 v8, v4;
	v6 =	vld [tilespmem:s17+$0x10400]  }
0x145: {  	v3 =	vadd.f32 v9, v3;
	v7 =	vld [tilespmem:s17+$0x11C00];
	(xrf2) =	vadd.scan.msk.f32 $0xffff, v1  }
0x146: {  	v1 =	vadd.f32 v28, v4;
	v9 =	vld [tilespmem:s22+$0x10]  }
0x147: {  	s21 =	spop (v2sf)  }
0x148: {  	v8 =	vld [tilespmem:s17+$0x10410];
	v3 =	vadd.f32 v5, v3;
	s23 =	smul.f32 $4.999999890e-03, s21  }
.Ltmp1:
0x149: {  	v4 =	vadd.f32 v29, v1;
	v1 =	vld [tilespmem:s22+$0x20];
	(pc) =	sbr.rel @p0 .LBB2_4-.Ltmp1, $4  }
0x14a: {  	v5 =	vld [tilespmem:s17+$0x10420]  }
0x14b: {  	v6 =	vadd.f32 v6, v4;
	v7 =	vadd.f32 v7, v3;
	v4 =	vld [tilespmem:s22+$0x30];
	v25 =	vsel vm2, s23, v25;
	s21 =	spop (v2sf)  }
0x14c: {  	s18 =	sadd.s32 $0x80, s18;
	s19 =	sadd.s32 $0x100, s19;
	v26 =	vsel vm1, s23, v26;
	v3 =	vld [tilespmem:s17+$0x10430];
	s21 =	smul.f32 $4.999999890e-03, s21  }
0x14d: {  	s20 =	sadd.s32 $0x1, s20;
	s24 =	sand.u32 $0x380, s18;
	s23 =	sand.u32 $0x1800, s19;
	v8 =	vadd.f32 v8, v6;
	v7 =	vadd.f32 v9, v7;
	v6 =	vld [tilespmem:s22+$0x40]  }
0x14e: {  	s18 =	sor.u32 s24, s23;
	v9 =	vld [tilespmem:s17+$0x10440]  }
0x14f: {  	v28 =	vld [tilespmem:s18+$0x13000]  }
0x150: {  	v32 =	vld [tilespmem:s18+$0x10000]  }
0x151: {  	v35 =	vld [tilespmem:s18+$0x10010]  }
0x152: {  	v0 =	vld [tilespmem:s18+$0x11800]  }
0x153: {  	v40 =	vld [tilespmem:s18+$0x10020]  }
0x154: {  	v43 =	vld [tilespmem:s18+$0x13400]  }
0x155: {  	v44 =	vld [tilespmem:s18+$0x10030]  }
0x156: {  	v51 =	vld [tilespmem:s18+$0x10040]  }
0x157: {  	v55 =	vld [tilespmem:s18+$0x10050]  }
0x158: {  	v57 =	vld [tilespmem:s18+$0x10060]  }
0x159: {  	v59 =	vld [tilespmem:s18+$0x10070]  }
0x15a: {  	v60 =	vld [tilespmem:s18+$0x10400]  }
0x15b: {  	v61 =	vld [tilespmem:s18+$0x11C00]  }
0x15c: {  	s30 =	sadd.s32 $0x13000, s18;
	v63 =	vld [tilespmem:s18+$0x10410]  }
0x15d: {  	s19 =	sadd.s32 $0x11800, s18;
	v29 =	vld [tilespmem:s30+$0x10]  }
0x15e: {  	v30 =	vld [tilespmem:s19+$0x10]  }
0x15f: {  	v31 =	vld [tilespmem:s30+$0x20]  }
0x160: {  	v33 =	vld [tilespmem:s30+$0x30]  }
0x161: {  	v38 =	vld [tilespmem:s19+$0x20]  }
0x162: {  	v36 =	vld [tilespmem:s30+$0x40]  }
0x163: {  	v42 =	vld [tilespmem:s19+$0x30];
	v28 =	vadd.f32 v29, v28  }
0x164: {  	v37 =	vld [tilespmem:s30+$0x50];
	v30 =	vadd.f32 v30, v0  }
0x165: {  	v46 =	vld [tilespmem:s19+$0x40];
	v52 =	vadd.f32 v35, v32;
	v28 =	vadd.f32 v31, v28  }
0x166: {  	v39 =	vld [tilespmem:s30+$0x60];
	v30 =	vadd.f32 v38, v30  }
0x167: {  	v54 =	vld [tilespmem:s19+$0x50];
	v31 =	vadd.f32 v40, v52;
	v28 =	vadd.f32 v33, v28  }
0x168: {  	v41 =	vld [tilespmem:s30+$0x70];
	v30 =	vadd.f32 v42, v30  }
0x169: {  	s31 =	sadd.s32 $0x13400, s18;
	v56 =	vld [tilespmem:s19+$0x60];
	v31 =	vadd.f32 v44, v31;
	v28 =	vadd.f32 v36, v28  }
0x16a: {  	v45 =	vld [tilespmem:s31+$0x10];
	v30 =	vadd.f32 v46, v30  }
0x16b: {  	v58 =	vld [tilespmem:s19+$0x70];
	v29 =	vadd.f32 v51, v31;
	v28 =	vadd.f32 v37, v28  }
0x16c: {  	v47 =	vld [tilespmem:s31+$0x20];
	v30 =	vadd.f32 v54, v30  }
0x16d: {  	s20 =	sadd.s32 $0x11C00, s18;
	v53 =	vld [tilespmem:s31+$0x40];
	v29 =	vadd.f32 v55, v29;
	v28 =	vadd.f32 v39, v28  }
0x16e: {  	v5 =	vadd.f32 v5, v8;
	v62 =	vld [tilespmem:s20+$0x10];
	v8 =	vadd.f32 v56, v30  }
0x16f: {  	v0 =	vld [tilespmem:s31+$0x30];
	v29 =	vadd.f32 v57, v29;
	v28 =	vadd.f32 v41, v28  }
0x170: {  	v1 =	vadd.f32 v1, v7;
	v40 =	vld [tilespmem:s18+$0x10420];
	v39 =	vadd.f32 v58, v8  }
0x171: {  	v8 =	vld [tilespmem:s20+$0x20];
	v29 =	vadd.f32 v59, v29;
	v28 =	vadd.f32 v43, v28  }
0x172: {  	v1 =	vadd.f32 v4, v1;
	v42 =	vld [tilespmem:s20+$0x30];
	v41 =	vadd.f32 v61, v39  }
0x173: {  	v44 =	vld [tilespmem:s20+$0x40];
	v29 =	vadd.f32 v60, v29;
	v28 =	vadd.f32 v45, v28  }
0x174: {  	v3 =	vadd.f32 v3, v5;
	v43 =	vld [tilespmem:s18+$0x10430];
	v4 =	vadd.f32 v62, v41  }
0x175: {  	v6 =	vnsel vm0, $0x0, v6;
	v29 =	vadd.f32 v63, v29;
	v45 =	vld [tilespmem:s18+$0x10440];
	v28 =	vadd.f32 v47, v28  }
0x176: {  	v1 =	vadd.f32 v6, v1;
	v4 =	vadd.f32 v8, v4  }
0x177: {  	v46 =	vnsel vm0, $0x0, v9;
	v9 =	vadd.f32 v40, v29;
	v8 =	vadd.f32 v0, v28  }
0x178: {  	v3 =	vadd.f32 v46, v3;
	v47 =	vnsel vm0, $0x0, v53;
	v4 =	vadd.f32 v42, v4  }
0x179: {  	(xrf2) =	vadd.scan.msk.f32 $0xffff, v1;
	v5 =	vnsel vm0, $0x0, v44;
	v48 =	vadd.f32 v43, v9;
	v1 =	vadd.f32 v47, v8  }
0x17a: {  	(xrf2) =	vadd.scan.msk.f32 $0xffff, v3;
	v3 =	vnsel vm0, $0x0, v45;
	v4 =	vadd.f32 v5, v4  }
0x17b: {  	(xrf2) =	vadd.scan.msk.f32 $0xffff, v1;
	v1 =	vadd.f32 v3, v48  }
0x17c: {  	(xrf2) =	vadd.scan.msk.f32 $0xffff, v4  }
0x17d: {  	(xrf2) =	vadd.scan.msk.f32 $0xffff, v1;
	_ =	sdelay $0x4  }
0x17e: {  	v1, _, _ =	vpop (xrf2)  }
0x17f: {  	v3, _, _ =	vpop (xrf2);
	(v2sf) =	vpush v1, $0xF  }
0x180: {  	v1, _, _ =	vpop (xrf2);
	(v2sf) =	vpush v3, $0xF  }
0x181: {  	(v2sf) =	vpush v1, $0xF;
	v3, _, _ =	vpop (xrf2)  }
0x182: {  	(v2sf) =	vpush v3, $0xF;
	v1, _, _ =	vpop (xrf2)  }
0x183: {  	(v2sf) =	vpush v1, $0xF;
	v1, _, _ =	vpop (xrf2)  }
0x184: {  	(v2sf) =	vpush v1, $0xF;
	v1 =	vld [tilespmem:$0x1FF60];
	_ =	sdelay $0x6  }
0x185: {  	v3 =	vld [tilespmem:$0x1FF20]  }
0x186: {  	v1 =	vld.idx.msk [tilespmem:v1+s11+$0x0], $0xffff  }
0x187: {  	v49 =	vld [tilespmem:$0x1FF30]  }
0x188: {  	v50 =	vld [tilespmem:$0x1FF40]  }
0x189: {  	v51 =	vld [tilespmem:$0x1FF50];
	_ =	sdelay $0x1  }
0x18a: {  	(erf) = vrcp.f32 v1;
	v1 =	vld [tilespmem:$0x1FF70];
	_ =	sdelay $0x2  }
0x18b: {  	v3 =	vld.idx.msk [tilespmem:v3+s11+$0x0], $0xffff  }
0x18c: {  	v4 =	vld.idx.msk [tilespmem:v49+s11+$0x0], $0xffff  }
0x18d: {  	v5 =	vld.idx.msk [tilespmem:v50+s11+$0x0], $0xffff  }
0x18e: {  	v6 =	vld.idx.msk [tilespmem:v51+s11+$0x0], $0xffff;
	_ =	sdelay $0x1  }
0x18f: {  	(erf) = vrcp.f32 v3;
	v1 =	vld.idx.msk [tilespmem:v1+s11+$0x0], $0xffff  }
0x190: {  	(erf) = vrcp.f32 v4  }
0x191: {  	v53 =	vimm.s32 $0x1;
	(erf) = vrcp.f32 v5  }
0x192: {  	(erf) = vrcp.f32 v6  }
0x193: {  	v9 =	vimm.s32 $0x2;
	s22 =	spop (v2sf)  }
0x194: {  	s23 =	spop (v2sf);
	s24 =	smul.f32 $4.999999890e-03, s22;
	(erf) = vrcp.f32 v1  }
0x195: {  	v38 =	vld.msk [tilespmem:s3+$0x0], $0xffff;
	v52 =	vsel vm1, s21, v27;
	v56 =	vmov s15;
	s25 =	spop (v2sf);
	s18 =	smul.f32 $4.999999890e-03, s23;
	v3 =	vmov s16  }
0x196: {  	v39 =	vld.idx.msk [tilespmem:v53+s3+$0x0], $0xffff;
	s17 =	smul.f32 $4.999999890e-03, s25;
	s26 =	spop (v2sf);
	vm1 =	veq.s32 v3, v21;
	v1 =	vsel vm2, s21, v22;
	vm2 =	veq.s32 v3, v2  }
0x197: {  	s28 =	smul.f32 $4.999999890e-03, s26;
	s29 =	spop (v2sf);
	v54 =	vsel vm1, s24, v24;
	v55 =	vsel vm1, s18, v25;
	v0 =	vpop (erf);
	v3 =	vsel vm2, s24, v23  }
0x198: {  	v40 =	vld.idx.msk [tilespmem:v9+s3+$0x0], $0xffff;
	s16 =	smul.f32 $4.999999890e-03, s29;
	s30 =	spop (v2sf);
	v22 =	vpop (erf);
	v8 =	vsel vm2, s18, v26;
	v1 =	vsel vm1, s17, v1;
	vm1 =	veq.s32 v56, v2  }
0x199: {  	s31 =	smul.f32 $4.999999890e-03, s30;
	v9 =	vpop (erf);
	v4 =	vsel vm2, s17, v52;
	vm2 =	veq.s32 v56, v21;
	v23 =	vsel vm1, s28, v3  }
0x19a: {  	v57 =	vpop (erf);
	v24 =	vsel vm2, s28, v54;
	v6 =	vsel vm2, s16, v55;
	v8 =	vsel vm1, s16, v8  }
0x19b: {  	v59 =	vsel vm2, s31, v1;
	v1 =	vmul.f32 v38, v0;
	v3 =	vmul.f32 v39, v22;
	v58 =	vpop (erf)  }
0x19c: {  	[tilespmem:$0x1FE60] =	vst v0;
	v0 =	vsel vm1, s31, v4;
	v60 =	vmul.f32 v38, v57;
	v5 =	vmul.f32 v39, v58  }
0x19d: {  	v62 =	vmul.f32 v40, v9;
	v1 =	vsub.f32 v1, v59;
	v3 =	vsub.f32 v3, v6;
	v61 =	vpop (erf)  }
0x19e: {  	v4 =	vsub.f32 v60, v0;
	v5 =	vsub.f32 v5, v8;
	v7 =	vmul.f32 v40, v61  }
0x19f: {  	[tilespmem:$0x1FEB0] =	vst v6;
	v6 =	vsub.f32 v62, v24;
	v1 =	vmul.f32 v1, v1;
	v3 =	vmul.f32 v3, v3  }
0x1a0: {  	v4 =	vmul.f32 v4, v4;
	v5 =	vmul.f32 v5, v5;
	v7 =	vsub.f32 v7, v23  }
0x1a1: {  	v1 =	vadd.f32 v3, v1;
	v3 =	vmul.f32 v6, v6  }
0x1a2: {  	v4 =	vadd.f32 v5, v4;
	v63 =	vmul.f32 v7, v7  }
0x1a3: {  	v1 =	vadd.f32 v3, v1  }
0x1a4: {  	v3 =	vadd.f32 v63, v4  }
0x1a5: {  	(xrf1) =	vsort.ascd.msk.f32 $0xffff, v1, v21  }
0x1a6: {  	(xrf1) =	vsort.ascd.msk.f32 $0xffff, v3, v2;
	_ =	sdelay $0xc  }
0x1a7: {  	v1, v3, _ =	vpop (xrf1)  }
0x1a8: {  	v4, v5, _ =	vpop (xrf1)  }
0x1a9: {  	v4 =	vperm.xlane v4, v10  }
0x1aa: {  	v5 =	vperm.xlane v5, v10  }
0x1ab: {  	vm1 =	vle.f32 v1, v4  }
0x1ac: {  	v1 =	vsel vm1, v1, v4;
	v3 =	vsel vm1, v3, v5  }
0x1ad: {  	(xrf1) =	vsort.ascd.msk.f32 $0xffff, v1, v3;
	_ =	sdelay $0x4  }
0x1ae: {  	[tilespmem:$0x1FE70] =	vst v22  }
0x1af: {  	[tilespmem:$0x1FEC0] =	vst v9  }
0x1b0: {  	[tilespmem:$0x1FE80] =	vst v57  }
0x1b1: {  	[tilespmem:$0x1FEA0] =	vst v59  }
0x1b2: {  	[tilespmem:$0x1FED0] =	vst v0  }
0x1b3: {  	[tilespmem:$0x1FEE0] =	vst v8  }
0x1b4: {  	[tilespmem:$0x1FF00] =	vst v24  }
0x1b5: {  	[tilespmem:$0x1FF10] =	vst v23  }
0x1b6: {  	[tilespmem:$0x1FE90] =	vst v58  }
0x1b7: {  	s15 =	simm.s32 $0x15800;
	s17 =	simm.s32 $0x1;
	s16 =	simm.s32 $0x16880;
	[tilespmem:$0x1FEF0] =	vst v61;
	_, v37, _ =	vpop (xrf1)  }
.LBB2_6:
0x1b8: {  	s18 =	smin.u32 s17, $0x1FF  }
0x1b9: {  	s18 =	sshll.u32 s18, $0x7  }
0x1ba: {  	v1 =	vmov s18;
	_ =	sdelay $0x3  }
0x1bb: {  	v0 =	vld [tilespmem:$0x1FE60];
	v3 =	vor.u32 $0x1, v1  }
0x1bc: {  	v4 =	vld.idx.msk [tilespmem:v1+s3+$0x0], $0xffff;
	_ =	sdelay $0x3  }
0x1bd: {  	v1 =	vor.u32 $0x2, v1;
	v5 =	vld.idx.msk [tilespmem:v3+s3+$0x0], $0xffff  }
0x1be: {  	v3 =	vmul.f32 v4, v0;
	v0 =	vld [tilespmem:$0x1FEA0];
	_ =	sdelay $0x3  }
0x1bf: {  	v8 =	vld.idx.msk [tilespmem:v1+s3+$0x0], $0xffff  }
0x1c0: {  	v1 =	vsub.f32 v3, v0;
	v0 =	vld [tilespmem:$0x1FE70];
	_ =	sdelay $0x4  }
0x1c1: {  	v3 =	vmul.f32 v5, v0;
	v0 =	vld [tilespmem:$0x1FE80];
	_ =	sdelay $0x4  }
0x1c2: {  	[tilespmem:$0x1FE40] =	vst v4;
	v4 =	vmul.f32 v4, v0;
	v0 =	vld [tilespmem:$0x1FE90];
	_ =	sdelay $0x4  }
0x1c3: {  	[tilespmem:$0x1FE30] =	vst v5;
	v5 =	vmul.f32 v5, v0;
	v0 =	vld [tilespmem:$0x1FEB0];
	_ =	sdelay $0x4  }
0x1c4: {  	v3 =	vsub.f32 v3, v0;
	v0 =	vld [tilespmem:$0x1FEC0];
	_ =	sdelay $0x4  }
0x1c5: {  	v7 =	vmul.f32 v8, v0;
	v0 =	vld [tilespmem:$0x1FED0];
	_ =	sdelay $0x4  }
0x1c6: {  	v4 =	vsub.f32 v4, v0;
	v0 =	vld [tilespmem:$0x1FEE0];
	_ =	sdelay $0x4  }
0x1c7: {  	v5 =	vsub.f32 v5, v0;
	v0 =	vld [tilespmem:$0x1FEF0];
	_ =	sdelay $0x2  }
0x1c8: {  	(v2sf) =	vpush v37, $0x0;
	_ =	sdelay $0x1  }
0x1c9: {  	[tilespmem:$0x1FE20] =	vst v8;
	v8 =	vmul.f32 v8, v0;
	v0 =	vld [tilespmem:$0x1FF00];
	_ =	sdelay $0x1  }
0x1ca: {  	v6 =	vbroadcast v37, $0x0;
	_ =	sdelay $0x1  }
0x1cb: {  	v9 =	vshll.u32 v6, $0x7  }
0x1cc: {  	v1 =	vmul.f32 v1, v1;
	v3 =	vmul.f32 v3, v3;
	v7 =	vsub.f32 v7, v0  }
0x1cd: {  	v22 =	vor.u32 $0x1, v9  }
0x1ce: {  	v34 =	vor.u32 $0x2, v9;
	v1 =	vadd.f32 v3, v1;
	v3 =	vmul.f32 v7, v7  }
0x1cf: {  	v0 =	vld [tilespmem:$0x1FF10]  }
0x1d0: {  	v1 =	vadd.f32 v3, v1;
	v3 =	vld.idx.msk [tilespmem:v9+s11+$0x0], $0xffff;
	_ =	sdelay $0x1  }
0x1d1: {  	v35 =	vld.idx.msk [tilespmem:v22+s11+$0x0], $0xffff  }
0x1d2: {  	(xrf1) =	vsort.ascd.msk.f32 $0xffff, v1, v21;
	v1 =	vld.idx.msk [tilespmem:v34+s11+$0x0], $0xffff  }
0x1d3: {  	s28 =	spop (v2sf);
	v4 =	vmul.f32 v4, v4  }
0x1d4: {  	s19 =	sshll.u32 s28, $0x8;
	s18 =	sshll.u32 s28, $0x7;
	v5 =	vmul.f32 v5, v5;
	v8 =	vsub.f32 v8, v0;
	(erf) = vrcp.f32 v3  }
0x1d5: {  	s19 =	sand.u32 $0xFFFFF800, s19;
	s18 =	sand.u32 $0x380, s18  }
0x1d6: {  	s19 =	sor.u32 s18, s19;
	v4 =	vadd.f32 v5, v4;
	v33 =	vmul.f32 v8, v8;
	(erf) = vrcp.f32 v35  }
0x1d7: {  	s18 =	sadd.s32 $0x10000, s19;
	v50 =	vld [tilespmem:s19+$0x13000];
	(erf) = vrcp.f32 v1  }
0x1d8: {  	s20 =	sadd.s32 $0x11800, s19;
	v36 =	vld [tilespmem:s18+$0x10];
	v4 =	vadd.f32 v33, v4  }
0x1d9: {  	v49 =	vld [tilespmem:s20+$0x10]  }
0x1da: {  	v41 =	vld [tilespmem:s18+$0x20];
	(xrf1) =	vsort.ascd.msk.f32 $0xffff, v4, v2  }
0x1db: {  	v1 =	vld [tilespmem:s19+$0x10000]  }
0x1dc: {  	v60 =	vld [tilespmem:s18+$0x50]  }
0x1dd: {  	v3 =	vld [tilespmem:s19+$0x11800];
	v48 =	vpop (erf)  }
0x1de: {  	s21 =	sadd.s32 $0x13000, s19;
	v51 =	vld [tilespmem:s20+$0x20];
	v43 =	vmul.f32 v48, v38  }
0x1df: {  	(v2sf) =	vpush v37, $0x1;
	v24 =	vld [tilespmem:s21+$0x10];
	v8 =	vpop (erf)  }
0x1e0: {  	v45 =	vld [tilespmem:s21+$0x20];
	v44 =	vmul.f32 v8, v39;
	v25 =	vpop (erf);
	v1 =	vsub.f32 v43, v1;
	v4 =	vsub.f32 v43, v36  }
0x1e1: {  	v29 =	vld [tilespmem:s21+$0x50];
	v42 =	vmul.f32 v25, v40;
	v54 =	vsub.f32 v43, v41;
	v31 =	vsub.f32 v43, v60  }
0x1e2: {  	v19 =	vld [tilespmem:$0x1FF80];
	v41 =	vmul.u32 $0xC8, v6;
	v3 =	vsub.f32 v44, v3;
	v7 =	vsub.f32 v44, v49  }
0x1e3: {  	v48 =	vld [tilespmem:s18+$0x40];
	v25 =	vsub.f32 v44, v51;
	v1 =	vmul.f32 v1, v1;
	v5 =	vsub.f32 v42, v50  }
0x1e4: {  	v63 =	vld [tilespmem:s18+$0x60];
	v4 =	vmul.f32 v4, v4;
	v24 =	vsub.f32 v42, v24;
	v55 =	vmul.f32 v54, v54  }
0x1e5: {  	v30 =	vld [tilespmem:s21+$0x60];
	v58 =	vadd.s32 v21, v41;
	v59 =	vsub.f32 v42, v45;
	v49 =	vadd.s32 v2, v41  }
0x1e6: {  	v46 =	vld [tilespmem:s18+$0x30];
	v50 =	vadd.s32 v11, v41;
	v51 =	vadd.s32 v12, v41;
	v33 =	vsub.f32 v42, v29  }
0x1e7: {  	v47 =	vld [tilespmem:s20+$0x30];
	v9, v22, _ =	vpop (xrf1);
	v60 =	vadd.s32 v13, v41;
	v29 =	vadd.s32 v14, v41;
	v3 =	vmul.f32 v3, v3  }
0x1e8: {  	v52 =	vld [tilespmem:s21+$0x30];
	v7 =	vmul.f32 v7, v7;
	v56 =	vmul.f32 v25, v25;
	v62 =	vsub.f32 v43, v48;
	v8, v23, _ =	vpop (xrf1)  }
0x1e9: {  	v57 =	vld [tilespmem:s21+$0x40];
	v48 =	vsub.f32 v43, v63;
	v53 =	vmul.f32 v24, v24;
	v8 =	vperm.xlane v8, v10  }
0x1ea: {  	v32 =	vld [tilespmem:s18+$0x70];
	v24 =	vsub.f32 v42, v30;
	v23 =	vperm.xlane v23, v10;
	v1 =	vadd.f32 v3, v1  }
0x1eb: {  	v36 =	vld [tilespmem:s19+$0x11C00];
	v3 =	vmul.f32 v5, v5;
	v4 =	vadd.f32 v7, v4;
	vm1 =	vle.f32 v9, v8  }
0x1ec: {  	v61 =	vld [tilespmem:s20+$0x50];
	v6 =	vadd.f32 v56, v55;
	v7 =	vmul.f32 v59, v59;
	v8 =	vsel vm1, v9, v8  }
0x1ed: {  	v35 =	vld [tilespmem:s18+$0x400];
	v9 =	vsel vm1, v22, v23;
	v22 =	vsub.f32 v43, v46;
	v23 =	vsub.f32 v44, v47  }
0x1ee: {  	v28 =	vmul.f32 v62, v62;
	v34 =	vmul.f32 v48, v48;
	v1 =	vadd.f32 v3, v1;
	v3 =	vld [tilespmem:s20+$0x40]  }
0x1ef: {  	v54 =	vld [tilespmem:s18+$0x410];
	v5 =	vsub.f32 v42, v52;
	v22 =	vmul.f32 v22, v22;
	v23 =	vmul.f32 v23, v23  }
0x1f0: {  	v52 =	vld [tilespmem:s20+$0x70];
	v56 =	vsub.f32 v43, v32;
	v25 =	vsub.f32 v44, v36;
	(xrf1) =	vsort.ascd.msk.f32 $0xffff, v8, v9  }
0x1f1: {  	v32 =	vadd.s32 v15, v41;
	(xrf1) =	vsort.ascd.msk.f32 $0xffff, v1, v58;
	v1 =	vbroadcast v37, $0x1;
	v22 =	vadd.f32 v23, v22;
	v23 =	vld [tilespmem:s20+$0x60]  }
0x1f2: {  	v36 =	vld [tilespmem:s18+$0x430];
	v4 =	vadd.f32 v53, v4;
	v5 =	vmul.f32 v5, v5;
	v6 =	vadd.f32 v7, v6  }
0x1f3: {  	s29 =	sadd.s32 $0x11C00, s19;
	v7 =	vmul.f32 v31, v31;
	v9 =	vld [tilespmem:s21+$0x70];
	v3 =	vsub.f32 v44, v3;
	v55 =	vshll.u32 v1, $0x7  }
0x1f4: {  	v25 =	vmul.f32 v25, v25;
	v46 =	vsub.f32 v44, v61;
	v58 =	vld [tilespmem:s29+$0x10];
	v59 =	vor.u32 $0x1, v55  }
0x1f5: {  	v61 =	vmul.f32 v56, v56;
	v56 =	vld [tilespmem:s29+$0x40];
	(xrf1) =	vsort.ascd.msk.f32 $0xffff, v4, v49;
	v3 =	vmul.f32 v3, v3  }
0x1f6: {  	(xrf1) =	vsort.ascd.msk.f32 $0xffff, v6, v50;
	v50 =	vld [tilespmem:s29+$0x30];
	v5 =	vadd.f32 v5, v22;
	v8 =	vsub.f32 v44, v23  }
0x1f7: {  	v63 =	vor.u32 $0x2, v55;
	v22 =	vsub.f32 v42, v57;
	v3 =	vadd.f32 v3, v28;
	v28 =	vld [tilespmem:s29+$0x20]  }
0x1f8: {  	v30 =	vsub.f32 v42, v9;
	v23 =	vmul.f32 v46, v46;
	v9 =	vld.idx.msk [tilespmem:v55+s11+$0x0], $0xffff;
	v8 =	vmul.f32 v8, v8  }
0x1f9: {  	v57 =	vsub.f32 v44, v52;
	v47 =	vsub.f32 v44, v58;
	v22 =	vmul.f32 v22, v22;
	v31 =	vld.idx.msk [tilespmem:v59+s11+$0x0], $0xffff  }
0x1fa: {  	v7 =	vadd.f32 v23, v7;
	v23 =	vld [tilespmem:s19+$0x13400];
	s19 =	sadd.s32 $0x13400, s19;
	v53 =	vadd.f32 v8, v34;
	v8 =	vmul.f32 v24, v24  }
0x1fb: {  	v62 =	vmul.f32 v57, v57;
	v3 =	vadd.f32 v22, v3;
	v22 =	vmul.f32 v33, v33;
	v33 =	vld [tilespmem:s19+$0x20]  }
0x1fc: {  	(xrf1) =	vsort.ascd.msk.f32 $0xffff, v5, v51;
	v6 =	vmul.f32 v30, v30;
	v4 =	vadd.f32 v8, v53;
	v8 =	vld [tilespmem:s19+$0x10]  }
0x1fd: {  	s30 =	spop (v2sf);
	v55 =	vadd.s32 v18, v41;
	v58 =	vsub.f32 v44, v50;
	v5 =	vadd.f32 v62, v61;
	v57 =	vld [tilespmem:s19+$0x40]  }
0x1fe: {  	s31 =	sshll.u32 s30, $0x8;
	s21 =	sshll.u32 s30, $0x7;
	(xrf1) =	vsort.ascd.msk.f32 $0xffff, v3, v60;
	v3 =	vsub.f32 v43, v35;
	v7 =	vadd.f32 v22, v7;
	v22 =	vld [tilespmem:s18+$0x420]  }
0x1ff: {  	s21 =	sand.u32 $0x380, s21;
	v35 =	vmul.f32 v47, v47;
	v5 =	vadd.f32 v6, v5;
	v24 =	vsub.f32 v43, v54;
	v54 =	vld [tilespmem:s18+$0x440];
	s18 =	sand.u32 $0xFFFFF800, s31  }
0x200: {  	v60 =	vadd.s32 v19, v41;
	v34 =	vld.idx.msk [tilespmem:v63+s11+$0x0], $0xffff;
	v3 =	vmul.f32 v3, v3;
	s22 =	sor.u32 s21, s18;
	v23 =	vsub.f32 v42, v23  }
0x201: {  	(erf) = vrcp.f32 v9;
	v24 =	vmul.f32 v24, v24;
	(xrf1) =	vsort.ascd.msk.f32 $0xffff, v7, v29;
	v59 =	vld [tilespmem:s22+$0x10000];
	v8 =	vsub.f32 v42, v8  }
0x202: {  	v61 =	vld [tilespmem:s22+$0x13000];
	v7 =	vsub.f32 v44, v56;
	v3 =	vadd.f32 v25, v3;
	v23 =	vmul.f32 v23, v23  }
0x203: {  	v9 =	vadd.s32 v16, v41;
	(erf) = vrcp.f32 v31;
	s18 =	sadd.s32 $0x10000, s22;
	(xrf1) =	vsort.ascd.msk.f32 $0xffff, v4, v32;
	v53 =	vmul.f32 v8, v8;
	v8 =	vld [tilespmem:s19+$0x30]  }
0x204: {  	s23 =	sadd.s32 $0x13000, s22;
	v63 =	vld [tilespmem:s18+$0x10];
	v52 =	vadd.f32 v35, v24;
	v7 =	vmul.f32 v7, v7;
	v3 =	vadd.f32 v23, v3  }
0x205: {  	v30 =	vld [tilespmem:s23+$0x10];
	v22 =	vsub.f32 v43, v22;
	(xrf1) =	vsort.ascd.msk.f32 $0xffff, v5, v9;
	(erf) = vrcp.f32 v34;
	v23 =	vsub.f32 v44, v28  }
0x206: {  	v62 =	vsub.f32 v43, v54;
	(xrf1) =	vsort.ascd.msk.f32 $0xffff, v3, v55;
	v3 =	vsub.f32 v43, v36;
	v36 =	vld [tilespmem:$0x1FFA0]  }
0x207: {  	v31 =	vld [tilespmem:s18+$0x20];
	v9 =	vmul.f32 v22, v22;
	v22 =	vmul.f32 v23, v23;
	v23 =	vsub.f32 v42, v33  }
0x208: {  	v48 =	vld [tilespmem:s18+$0x30];
	v5 =	vmul.f32 v58, v58;
	v4 =	vadd.f32 v53, v52;
	v8 =	vsub.f32 v42, v8  }
0x209: {  	v35 =	vld [tilespmem:$0x1FFC0];
	v9 =	vadd.f32 v22, v9;
	v22 =	vmul.f32 v23, v23;
	v3 =	vmul.f32 v3, v3  }
0x20a: {  	v47 =	vsub.f32 v42, v57;
	v34 =	vld [tilespmem:$0x1FFE0];
	(xrf1) =	vsort.ascd.msk.f32 $0xffff, v4, v60;
	v4 =	vmul.f32 v62, v62  }
0x20b: {  	s20 =	sadd.s32 $0x11800, s22;
	v23 =	vld [tilespmem:s22+$0x11800];
	v9 =	vadd.f32 v22, v9;
	v3 =	vadd.f32 v5, v3;
	v28 =	vadd.s32 v36, v41  }
0x20c: {  	v22 =	vld [tilespmem:s20+$0x10];
	v4 =	vadd.f32 v7, v4;
	v7 =	vmul.f32 v47, v47;
	v27 =	vmul.f32 v8, v8;
	v8 =	vpop (erf)  }
0x20d: {  	v57 =	vmul.u32 $0xC8, v1;
	v60 =	vld [tilespmem:s18+$0x40];
	(xrf1) =	vsort.ascd.msk.f32 $0xffff, v9, v28;
	v29 =	vpop (erf)  }
0x20e: {  	v9 =	vld [tilespmem:s20+$0x20];
	v4 =	vadd.f32 v7, v4;
	v3 =	vadd.f32 v27, v3;
	v53 =	vmul.f32 v8, v38;
	v8 =	vpop (erf)  }
0x20f: {  	v62 =	vld [tilespmem:s20+$0x40];
	v27 =	vadd.s32 v36, v57;
	v54 =	vmul.f32 v29, v39;
	v55 =	vmul.f32 v8, v40  }
0x210: {  	v50 =	vld [tilespmem:s20+$0x30];
	v6 =	vsub.f32 v53, v59;
	v24 =	vsub.f32 v53, v63;
	v59 =	vadd.s32 v35, v41  }
0x211: {  	v52 =	vld [tilespmem:s23+$0x30];
	v41 =	vadd.s32 v34, v41;
	v5 =	vsub.f32 v53, v31;
	v29 =	vsub.f32 v53, v48  }
0x212: {  	v33 =	vld [tilespmem:s23+$0x50];
	v7 =	vsub.f32 v53, v60;
	v48 =	vadd.s32 v12, v57;
	v8 =	vsub.f32 v54, v23  }
0x213: {  	v22 =	vsub.f32 v54, v22;
	v9 =	vsub.f32 v54, v9;
	(xrf1) =	vsort.ascd.msk.f32 $0xffff, v3, v59  }
0x214: {  	v32 =	vsub.f32 v54, v62;
	v6 =	vmul.f32 v6, v6;
	v49 =	vsub.f32 v55, v61  }
0x215: {  	v63 =	vld [tilespmem:s23+$0x40];
	v24 =	vmul.f32 v24, v24;
	v51 =	vsub.f32 v55, v30;
	v5 =	vmul.f32 v5, v5  }
0x216: {  	v30 =	vsub.f32 v54, v50;
	v52 =	vsub.f32 v55, v52;
	v7 =	vmul.f32 v7, v7  }
0x217: {  	v23 =	vld [tilespmem:s23+$0x20];
	v42 =	vsub.f32 v55, v33;
	v8 =	vmul.f32 v8, v8;
	v22 =	vmul.f32 v22, v22  }
0x218: {  	(v2sf) =	vpush v37, $0x2;
	v62 =	vld [tilespmem:s18+$0x70];
	(xrf1) =	vsort.ascd.msk.f32 $0xffff, v4, v41;
	v25 =	vmul.f32 v32, v32;
	v61 =	vmul.f32 v51, v51  }
0x219: {  	v31 =	vmul.f32 v30, v30;
	v59 =	vmul.f32 v52, v52;
	v22 =	vadd.f32 v22, v24  }
0x21a: {  	v28 =	vld [tilespmem:s18+$0x50];
	v6 =	vadd.f32 v8, v6;
	v8 =	vmul.f32 v49, v49;
	v44 =	vsub.f32 v55, v63  }
0x21b: {  	v30 =	vadd.s32 v13, v57;
	v7 =	vadd.f32 v25, v7;
	v3 =	vadd.f32 v61, v22;
	v22 =	vld [tilespmem:s20+$0x50]  }
0x21c: {  	v1 =	vadd.f32 v8, v6;
	v8 =	vmul.f32 v9, v9;
	v9 =	vsub.f32 v55, v23  }
0x21d: {  	v56 =	vld [tilespmem:s18+$0x60];
	v63 =	vadd.s32 v2, v57;
	v25 =	vsub.f32 v53, v62;
	v23 =	vadd.s32 v21, v57  }
0x21e: {  	v61 =	vld [tilespmem:s23+$0x60];
	v5 =	vadd.f32 v8, v5;
	v8 =	vmul.f32 v9, v9;
	v9 =	vmul.f32 v29, v29  }
0x21f: {  	v58 =	vld [tilespmem:s20+$0x60];
	v6 =	vsub.f32 v53, v28;
	v60 =	vmul.f32 v44, v44;
	v28 =	vadd.s32 v11, v57  }
0x220: {  	v25 =	vmul.f32 v25, v25;
	v9 =	vadd.f32 v31, v9;
	v22 =	vsub.f32 v54, v22  }
0x221: {  	v32 =	vld [tilespmem:s22+$0x11C00];
	v6 =	vmul.f32 v6, v6;
	v7 =	vadd.f32 v60, v7;
	(xrf1) =	vsort.ascd.msk.f32 $0xffff, v1, v23;
	v1 =	vbroadcast v37, $0x2  }
0x222: {  	s24 =	sadd.s32 $0x11C00, s22;
	v5 =	vadd.f32 v8, v5;
	v8 =	vadd.f32 v59, v9;
	v9 =	vld [tilespmem:s20+$0x70];
	v22 =	vmul.f32 v22, v22  }
0x223: {  	v29 =	vsub.f32 v53, v56;
	(xrf1) =	vsort.ascd.msk.f32 $0xffff, v3, v63;
	v3 =	vsub.f32 v55, v61;
	v61 =	vld [tilespmem:s24+$0x10]  }
0x224: {  	v31 =	vsub.f32 v54, v58;
	v62 =	vshll.u32 v1, $0x7;
	v6 =	vadd.f32 v22, v6;
	v22 =	vld [tilespmem:s23+$0x70]  }
0x225: {  	_, v0, _ =	vpop (xrf1);
	v23 =	vmul.f32 v42, v42;
	v56 =	vld [tilespmem:s18+$0x420];
	v43 =	vmul.f32 v29, v29;
	(xrf1) =	vsort.ascd.msk.f32 $0xffff, v5, v28;
	v28 =	vor.u32 $0x1, v62  }
0x226: {  	v45 =	vld [tilespmem:s18+$0x400];
	v29 =	vor.u32 $0x2, v62;
	v59 =	vmul.f32 v31, v31;
	v31 =	vsub.f32 v54, v32  }
0x227: {  	v33 =	vld [tilespmem:s22+$0x13400];
	v32 =	vadd.s32 v15, v57;
	v3 =	vmul.f32 v3, v3;
	v9 =	vsub.f32 v54, v9  }
0x228: {  	s19 =	sadd.s32 $0x13400, s22;
	v60 =	vld [tilespmem:s18+$0x410];
	v47 =	vsub.f32 v54, v61;
	v61 =	vadd.s32 v16, v57;
	v6 =	vadd.f32 v23, v6  }
0x229: {  	v42, v41, _ =	vpop (xrf1);
	v58 =	vld [tilespmem:s19+$0x20];
	v23 =	vadd.f32 v59, v43;
	v63 =	vmul.f32 v9, v9;
	v9 =	vsub.f32 v55, v22  }
0x22a: {  	v44, v43, _ =	vpop (xrf1);
	(xrf1) =	vsort.ascd.msk.f32 $0xffff, v8, v48;
	v59 =	vadd.s32 v14, v57;
	v24 =	vld.idx.msk [tilespmem:v28+s11+$0x0], $0xffff;
	v28 =	vsub.f32 v53, v56  }
0x22b: {  	(xrf1) =	vsort.ascd.msk.f32 $0xffff, v7, v30;
	v22 =	vld [tilespmem:s19+$0x10];
	v5 =	vadd.f32 v63, v25;
	v8 =	vmul.f32 v9, v9  }
0x22c: {  	v30 =	vsub.f32 v53, v45;
	v7 =	vmul.f32 v31, v31;
	v3 =	vadd.f32 v3, v23;
	v9 =	vld [tilespmem:s24+$0x20]  }
0x22d: {  	v47 =	vmul.f32 v47, v47;
	v23 =	vsub.f32 v55, v33;
	v5 =	vadd.f32 v8, v5;
	v8 =	vld.idx.msk [tilespmem:v62+s11+$0x0], $0xffff  }
0x22e: {  	v31 =	vadd.s32 v18, v57;
	v44 =	vperm.xlane v44, v10;
	v33 =	vsub.f32 v53, v60;
	v60 =	vld [tilespmem:s18+$0x430]  }
0x22f: {  	v46, v45, _ =	vpop (xrf1);
	(xrf1) =	vsort.ascd.msk.f32 $0xffff, v6, v59;
	v4 =	vmul.f32 v30, v30;
	v37 =	vmul.f32 v23, v23;
	v23 =	vld.idx.msk [tilespmem:v29+s11+$0x0], $0xffff  }
0x230: {  	v52 =	vmul.f32 v33, v33;
	v33 =	vsub.f32 v55, v58;
	v62 =	vld [tilespmem:s24+$0x30];
	v22 =	vsub.f32 v55, v22  }
0x231: {  	v6 =	vmul.f32 v28, v28;
	v29 =	vld [tilespmem:s18+$0x440];
	v4 =	vadd.f32 v7, v4;
	v9 =	vsub.f32 v54, v9  }
0x232: {  	v50, v48, _ =	vpop (xrf1);
	(xrf1) =	vsort.ascd.msk.f32 $0xffff, v3, v32;
	v3 =	vadd.f32 v47, v52;
	(erf) = vrcp.f32 v8;
	v8 =	vmul.f32 v22, v22;
	v22 =	vld [tilespmem:s24+$0x40]  }
0x233: {  	s25 =	spop (v2sf);
	v4 =	vadd.f32 v37, v4;
	v30 =	vmul.f32 v9, v9;
	v9 =	vld [tilespmem:s19+$0x30];
	(erf) = vrcp.f32 v24  }
0x234: {  	s26 =	sshll.u32 s25, $0x8;
	s18 =	sshll.u32 s25, $0x7;
	v37 =	vadd.s32 v19, v57;
	v28 =	vsub.f32 v53, v60;
	(erf) = vrcp.f32 v23  }
0x235: {  	s18 =	sand.u32 $0x380, s18;
	v49, v47, _ =	vpop (xrf1);
	(xrf1) =	vsort.ascd.msk.f32 $0xffff, v5, v61;
	v3 =	vadd.f32 v8, v3;
	v8 =	vld [tilespmem:s19+$0x40];
	s19 =	sand.u32 $0xFFFFF800, s26;
	v23 =	vsub.f32 v54, v62  }
0x236: {  	v5 =	vmul.f32 v33, v33;
	v29 =	vsub.f32 v53, v29;
	v7 =	vmul.f32 v28, v28;
	s19 =	sor.u32 s18, s19  }
0x237: {  	v52, v51, _ =	vpop (xrf1);
	(xrf1) =	vsort.ascd.msk.f32 $0xffff, v4, v31;
	v32 =	vadd.f32 v30, v6;
	v25 =	vld [tilespmem:s19+$0x10000];
	v23 =	vmul.f32 v23, v23  }
0x238: {  	v24 =	vmul.f32 v29, v29;
	s18 =	sadd.s32 $0x10000, s19;
	v58 =	vld [tilespmem:s19+$0x11800];
	v22 =	vsub.f32 v54, v22;
	v9 =	vsub.f32 v55, v9  }
0x239: {  	s28 =	sadd.s32 $0x11800, s19;
	v54, v53, _ =	vpop (xrf1);
	v59 =	vld [tilespmem:s18+$0x10];
	(xrf1) =	vsort.ascd.msk.f32 $0xffff, v3, v37;
	v3 =	vadd.f32 v5, v32;
	v31 =	vadd.f32 v23, v7  }
0x23a: {  	v5 =	vld [tilespmem:s28+$0x10];
	v22 =	vmul.f32 v22, v22;
	v8 =	vsub.f32 v55, v8;
	v33 =	vmul.f32 v9, v9;
	v56, v55, _ =	vpop (xrf1)  }
0x23b: {  	vm1 =	vle.f32 v42, v44;
	v50 =	vperm.xlane v50, v10;
	s29 =	sadd.s32 $0x13000, s19;
	v37 =	vld [tilespmem:s19+$0x13000];
	(xrf1) =	vsort.ascd.msk.f32 $0xffff, v3, v27;
	v30 =	vpop (erf)  }
0x23c: {  	v28 =	vld [tilespmem:s29+$0x10];
	v22 =	vadd.f32 v22, v24;
	v23 =	vmul.f32 v8, v8;
	v3 =	vadd.f32 v33, v31;
	v32 =	vpop (erf)  }
0x23d: {  	v33 =	vld [tilespmem:s29+$0x20];
	v9 =	vmul.f32 v30, v38;
	v30 =	vadd.s32 v35, v57;
	v8 =	vmul.f32 v32, v39;
	v29 =	vpop (erf)  }
0x23e: {  	v7 =	vadd.f32 v23, v22;
	v32 =	vld [tilespmem:s28+$0x20];
	v39, v38, _ =	vpop (xrf1);
	(xrf1) =	vsort.ascd.msk.f32 $0xffff, v3, v30;
	v4 =	vmul.f32 v29, v40  }
0x23f: {  	v22 =	vsub.f32 v9, v25;
	v29 =	vadd.s32 v34, v57;
	v23 =	vsub.f32 v8, v58  }
0x240: {  	v3 =	vmul.u32 $0xC8, v1;
	v25 =	vld [tilespmem:s18+$0x20];
	v31 =	vsub.f32 v9, v59;
	v59, v57, _ =	vpop (xrf1);
	v5 =	vsub.f32 v8, v5;
	(xrf1) =	vsort.ascd.msk.f32 $0xffff, v7, v29  }
0x241: {  	v26 =	vld [tilespmem:s18+$0x40];
	v22 =	vmul.f32 v22, v22;
	v24 =	vsub.f32 v4, v37;
	v23 =	vmul.f32 v23, v23  }
0x242: {  	v58 =	vmul.f32 v31, v31;
	v6 =	vsub.f32 v4, v28;
	v28 =	vld [tilespmem:s18+$0x30];
	v33 =	vsub.f32 v4, v33  }
0x243: {  	v5 =	vmul.f32 v5, v5;
	v32 =	vsub.f32 v8, v32;
	v1 =	vadd.f32 v23, v22;
	v22 =	vld [tilespmem:s28+$0x30]  }
0x244: {  	v30 =	vld [tilespmem:s29+$0x30];
	v37 =	vadd.s32 v2, v3;
	v6 =	vmul.f32 v6, v6;
	v23 =	vmul.f32 v24, v24  }
0x245: {  	v27 =	vld [tilespmem:s18+$0x50];
	v5 =	vadd.f32 v5, v58;
	v31 =	vsub.f32 v9, v25;
	v25 =	vmul.f32 v32, v32  }
0x246: {  	v32 =	vmul.f32 v33, v33;
	v33 =	vsub.f32 v9, v26;
	v26 =	vld [tilespmem:s18+$0x60];
	v1 =	vadd.f32 v23, v1  }
0x247: {  	v23 =	vadd.s32 v21, v3;
	v5 =	vadd.f32 v6, v5;
	v6 =	vld [tilespmem:s28+$0x40];
	v7 =	vmul.f32 v31, v31  }
0x248: {  	v58, v40, _ =	vpop (xrf1);
	v31 =	vld [tilespmem:s29+$0x50];
	(xrf1) =	vsort.ascd.msk.f32 $0xffff, v1, v23;
	v1 =	vsub.f32 v9, v28;
	v22 =	vsub.f32 v8, v22  }
0x249: {  	v24 =	vsub.f32 v4, v30;
	v29 =	vmul.f32 v33, v33;
	v33 =	vld [tilespmem:s29+$0x60];
	v7 =	vadd.f32 v25, v7  }
0x24a: {  	v63, v60, _ =	vpop (xrf1);
	v23 =	vld [tilespmem:s29+$0x40];
	(xrf1) =	vsort.ascd.msk.f32 $0xffff, v5, v37;
	v1 =	vmul.f32 v1, v1;
	v22 =	vmul.f32 v22, v22  }
0x24b: {  	v28 =	vld [tilespmem:s28+$0x50];
	v37 =	vadd.s32 v11, v3;
	v7 =	vadd.f32 v32, v7;
	v26 =	vsub.f32 v9, v26  }
0x24c: {  	v6 =	vsub.f32 v8, v6;
	v1 =	vadd.f32 v22, v1;
	v22 =	vmul.f32 v24, v24;
	v24 =	vld [tilespmem:s28+$0x60]  }
0x24d: {  	v62, v61, _ =	vpop (xrf1);
	(xrf1) =	vsort.ascd.msk.f32 $0xffff, v7, v37;
	v37 =	vsub.f32 v4, v31;
	v26 =	vmul.f32 v26, v26  }
0x24e: {  	s30 =	sadd.s32 $0x11C00, s19;
	v11 =	vld [tilespmem:s18+$0x410];
	v31 =	vsub.f32 v4, v33;
	v33 =	vadd.s32 v13, v3;
	v1 =	vadd.f32 v22, v1  }
0x24f: {  	v30 =	vmul.f32 v6, v6;
	v23 =	vsub.f32 v4, v23;
	v22 =	vadd.s32 v12, v3;
	v12 =	vld [tilespmem:s30+$0x10]  }
0x250: {  	v6, v5, _ =	vpop (xrf1);
	(xrf1) =	vsort.ascd.msk.f32 $0xffff, v1, v22;
	v1 =	vsub.f32 v9, v27;
	v22 =	vsub.f32 v8, v28;
	v27 =	vld [tilespmem:s18+$0x70]  }
0x251: {  	v25 =	vadd.f32 v30, v29;
	v23 =	vmul.f32 v23, v23;
	v28 =	vld [tilespmem:s28+$0x70];
	v24 =	vsub.f32 v8, v24  }
0x252: {  	v13 =	vadd.s32 v14, v3;
	v1 =	vmul.f32 v1, v1;
	v22 =	vmul.f32 v22, v22  }
0x253: {  	v32 =	vld [tilespmem:s18+$0x400];
	v11 =	vsub.f32 v9, v11;
	v23 =	vadd.f32 v23, v25;
	v24 =	vmul.f32 v24, v24  }
0x254: {  	v37 =	vmul.f32 v37, v37;
	v30 =	vld [tilespmem:s29+$0x70];
	v12 =	vsub.f32 v8, v12;
	v22 =	vadd.f32 v22, v1  }
0x255: {  	v14 =	vld [tilespmem:s18+$0x430];
	v31 =	vmul.f32 v31, v31;
	v26 =	vadd.f32 v24, v26;
	v27 =	vsub.f32 v9, v27  }
0x256: {  	v29 =	vld [tilespmem:s19+$0x11C00];
	v11 =	vmul.f32 v11, v11;
	v28 =	vsub.f32 v8, v28;
	v37 =	vadd.f32 v37, v22  }
0x257: {  	v12 =	vmul.f32 v12, v12;
	v1, v7, _ =	vpop (xrf1);
	(xrf1) =	vsort.ascd.msk.f32 $0xffff, v23, v33;
	v26 =	vadd.f32 v31, v26;
	v31 =	vld [tilespmem:s19+$0x13400]  }
0x258: {  	s31 =	sadd.s32 $0x13400, s19;
	v33 =	vld [tilespmem:s30+$0x20];
	v25, v24, _ =	vpop (xrf1);
	(xrf1) =	vsort.ascd.msk.f32 $0xffff, v37, v13;
	v13 =	vadd.s32 v15, v3;
	v37 =	vsub.f32 v9, v32  }
0x259: {  	[tilespmem:$0x1FE50] =	vst v0;
	v23, v22, _ =	vpop (xrf1);
	(xrf1) =	vsort.ascd.msk.f32 $0xffff, v26, v13;
	v13 =	vmul.f32 v27, v27;
	v26 =	vsub.f32 v4, v30;
	v27 =	vld [tilespmem:s31+$0x10]  }
0x25a: {  	v0 =	vmovc v18;
	v18 =	vadd.s32 v18, v3;
	v6 =	vperm.xlane v6, v10;
	v28 =	vmul.f32 v28, v28;
	v32 =	vld [tilespmem:s18+$0x420]  }
0x25b: {  	v29 =	vsub.f32 v8, v29;
	v11 =	vadd.f32 v12, v11;
	v12 =	vld [tilespmem:s31+$0x30];
	v26 =	vmul.f32 v26, v26  }
0x25c: {  	v13 =	vadd.f32 v28, v13;
	v28 =	vmul.f32 v37, v37;
	v31 =	vsub.f32 v4, v31;
	v37 =	vmovc v15;
	v15 =	vld [tilespmem:s30+$0x30]  }
0x25d: {  	v14 =	vsub.f32 v9, v14;
	v29 =	vmul.f32 v29, v29;
	v33 =	vsub.f32 v8, v33  }
0x25e: {  	v30 =	vld [tilespmem:s31+$0x20];
	v13 =	vadd.f32 v26, v13;
	v26 =	vadd.s32 v16, v3;
	v27 =	vsub.f32 v4, v27  }
0x25f: {  	v17 =	vld [tilespmem:s18+$0x440];
	v28 =	vadd.f32 v29, v28;
	v32 =	vsub.f32 v9, v32;
	v29 =	vmul.f32 v31, v31  }
0x260: {  	v20 =	vmov v16;
	v12 =	vsub.f32 v4, v12;
	v31, v16, _ =	vpop (xrf1);
	v27 =	vmul.f32 v27, v27;
	(xrf1) =	vsort.ascd.msk.f32 $0xffff, v13, v26;
	v26 =	vld [tilespmem:s30+$0x40]  }
0x261: {  	v14 =	vmul.f32 v14, v14;
	v13 =	vadd.f32 v29, v28;
	v15 =	vsub.f32 v8, v15  }
0x262: {  	v28 =	vmul.f32 v33, v33;
	v29 =	vld [tilespmem:s31+$0x40];
	v11 =	vadd.f32 v27, v11;
	v27 =	vmul.f32 v32, v32  }
0x263: {  	v32, v33, _ =	vpop (xrf1);
	(xrf1) =	vsort.ascd.msk.f32 $0xffff, v13, v18;
	v18 =	vsub.f32 v4, v30;
	v15 =	vmul.f32 v15, v15  }
0x264: {  	v25 =	vperm.xlane v25, v10;
	v24 =	vperm.xlane v24, v10;
	v9 =	vsub.f32 v9, v17  }
0x265: {  	v12 =	vmul.f32 v12, v12;
	v8 =	vsub.f32 v8, v26;
	v14 =	vadd.f32 v15, v14  }
0x266: {  	v9 =	vmul.f32 v9, v9;
	v13 =	vadd.f32 v28, v27;
	v17 =	vmul.f32 v18, v18  }
0x267: {  	v30 =	vadd.s32 v19, v3;
	v4 =	vsub.f32 v4, v29;
	v8 =	vmul.f32 v8, v8  }
0x268: {  	v31 =	vperm.xlane v31, v10;
	v15, v18, _ =	vpop (xrf1);
	(xrf1) =	vsort.ascd.msk.f32 $0xffff, v11, v30;
	v11 =	vadd.f32 v17, v13  }
0x269: {  	v17 =	vadd.s32 v36, v3;
	v4 =	vmul.f32 v4, v4;
	v8 =	vadd.f32 v8, v9  }
0x26a: {  	v12 =	vadd.f32 v12, v14;
	v13, v14, _ =	vpop (xrf1);
	(xrf1) =	vsort.ascd.msk.f32 $0xffff, v11, v17;
	v17 =	vadd.s32 v35, v3  }
0x26b: {  	v36 =	vperm.xlane v52, v10;
	v4 =	vadd.f32 v4, v8;
	v8 =	vperm.xlane v43, v10  }
0x26c: {  	v15 =	vperm.xlane v15, v10;
	v3 =	vadd.s32 v34, v3;
	v35 =	vperm.xlane v48, v10  }
0x26d: {  	v48 =	vperm.xlane v55, v10;
	v9, v11, _ =	vpop (xrf1);
	(xrf1) =	vsort.ascd.msk.f32 $0xffff, v12, v17;
	v34 =	vsel vm1, v41, v8  }
0x26e: {  	v12, v17, _ =	vpop (xrf1);
	(xrf1) =	vsort.ascd.msk.f32 $0xffff, v4, v3;
	v3 =	vsel vm1, v42, v44;
	vm1 =	vle.f32 v46, v50  }
0x26f: {  	v44 =	vperm.xlane v51, v10;
	v8, v26, _ =	vpop (xrf1);
	(xrf1) =	vsort.ascd.msk.f32 $0xffff, v3, v34;
	v3 =	vsel vm1, v46, v50  }
0x270: {  	v45 =	vsel vm1, v45, v35;
	vm1 =	vle.f32 v49, v36;
	v46 =	vperm.xlane v56, v10  }
0x271: {  	v50 =	vperm.xlane v57, v10;
	v28, v30, _ =	vpop (xrf1);
	(xrf1) =	vsort.ascd.msk.f32 $0xffff, v3, v45;
	v3 =	vsel vm1, v49, v36  }
0x272: {  	v4 =	vsel vm1, v47, v44;
	v49 =	vperm.xlane v59, v10;
	vm1 =	vle.f32 v54, v46  }
0x273: {  	v57 =	vperm.xlane v60, v10;
	v27, v29, _ =	vpop (xrf1);
	(xrf1) =	vsort.ascd.msk.f32 $0xffff, v3, v4;
	v3 =	vsel vm1, v54, v46  }
0x274: {  	v51 =	vsel vm1, v53, v48;
	vm1 =	vle.f32 v39, v49;
	v54 =	vperm.xlane v63, v10  }
0x275: {  	v53, v52, _ =	vpop (xrf1);
	(xrf1) =	vsort.ascd.msk.f32 $0xffff, v3, v51;
	v3 =	vsel vm1, v39, v49;
	v4 =	vsel vm1, v38, v50  }
0x276: {  	v59 =	vperm.xlane v5, v10;
	v56, v55, _ =	vpop (xrf1);
	vm1 =	vle.f32 v58, v54;
	(xrf1) =	vsort.ascd.msk.f32 $0xffff, v3, v4  }
0x277: {  	v3 =	vsel vm1, v58, v54;
	v60 =	vsel vm1, v40, v57;
	vm1 =	vle.f32 v62, v6  }
0x278: {  	v40, v41, _ =	vpop (xrf1);
	(xrf1) =	vsort.ascd.msk.f32 $0xffff, v3, v60;
	v3 =	vsel vm1, v62, v6;
	v4 =	vsel vm1, v61, v59  }
0x279: {  	v18 =	vperm.xlane v18, v10;
	v62, v63, _ =	vpop (xrf1);
	vm1 =	vle.f32 v1, v25;
	(xrf1) =	vsort.ascd.msk.f32 $0xffff, v3, v4  }
0x27a: {  	v1 =	vsel vm1, v1, v25;
	v3 =	vperm.xlane v16, v10;
	v25 =	vsel vm1, v7, v24  }
0x27b: {  	v9 =	vperm.xlane v9, v10;
	v34, v16, _ =	vpop (xrf1);
	vm1 =	vle.f32 v23, v31;
	(xrf1) =	vsort.ascd.msk.f32 $0xffff, v1, v25  }
0x27c: {  	v1 =	vsel vm1, v23, v31;
	v3 =	vsel vm1, v22, v3;
	vm1 =	vle.f32 v32, v15  }
0x27d: {  	v35, v22, _ =	vpop (xrf1);
	(xrf1) =	vsort.ascd.msk.f32 $0xffff, v1, v3;
	v3 =	vperm.xlane v11, v10;
	v11 =	vsel vm1, v33, v18  }
0x27e: {  	v8 =	vperm.xlane v8, v10;
	v1 =	vsel vm1, v32, v15;
	vm1 =	vle.f32 v13, v9  }
0x27f: {  	v15, v18, _ =	vpop (xrf1);
	(xrf1) =	vsort.ascd.msk.f32 $0xffff, v1, v11;
	v1 =	vsel vm1, v13, v9;
	v13 =	vperm.xlane v26, v10  }
0x280: {  	v5 =	vperm.xlane v62, v10;
	v3 =	vsel vm1, v14, v3;
	v14 =	vperm.xlane v27, v10  }
0x281: {  	v23 =	vperm.xlane v55, v10;
	vm1 =	vle.f32 v12, v8;
	v9, v11, _ =	vpop (xrf1);
	(xrf1) =	vsort.ascd.msk.f32 $0xffff, v1, v3  }
0x282: {  	v1 =	vsel vm1, v12, v8;
	v3 =	vperm.xlane v29, v10;
	v8 =	vsel vm1, v17, v13  }
0x283: {  	v4 =	vperm.xlane v35, v10;
	vm1 =	vle.f32 v28, v14;
	v17 =	vperm.xlane v56, v10  }
0x284: {  	v12, v13, _ =	vpop (xrf1);
	(xrf1) =	vsort.ascd.msk.f32 $0xffff, v1, v8;
	v1 =	vsel vm1, v28, v14;
	v3 =	vsel vm1, v30, v3  }
0x285: {  	v22 =	vperm.xlane v22, v10;
	vm1 =	vle.f32 v53, v17;
	v8, v14, _ =	vpop (xrf1);
	(xrf1) =	vsort.ascd.msk.f32 $0xffff, v1, v3  }
0x286: {  	v1 =	vsel vm1, v53, v17;
	v3 =	vperm.xlane v63, v10;
	v36 =	vsel vm1, v52, v23  }
0x287: {  	v9 =	vperm.xlane v9, v10;
	vm1 =	vle.f32 v40, v5;
	v17, v23, _ =	vpop (xrf1);
	(xrf1) =	vsort.ascd.msk.f32 $0xffff, v1, v36  }
0x288: {  	v1 =	vsel vm1, v40, v5;
	v8 =	vperm.xlane v8, v10;
	v3 =	vsel vm1, v41, v3  }
0x289: {  	v39, v38, _ =	vpop (xrf1);
	vm1 =	vle.f32 v34, v4;
	(xrf1) =	vsort.ascd.msk.f32 $0xffff, v1, v3;
	v3 =	vperm.xlane v11, v10  }
0x28a: {  	v1 =	vsel vm1, v34, v4;
	v40 =	vsel vm1, v16, v22;
	vm1 =	vle.f32 v15, v9  }
0x28b: {  	v14 =	vperm.xlane v14, v10;
	v3 =	vsel vm1, v18, v3  }
0x28c: {  	v41, v11, _ =	vpop (xrf1);
	(xrf1) =	vsort.ascd.msk.f32 $0xffff, v1, v40;
	v1 =	vsel vm1, v15, v9;
	vm1 =	vle.f32 v12, v8  }
0x28d: {  	v8 =	vsel vm1, v12, v8;
	v12 =	vsel vm1, v13, v14  }
0x28e: {  	v5 =	vperm.xlane v39, v10;
	v42, v9, _ =	vpop (xrf1)  }
0x28f: {  	v6 =	vperm.xlane v38, v10;
	(xrf1) =	vsort.ascd.msk.f32 $0xffff, v1, v3;
	v1, v3, _ =	vpop (xrf1)  }
0x290: {  	vm1 =	vle.f32 v17, v5;
	v13, v14, _ =	vpop (xrf1);
	v1 =	vperm.xlane v1, v10  }
0x291: {  	v6 =	vsel vm1, v23, v6;
	(xrf1) =	vsort.ascd.msk.f32 $0xffff, v8, v12;
	v3 =	vperm.xlane v3, v10;
	v8, v12, _ =	vpop (xrf1)  }
0x292: {  	v5 =	vsel vm1, v17, v5;
	vm1 =	vle.f32 v42, v1;
	v8 =	vperm.xlane v8, v10  }
0x293: {  	v3 =	vsel vm1, v9, v3  }
0x294: {  	v15, v16, _ =	vpop (xrf1);
	v43 =	vperm.xlane v12, v10;
	v1 =	vsel vm1, v42, v1;
	vm1 =	vle.f32 v13, v8  }
0x295: {  	(xrf1) =	vsort.ascd.msk.f32 $0xffff, v5, v6;
	v5, v6, _ =	vpop (xrf1);
	v8 =	vsel vm1, v13, v8  }
0x296: {  	v9, v12, _ =	vpop (xrf1);
	v5 =	vperm.xlane v5, v10;
	v4 =	vsel vm1, v14, v43  }
0x297: {  	(xrf1) =	vsort.ascd.msk.f32 $0xffff, v1, v3;
	v6 =	vperm.xlane v6, v10;
	v1, v3, _ =	vpop (xrf1)  }
0x298: {  	vm1 =	vle.f32 v15, v5;
	v13, v14, _ =	vpop (xrf1);
	v1 =	vperm.xlane v1, v10  }
0x299: {  	(xrf1) =	vsort.ascd.msk.f32 $0xffff, v8, v4;
	v6 =	vsel vm1, v16, v6;
	v3 =	vperm.xlane v3, v10;
	v4, v8, _ =	vpop (xrf1)  }
0x29a: {  	v5 =	vsel vm1, v15, v5;
	vm1 =	vle.f32 v9, v1;
	v4 =	vperm.xlane v4, v10  }
0x29b: {  	v8 =	vperm.xlane v8, v10;
	v3 =	vsel vm1, v12, v3  }
0x29c: {  	v15, v16, _ =	vpop (xrf1);
	v1 =	vsel vm1, v9, v1;
	vm1 =	vle.f32 v13, v4  }
0x29d: {  	(xrf1) =	vsort.ascd.msk.f32 $0xffff, v5, v6;
	v5, v6, _ =	vpop (xrf1);
	v8 =	vsel vm1, v14, v8  }
0x29e: {  	v9, v12, _ =	vpop (xrf1);
	v5 =	vperm.xlane v5, v10  }
0x29f: {  	(xrf1) =	vsort.ascd.msk.f32 $0xffff, v1, v3;
	v1, v3, _ =	vpop (xrf1)  }
0x2a0: {  	v6 =	vperm.xlane v6, v10;
	v4 =	vsel vm1, v13, v4;
	vm1 =	vle.f32 v15, v5;
	v13, v14, _ =	vpop (xrf1)  }
0x2a1: {  	v44 =	vsel vm1, v15, v5;
	(xrf1) =	vsort.ascd.msk.f32 $0xffff, v4, v8;
	v1 =	vperm.xlane v1, v10;
	v45, v8, _ =	vpop (xrf1)  }
0x2a2: {  	v6 =	vsel vm1, v16, v6;
	v3 =	vperm.xlane v3, v10;
	v5 =	vperm.xlane v45, v10  }
0x2a3: {  	(xrf1) =	vsort.ascd.msk.f32 $0xffff, v44, v6;
	vm1 =	vle.f32 v9, v1;
	v46 =	vperm.xlane v8, v10  }
0x2a4: {  	v1 =	vsel vm1, v9, v1;
	v3 =	vsel vm1, v12, v3;
	vm1 =	vle.f32 v13, v5  }
0x2a5: {  	(xrf1) =	vsort.ascd.msk.f32 $0xffff, v1, v3;
	v3 =	vsel vm1, v14, v46  }
0x2a6: {  	v1 =	vsel vm1, v13, v5;
	_ =	sdelay $0x1  }
0x2a7: {  	(xrf1) =	vsort.ascd.msk.f32 $0xffff, v1, v3  }
0x2a8: {  	v1, v3, _ =	vpop (xrf1)  }
0x2a9: {  	v48, v47, _ =	vpop (xrf1)  }
0x2aa: {  	v4 =	vperm.xlane v48, v10  }
0x2ab: {  	v49, v8, _ =	vpop (xrf1);
	v5 =	vperm.xlane v47, v10  }
0x2ac: {  	v7 =	vperm.xlane v41, v10;
	v9, v12, _ =	vpop (xrf1);
	vm1 =	vle.f32 v1, v4  }
0x2ad: {  	v50 =	vperm.xlane v11, v10;
	v13, v14, _ =	vpop (xrf1);
	v3 =	vsel vm1, v3, v5  }
0x2ae: {  	v1 =	vsel vm1, v1, v4;
	vm1 =	vle.f32 v49, v7;
	v13 =	vperm.xlane v13, v10  }
0x2af: {  	v14 =	vperm.xlane v14, v10;
	v6 =	vsel vm1, v49, v7  }
0x2b0: {  	v51, v11, _ =	vpop (xrf1);
	v4 =	vsel vm1, v8, v50;
	vm1 =	vle.f32 v9, v13  }
0x2b1: {  	(xrf1) =	vsort.ascd.msk.f32 $0xffff, v1, v3;
	v9 =	vsel vm1, v9, v13;
	v1, v3, _ =	vpop (xrf1)  }
0x2b2: {  	v52, v8, _ =	vpop (xrf1)  }
0x2b3: {  	(xrf1) =	vsort.ascd.msk.f32 $0xffff, v6, v4;
	v12 =	vsel vm1, v12, v14;
	v1 =	vperm.xlane v1, v10;
	v4, v6, _ =	vpop (xrf1)  }
0x2b4: {  	(xrf1) =	vsort.ascd.msk.f32 $0xffff, v9, v12;
	v3 =	vperm.xlane v3, v10;
	v13, v14, _ =	vpop (xrf1)  }
0x2b5: {  	vm1 =	vle.f32 v51, v1;
	v4 =	vperm.xlane v4, v10;
	v6 =	vperm.xlane v6, v10;
	v53, v9, _ =	vpop (xrf1)  }
0x2b6: {  	v1 =	vsel vm1, v51, v1;
	v3 =	vsel vm1, v11, v3;
	v5 =	vperm.xlane v53, v10  }
0x2b7: {  	(xrf1) =	vsort.ascd.msk.f32 $0xffff, v1, v3;
	vm1 =	vle.f32 v52, v4;
	v1 =	vperm.xlane v9, v10  }
0x2b8: {  	v3 =	vsel vm1, v52, v4;
	v54 =	vsel vm1, v8, v6;
	vm1 =	vle.f32 v13, v5  }
0x2b9: {  	(xrf1) =	vsort.ascd.msk.f32 $0xffff, v3, v54;
	v3 =	vsel vm1, v13, v5;
	v1 =	vsel vm1, v14, v1  }
0x2ba: {  	(xrf1) =	vsort.ascd.msk.f32 $0xffff, v3, v1;
	_ =	sdelay $0x8  }
0x2bb: {  	v1, v3, _ =	vpop (xrf1)  }
0x2bc: {  	v55, v56, _ =	vpop (xrf1)  }
0x2bd: {  	v58, v57, _ =	vpop (xrf1);
	v4 =	vperm.xlane v55, v10  }
0x2be: {  	v8, v9, _ =	vpop (xrf1)  }
0x2bf: {  	v5 =	vperm.xlane v56, v10;
	vm1 =	vle.f32 v1, v4;
	v11, v12, _ =	vpop (xrf1)  }
0x2c0: {  	v1 =	vsel vm1, v1, v4;
	v8 =	vperm.xlane v8, v10;
	v59, v13, _ =	vpop (xrf1)  }
0x2c1: {  	v3 =	vsel vm1, v3, v5;
	v60 =	vperm.xlane v9, v10;
	v4 =	vperm.xlane v59, v10  }
0x2c2: {  	(xrf1) =	vsort.ascd.msk.f32 $0xffff, v1, v3;
	vm1 =	vle.f32 v58, v8;
	v1 =	vperm.xlane v13, v10  }
0x2c3: {  	v3 =	vsel vm1, v58, v8;
	v5 =	vsel vm1, v57, v60;
	vm1 =	vle.f32 v11, v4  }
0x2c4: {  	(xrf1) =	vsort.ascd.msk.f32 $0xffff, v3, v5;
	v3 =	vsel vm1, v11, v4;
	v1 =	vsel vm1, v12, v1  }
0x2c5: {  	(xrf1) =	vsort.ascd.msk.f32 $0xffff, v3, v1;
	_ =	sdelay $0xb  }
0x2c6: {  	v1, v3, _ =	vpop (xrf1)  }
0x2c7: {  	v61, v5, _ =	vpop (xrf1)  }
0x2c8: {  	v62, v63, _ =	vpop (xrf1)  }
0x2c9: {  	v6 =	vperm.xlane v62, v10  }
0x2ca: {  	v7 =	vperm.xlane v63, v10  }
0x2cb: {  	vm1 =	vle.f32 v61, v6  }
0x2cc: {  	v4 =	vsel vm1, v61, v6;
	v5 =	vsel vm1, v5, v7  }
0x2cd: {  	(xrf1) =	vsort.ascd.msk.f32 $0xffff, v4, v5;
	_ =	sdelay $0xc  }
0x2ce: {  	v1 =	vperm.xlane v1, v10  }
0x2cf: {  	v3 =	vperm.xlane v3, v10;
	v4, v5, _ =	vpop (xrf1)  }
0x2d0: {  	vm1 =	vle.f32 v4, v1  }
0x2d1: {  	v1 =	vsel vm1, v4, v1;
	v3 =	vsel vm1, v5, v3  }
0x2d2: {  	(xrf1) =	vsort.ascd.msk.f32 $0xffff, v1, v3;
	_ =	sdelay $0x8  }
0x2d3: {  	v39 =	vld [tilespmem:$0x1FE30]  }
0x2d4: {  	v38 =	vld [tilespmem:$0x1FE40]  }
0x2d5: {  	p0 =	sne.s32 s17, $0x200;
	v40 =	vld [tilespmem:$0x1FE20]  }
.Ltmp2:
0x2d6: {  	v15 =	vmov v37;
	v37 =	vld [tilespmem:$0x1FE50];
	(pc) =	sbr.rel @p0 .LBB2_6-.Ltmp2, $4  }
0x2d7: {  	v14 =	vld [tilespmem:$0x1FFF0]  }
0x2d8: {  	v13 =	vld [tilespmem:$0x1FFD0];
	v1, v3, _ =	vpop (xrf1)  }
0x2d9: {  	v11 =	vld [tilespmem:$0x1FF90];
	[tilespmem:s15+$0x0] =	vst.msk $0xff, v1  }
0x2da: {  	s17 =	sadd.s32 $0x1, s17;
	v18 =	vmov v0;
	v16 =	vmov v20;
	v12 =	vld [tilespmem:$0x1FFB0];
	s15 =	sadd.s32 $0x8, s15;
	[tilespmem:s16+$0x0] =	vst.msk $0xff, v3;
	s16 =	sadd.s32 $0x8, s16  }
0x2db: {  	[hbm4b:s6+s3] =	stream.linear.scatter [tilespmem:s12], [sflag:$0x1], $0x1000, $0x38;
	[tilespmem:$0x17900] =	vst v63  }
0x2dc: {  	s14 =	sadd.s32 $0x1, s14;
	_ =	swait.ge [sflag:s9], $0x1000  }
0x2dd: {  	p0 =	sne.s32 s14, s8;
	[sflag:s9] =	ssyncset.done $0x0  }
.Ltmp3:
0x2de: {  	[sflag:s9] =	ssyncadd.s32 $0xFFFFF000;
	(pc) =	sbr.rel @p0 .LBB2_1-.Ltmp3, $4  }
0x2df: {  	[hbm4b:s7+s3] =	stream.linear.scatter [tilespmem:s13], [sflag:$0x1], $0x1000, $0x38;
	[tilespmem:$0x17900] =	vst v63  }
0x2e0: {  	_ =	swait.ge [sflag:s9], $0x1000  }
0x2e1: {  	[sflag:s9] =	ssyncset.done $0x0  }
0x2e2: {  	[sflag:s9] =	ssyncadd.s32 $0xFFFFF000  }
0x2e3: {  	_ =	sfence.sel $0x180000  }
0x2e4: {  	[bflag:$0x0] =	sbarrier.arrive $0xFFFF  }
0x2e5: {  	p0 =	sne.s32 s0, $0x0;
	_ =	strace $0x90000047  }
0x2e6: {  	s0 =	sadd.s32 @!p0 $0x100000, s2;
	[bflag:$0x2] =	sbarrier.arrive $0xFFFF  }
0x2e7: {  	[sflag:s0] =	ssyncadd.tile.s32 @!p0 $0x1;
	_ =	shalt  }
.Lfunc_end2:
_tile_overlayer_lowered:
.L_overlay_start_2:
0x2e8: {  	(tag) =	ssettag $0x2  }
0x2e9: {  	s0 =	rddreg [dreg:$0x0];
	s2 =	stileid.u32  }
0x2ea: {  	s1 =	rddreg [dreg:$0x1];
	p0 =	sne.s32 s2, $0x0  }
0x2eb: {  	s3 =	rddreg [dreg:$0x2];
	[bflag:$0x3] =	sbarrier.arrive $0xFFFF;
	s2 =	simm.s32 @!p0 $0x1C01  }
0x2ec: {  	[timem:s3], [sflag:s2] =	dma.local @!p0 [hbm:s0], s1  }
0x2ed: {  	s0 =	simm.s32 @!p0 $0x1  }
0x2ee: {  	_ =	swait.ge @!p0 [sflag:s0], s1  }
0x2ef: {  	s1 =	ssub.s32 @!p0 $0x0, s1;
	[sflag:s0] =	ssyncset.done @!p0 $0x0  }
0x2f0: {  	[sflag:s0] =	ssyncadd.s32 @!p0 s1  }
0x2f1: {  	[bflag:$0x3] =	sbarrier.arrive $0xFFFF  }
0x2f2: {  	_ =	shalt  }

</sc_bundles>
